<compile_context>
chip_gen: v7x
topology: tpu7x:2x2x1
jax: 0.10.2.dev20260603
libtpu: 0.0.44.dev20260713+nightly
codegen_flags: <defaults>
</compile_context>

<pallas_src>
import functools

import jax
import jax.numpy as jnp
from jax import lax
from jax.experimental import pallas as pl
from jax.experimental.pallas import tpu as pltpu
from jax.experimental.pallas import tpu_sc as plsc

_B, _H, _W, _C = 4, 192, 192, 96
_NP = _B * _C
_EPP = _H * _W
_OUT_PLANE = 384 * 384
_HALF = _OUT_PLANE // 2
_WSZ = 12288
_NWIN = _EPP // _WSZ
_NWORK = 32
_PPT = _NP // _NWORK
_NPASS = 2 * _PPT
_L = 16
_VU = 8

_i32 = jnp.int32
_mesh = plsc.VectorSubcoreMesh(core_axis_name="c", subcore_axis_name="s")


@functools.partial(
    pl.kernel,
    mesh=_mesh,
    out_type=jax.ShapeDtypeStruct((_NP, 2, _HALF), jnp.float32),
    scratch_types=[
        pltpu.VMEM((2, _WSZ), jnp.int32),
        pltpu.VMEM((2, _WSZ), jnp.float32),
        pltpu.VMEM((_HALF,), jnp.float32),
        pltpu.SemaphoreType.DMA,
        pltpu.SemaphoreType.DMA,
        pltpu.SemaphoreType.DMA,
        pltpu.SemaphoreType.DMA,
        pltpu.SemaphoreType.DMA,
    ],
    compiler_params=pltpu.CompilerParams(needs_layout_passes=False),
)
def _unpool_sc(val_hbm, idx_hbm, out_hbm, idx_v, val_v, acc_v,
               sem_i0, sem_i1, sem_v0, sem_v1, sem_o):
    wid = (lax.axis_index("s") * 2 + lax.axis_index("c")).astype(jnp.int32)
    base_p = wid * _i32(_PPT)
    zeros = jnp.zeros((_L,), jnp.float32)
    third = jnp.float32(0.33333334)
    sem_i = (sem_i0, sem_i1)
    sem_v = (sem_v0, sem_v1)

    def start_in(p, w, buf):
        src = pl.ds(w * _i32(_WSZ), _WSZ)
        pltpu.async_copy(idx_hbm.at[p, src], idx_v.at[_i32(buf)], sem_i[buf])
        pltpu.async_copy(val_hbm.at[p, src], val_v.at[_i32(buf)], sem_v[buf])

    def wait_in(p, buf):
        src = pl.ds(_i32(0), _WSZ)
        pltpu.make_async_copy(
            idx_hbm.at[p, src], idx_v.at[_i32(buf)], sem_i[buf]).wait()
        pltpu.make_async_copy(
            val_hbm.at[p, src], val_v.at[_i32(buf)], sem_v[buf]).wait()

    def pass_body(k, carry):
        p = base_p + lax.shift_right_logical(k, _i32(1))
        h = k & _i32(1)
        lo = h * _i32(_HALF)

        start_in(p, _i32(0), 0)

        @pl.when(k > _i32(0))
        def _():
            pltpu.make_async_copy(acc_v, out_hbm.at[p, h], sem_o).wait()

        def zero_body(i, carry):
            base = i * (_L * _VU)
            for u in range(_VU):
                acc_v[pl.ds(base + u * _L, _L)] = zeros
            return carry

        lax.fori_loop(_i32(0), _i32(_HALF // (_L * _VU)), zero_body, _i32(0))

        def vec_window(buf):
            def vec_body(i, carry):
                base = i * (_L * _VU)
                for u in range(_VU):
                    s = pl.ds(base + u * _L, _L)
                    a = idx_v[_i32(buf), s]
                    t = lax.shift_right_logical(a, _i32(5))
                    q = (t.astype(jnp.float32) * third).astype(jnp.int32)
                    loc = q - lo
                    mask = plsc.bitcast(loc, jnp.uint32) < jnp.uint32(_HALF)
                    v = val_v[_i32(buf), s]
                    plsc.addupdate_scatter(acc_v, [loc], v, mask=mask)
                return carry

            lax.fori_loop(_i32(0), _i32(_WSZ // (_L * _VU)), vec_body,
                          _i32(0))

        start_in(p, _i32(1), 1)
        wait_in(p, 0)
        vec_window(0)
        start_in(p, _i32(2), 0)
        wait_in(p, 1)
        vec_window(1)
        wait_in(p, 0)
        vec_window(0)

        pltpu.async_copy(acc_v, out_hbm.at[p, h], sem_o)
        return carry

    lax.fori_loop(_i32(0), _i32(_NPASS), pass_body, _i32(0))
    pltpu.make_async_copy(
        acc_v, out_hbm.at[_i32(0), _i32(0)], sem_o).wait()


def kernel(inputs, pooling_argmax):
    idx32 = lax.optimization_barrier(pooling_argmax.astype(jnp.int32))
    val_t = jnp.transpose(inputs, (0, 3, 1, 2)).reshape(_NP, _EPP)
    idx_t = jnp.transpose(idx32, (0, 3, 1, 2)).reshape(_NP, _EPP)
    out = _unpool_sc(val_t, idx_t)
    out = out.reshape(_B, _C, 384, 384)
    return jnp.transpose(out, (0, 2, 3, 1))

# --- scband reference (transcript-rebuilt; emitter-appended) ---
"""Pipeline reference for scband-max-unpool-with-argmax-9646496547553 (READ-ONLY COPY).

The authoritative reference and input builder live on the scoring server;
editing this copy changes nothing except your own understanding.
"""

import jax, jax.numpy as jnp
import numpy as np
jax.config.update('jax_enable_x64', True)

B, H, W, C = 4, 192, 192, 96
STRIDE = [1, 2, 2, 1]

def setup_inputs(seed: int = 0) -> dict:
    key = jax.random.key(seed)
    k1, k2 = jax.random.split(key)
    inputs = jax.random.normal(k1, (B, H, W, C), dtype=jnp.float32)
    max_idx = H * STRIDE[1] * W * STRIDE[2] * C  # 14155776
    pooling_argmax = jax.random.randint(k2, (B, H, W, C), 0, max_idx, dtype=jnp.int64)
    return {'inputs': inputs, 'pooling_argmax': pooling_argmax}

def reference(inputs, pooling_argmax):
    b_, h_, w_, c_ = inputs.shape
    h_out = h_ * STRIDE[1]
    w_out = w_ * STRIDE[2]
    output_shape = (b_, h_out, w_out, c_)
    argmax = pooling_argmax
    one_like_mask = jnp.ones_like(argmax)
    batch_range = jnp.arange(b_, dtype=argmax.dtype).reshape(b_, 1, 1, 1)
    b = one_like_mask * batch_range
    y = argmax // (w_out * c_)
    x = (argmax % (w_out * c_)) // c_
    feature_range = jnp.arange(c_, dtype=argmax.dtype)
    f = one_like_mask * feature_range
    values = inputs.reshape(-1)
    out = jnp.zeros(output_shape, dtype=inputs.dtype)
    # tf.scatter_nd sums duplicate indices -> use .at[].add
    out = out.at[b.reshape(-1), y.reshape(-1), x.reshape(-1), f.reshape(-1)].add(values)
    return out

if False:  # reference __main__ guard neutralized (emitter)
    inp = setup_inputs()
    o = reference(**inp)
    print(o.shape, o.dtype)

if __name__ == "__main__":
    import jax
    _d = setup_inputs()
    print(jax.jit(kernel)(*tuple(_d.values())))

</pallas_src>

<mosaic_0001>
#map = affine_map<(d0, d1) -> (0, 0)>
#map1 = affine_map<(d0, d1) -> (0, 0, 0)>
module attributes {stable_mosaic.version = 14 : i64} {
  func.func @_unpool_sc(%arg0: i32, %arg1: i32, %arg2: memref<384x36864xf32, #tpu.memory_space<hbm>>, %arg3: memref<384x36864xi32, #tpu.memory_space<hbm>>, %arg4: memref<384x2x73728xf32, #tpu.memory_space<hbm>>, %arg5: memref<2x12288xi32, #tpu.memory_space<vmem>>, %arg6: memref<2x12288xf32, #tpu.memory_space<vmem>>, %arg7: memref<73728xf32, #tpu.memory_space<vmem>>, %arg8: memref<!tpu.dma_semaphore, #tpu.memory_space<semaphore_mem>>, %arg9: memref<!tpu.dma_semaphore, #tpu.memory_space<semaphore_mem>>, %arg10: memref<!tpu.dma_semaphore, #tpu.memory_space<semaphore_mem>>, %arg11: memref<!tpu.dma_semaphore, #tpu.memory_space<semaphore_mem>>, %arg12: memref<!tpu.dma_semaphore, #tpu.memory_space<semaphore_mem>>) attributes {dimension_semantics = [#tpu.dimension_semantics<core_parallel>, #tpu.dimension_semantics<subcore_parallel>], iteration_bounds = array<i64: 2, 16>, scalar_prefetch = 0 : i64, scratch_operands = 8 : i64, tpu.core_type = #tpu.core_type<sc_vector_subcore>, window_params = [{transform_indices = #map}, {transform_indices = #map}, {transform_indices = #map1}]} {
    %mul3A = arith.constant 2 : i32
    %mul3A_0 = arith.muli %arg1, %mul3A : i32
    %add3A = arith.addi %mul3A_0, %arg0 : i32
    %mul3A_1 = arith.constant 12 : i32
    %mul3A_2 = arith.muli %add3A, %mul3A_1 : i32
    %broadcast_in_dim3A = arith.constant 0.000000e+00 : f32
    %broadcast_in_dim3A_3 = vector.broadcast %broadcast_in_dim3A : f32 to vector<16xf32>
    %while3A = arith.constant 0 : i32
    %while3A_4 = arith.constant 0.333333343 : f32
    %while3A_5 = arith.constant 0 : i32
    %while3A_6 = arith.constant 24 : i32
    %while3A_7 = arith.subi %while3A_6, %while3A_5 : i32
    %while3A_8 = arith.addi %while3A_5, %while3A_7 : i32
    %while3A_9 = arith.constant 1 : i32
    %while3A_10 = arith.divsi %while3A_7, %while3A_9 : i32
    %while3A_11 = arith.muli %while3A_10, %while3A_9 : i32
    %while3A_12 = arith.addi %while3A_5, %while3A_11 : i32
    %while3A_13 = arith.constant 1 : i32
    scf.for %while3A_22 = %while3A_5 to %while3A_12 step %while3A_13  : i32 {
      %shift_right_logical3A = arith.constant 1 : i32
      %shift_right_logical3A_23 = arith.shrui %while3A_22, %shift_right_logical3A : i32
      %add3A_24 = arith.addi %mul3A_2, %shift_right_logical3A_23 : i32
      %and3A = arith.constant 1 : i32
      %and3A_25 = arith.andi %while3A_22, %and3A : i32
      %mul3A_26 = arith.constant 73728 : i32
      %mul3A_27 = arith.muli %and3A_25, %mul3A_26 : i32
      %mul3A_28 = arith.constant 0 : i32
      %mul3A_29 = arith.constant 12288 : i32
      %mul3A_30 = arith.muli %mul3A_28, %mul3A_29 : i32
      %dma_start3A = arith.constant 0 : i32
      %dma_start3A_31 = arith.constant 0 : i32
      %dma_start3A_32 = tpu.memref_slice %arg5[%dma_start3A, %dma_start3A_31] : memref<2x12288xi32, #tpu.memory_space<vmem>> -> memref<1x12288xi32, #tpu.memory_space<vmem>>
      %dma_start3A_33 = tpu.memref_squeeze %dma_start3A_32 : memref<1x12288xi32, #tpu.memory_space<vmem>> -> memref<12288xi32, #tpu.memory_space<vmem>>
      %dma_start3A_34 = tpu.memref_slice %arg3[%add3A_24, %mul3A_30] : memref<384x36864xi32, #tpu.memory_space<hbm>> -> memref<1x12288xi32, #tpu.memory_space<hbm>>
      %dma_start3A_35 = tpu.memref_squeeze %dma_start3A_34 : memref<1x12288xi32, #tpu.memory_space<hbm>> -> memref<12288xi32, #tpu.memory_space<hbm>>
      %dma_start3A_36 = arith.constant 0 : i32
      %dma_start3A_37 = tpu.memref_slice %arg5[%dma_start3A, %dma_start3A_36] : memref<2x12288xi32, #tpu.memory_space<vmem>> -> memref<1x12288xi32, #tpu.memory_space<vmem>>
      %dma_start3A_38 = tpu.memref_squeeze %dma_start3A_37 : memref<1x12288xi32, #tpu.memory_space<vmem>> -> memref<12288xi32, #tpu.memory_space<vmem>>
      %dma_start3A_39 = tpu.memref_slice %arg3[%add3A_24, %mul3A_30] : memref<384x36864xi32, #tpu.memory_space<hbm>> -> memref<1x12288xi32, #tpu.memory_space<hbm>>
      %dma_start3A_40 = tpu.memref_squeeze %dma_start3A_39 : memref<1x12288xi32, #tpu.memory_space<hbm>> -> memref<12288xi32, #tpu.memory_space<hbm>>
      tpu.enqueue_dma source(%dma_start3A_40 : memref<12288xi32, #tpu.memory_space<hbm>>) target(%dma_start3A_38 : memref<12288xi32, #tpu.memory_space<vmem>>) target_semaphore(%arg8 : memref<!tpu.dma_semaphore, #tpu.memory_space<semaphore_mem>>)
      %dma_start3A_41 = arith.constant 0 : i32
      %dma_start3A_42 = arith.constant 0 : i32
      %dma_start3A_43 = tpu.memref_slice %arg6[%dma_start3A_41, %dma_start3A_42] : memref<2x12288xf32, #tpu.memory_space<vmem>> -> memref<1x12288xf32, #tpu.memory_space<vmem>>
      %dma_start3A_44 = tpu.memref_squeeze %dma_start3A_43 : memref<1x12288xf32, #tpu.memory_space<vmem>> -> memref<12288xf32, #tpu.memory_space<vmem>>
      %dma_start3A_45 = tpu.memref_slice %arg2[%add3A_24, %mul3A_30] : memref<384x36864xf32, #tpu.memory_space<hbm>> -> memref<1x12288xf32, #tpu.memory_space<hbm>>
      %dma_start3A_46 = tpu.memref_squeeze %dma_start3A_45 : memref<1x12288xf32, #tpu.memory_space<hbm>> -> memref<12288xf32, #tpu.memory_space<hbm>>
      %dma_start3A_47 = arith.constant 0 : i32
      %dma_start3A_48 = tpu.memref_slice %arg6[%dma_start3A_41, %dma_start3A_47] : memref<2x12288xf32, #tpu.memory_space<vmem>> -> memref<1x12288xf32, #tpu.memory_space<vmem>>
      %dma_start3A_49 = tpu.memref_squeeze %dma_start3A_48 : memref<1x12288xf32, #tpu.memory_space<vmem>> -> memref<12288xf32, #tpu.memory_space<vmem>>
      %dma_start3A_50 = tpu.memref_slice %arg2[%add3A_24, %mul3A_30] : memref<384x36864xf32, #tpu.memory_space<hbm>> -> memref<1x12288xf32, #tpu.memory_space<hbm>>
      %dma_start3A_51 = tpu.memref_squeeze %dma_start3A_50 : memref<1x12288xf32, #tpu.memory_space<hbm>> -> memref<12288xf32, #tpu.memory_space<hbm>>
      tpu.enqueue_dma source(%dma_start3A_51 : memref<12288xf32, #tpu.memory_space<hbm>>) target(%dma_start3A_49 : memref<12288xf32, #tpu.memory_space<vmem>>) target_semaphore(%arg10 : memref<!tpu.dma_semaphore, #tpu.memory_space<semaphore_mem>>)
      %gt3A = arith.constant 0 : i32
      %gt3A_52 = arith.cmpi sgt, %while3A_22, %gt3A : i32
      %convert_element_type3A = arith.extui %gt3A_52 : i1 to i32
      %cond3A = arith.constant 0 : i32
      %cond3A_53 = arith.cmpi ne, %convert_element_type3A, %cond3A : i32
      scf.if %cond3A_53 {
        %dma_wait3A_226 = arith.constant 0 : i32
        %dma_wait3A_227 = tpu.memref_slice %arg4[%add3A_24, %and3A_25, %dma_wait3A_226] : memref<384x2x73728xf32, #tpu.memory_space<hbm>> -> memref<1x1x73728xf32, #tpu.memory_space<hbm>>
        %dma_wait3A_228 = tpu.memref_squeeze %dma_wait3A_227 : memref<1x1x73728xf32, #tpu.memory_space<hbm>> -> memref<73728xf32, #tpu.memory_space<hbm>>
        %dma_wait3A_229 = arith.constant 0 : i32
        %dma_wait3A_230 = tpu.memref_slice %arg4[%add3A_24, %and3A_25, %dma_wait3A_229] : memref<384x2x73728xf32, #tpu.memory_space<hbm>> -> memref<1x1x73728xf32, #tpu.memory_space<hbm>>
        %dma_wait3A_231 = tpu.memref_squeeze %dma_wait3A_230 : memref<1x1x73728xf32, #tpu.memory_space<hbm>> -> memref<73728xf32, #tpu.memory_space<hbm>>
        tpu.wait_dma2 semaphore(%arg12 : memref<!tpu.dma_semaphore, #tpu.memory_space<semaphore_mem>>) src(%arg7 : memref<73728xf32, #tpu.memory_space<vmem>>) dst(%dma_wait3A_231 : memref<73728xf32, #tpu.memory_space<hbm>>)
      } else {
      }
      %while3A_54 = arith.constant 0 : i32
      %while3A_55 = arith.constant 0 : i32
      %while3A_56 = arith.constant 576 : i32
      %while3A_57 = arith.subi %while3A_56, %while3A_55 : i32
      %while3A_58 = arith.addi %while3A_55, %while3A_57 : i32
      %while3A_59 = arith.constant 1 : i32
      %while3A_60 = arith.divsi %while3A_57, %while3A_59 : i32
      %while3A_61 = arith.muli %while3A_60, %while3A_59 : i32
      %while3A_62 = arith.addi %while3A_55, %while3A_61 : i32
      %while3A_63 = arith.constant 1 : i32
      scf.for %while3A_226 = %while3A_55 to %while3A_62 step %while3A_63  : i32 {
        %mul3A_227 = arith.constant 128 : i32
        %mul3A_228 = arith.muli %while3A_226, %mul3A_227 : i32
        %add3A_229 = arith.constant 0 : i32
        %add3A_230 = arith.addi %mul3A_228, %add3A_229 : i32
        %swap3A = arith.index_cast %add3A_230 : i32 to index
        %swap3A_231 = tpu.vector_load %arg7[%swap3A] {strides = array<i32>} : memref<73728xf32, #tpu.memory_space<vmem>>, vector<16xf32>,
        tpu.vector_store %arg7[%swap3A], %broadcast_in_dim3A_3 {strides = array<i32>} : memref<73728xf32, #tpu.memory_space<vmem>>, vector<16xf32>,
        %add3A_232 = arith.constant 16 : i32
        %add3A_233 = arith.addi %mul3A_228, %add3A_232 : i32
        %swap3A_234 = arith.index_cast %add3A_233 : i32 to index
        %swap3A_235 = tpu.vector_load %arg7[%swap3A_234] {strides = array<i32>} : memref<73728xf32, #tpu.memory_space<vmem>>, vector<16xf32>,
        tpu.vector_store %arg7[%swap3A_234], %broadcast_in_dim3A_3 {strides = array<i32>} : memref<73728xf32, #tpu.memory_space<vmem>>, vector<16xf32>,
        %add3A_236 = arith.constant 32 : i32
        %add3A_237 = arith.addi %mul3A_228, %add3A_236 : i32
        %swap3A_238 = arith.index_cast %add3A_237 : i32 to index
        %swap3A_239 = tpu.vector_load %arg7[%swap3A_238] {strides = array<i32>} : memref<73728xf32, #tpu.memory_space<vmem>>, vector<16xf32>,
        tpu.vector_store %arg7[%swap3A_238], %broadcast_in_dim3A_3 {strides = array<i32>} : memref<73728xf32, #tpu.memory_space<vmem>>, vector<16xf32>,
        %add3A_240 = arith.constant 48 : i32
        %add3A_241 = arith.addi %mul3A_228, %add3A_240 : i32
        %swap3A_242 = arith.index_cast %add3A_241 : i32 to index
        %swap3A_243 = tpu.vector_load %arg7[%swap3A_242] {strides = array<i32>} : memref<73728xf32, #tpu.memory_space<vmem>>, vector<16xf32>,
        tpu.vector_store %arg7[%swap3A_242], %broadcast_in_dim3A_3 {strides = array<i32>} : memref<73728xf32, #tpu.memory_space<vmem>>, vector<16xf32>,
        %add3A_244 = arith.constant 64 : i32
        %add3A_245 = arith.addi %mul3A_228, %add3A_244 : i32
        %swap3A_246 = arith.index_cast %add3A_245 : i32 to index
        %swap3A_247 = tpu.vector_load %arg7[%swap3A_246] {strides = array<i32>} : memref<73728xf32, #tpu.memory_space<vmem>>, vector<16xf32>,
        tpu.vector_store %arg7[%swap3A_246], %broadcast_in_dim3A_3 {strides = array<i32>} : memref<73728xf32, #tpu.memory_space<vmem>>, vector<16xf32>,
        %add3A_248 = arith.constant 80 : i32
        %add3A_249 = arith.addi %mul3A_228, %add3A_248 : i32
        %swap3A_250 = arith.index_cast %add3A_249 : i32 to index
        %swap3A_251 = tpu.vector_load %arg7[%swap3A_250] {strides = array<i32>} : memref<73728xf32, #tpu.memory_space<vmem>>, vector<16xf32>,
        tpu.vector_store %arg7[%swap3A_250], %broadcast_in_dim3A_3 {strides = array<i32>} : memref<73728xf32, #tpu.memory_space<vmem>>, vector<16xf32>,
        %add3A_252 = arith.constant 96 : i32
        %add3A_253 = arith.addi %mul3A_228, %add3A_252 : i32
        %swap3A_254 = arith.index_cast %add3A_253 : i32 to index
        %swap3A_255 = tpu.vector_load %arg7[%swap3A_254] {strides = array<i32>} : memref<73728xf32, #tpu.memory_space<vmem>>, vector<16xf32>,
        tpu.vector_store %arg7[%swap3A_254], %broadcast_in_dim3A_3 {strides = array<i32>} : memref<73728xf32, #tpu.memory_space<vmem>>, vector<16xf32>,
        %add3A_256 = arith.constant 112 : i32
        %add3A_257 = arith.addi %mul3A_228, %add3A_256 : i32
        %swap3A_258 = arith.index_cast %add3A_257 : i32 to index
        %swap3A_259 = tpu.vector_load %arg7[%swap3A_258] {strides = array<i32>} : memref<73728xf32, #tpu.memory_space<vmem>>, vector<16xf32>,
        tpu.vector_store %arg7[%swap3A_258], %broadcast_in_dim3A_3 {strides = array<i32>} : memref<73728xf32, #tpu.memory_space<vmem>>, vector<16xf32>,
      }
      %while3A_64 = arith.constant 1 : i32
      scf.for %while3A_226 = %while3A_62 to %while3A_58 step %while3A_64  : i32 {
        %mul3A_227 = arith.constant 128 : i32
        %mul3A_228 = arith.muli %while3A_226, %mul3A_227 : i32
        %add3A_229 = arith.constant 0 : i32
        %add3A_230 = arith.addi %mul3A_228, %add3A_229 : i32
        %swap3A = arith.index_cast %add3A_230 : i32 to index
        %swap3A_231 = tpu.vector_load %arg7[%swap3A] {strides = array<i32>} : memref<73728xf32, #tpu.memory_space<vmem>>, vector<16xf32>,
        tpu.vector_store %arg7[%swap3A], %broadcast_in_dim3A_3 {strides = array<i32>} : memref<73728xf32, #tpu.memory_space<vmem>>, vector<16xf32>,
        %add3A_232 = arith.constant 16 : i32
        %add3A_233 = arith.addi %mul3A_228, %add3A_232 : i32
        %swap3A_234 = arith.index_cast %add3A_233 : i32 to index
        %swap3A_235 = tpu.vector_load %arg7[%swap3A_234] {strides = array<i32>} : memref<73728xf32, #tpu.memory_space<vmem>>, vector<16xf32>,
        tpu.vector_store %arg7[%swap3A_234], %broadcast_in_dim3A_3 {strides = array<i32>} : memref<73728xf32, #tpu.memory_space<vmem>>, vector<16xf32>,
        %add3A_236 = arith.constant 32 : i32
        %add3A_237 = arith.addi %mul3A_228, %add3A_236 : i32
        %swap3A_238 = arith.index_cast %add3A_237 : i32 to index
        %swap3A_239 = tpu.vector_load %arg7[%swap3A_238] {strides = array<i32>} : memref<73728xf32, #tpu.memory_space<vmem>>, vector<16xf32>,
        tpu.vector_store %arg7[%swap3A_238], %broadcast_in_dim3A_3 {strides = array<i32>} : memref<73728xf32, #tpu.memory_space<vmem>>, vector<16xf32>,
        %add3A_240 = arith.constant 48 : i32
        %add3A_241 = arith.addi %mul3A_228, %add3A_240 : i32
        %swap3A_242 = arith.index_cast %add3A_241 : i32 to index
        %swap3A_243 = tpu.vector_load %arg7[%swap3A_242] {strides = array<i32>} : memref<73728xf32, #tpu.memory_space<vmem>>, vector<16xf32>,
        tpu.vector_store %arg7[%swap3A_242], %broadcast_in_dim3A_3 {strides = array<i32>} : memref<73728xf32, #tpu.memory_space<vmem>>, vector<16xf32>,
        %add3A_244 = arith.constant 64 : i32
        %add3A_245 = arith.addi %mul3A_228, %add3A_244 : i32
        %swap3A_246 = arith.index_cast %add3A_245 : i32 to index
        %swap3A_247 = tpu.vector_load %arg7[%swap3A_246] {strides = array<i32>} : memref<73728xf32, #tpu.memory_space<vmem>>, vector<16xf32>,
        tpu.vector_store %arg7[%swap3A_246], %broadcast_in_dim3A_3 {strides = array<i32>} : memref<73728xf32, #tpu.memory_space<vmem>>, vector<16xf32>,
        %add3A_248 = arith.constant 80 : i32
        %add3A_249 = arith.addi %mul3A_228, %add3A_248 : i32
        %swap3A_250 = arith.index_cast %add3A_249 : i32 to index
        %swap3A_251 = tpu.vector_load %arg7[%swap3A_250] {strides = array<i32>} : memref<73728xf32, #tpu.memory_space<vmem>>, vector<16xf32>,
        tpu.vector_store %arg7[%swap3A_250], %broadcast_in_dim3A_3 {strides = array<i32>} : memref<73728xf32, #tpu.memory_space<vmem>>, vector<16xf32>,
        %add3A_252 = arith.constant 96 : i32
        %add3A_253 = arith.addi %mul3A_228, %add3A_252 : i32
        %swap3A_254 = arith.index_cast %add3A_253 : i32 to index
        %swap3A_255 = tpu.vector_load %arg7[%swap3A_254] {strides = array<i32>} : memref<73728xf32, #tpu.memory_space<vmem>>, vector<16xf32>,
        tpu.vector_store %arg7[%swap3A_254], %broadcast_in_dim3A_3 {strides = array<i32>} : memref<73728xf32, #tpu.memory_space<vmem>>, vector<16xf32>,
        %add3A_256 = arith.constant 112 : i32
        %add3A_257 = arith.addi %mul3A_228, %add3A_256 : i32
        %swap3A_258 = arith.index_cast %add3A_257 : i32 to index
        %swap3A_259 = tpu.vector_load %arg7[%swap3A_258] {strides = array<i32>} : memref<73728xf32, #tpu.memory_space<vmem>>, vector<16xf32>,
        tpu.vector_store %arg7[%swap3A_258], %broadcast_in_dim3A_3 {strides = array<i32>} : memref<73728xf32, #tpu.memory_space<vmem>>, vector<16xf32>,
      }
      %mul3A_65 = arith.constant 1 : i32
      %mul3A_66 = arith.constant 12288 : i32
      %mul3A_67 = arith.muli %mul3A_65, %mul3A_66 : i32
      %dma_start3A_68 = arith.constant 1 : i32
      %dma_start3A_69 = arith.constant 0 : i32
      %dma_start3A_70 = tpu.memref_slice %arg5[%dma_start3A_68, %dma_start3A_69] : memref<2x12288xi32, #tpu.memory_space<vmem>> -> memref<1x12288xi32, #tpu.memory_space<vmem>>
      %dma_start3A_71 = tpu.memref_squeeze %dma_start3A_70 : memref<1x12288xi32, #tpu.memory_space<vmem>> -> memref<12288xi32, #tpu.memory_space<vmem>>
      %dma_start3A_72 = tpu.memref_slice %arg3[%add3A_24, %mul3A_67] : memref<384x36864xi32, #tpu.memory_space<hbm>> -> memref<1x12288xi32, #tpu.memory_space<hbm>>
      %dma_start3A_73 = tpu.memref_squeeze %dma_start3A_72 : memref<1x12288xi32, #tpu.memory_space<hbm>> -> memref<12288xi32, #tpu.memory_space<hbm>>
      %dma_start3A_74 = arith.constant 0 : i32
      %dma_start3A_75 = tpu.memref_slice %arg5[%dma_start3A_68, %dma_start3A_74] : memref<2x12288xi32, #tpu.memory_space<vmem>> -> memref<1x12288xi32, #tpu.memory_space<vmem>>
      %dma_start3A_76 = tpu.memref_squeeze %dma_start3A_75 : memref<1x12288xi32, #tpu.memory_space<vmem>> -> memref<12288xi32, #tpu.memory_space<vmem>>
      %dma_start3A_77 = tpu.memref_slice %arg3[%add3A_24, %mul3A_67] : memref<384x36864xi32, #tpu.memory_space<hbm>> -> memref<1x12288xi32, #tpu.memory_space<hbm>>
      %dma_start3A_78 = tpu.memref_squeeze %dma_start3A_77 : memref<1x12288xi32, #tpu.memory_space<hbm>> -> memref<12288xi32, #tpu.memory_space<hbm>>
      tpu.enqueue_dma source(%dma_start3A_78 : memref<12288xi32, #tpu.memory_space<hbm>>) target(%dma_start3A_76 : memref<12288xi32, #tpu.memory_space<vmem>>) target_semaphore(%arg9 : memref<!tpu.dma_semaphore, #tpu.memory_space<semaphore_mem>>)
      %dma_start3A_79 = arith.constant 1 : i32
      %dma_start3A_80 = arith.constant 0 : i32
      %dma_start3A_81 = tpu.memref_slice %arg6[%dma_start3A_79, %dma_start3A_80] : memref<2x12288xf32, #tpu.memory_space<vmem>> -> memref<1x12288xf32, #tpu.memory_space<vmem>>
      %dma_start3A_82 = tpu.memref_squeeze %dma_start3A_81 : memref<1x12288xf32, #tpu.memory_space<vmem>> -> memref<12288xf32, #tpu.memory_space<vmem>>
      %dma_start3A_83 = tpu.memref_slice %arg2[%add3A_24, %mul3A_67] : memref<384x36864xf32, #tpu.memory_space<hbm>> -> memref<1x12288xf32, #tpu.memory_space<hbm>>
      %dma_start3A_84 = tpu.memref_squeeze %dma_start3A_83 : memref<1x12288xf32, #tpu.memory_space<hbm>> -> memref<12288xf32, #tpu.memory_space<hbm>>
      %dma_start3A_85 = arith.constant 0 : i32
      %dma_start3A_86 = tpu.memref_slice %arg6[%dma_start3A_79, %dma_start3A_85] : memref<2x12288xf32, #tpu.memory_space<vmem>> -> memref<1x12288xf32, #tpu.memory_space<vmem>>
      %dma_start3A_87 = tpu.memref_squeeze %dma_start3A_86 : memref<1x12288xf32, #tpu.memory_space<vmem>> -> memref<12288xf32, #tpu.memory_space<vmem>>
      %dma_start3A_88 = tpu.memref_slice %arg2[%add3A_24, %mul3A_67] : memref<384x36864xf32, #tpu.memory_space<hbm>> -> memref<1x12288xf32, #tpu.memory_space<hbm>>
      %dma_start3A_89 = tpu.memref_squeeze %dma_start3A_88 : memref<1x12288xf32, #tpu.memory_space<hbm>> -> memref<12288xf32, #tpu.memory_space<hbm>>
      tpu.enqueue_dma source(%dma_start3A_89 : memref<12288xf32, #tpu.memory_space<hbm>>) target(%dma_start3A_87 : memref<12288xf32, #tpu.memory_space<vmem>>) target_semaphore(%arg11 : memref<!tpu.dma_semaphore, #tpu.memory_space<semaphore_mem>>)
      %dma_wait3A_90 = arith.constant 0 : i32
      %dma_wait3A_91 = arith.constant 0 : i32
      %dma_wait3A_92 = arith.constant 0 : i32
      %dma_wait3A_93 = tpu.memref_slice %arg5[%dma_wait3A_91, %dma_wait3A_92] : memref<2x12288xi32, #tpu.memory_space<vmem>> -> memref<1x12288xi32, #tpu.memory_space<vmem>>
      %dma_wait3A_94 = tpu.memref_squeeze %dma_wait3A_93 : memref<1x12288xi32, #tpu.memory_space<vmem>> -> memref<12288xi32, #tpu.memory_space<vmem>>
      %dma_wait3A_95 = tpu.memref_slice %arg3[%add3A_24, %dma_wait3A_90] : memref<384x36864xi32, #tpu.memory_space<hbm>> -> memref<1x12288xi32, #tpu.memory_space<hbm>>
      %dma_wait3A_96 = tpu.memref_squeeze %dma_wait3A_95 : memref<1x12288xi32, #tpu.memory_space<hbm>> -> memref<12288xi32, #tpu.memory_space<hbm>>
      %dma_wait3A_97 = arith.constant 0 : i32
      %dma_wait3A_98 = tpu.memref_slice %arg5[%dma_wait3A_91, %dma_wait3A_97] : memref<2x12288xi32, #tpu.memory_space<vmem>> -> memref<1x12288xi32, #tpu.memory_space<vmem>>
      %dma_wait3A_99 = tpu.memref_squeeze %dma_wait3A_98 : memref<1x12288xi32, #tpu.memory_space<vmem>> -> memref<12288xi32, #tpu.memory_space<vmem>>
      %dma_wait3A_100 = tpu.memref_slice %arg3[%add3A_24, %dma_wait3A_90] : memref<384x36864xi32, #tpu.memory_space<hbm>> -> memref<1x12288xi32, #tpu.memory_space<hbm>>
      %dma_wait3A_101 = tpu.memref_squeeze %dma_wait3A_100 : memref<1x12288xi32, #tpu.memory_space<hbm>> -> memref<12288xi32, #tpu.memory_space<hbm>>
      tpu.wait_dma2 semaphore(%arg8 : memref<!tpu.dma_semaphore, #tpu.memory_space<semaphore_mem>>) src(%dma_wait3A_101 : memref<12288xi32, #tpu.memory_space<hbm>>) dst(%dma_wait3A_99 : memref<12288xi32, #tpu.memory_space<vmem>>)
      %dma_wait3A_102 = arith.constant 0 : i32
      %dma_wait3A_103 = arith.constant 0 : i32
      %dma_wait3A_104 = arith.constant 0 : i32
      %dma_wait3A_105 = tpu.memref_slice %arg6[%dma_wait3A_103, %dma_wait3A_104] : memref<2x12288xf32, #tpu.memory_space<vmem>> -> memref<1x12288xf32, #tpu.memory_space<vmem>>
      %dma_wait3A_106 = tpu.memref_squeeze %dma_wait3A_105 : memref<1x12288xf32, #tpu.memory_space<vmem>> -> memref<12288xf32, #tpu.memory_space<vmem>>
      %dma_wait3A_107 = tpu.memref_slice %arg2[%add3A_24, %dma_wait3A_102] : memref<384x36864xf32, #tpu.memory_space<hbm>> -> memref<1x12288xf32, #tpu.memory_space<hbm>>
      %dma_wait3A_108 = tpu.memref_squeeze %dma_wait3A_107 : memref<1x12288xf32, #tpu.memory_space<hbm>> -> memref<12288xf32, #tpu.memory_space<hbm>>
      %dma_wait3A_109 = arith.constant 0 : i32
      %dma_wait3A_110 = tpu.memref_slice %arg6[%dma_wait3A_103, %dma_wait3A_109] : memref<2x12288xf32, #tpu.memory_space<vmem>> -> memref<1x12288xf32, #tpu.memory_space<vmem>>
      %dma_wait3A_111 = tpu.memref_squeeze %dma_wait3A_110 : memref<1x12288xf32, #tpu.memory_space<vmem>> -> memref<12288xf32, #tpu.memory_space<vmem>>
      %dma_wait3A_112 = tpu.memref_slice %arg2[%add3A_24, %dma_wait3A_102] : memref<384x36864xf32, #tpu.memory_space<hbm>> -> memref<1x12288xf32, #tpu.memory_space<hbm>>
      %dma_wait3A_113 = tpu.memref_squeeze %dma_wait3A_112 : memref<1x12288xf32, #tpu.memory_space<hbm>> -> memref<12288xf32, #tpu.memory_space<hbm>>
      tpu.wait_dma2 semaphore(%arg10 : memref<!tpu.dma_semaphore, #tpu.memory_space<semaphore_mem>>) src(%dma_wait3A_113 : memref<12288xf32, #tpu.memory_space<hbm>>) dst(%dma_wait3A_111 : memref<12288xf32, #tpu.memory_space<vmem>>)
      %while3A_114 = arith.constant 0 : i32
      %while3A_115 = arith.constant 0 : i32
      %while3A_116 = arith.constant 96 : i32
      %while3A_117 = arith.subi %while3A_116, %while3A_115 : i32
      %while3A_118 = arith.addi %while3A_115, %while3A_117 : i32
      %while3A_119 = arith.constant 1 : i32
      %while3A_120 = arith.divsi %while3A_117, %while3A_119 : i32
      %while3A_121 = arith.muli %while3A_120, %while3A_119 : i32
      %while3A_122 = arith.addi %while3A_115, %while3A_121 : i32
      %while3A_123 = arith.constant 1 : i32
      scf.for %while3A_226 = %while3A_115 to %while3A_122 step %while3A_123  : i32 {
        %mul3A_227 = arith.constant 128 : i32
        %mul3A_228 = arith.muli %while3A_226, %mul3A_227 : i32
        %add3A_229 = arith.constant 0 : i32
        %add3A_230 = arith.addi %mul3A_228, %add3A_229 : i32
        %get3A = arith.constant 0 : i32
        %get3A_231 = arith.index_cast %get3A : i32 to index
        %get3A_232 = arith.index_cast %add3A_230 : i32 to index
        %get3A_233 = tpu.vector_load %arg5[%get3A_231, %get3A_232] {strides = array<i32>} : memref<2x12288xi32, #tpu.memory_space<vmem>>, vector<16xi32>,
        %shift_right_logical3A_234 = arith.constant 5 : i32
        %shift_right_logical3A_235 = vector.broadcast %shift_right_logical3A_234 : i32 to vector<16xi32>
        %shift_right_logical3A_236 = arith.shrui %get3A_233, %shift_right_logical3A_235 : vector<16xi32>
        %convert_element_type3A_237 = arith.sitofp %shift_right_logical3A_236 : vector<16xi32> to vector<16xf32>
        %mul3A_238 = vector.broadcast %while3A_4 : f32 to vector<16xf32>
        %mul3A_239 = arith.mulf %convert_element_type3A_237, %mul3A_238 : vector<16xf32>
        %convert_element_type3A_240 = arith.fptosi %mul3A_239 : vector<16xf32> to vector<16xi32>
        %sub3A = vector.broadcast %mul3A_27 : i32 to vector<16xi32>
        %sub3A_241 = arith.subi %convert_element_type3A_240, %sub3A : vector<16xi32>
        %bitcast3A = vector.bitcast %sub3A_241 : vector<16xi32> to vector<16xi32>
        %lt3A = arith.constant 73728 : i32
        %lt3A_242 = vector.broadcast %lt3A : i32 to vector<16xi32>
        %lt3A_243 = arith.cmpi ult, %bitcast3A, %lt3A_242 : vector<16xi32>
        %get3A_244 = arith.constant 0 : i32
        %get3A_245 = arith.index_cast %get3A_244 : i32 to index
        %get3A_246 = arith.index_cast %add3A_230 : i32 to index
        %get3A_247 = tpu.vector_load %arg6[%get3A_245, %get3A_246] {strides = array<i32>} : memref<2x12288xf32, #tpu.memory_space<vmem>>, vector<16xf32>,
        tpu.vector_store_idx %arg7[%sub3A_241], %get3A_247 masked %lt3A_243 {add = true} : memref<73728xf32, #tpu.memory_space<vmem>>[vector<16xi32>], vector<16xf32>, vector<16xi1>
        %add3A_248 = arith.constant 16 : i32
        %add3A_249 = arith.addi %mul3A_228, %add3A_248 : i32
        %get3A_250 = arith.constant 0 : i32
        %get3A_251 = arith.index_cast %get3A_250 : i32 to index
        %get3A_252 = arith.index_cast %add3A_249 : i32 to index
        %get3A_253 = tpu.vector_load %arg5[%get3A_251, %get3A_252] {strides = array<i32>} : memref<2x12288xi32, #tpu.memory_space<vmem>>, vector<16xi32>,
        %shift_right_logical3A_254 = arith.constant 5 : i32
        %shift_right_logical3A_255 = vector.broadcast %shift_right_logical3A_254 : i32 to vector<16xi32>
        %shift_right_logical3A_256 = arith.shrui %get3A_253, %shift_right_logical3A_255 : vector<16xi32>
        %convert_element_type3A_257 = arith.sitofp %shift_right_logical3A_256 : vector<16xi32> to vector<16xf32>
        %mul3A_258 = vector.broadcast %while3A_4 : f32 to vector<16xf32>
        %mul3A_259 = arith.mulf %convert_element_type3A_257, %mul3A_258 : vector<16xf32>
        %convert_element_type3A_260 = arith.fptosi %mul3A_259 : vector<16xf32> to vector<16xi32>
        %sub3A_261 = vector.broadcast %mul3A_27 : i32 to vector<16xi32>
        %sub3A_262 = arith.subi %convert_element_type3A_260, %sub3A_261 : vector<16xi32>
        %bitcast3A_263 = vector.bitcast %sub3A_262 : vector<16xi32> to vector<16xi32>
        %lt3A_264 = arith.constant 73728 : i32
        %lt3A_265 = vector.broadcast %lt3A_264 : i32 to vector<16xi32>
        %lt3A_266 = arith.cmpi ult, %bitcast3A_263, %lt3A_265 : vector<16xi32>
        %get3A_267 = arith.constant 0 : i32
        %get3A_268 = arith.index_cast %get3A_267 : i32 to index
        %get3A_269 = arith.index_cast %add3A_249 : i32 to index
        %get3A_270 = tpu.vector_load %arg6[%get3A_268, %get3A_269] {strides = array<i32>} : memref<2x12288xf32, #tpu.memory_space<vmem>>, vector<16xf32>,
        tpu.vector_store_idx %arg7[%sub3A_262], %get3A_270 masked %lt3A_266 {add = true} : memref<73728xf32, #tpu.memory_space<vmem>>[vector<16xi32>], vector<16xf32>, vector<16xi1>
        %add3A_271 = arith.constant 32 : i32
        %add3A_272 = arith.addi %mul3A_228, %add3A_271 : i32
        %get3A_273 = arith.constant 0 : i32
        %get3A_274 = arith.index_cast %get3A_273 : i32 to index
        %get3A_275 = arith.index_cast %add3A_272 : i32 to index
        %get3A_276 = tpu.vector_load %arg5[%get3A_274, %get3A_275] {strides = array<i32>} : memref<2x12288xi32, #tpu.memory_space<vmem>>, vector<16xi32>,
        %shift_right_logical3A_277 = arith.constant 5 : i32
        %shift_right_logical3A_278 = vector.broadcast %shift_right_logical3A_277 : i32 to vector<16xi32>
        %shift_right_logical3A_279 = arith.shrui %get3A_276, %shift_right_logical3A_278 : vector<16xi32>
        %convert_element_type3A_280 = arith.sitofp %shift_right_logical3A_279 : vector<16xi32> to vector<16xf32>
        %mul3A_281 = vector.broadcast %while3A_4 : f32 to vector<16xf32>
        %mul3A_282 = arith.mulf %convert_element_type3A_280, %mul3A_281 : vector<16xf32>
        %convert_element_type3A_283 = arith.fptosi %mul3A_282 : vector<16xf32> to vector<16xi32>
        %sub3A_284 = vector.broadcast %mul3A_27 : i32 to vector<16xi32>
        %sub3A_285 = arith.subi %convert_element_type3A_283, %sub3A_284 : vector<16xi32>
        %bitcast3A_286 = vector.bitcast %sub3A_285 : vector<16xi32> to vector<16xi32>
        %lt3A_287 = arith.constant 73728 : i32
        %lt3A_288 = vector.broadcast %lt3A_287 : i32 to vector<16xi32>
        %lt3A_289 = arith.cmpi ult, %bitcast3A_286, %lt3A_288 : vector<16xi32>
        %get3A_290 = arith.constant 0 : i32
        %get3A_291 = arith.index_cast %get3A_290 : i32 to index
        %get3A_292 = arith.index_cast %add3A_272 : i32 to index
        %get3A_293 = tpu.vector_load %arg6[%get3A_291, %get3A_292] {strides = array<i32>} : memref<2x12288xf32, #tpu.memory_space<vmem>>, vector<16xf32>,
        tpu.vector_store_idx %arg7[%sub3A_285], %get3A_293 masked %lt3A_289 {add = true} : memref<73728xf32, #tpu.memory_space<vmem>>[vector<16xi32>], vector<16xf32>, vector<16xi1>
        %add3A_294 = arith.constant 48 : i32
        %add3A_295 = arith.addi %mul3A_228, %add3A_294 : i32
        %get3A_296 = arith.constant 0 : i32
        %get3A_297 = arith.index_cast %get3A_296 : i32 to index
        %get3A_298 = arith.index_cast %add3A_295 : i32 to index
        %get3A_299 = tpu.vector_load %arg5[%get3A_297, %get3A_298] {strides = array<i32>} : memref<2x12288xi32, #tpu.memory_space<vmem>>, vector<16xi32>,
        %shift_right_logical3A_300 = arith.constant 5 : i32
        %shift_right_logical3A_301 = vector.broadcast %shift_right_logical3A_300 : i32 to vector<16xi32>
        %shift_right_logical3A_302 = arith.shrui %get3A_299, %shift_right_logical3A_301 : vector<16xi32>
        %convert_element_type3A_303 = arith.sitofp %shift_right_logical3A_302 : vector<16xi32> to vector<16xf32>
        %mul3A_304 = vector.broadcast %while3A_4 : f32 to vector<16xf32>
        %mul3A_305 = arith.mulf %convert_element_type3A_303, %mul3A_304 : vector<16xf32>
        %convert_element_type3A_306 = arith.fptosi %mul3A_305 : vector<16xf32> to vector<16xi32>
        %sub3A_307 = vector.broadcast %mul3A_27 : i32 to vector<16xi32>
        %sub3A_308 = arith.subi %convert_element_type3A_306, %sub3A_307 : vector<16xi32>
        %bitcast3A_309 = vector.bitcast %sub3A_308 : vector<16xi32> to vector<16xi32>
        %lt3A_310 = arith.constant 73728 : i32
        %lt3A_311 = vector.broadcast %lt3A_310 : i32 to vector<16xi32>
        %lt3A_312 = arith.cmpi ult, %bitcast3A_309, %lt3A_311 : vector<16xi32>
        %get3A_313 = arith.constant 0 : i32
        %get3A_314 = arith.index_cast %get3A_313 : i32 to index
        %get3A_315 = arith.index_cast %add3A_295 : i32 to index
        %get3A_316 = tpu.vector_load %arg6[%get3A_314, %get3A_315] {strides = array<i32>} : memref<2x12288xf32, #tpu.memory_space<vmem>>, vector<16xf32>,
        tpu.vector_store_idx %arg7[%sub3A_308], %get3A_316 masked %lt3A_312 {add = true} : memref<73728xf32, #tpu.memory_space<vmem>>[vector<16xi32>], vector<16xf32>, vector<16xi1>
        %add3A_317 = arith.constant 64 : i32
        %add3A_318 = arith.addi %mul3A_228, %add3A_317 : i32
        %get3A_319 = arith.constant 0 : i32
        %get3A_320 = arith.index_cast %get3A_319 : i32 to index
        %get3A_321 = arith.index_cast %add3A_318 : i32 to index
        %get3A_322 = tpu.vector_load %arg5[%get3A_320, %get3A_321] {strides = array<i32>} : memref<2x12288xi32, #tpu.memory_space<vmem>>, vector<16xi32>,
        %shift_right_logical3A_323 = arith.constant 5 : i32
        %shift_right_logical3A_324 = vector.broadcast %shift_right_logical3A_323 : i32 to vector<16xi32>
        %shift_right_logical3A_325 = arith.shrui %get3A_322, %shift_right_logical3A_324 : vector<16xi32>
        %convert_element_type3A_326 = arith.sitofp %shift_right_logical3A_325 : vector<16xi32> to vector<16xf32>
        %mul3A_327 = vector.broadcast %while3A_4 : f32 to vector<16xf32>
        %mul3A_328 = arith.mulf %convert_element_type3A_326, %mul3A_327 : vector<16xf32>
        %convert_element_type3A_329 = arith.fptosi %mul3A_328 : vector<16xf32> to vector<16xi32>
        %sub3A_330 = vector.broadcast %mul3A_27 : i32 to vector<16xi32>
        %sub3A_331 = arith.subi %convert_element_type3A_329, %sub3A_330 : vector<16xi32>
        %bitcast3A_332 = vector.bitcast %sub3A_331 : vector<16xi32> to vector<16xi32>
        %lt3A_333 = arith.constant 73728 : i32
        %lt3A_334 = vector.broadcast %lt3A_333 : i32 to vector<16xi32>
        %lt3A_335 = arith.cmpi ult, %bitcast3A_332, %lt3A_334 : vector<16xi32>
        %get3A_336 = arith.constant 0 : i32
        %get3A_337 = arith.index_cast %get3A_336 : i32 to index
        %get3A_338 = arith.index_cast %add3A_318 : i32 to index
        %get3A_339 = tpu.vector_load %arg6[%get3A_337, %get3A_338] {strides = array<i32>} : memref<2x12288xf32, #tpu.memory_space<vmem>>, vector<16xf32>,
        tpu.vector_store_idx %arg7[%sub3A_331], %get3A_339 masked %lt3A_335 {add = true} : memref<73728xf32, #tpu.memory_space<vmem>>[vector<16xi32>], vector<16xf32>, vector<16xi1>
        %add3A_340 = arith.constant 80 : i32
        %add3A_341 = arith.addi %mul3A_228, %add3A_340 : i32
        %get3A_342 = arith.constant 0 : i32
        %get3A_343 = arith.index_cast %get3A_342 : i32 to index
        %get3A_344 = arith.index_cast %add3A_341 : i32 to index
        %get3A_345 = tpu.vector_load %arg5[%get3A_343, %get3A_344] {strides = array<i32>} : memref<2x12288xi32, #tpu.memory_space<vmem>>, vector<16xi32>,
        %shift_right_logical3A_346 = arith.constant 5 : i32
        %shift_right_logical3A_347 = vector.broadcast %shift_right_logical3A_346 : i32 to vector<16xi32>
        %shift_right_logical3A_348 = arith.shrui %get3A_345, %shift_right_logical3A_347 : vector<16xi32>
        %convert_element_type3A_349 = arith.sitofp %shift_right_logical3A_348 : vector<16xi32> to vector<16xf32>
        %mul3A_350 = vector.broadcast %while3A_4 : f32 to vector<16xf32>
        %mul3A_351 = arith.mulf %convert_element_type3A_349, %mul3A_350 : vector<16xf32>
        %convert_element_type3A_352 = arith.fptosi %mul3A_351 : vector<16xf32> to vector<16xi32>
        %sub3A_353 = vector.broadcast %mul3A_27 : i32 to vector<16xi32>
        %sub3A_354 = arith.subi %convert_element_type3A_352, %sub3A_353 : vector<16xi32>
        %bitcast3A_355 = vector.bitcast %sub3A_354 : vector<16xi32> to vector<16xi32>
        %lt3A_356 = arith.constant 73728 : i32
        %lt3A_357 = vector.broadcast %lt3A_356 : i32 to vector<16xi32>
        %lt3A_358 = arith.cmpi ult, %bitcast3A_355, %lt3A_357 : vector<16xi32>
        %get3A_359 = arith.constant 0 : i32
        %get3A_360 = arith.index_cast %get3A_359 : i32 to index
        %get3A_361 = arith.index_cast %add3A_341 : i32 to index
        %get3A_362 = tpu.vector_load %arg6[%get3A_360, %get3A_361] {strides = array<i32>} : memref<2x12288xf32, #tpu.memory_space<vmem>>, vector<16xf32>,
        tpu.vector_store_idx %arg7[%sub3A_354], %get3A_362 masked %lt3A_358 {add = true} : memref<73728xf32, #tpu.memory_space<vmem>>[vector<16xi32>], vector<16xf32>, vector<16xi1>
        %add3A_363 = arith.constant 96 : i32
        %add3A_364 = arith.addi %mul3A_228, %add3A_363 : i32
        %get3A_365 = arith.constant 0 : i32
        %get3A_366 = arith.index_cast %get3A_365 : i32 to index
        %get3A_367 = arith.index_cast %add3A_364 : i32 to index
        %get3A_368 = tpu.vector_load %arg5[%get3A_366, %get3A_367] {strides = array<i32>} : memref<2x12288xi32, #tpu.memory_space<vmem>>, vector<16xi32>,
        %shift_right_logical3A_369 = arith.constant 5 : i32
        %shift_right_logical3A_370 = vector.broadcast %shift_right_logical3A_369 : i32 to vector<16xi32>
        %shift_right_logical3A_371 = arith.shrui %get3A_368, %shift_right_logical3A_370 : vector<16xi32>
        %convert_element_type3A_372 = arith.sitofp %shift_right_logical3A_371 : vector<16xi32> to vector<16xf32>
        %mul3A_373 = vector.broadcast %while3A_4 : f32 to vector<16xf32>
        %mul3A_374 = arith.mulf %convert_element_type3A_372, %mul3A_373 : vector<16xf32>
        %convert_element_type3A_375 = arith.fptosi %mul3A_374 : vector<16xf32> to vector<16xi32>
        %sub3A_376 = vector.broadcast %mul3A_27 : i32 to vector<16xi32>
        %sub3A_377 = arith.subi %convert_element_type3A_375, %sub3A_376 : vector<16xi32>
        %bitcast3A_378 = vector.bitcast %sub3A_377 : vector<16xi32> to vector<16xi32>
        %lt3A_379 = arith.constant 73728 : i32
        %lt3A_380 = vector.broadcast %lt3A_379 : i32 to vector<16xi32>
        %lt3A_381 = arith.cmpi ult, %bitcast3A_378, %lt3A_380 : vector<16xi32>
        %get3A_382 = arith.constant 0 : i32
        %get3A_383 = arith.index_cast %get3A_382 : i32 to index
        %get3A_384 = arith.index_cast %add3A_364 : i32 to index
        %get3A_385 = tpu.vector_load %arg6[%get3A_383, %get3A_384] {strides = array<i32>} : memref<2x12288xf32, #tpu.memory_space<vmem>>, vector<16xf32>,
        tpu.vector_store_idx %arg7[%sub3A_377], %get3A_385 masked %lt3A_381 {add = true} : memref<73728xf32, #tpu.memory_space<vmem>>[vector<16xi32>], vector<16xf32>, vector<16xi1>
        %add3A_386 = arith.constant 112 : i32
        %add3A_387 = arith.addi %mul3A_228, %add3A_386 : i32
        %get3A_388 = arith.constant 0 : i32
        %get3A_389 = arith.index_cast %get3A_388 : i32 to index
        %get3A_390 = arith.index_cast %add3A_387 : i32 to index
        %get3A_391 = tpu.vector_load %arg5[%get3A_389, %get3A_390] {strides = array<i32>} : memref<2x12288xi32, #tpu.memory_space<vmem>>, vector<16xi32>,
        %shift_right_logical3A_392 = arith.constant 5 : i32
        %shift_right_logical3A_393 = vector.broadcast %shift_right_logical3A_392 : i32 to vector<16xi32>
        %shift_right_logical3A_394 = arith.shrui %get3A_391, %shift_right_logical3A_393 : vector<16xi32>
        %convert_element_type3A_395 = arith.sitofp %shift_right_logical3A_394 : vector<16xi32> to vector<16xf32>
        %mul3A_396 = vector.broadcast %while3A_4 : f32 to vector<16xf32>
        %mul3A_397 = arith.mulf %convert_element_type3A_395, %mul3A_396 : vector<16xf32>
        %convert_element_type3A_398 = arith.fptosi %mul3A_397 : vector<16xf32> to vector<16xi32>
        %sub3A_399 = vector.broadcast %mul3A_27 : i32 to vector<16xi32>
        %sub3A_400 = arith.subi %convert_element_type3A_398, %sub3A_399 : vector<16xi32>
        %bitcast3A_401 = vector.bitcast %sub3A_400 : vector<16xi32> to vector<16xi32>
        %lt3A_402 = arith.constant 73728 : i32
        %lt3A_403 = vector.broadcast %lt3A_402 : i32 to vector<16xi32>
        %lt3A_404 = arith.cmpi ult, %bitcast3A_401, %lt3A_403 : vector<16xi32>
        %get3A_405 = arith.constant 0 : i32
        %get3A_406 = arith.index_cast %get3A_405 : i32 to index
        %get3A_407 = arith.index_cast %add3A_387 : i32 to index
        %get3A_408 = tpu.vector_load %arg6[%get3A_406, %get3A_407] {strides = array<i32>} : memref<2x12288xf32, #tpu.memory_space<vmem>>, vector<16xf32>,
        tpu.vector_store_idx %arg7[%sub3A_400], %get3A_408 masked %lt3A_404 {add = true} : memref<73728xf32, #tpu.memory_space<vmem>>[vector<16xi32>], vector<16xf32>, vector<16xi1>
      }
      %while3A_124 = arith.constant 1 : i32
      scf.for %while3A_226 = %while3A_122 to %while3A_118 step %while3A_124  : i32 {
        %mul3A_227 = arith.constant 128 : i32
        %mul3A_228 = arith.muli %while3A_226, %mul3A_227 : i32
        %add3A_229 = arith.constant 0 : i32
        %add3A_230 = arith.addi %mul3A_228, %add3A_229 : i32
        %get3A = arith.constant 0 : i32
        %get3A_231 = arith.index_cast %get3A : i32 to index
        %get3A_232 = arith.index_cast %add3A_230 : i32 to index
        %get3A_233 = tpu.vector_load %arg5[%get3A_231, %get3A_232] {strides = array<i32>} : memref<2x12288xi32, #tpu.memory_space<vmem>>, vector<16xi32>,
        %shift_right_logical3A_234 = arith.constant 5 : i32
        %shift_right_logical3A_235 = vector.broadcast %shift_right_logical3A_234 : i32 to vector<16xi32>
        %shift_right_logical3A_236 = arith.shrui %get3A_233, %shift_right_logical3A_235 : vector<16xi32>
        %convert_element_type3A_237 = arith.sitofp %shift_right_logical3A_236 : vector<16xi32> to vector<16xf32>
        %mul3A_238 = vector.broadcast %while3A_4 : f32 to vector<16xf32>
        %mul3A_239 = arith.mulf %convert_element_type3A_237, %mul3A_238 : vector<16xf32>
        %convert_element_type3A_240 = arith.fptosi %mul3A_239 : vector<16xf32> to vector<16xi32>
        %sub3A = vector.broadcast %mul3A_27 : i32 to vector<16xi32>
        %sub3A_241 = arith.subi %convert_element_type3A_240, %sub3A : vector<16xi32>
        %bitcast3A = vector.bitcast %sub3A_241 : vector<16xi32> to vector<16xi32>
        %lt3A = arith.constant 73728 : i32
        %lt3A_242 = vector.broadcast %lt3A : i32 to vector<16xi32>
        %lt3A_243 = arith.cmpi ult, %bitcast3A, %lt3A_242 : vector<16xi32>
        %get3A_244 = arith.constant 0 : i32
        %get3A_245 = arith.index_cast %get3A_244 : i32 to index
        %get3A_246 = arith.index_cast %add3A_230 : i32 to index
        %get3A_247 = tpu.vector_load %arg6[%get3A_245, %get3A_246] {strides = array<i32>} : memref<2x12288xf32, #tpu.memory_space<vmem>>, vector<16xf32>,
        tpu.vector_store_idx %arg7[%sub3A_241], %get3A_247 masked %lt3A_243 {add = true} : memref<73728xf32, #tpu.memory_space<vmem>>[vector<16xi32>], vector<16xf32>, vector<16xi1>
        %add3A_248 = arith.constant 16 : i32
        %add3A_249 = arith.addi %mul3A_228, %add3A_248 : i32
        %get3A_250 = arith.constant 0 : i32
        %get3A_251 = arith.index_cast %get3A_250 : i32 to index
        %get3A_252 = arith.index_cast %add3A_249 : i32 to index
        %get3A_253 = tpu.vector_load %arg5[%get3A_251, %get3A_252] {strides = array<i32>} : memref<2x12288xi32, #tpu.memory_space<vmem>>, vector<16xi32>,
        %shift_right_logical3A_254 = arith.constant 5 : i32
        %shift_right_logical3A_255 = vector.broadcast %shift_right_logical3A_254 : i32 to vector<16xi32>
        %shift_right_logical3A_256 = arith.shrui %get3A_253, %shift_right_logical3A_255 : vector<16xi32>
        %convert_element_type3A_257 = arith.sitofp %shift_right_logical3A_256 : vector<16xi32> to vector<16xf32>
        %mul3A_258 = vector.broadcast %while3A_4 : f32 to vector<16xf32>
        %mul3A_259 = arith.mulf %convert_element_type3A_257, %mul3A_258 : vector<16xf32>
        %convert_element_type3A_260 = arith.fptosi %mul3A_259 : vector<16xf32> to vector<16xi32>
        %sub3A_261 = vector.broadcast %mul3A_27 : i32 to vector<16xi32>
        %sub3A_262 = arith.subi %convert_element_type3A_260, %sub3A_261 : vector<16xi32>
        %bitcast3A_263 = vector.bitcast %sub3A_262 : vector<16xi32> to vector<16xi32>
        %lt3A_264 = arith.constant 73728 : i32
        %lt3A_265 = vector.broadcast %lt3A_264 : i32 to vector<16xi32>
        %lt3A_266 = arith.cmpi ult, %bitcast3A_263, %lt3A_265 : vector<16xi32>
        %get3A_267 = arith.constant 0 : i32
        %get3A_268 = arith.index_cast %get3A_267 : i32 to index
        %get3A_269 = arith.index_cast %add3A_249 : i32 to index
        %get3A_270 = tpu.vector_load %arg6[%get3A_268, %get3A_269] {strides = array<i32>} : memref<2x12288xf32, #tpu.memory_space<vmem>>, vector<16xf32>,
        tpu.vector_store_idx %arg7[%sub3A_262], %get3A_270 masked %lt3A_266 {add = true} : memref<73728xf32, #tpu.memory_space<vmem>>[vector<16xi32>], vector<16xf32>, vector<16xi1>
        %add3A_271 = arith.constant 32 : i32
        %add3A_272 = arith.addi %mul3A_228, %add3A_271 : i32
        %get3A_273 = arith.constant 0 : i32
        %get3A_274 = arith.index_cast %get3A_273 : i32 to index
        %get3A_275 = arith.index_cast %add3A_272 : i32 to index
        %get3A_276 = tpu.vector_load %arg5[%get3A_274, %get3A_275] {strides = array<i32>} : memref<2x12288xi32, #tpu.memory_space<vmem>>, vector<16xi32>,
        %shift_right_logical3A_277 = arith.constant 5 : i32
        %shift_right_logical3A_278 = vector.broadcast %shift_right_logical3A_277 : i32 to vector<16xi32>
        %shift_right_logical3A_279 = arith.shrui %get3A_276, %shift_right_logical3A_278 : vector<16xi32>
        %convert_element_type3A_280 = arith.sitofp %shift_right_logical3A_279 : vector<16xi32> to vector<16xf32>
        %mul3A_281 = vector.broadcast %while3A_4 : f32 to vector<16xf32>
        %mul3A_282 = arith.mulf %convert_element_type3A_280, %mul3A_281 : vector<16xf32>
        %convert_element_type3A_283 = arith.fptosi %mul3A_282 : vector<16xf32> to vector<16xi32>
        %sub3A_284 = vector.broadcast %mul3A_27 : i32 to vector<16xi32>
        %sub3A_285 = arith.subi %convert_element_type3A_283, %sub3A_284 : vector<16xi32>
        %bitcast3A_286 = vector.bitcast %sub3A_285 : vector<16xi32> to vector<16xi32>
        %lt3A_287 = arith.constant 73728 : i32
        %lt3A_288 = vector.broadcast %lt3A_287 : i32 to vector<16xi32>
        %lt3A_289 = arith.cmpi ult, %bitcast3A_286, %lt3A_288 : vector<16xi32>
        %get3A_290 = arith.constant 0 : i32
        %get3A_291 = arith.index_cast %get3A_290 : i32 to index
        %get3A_292 = arith.index_cast %add3A_272 : i32 to index
        %get3A_293 = tpu.vector_load %arg6[%get3A_291, %get3A_292] {strides = array<i32>} : memref<2x12288xf32, #tpu.memory_space<vmem>>, vector<16xf32>,
        tpu.vector_store_idx %arg7[%sub3A_285], %get3A_293 masked %lt3A_289 {add = true} : memref<73728xf32, #tpu.memory_space<vmem>>[vector<16xi32>], vector<16xf32>, vector<16xi1>
        %add3A_294 = arith.constant 48 : i32
        %add3A_295 = arith.addi %mul3A_228, %add3A_294 : i32
        %get3A_296 = arith.constant 0 : i32
        %get3A_297 = arith.index_cast %get3A_296 : i32 to index
        %get3A_298 = arith.index_cast %add3A_295 : i32 to index
        %get3A_299 = tpu.vector_load %arg5[%get3A_297, %get3A_298] {strides = array<i32>} : memref<2x12288xi32, #tpu.memory_space<vmem>>, vector<16xi32>,
        %shift_right_logical3A_300 = arith.constant 5 : i32
        %shift_right_logical3A_301 = vector.broadcast %shift_right_logical3A_300 : i32 to vector<16xi32>
        %shift_right_logical3A_302 = arith.shrui %get3A_299, %shift_right_logical3A_301 : vector<16xi32>
        %convert_element_type3A_303 = arith.sitofp %shift_right_logical3A_302 : vector<16xi32> to vector<16xf32>
        %mul3A_304 = vector.broadcast %while3A_4 : f32 to vector<16xf32>
        %mul3A_305 = arith.mulf %convert_element_type3A_303, %mul3A_304 : vector<16xf32>
        %convert_element_type3A_306 = arith.fptosi %mul3A_305 : vector<16xf32> to vector<16xi32>
        %sub3A_307 = vector.broadcast %mul3A_27 : i32 to vector<16xi32>
        %sub3A_308 = arith.subi %convert_element_type3A_306, %sub3A_307 : vector<16xi32>
        %bitcast3A_309 = vector.bitcast %sub3A_308 : vector<16xi32> to vector<16xi32>
        %lt3A_310 = arith.constant 73728 : i32
        %lt3A_311 = vector.broadcast %lt3A_310 : i32 to vector<16xi32>
        %lt3A_312 = arith.cmpi ult, %bitcast3A_309, %lt3A_311 : vector<16xi32>
        %get3A_313 = arith.constant 0 : i32
        %get3A_314 = arith.index_cast %get3A_313 : i32 to index
        %get3A_315 = arith.index_cast %add3A_295 : i32 to index
        %get3A_316 = tpu.vector_load %arg6[%get3A_314, %get3A_315] {strides = array<i32>} : memref<2x12288xf32, #tpu.memory_space<vmem>>, vector<16xf32>,
        tpu.vector_store_idx %arg7[%sub3A_308], %get3A_316 masked %lt3A_312 {add = true} : memref<73728xf32, #tpu.memory_space<vmem>>[vector<16xi32>], vector<16xf32>, vector<16xi1>
        %add3A_317 = arith.constant 64 : i32
        %add3A_318 = arith.addi %mul3A_228, %add3A_317 : i32
        %get3A_319 = arith.constant 0 : i32
        %get3A_320 = arith.index_cast %get3A_319 : i32 to index
        %get3A_321 = arith.index_cast %add3A_318 : i32 to index
        %get3A_322 = tpu.vector_load %arg5[%get3A_320, %get3A_321] {strides = array<i32>} : memref<2x12288xi32, #tpu.memory_space<vmem>>, vector<16xi32>,
        %shift_right_logical3A_323 = arith.constant 5 : i32
        %shift_right_logical3A_324 = vector.broadcast %shift_right_logical3A_323 : i32 to vector<16xi32>
        %shift_right_logical3A_325 = arith.shrui %get3A_322, %shift_right_logical3A_324 : vector<16xi32>
        %convert_element_type3A_326 = arith.sitofp %shift_right_logical3A_325 : vector<16xi32> to vector<16xf32>
        %mul3A_327 = vector.broadcast %while3A_4 : f32 to vector<16xf32>
        %mul3A_328 = arith.mulf %convert_element_type3A_326, %mul3A_327 : vector<16xf32>
        %convert_element_type3A_329 = arith.fptosi %mul3A_328 : vector<16xf32> to vector<16xi32>
        %sub3A_330 = vector.broadcast %mul3A_27 : i32 to vector<16xi32>
        %sub3A_331 = arith.subi %convert_element_type3A_329, %sub3A_330 : vector<16xi32>
        %bitcast3A_332 = vector.bitcast %sub3A_331 : vector<16xi32> to vector<16xi32>
        %lt3A_333 = arith.constant 73728 : i32
        %lt3A_334 = vector.broadcast %lt3A_333 : i32 to vector<16xi32>
        %lt3A_335 = arith.cmpi ult, %bitcast3A_332, %lt3A_334 : vector<16xi32>
        %get3A_336 = arith.constant 0 : i32
        %get3A_337 = arith.index_cast %get3A_336 : i32 to index
        %get3A_338 = arith.index_cast %add3A_318 : i32 to index
        %get3A_339 = tpu.vector_load %arg6[%get3A_337, %get3A_338] {strides = array<i32>} : memref<2x12288xf32, #tpu.memory_space<vmem>>, vector<16xf32>,
        tpu.vector_store_idx %arg7[%sub3A_331], %get3A_339 masked %lt3A_335 {add = true} : memref<73728xf32, #tpu.memory_space<vmem>>[vector<16xi32>], vector<16xf32>, vector<16xi1>
        %add3A_340 = arith.constant 80 : i32
        %add3A_341 = arith.addi %mul3A_228, %add3A_340 : i32
        %get3A_342 = arith.constant 0 : i32
        %get3A_343 = arith.index_cast %get3A_342 : i32 to index
        %get3A_344 = arith.index_cast %add3A_341 : i32 to index
        %get3A_345 = tpu.vector_load %arg5[%get3A_343, %get3A_344] {strides = array<i32>} : memref<2x12288xi32, #tpu.memory_space<vmem>>, vector<16xi32>,
        %shift_right_logical3A_346 = arith.constant 5 : i32
        %shift_right_logical3A_347 = vector.broadcast %shift_right_logical3A_346 : i32 to vector<16xi32>
        %shift_right_logical3A_348 = arith.shrui %get3A_345, %shift_right_logical3A_347 : vector<16xi32>
        %convert_element_type3A_349 = arith.sitofp %shift_right_logical3A_348 : vector<16xi32> to vector<16xf32>
        %mul3A_350 = vector.broadcast %while3A_4 : f32 to vector<16xf32>
        %mul3A_351 = arith.mulf %convert_element_type3A_349, %mul3A_350 : vector<16xf32>
        %convert_element_type3A_352 = arith.fptosi %mul3A_351 : vector<16xf32> to vector<16xi32>
        %sub3A_353 = vector.broadcast %mul3A_27 : i32 to vector<16xi32>
        %sub3A_354 = arith.subi %convert_element_type3A_352, %sub3A_353 : vector<16xi32>
        %bitcast3A_355 = vector.bitcast %sub3A_354 : vector<16xi32> to vector<16xi32>
        %lt3A_356 = arith.constant 73728 : i32
        %lt3A_357 = vector.broadcast %lt3A_356 : i32 to vector<16xi32>
        %lt3A_358 = arith.cmpi ult, %bitcast3A_355, %lt3A_357 : vector<16xi32>
        %get3A_359 = arith.constant 0 : i32
        %get3A_360 = arith.index_cast %get3A_359 : i32 to index
        %get3A_361 = arith.index_cast %add3A_341 : i32 to index
        %get3A_362 = tpu.vector_load %arg6[%get3A_360, %get3A_361] {strides = array<i32>} : memref<2x12288xf32, #tpu.memory_space<vmem>>, vector<16xf32>,
        tpu.vector_store_idx %arg7[%sub3A_354], %get3A_362 masked %lt3A_358 {add = true} : memref<73728xf32, #tpu.memory_space<vmem>>[vector<16xi32>], vector<16xf32>, vector<16xi1>
        %add3A_363 = arith.constant 96 : i32
        %add3A_364 = arith.addi %mul3A_228, %add3A_363 : i32
        %get3A_365 = arith.constant 0 : i32
        %get3A_366 = arith.index_cast %get3A_365 : i32 to index
        %get3A_367 = arith.index_cast %add3A_364 : i32 to index
        %get3A_368 = tpu.vector_load %arg5[%get3A_366, %get3A_367] {strides = array<i32>} : memref<2x12288xi32, #tpu.memory_space<vmem>>, vector<16xi32>,
        %shift_right_logical3A_369 = arith.constant 5 : i32
        %shift_right_logical3A_370 = vector.broadcast %shift_right_logical3A_369 : i32 to vector<16xi32>
        %shift_right_logical3A_371 = arith.shrui %get3A_368, %shift_right_logical3A_370 : vector<16xi32>
        %convert_element_type3A_372 = arith.sitofp %shift_right_logical3A_371 : vector<16xi32> to vector<16xf32>
        %mul3A_373 = vector.broadcast %while3A_4 : f32 to vector<16xf32>
        %mul3A_374 = arith.mulf %convert_element_type3A_372, %mul3A_373 : vector<16xf32>
        %convert_element_type3A_375 = arith.fptosi %mul3A_374 : vector<16xf32> to vector<16xi32>
        %sub3A_376 = vector.broadcast %mul3A_27 : i32 to vector<16xi32>
        %sub3A_377 = arith.subi %convert_element_type3A_375, %sub3A_376 : vector<16xi32>
        %bitcast3A_378 = vector.bitcast %sub3A_377 : vector<16xi32> to vector<16xi32>
        %lt3A_379 = arith.constant 73728 : i32
        %lt3A_380 = vector.broadcast %lt3A_379 : i32 to vector<16xi32>
        %lt3A_381 = arith.cmpi ult, %bitcast3A_378, %lt3A_380 : vector<16xi32>
        %get3A_382 = arith.constant 0 : i32
        %get3A_383 = arith.index_cast %get3A_382 : i32 to index
        %get3A_384 = arith.index_cast %add3A_364 : i32 to index
        %get3A_385 = tpu.vector_load %arg6[%get3A_383, %get3A_384] {strides = array<i32>} : memref<2x12288xf32, #tpu.memory_space<vmem>>, vector<16xf32>,
        tpu.vector_store_idx %arg7[%sub3A_377], %get3A_385 masked %lt3A_381 {add = true} : memref<73728xf32, #tpu.memory_space<vmem>>[vector<16xi32>], vector<16xf32>, vector<16xi1>
        %add3A_386 = arith.constant 112 : i32
        %add3A_387 = arith.addi %mul3A_228, %add3A_386 : i32
        %get3A_388 = arith.constant 0 : i32
        %get3A_389 = arith.index_cast %get3A_388 : i32 to index
        %get3A_390 = arith.index_cast %add3A_387 : i32 to index
        %get3A_391 = tpu.vector_load %arg5[%get3A_389, %get3A_390] {strides = array<i32>} : memref<2x12288xi32, #tpu.memory_space<vmem>>, vector<16xi32>,
        %shift_right_logical3A_392 = arith.constant 5 : i32
        %shift_right_logical3A_393 = vector.broadcast %shift_right_logical3A_392 : i32 to vector<16xi32>
        %shift_right_logical3A_394 = arith.shrui %get3A_391, %shift_right_logical3A_393 : vector<16xi32>
        %convert_element_type3A_395 = arith.sitofp %shift_right_logical3A_394 : vector<16xi32> to vector<16xf32>
        %mul3A_396 = vector.broadcast %while3A_4 : f32 to vector<16xf32>
        %mul3A_397 = arith.mulf %convert_element_type3A_395, %mul3A_396 : vector<16xf32>
        %convert_element_type3A_398 = arith.fptosi %mul3A_397 : vector<16xf32> to vector<16xi32>
        %sub3A_399 = vector.broadcast %mul3A_27 : i32 to vector<16xi32>
        %sub3A_400 = arith.subi %convert_element_type3A_398, %sub3A_399 : vector<16xi32>
        %bitcast3A_401 = vector.bitcast %sub3A_400 : vector<16xi32> to vector<16xi32>
        %lt3A_402 = arith.constant 73728 : i32
        %lt3A_403 = vector.broadcast %lt3A_402 : i32 to vector<16xi32>
        %lt3A_404 = arith.cmpi ult, %bitcast3A_401, %lt3A_403 : vector<16xi32>
        %get3A_405 = arith.constant 0 : i32
        %get3A_406 = arith.index_cast %get3A_405 : i32 to index
        %get3A_407 = arith.index_cast %add3A_387 : i32 to index
        %get3A_408 = tpu.vector_load %arg6[%get3A_406, %get3A_407] {strides = array<i32>} : memref<2x12288xf32, #tpu.memory_space<vmem>>, vector<16xf32>,
        tpu.vector_store_idx %arg7[%sub3A_400], %get3A_408 masked %lt3A_404 {add = true} : memref<73728xf32, #tpu.memory_space<vmem>>[vector<16xi32>], vector<16xf32>, vector<16xi1>
      }
      %mul3A_125 = arith.constant 2 : i32
      %mul3A_126 = arith.constant 12288 : i32
      %mul3A_127 = arith.muli %mul3A_125, %mul3A_126 : i32
      %dma_start3A_128 = arith.constant 0 : i32
      %dma_start3A_129 = arith.constant 0 : i32
      %dma_start3A_130 = tpu.memref_slice %arg5[%dma_start3A_128, %dma_start3A_129] : memref<2x12288xi32, #tpu.memory_space<vmem>> -> memref<1x12288xi32, #tpu.memory_space<vmem>>
      %dma_start3A_131 = tpu.memref_squeeze %dma_start3A_130 : memref<1x12288xi32, #tpu.memory_space<vmem>> -> memref<12288xi32, #tpu.memory_space<vmem>>
      %dma_start3A_132 = tpu.memref_slice %arg3[%add3A_24, %mul3A_127] : memref<384x36864xi32, #tpu.memory_space<hbm>> -> memref<1x12288xi32, #tpu.memory_space<hbm>>
      %dma_start3A_133 = tpu.memref_squeeze %dma_start3A_132 : memref<1x12288xi32, #tpu.memory_space<hbm>> -> memref<12288xi32, #tpu.memory_space<hbm>>
      %dma_start3A_134 = arith.constant 0 : i32
      %dma_start3A_135 = tpu.memref_slice %arg5[%dma_start3A_128, %dma_start3A_134] : memref<2x12288xi32, #tpu.memory_space<vmem>> -> memref<1x12288xi32, #tpu.memory_space<vmem>>
      %dma_start3A_136 = tpu.memref_squeeze %dma_start3A_135 : memref<1x12288xi32, #tpu.memory_space<vmem>> -> memref<12288xi32, #tpu.memory_space<vmem>>
      %dma_start3A_137 = tpu.memref_slice %arg3[%add3A_24, %mul3A_127] : memref<384x36864xi32, #tpu.memory_space<hbm>> -> memref<1x12288xi32, #tpu.memory_space<hbm>>
      %dma_start3A_138 = tpu.memref_squeeze %dma_start3A_137 : memref<1x12288xi32, #tpu.memory_space<hbm>> -> memref<12288xi32, #tpu.memory_space<hbm>>
      tpu.enqueue_dma source(%dma_start3A_138 : memref<12288xi32, #tpu.memory_space<hbm>>) target(%dma_start3A_136 : memref<12288xi32, #tpu.memory_space<vmem>>) target_semaphore(%arg8 : memref<!tpu.dma_semaphore, #tpu.memory_space<semaphore_mem>>)
      %dma_start3A_139 = arith.constant 0 : i32
      %dma_start3A_140 = arith.constant 0 : i32
      %dma_start3A_141 = tpu.memref_slice %arg6[%dma_start3A_139, %dma_start3A_140] : memref<2x12288xf32, #tpu.memory_space<vmem>> -> memref<1x12288xf32, #tpu.memory_space<vmem>>
      %dma_start3A_142 = tpu.memref_squeeze %dma_start3A_141 : memref<1x12288xf32, #tpu.memory_space<vmem>> -> memref<12288xf32, #tpu.memory_space<vmem>>
      %dma_start3A_143 = tpu.memref_slice %arg2[%add3A_24, %mul3A_127] : memref<384x36864xf32, #tpu.memory_space<hbm>> -> memref<1x12288xf32, #tpu.memory_space<hbm>>
      %dma_start3A_144 = tpu.memref_squeeze %dma_start3A_143 : memref<1x12288xf32, #tpu.memory_space<hbm>> -> memref<12288xf32, #tpu.memory_space<hbm>>
      %dma_start3A_145 = arith.constant 0 : i32
      %dma_start3A_146 = tpu.memref_slice %arg6[%dma_start3A_139, %dma_start3A_145] : memref<2x12288xf32, #tpu.memory_space<vmem>> -> memref<1x12288xf32, #tpu.memory_space<vmem>>
      %dma_start3A_147 = tpu.memref_squeeze %dma_start3A_146 : memref<1x12288xf32, #tpu.memory_space<vmem>> -> memref<12288xf32, #tpu.memory_space<vmem>>
      %dma_start3A_148 = tpu.memref_slice %arg2[%add3A_24, %mul3A_127] : memref<384x36864xf32, #tpu.memory_space<hbm>> -> memref<1x12288xf32, #tpu.memory_space<hbm>>
      %dma_start3A_149 = tpu.memref_squeeze %dma_start3A_148 : memref<1x12288xf32, #tpu.memory_space<hbm>> -> memref<12288xf32, #tpu.memory_space<hbm>>
      tpu.enqueue_dma source(%dma_start3A_149 : memref<12288xf32, #tpu.memory_space<hbm>>) target(%dma_start3A_147 : memref<12288xf32, #tpu.memory_space<vmem>>) target_semaphore(%arg10 : memref<!tpu.dma_semaphore, #tpu.memory_space<semaphore_mem>>)
      %dma_wait3A_150 = arith.constant 0 : i32
      %dma_wait3A_151 = arith.constant 1 : i32
      %dma_wait3A_152 = arith.constant 0 : i32
      %dma_wait3A_153 = tpu.memref_slice %arg5[%dma_wait3A_151, %dma_wait3A_152] : memref<2x12288xi32, #tpu.memory_space<vmem>> -> memref<1x12288xi32, #tpu.memory_space<vmem>>
      %dma_wait3A_154 = tpu.memref_squeeze %dma_wait3A_153 : memref<1x12288xi32, #tpu.memory_space<vmem>> -> memref<12288xi32, #tpu.memory_space<vmem>>
      %dma_wait3A_155 = tpu.memref_slice %arg3[%add3A_24, %dma_wait3A_150] : memref<384x36864xi32, #tpu.memory_space<hbm>> -> memref<1x12288xi32, #tpu.memory_space<hbm>>
      %dma_wait3A_156 = tpu.memref_squeeze %dma_wait3A_155 : memref<1x12288xi32, #tpu.memory_space<hbm>> -> memref<12288xi32, #tpu.memory_space<hbm>>
      %dma_wait3A_157 = arith.constant 0 : i32
      %dma_wait3A_158 = tpu.memref_slice %arg5[%dma_wait3A_151, %dma_wait3A_157] : memref<2x12288xi32, #tpu.memory_space<vmem>> -> memref<1x12288xi32, #tpu.memory_space<vmem>>
      %dma_wait3A_159 = tpu.memref_squeeze %dma_wait3A_158 : memref<1x12288xi32, #tpu.memory_space<vmem>> -> memref<12288xi32, #tpu.memory_space<vmem>>
      %dma_wait3A_160 = tpu.memref_slice %arg3[%add3A_24, %dma_wait3A_150] : memref<384x36864xi32, #tpu.memory_space<hbm>> -> memref<1x12288xi32, #tpu.memory_space<hbm>>
      %dma_wait3A_161 = tpu.memref_squeeze %dma_wait3A_160 : memref<1x12288xi32, #tpu.memory_space<hbm>> -> memref<12288xi32, #tpu.memory_space<hbm>>
      tpu.wait_dma2 semaphore(%arg9 : memref<!tpu.dma_semaphore, #tpu.memory_space<semaphore_mem>>) src(%dma_wait3A_161 : memref<12288xi32, #tpu.memory_space<hbm>>) dst(%dma_wait3A_159 : memref<12288xi32, #tpu.memory_space<vmem>>)
      %dma_wait3A_162 = arith.constant 0 : i32
      %dma_wait3A_163 = arith.constant 1 : i32
      %dma_wait3A_164 = arith.constant 0 : i32
      %dma_wait3A_165 = tpu.memref_slice %arg6[%dma_wait3A_163, %dma_wait3A_164] : memref<2x12288xf32, #tpu.memory_space<vmem>> -> memref<1x12288xf32, #tpu.memory_space<vmem>>
      %dma_wait3A_166 = tpu.memref_squeeze %dma_wait3A_165 : memref<1x12288xf32, #tpu.memory_space<vmem>> -> memref<12288xf32, #tpu.memory_space<vmem>>
      %dma_wait3A_167 = tpu.memref_slice %arg2[%add3A_24, %dma_wait3A_162] : memref<384x36864xf32, #tpu.memory_space<hbm>> -> memref<1x12288xf32, #tpu.memory_space<hbm>>
      %dma_wait3A_168 = tpu.memref_squeeze %dma_wait3A_167 : memref<1x12288xf32, #tpu.memory_space<hbm>> -> memref<12288xf32, #tpu.memory_space<hbm>>
      %dma_wait3A_169 = arith.constant 0 : i32
      %dma_wait3A_170 = tpu.memref_slice %arg6[%dma_wait3A_163, %dma_wait3A_169] : memref<2x12288xf32, #tpu.memory_space<vmem>> -> memref<1x12288xf32, #tpu.memory_space<vmem>>
      %dma_wait3A_171 = tpu.memref_squeeze %dma_wait3A_170 : memref<1x12288xf32, #tpu.memory_space<vmem>> -> memref<12288xf32, #tpu.memory_space<vmem>>
      %dma_wait3A_172 = tpu.memref_slice %arg2[%add3A_24, %dma_wait3A_162] : memref<384x36864xf32, #tpu.memory_space<hbm>> -> memref<1x12288xf32, #tpu.memory_space<hbm>>
      %dma_wait3A_173 = tpu.memref_squeeze %dma_wait3A_172 : memref<1x12288xf32, #tpu.memory_space<hbm>> -> memref<12288xf32, #tpu.memory_space<hbm>>
      tpu.wait_dma2 semaphore(%arg11 : memref<!tpu.dma_semaphore, #tpu.memory_space<semaphore_mem>>) src(%dma_wait3A_173 : memref<12288xf32, #tpu.memory_space<hbm>>) dst(%dma_wait3A_171 : memref<12288xf32, #tpu.memory_space<vmem>>)
      %while3A_174 = arith.constant 0 : i32
      %while3A_175 = arith.constant 0 : i32
      %while3A_176 = arith.constant 96 : i32
      %while3A_177 = arith.subi %while3A_176, %while3A_175 : i32
      %while3A_178 = arith.addi %while3A_175, %while3A_177 : i32
      %while3A_179 = arith.constant 1 : i32
      %while3A_180 = arith.divsi %while3A_177, %while3A_179 : i32
      %while3A_181 = arith.muli %while3A_180, %while3A_179 : i32
      %while3A_182 = arith.addi %while3A_175, %while3A_181 : i32
      %while3A_183 = arith.constant 1 : i32
      scf.for %while3A_226 = %while3A_175 to %while3A_182 step %while3A_183  : i32 {
        %mul3A_227 = arith.constant 128 : i32
        %mul3A_228 = arith.muli %while3A_226, %mul3A_227 : i32
        %add3A_229 = arith.constant 0 : i32
        %add3A_230 = arith.addi %mul3A_228, %add3A_229 : i32
        %get3A = arith.constant 1 : i32
        %get3A_231 = arith.index_cast %get3A : i32 to index
        %get3A_232 = arith.index_cast %add3A_230 : i32 to index
        %get3A_233 = tpu.vector_load %arg5[%get3A_231, %get3A_232] {strides = array<i32>} : memref<2x12288xi32, #tpu.memory_space<vmem>>, vector<16xi32>,
        %shift_right_logical3A_234 = arith.constant 5 : i32
        %shift_right_logical3A_235 = vector.broadcast %shift_right_logical3A_234 : i32 to vector<16xi32>
        %shift_right_logical3A_236 = arith.shrui %get3A_233, %shift_right_logical3A_235 : vector<16xi32>
        %convert_element_type3A_237 = arith.sitofp %shift_right_logical3A_236 : vector<16xi32> to vector<16xf32>
        %mul3A_238 = vector.broadcast %while3A_4 : f32 to vector<16xf32>
        %mul3A_239 = arith.mulf %convert_element_type3A_237, %mul3A_238 : vector<16xf32>
        %convert_element_type3A_240 = arith.fptosi %mul3A_239 : vector<16xf32> to vector<16xi32>
        %sub3A = vector.broadcast %mul3A_27 : i32 to vector<16xi32>
        %sub3A_241 = arith.subi %convert_element_type3A_240, %sub3A : vector<16xi32>
        %bitcast3A = vector.bitcast %sub3A_241 : vector<16xi32> to vector<16xi32>
        %lt3A = arith.constant 73728 : i32
        %lt3A_242 = vector.broadcast %lt3A : i32 to vector<16xi32>
        %lt3A_243 = arith.cmpi ult, %bitcast3A, %lt3A_242 : vector<16xi32>
        %get3A_244 = arith.constant 1 : i32
        %get3A_245 = arith.index_cast %get3A_244 : i32 to index
        %get3A_246 = arith.index_cast %add3A_230 : i32 to index
        %get3A_247 = tpu.vector_load %arg6[%get3A_245, %get3A_246] {strides = array<i32>} : memref<2x12288xf32, #tpu.memory_space<vmem>>, vector<16xf32>,
        tpu.vector_store_idx %arg7[%sub3A_241], %get3A_247 masked %lt3A_243 {add = true} : memref<73728xf32, #tpu.memory_space<vmem>>[vector<16xi32>], vector<16xf32>, vector<16xi1>
        %add3A_248 = arith.constant 16 : i32
        %add3A_249 = arith.addi %mul3A_228, %add3A_248 : i32
        %get3A_250 = arith.constant 1 : i32
        %get3A_251 = arith.index_cast %get3A_250 : i32 to index
        %get3A_252 = arith.index_cast %add3A_249 : i32 to index
        %get3A_253 = tpu.vector_load %arg5[%get3A_251, %get3A_252] {strides = array<i32>} : memref<2x12288xi32, #tpu.memory_space<vmem>>, vector<16xi32>,
        %shift_right_logical3A_254 = arith.constant 5 : i32
        %shift_right_logical3A_255 = vector.broadcast %shift_right_logical3A_254 : i32 to vector<16xi32>
        %shift_right_logical3A_256 = arith.shrui %get3A_253, %shift_right_logical3A_255 : vector<16xi32>
        %convert_element_type3A_257 = arith.sitofp %shift_right_logical3A_256 : vector<16xi32> to vector<16xf32>
        %mul3A_258 = vector.broadcast %while3A_4 : f32 to vector<16xf32>
        %mul3A_259 = arith.mulf %convert_element_type3A_257, %mul3A_258 : vector<16xf32>
        %convert_element_type3A_260 = arith.fptosi %mul3A_259 : vector<16xf32> to vector<16xi32>
        %sub3A_261 = vector.broadcast %mul3A_27 : i32 to vector<16xi32>
        %sub3A_262 = arith.subi %convert_element_type3A_260, %sub3A_261 : vector<16xi32>
        %bitcast3A_263 = vector.bitcast %sub3A_262 : vector<16xi32> to vector<16xi32>
        %lt3A_264 = arith.constant 73728 : i32
        %lt3A_265 = vector.broadcast %lt3A_264 : i32 to vector<16xi32>
        %lt3A_266 = arith.cmpi ult, %bitcast3A_263, %lt3A_265 : vector<16xi32>
        %get3A_267 = arith.constant 1 : i32
        %get3A_268 = arith.index_cast %get3A_267 : i32 to index
        %get3A_269 = arith.index_cast %add3A_249 : i32 to index
        %get3A_270 = tpu.vector_load %arg6[%get3A_268, %get3A_269] {strides = array<i32>} : memref<2x12288xf32, #tpu.memory_space<vmem>>, vector<16xf32>,
        tpu.vector_store_idx %arg7[%sub3A_262], %get3A_270 masked %lt3A_266 {add = true} : memref<73728xf32, #tpu.memory_space<vmem>>[vector<16xi32>], vector<16xf32>, vector<16xi1>
        %add3A_271 = arith.constant 32 : i32
        %add3A_272 = arith.addi %mul3A_228, %add3A_271 : i32
        %get3A_273 = arith.constant 1 : i32
        %get3A_274 = arith.index_cast %get3A_273 : i32 to index
        %get3A_275 = arith.index_cast %add3A_272 : i32 to index
        %get3A_276 = tpu.vector_load %arg5[%get3A_274, %get3A_275] {strides = array<i32>} : memref<2x12288xi32, #tpu.memory_space<vmem>>, vector<16xi32>,
        %shift_right_logical3A_277 = arith.constant 5 : i32
        %shift_right_logical3A_278 = vector.broadcast %shift_right_logical3A_277 : i32 to vector<16xi32>
        %shift_right_logical3A_279 = arith.shrui %get3A_276, %shift_right_logical3A_278 : vector<16xi32>
        %convert_element_type3A_280 = arith.sitofp %shift_right_logical3A_279 : vector<16xi32> to vector<16xf32>
        %mul3A_281 = vector.broadcast %while3A_4 : f32 to vector<16xf32>
        %mul3A_282 = arith.mulf %convert_element_type3A_280, %mul3A_281 : vector<16xf32>
        %convert_element_type3A_283 = arith.fptosi %mul3A_282 : vector<16xf32> to vector<16xi32>
        %sub3A_284 = vector.broadcast %mul3A_27 : i32 to vector<16xi32>
        %sub3A_285 = arith.subi %convert_element_type3A_283, %sub3A_284 : vector<16xi32>
        %bitcast3A_286 = vector.bitcast %sub3A_285 : vector<16xi32> to vector<16xi32>
        %lt3A_287 = arith.constant 73728 : i32
        %lt3A_288 = vector.broadcast %lt3A_287 : i32 to vector<16xi32>
        %lt3A_289 = arith.cmpi ult, %bitcast3A_286, %lt3A_288 : vector<16xi32>
        %get3A_290 = arith.constant 1 : i32
        %get3A_291 = arith.index_cast %get3A_290 : i32 to index
        %get3A_292 = arith.index_cast %add3A_272 : i32 to index
        %get3A_293 = tpu.vector_load %arg6[%get3A_291, %get3A_292] {strides = array<i32>} : memref<2x12288xf32, #tpu.memory_space<vmem>>, vector<16xf32>,
        tpu.vector_store_idx %arg7[%sub3A_285], %get3A_293 masked %lt3A_289 {add = true} : memref<73728xf32, #tpu.memory_space<vmem>>[vector<16xi32>], vector<16xf32>, vector<16xi1>
        %add3A_294 = arith.constant 48 : i32
        %add3A_295 = arith.addi %mul3A_228, %add3A_294 : i32
        %get3A_296 = arith.constant 1 : i32
        %get3A_297 = arith.index_cast %get3A_296 : i32 to index
        %get3A_298 = arith.index_cast %add3A_295 : i32 to index
        %get3A_299 = tpu.vector_load %arg5[%get3A_297, %get3A_298] {strides = array<i32>} : memref<2x12288xi32, #tpu.memory_space<vmem>>, vector<16xi32>,
        %shift_right_logical3A_300 = arith.constant 5 : i32
        %shift_right_logical3A_301 = vector.broadcast %shift_right_logical3A_300 : i32 to vector<16xi32>
        %shift_right_logical3A_302 = arith.shrui %get3A_299, %shift_right_logical3A_301 : vector<16xi32>
        %convert_element_type3A_303 = arith.sitofp %shift_right_logical3A_302 : vector<16xi32> to vector<16xf32>
        %mul3A_304 = vector.broadcast %while3A_4 : f32 to vector<16xf32>
        %mul3A_305 = arith.mulf %convert_element_type3A_303, %mul3A_304 : vector<16xf32>
        %convert_element_type3A_306 = arith.fptosi %mul3A_305 : vector<16xf32> to vector<16xi32>
        %sub3A_307 = vector.broadcast %mul3A_27 : i32 to vector<16xi32>
        %sub3A_308 = arith.subi %convert_element_type3A_306, %sub3A_307 : vector<16xi32>
        %bitcast3A_309 = vector.bitcast %sub3A_308 : vector<16xi32> to vector<16xi32>
        %lt3A_310 = arith.constant 73728 : i32
        %lt3A_311 = vector.broadcast %lt3A_310 : i32 to vector<16xi32>
        %lt3A_312 = arith.cmpi ult, %bitcast3A_309, %lt3A_311 : vector<16xi32>
        %get3A_313 = arith.constant 1 : i32
        %get3A_314 = arith.index_cast %get3A_313 : i32 to index
        %get3A_315 = arith.index_cast %add3A_295 : i32 to index
        %get3A_316 = tpu.vector_load %arg6[%get3A_314, %get3A_315] {strides = array<i32>} : memref<2x12288xf32, #tpu.memory_space<vmem>>, vector<16xf32>,
        tpu.vector_store_idx %arg7[%sub3A_308], %get3A_316 masked %lt3A_312 {add = true} : memref<73728xf32, #tpu.memory_space<vmem>>[vector<16xi32>], vector<16xf32>, vector<16xi1>
        %add3A_317 = arith.constant 64 : i32
        %add3A_318 = arith.addi %mul3A_228, %add3A_317 : i32
        %get3A_319 = arith.constant 1 : i32
        %get3A_320 = arith.index_cast %get3A_319 : i32 to index
        %get3A_321 = arith.index_cast %add3A_318 : i32 to index
        %get3A_322 = tpu.vector_load %arg5[%get3A_320, %get3A_321] {strides = array<i32>} : memref<2x12288xi32, #tpu.memory_space<vmem>>, vector<16xi32>,
        %shift_right_logical3A_323 = arith.constant 5 : i32
        %shift_right_logical3A_324 = vector.broadcast %shift_right_logical3A_323 : i32 to vector<16xi32>
        %shift_right_logical3A_325 = arith.shrui %get3A_322, %shift_right_logical3A_324 : vector<16xi32>
        %convert_element_type3A_326 = arith.sitofp %shift_right_logical3A_325 : vector<16xi32> to vector<16xf32>
        %mul3A_327 = vector.broadcast %while3A_4 : f32 to vector<16xf32>
        %mul3A_328 = arith.mulf %convert_element_type3A_326, %mul3A_327 : vector<16xf32>
        %convert_element_type3A_329 = arith.fptosi %mul3A_328 : vector<16xf32> to vector<16xi32>
        %sub3A_330 = vector.broadcast %mul3A_27 : i32 to vector<16xi32>
        %sub3A_331 = arith.subi %convert_element_type3A_329, %sub3A_330 : vector<16xi32>
        %bitcast3A_332 = vector.bitcast %sub3A_331 : vector<16xi32> to vector<16xi32>
        %lt3A_333 = arith.constant 73728 : i32
        %lt3A_334 = vector.broadcast %lt3A_333 : i32 to vector<16xi32>
        %lt3A_335 = arith.cmpi ult, %bitcast3A_332, %lt3A_334 : vector<16xi32>
        %get3A_336 = arith.constant 1 : i32
        %get3A_337 = arith.index_cast %get3A_336 : i32 to index
        %get3A_338 = arith.index_cast %add3A_318 : i32 to index
        %get3A_339 = tpu.vector_load %arg6[%get3A_337, %get3A_338] {strides = array<i32>} : memref<2x12288xf32, #tpu.memory_space<vmem>>, vector<16xf32>,
        tpu.vector_store_idx %arg7[%sub3A_331], %get3A_339 masked %lt3A_335 {add = true} : memref<73728xf32, #tpu.memory_space<vmem>>[vector<16xi32>], vector<16xf32>, vector<16xi1>
        %add3A_340 = arith.constant 80 : i32
        %add3A_341 = arith.addi %mul3A_228, %add3A_340 : i32
        %get3A_342 = arith.constant 1 : i32
        %get3A_343 = arith.index_cast %get3A_342 : i32 to index
        %get3A_344 = arith.index_cast %add3A_341 : i32 to index
        %get3A_345 = tpu.vector_load %arg5[%get3A_343, %get3A_344] {strides = array<i32>} : memref<2x12288xi32, #tpu.memory_space<vmem>>, vector<16xi32>,
        %shift_right_logical3A_346 = arith.constant 5 : i32
        %shift_right_logical3A_347 = vector.broadcast %shift_right_logical3A_346 : i32 to vector<16xi32>
        %shift_right_logical3A_348 = arith.shrui %get3A_345, %shift_right_logical3A_347 : vector<16xi32>
        %convert_element_type3A_349 = arith.sitofp %shift_right_logical3A_348 : vector<16xi32> to vector<16xf32>
        %mul3A_350 = vector.broadcast %while3A_4 : f32 to vector<16xf32>
        %mul3A_351 = arith.mulf %convert_element_type3A_349, %mul3A_350 : vector<16xf32>
        %convert_element_type3A_352 = arith.fptosi %mul3A_351 : vector<16xf32> to vector<16xi32>
        %sub3A_353 = vector.broadcast %mul3A_27 : i32 to vector<16xi32>
        %sub3A_354 = arith.subi %convert_element_type3A_352, %sub3A_353 : vector<16xi32>
        %bitcast3A_355 = vector.bitcast %sub3A_354 : vector<16xi32> to vector<16xi32>
        %lt3A_356 = arith.constant 73728 : i32
        %lt3A_357 = vector.broadcast %lt3A_356 : i32 to vector<16xi32>
        %lt3A_358 = arith.cmpi ult, %bitcast3A_355, %lt3A_357 : vector<16xi32>
        %get3A_359 = arith.constant 1 : i32
        %get3A_360 = arith.index_cast %get3A_359 : i32 to index
        %get3A_361 = arith.index_cast %add3A_341 : i32 to index
        %get3A_362 = tpu.vector_load %arg6[%get3A_360, %get3A_361] {strides = array<i32>} : memref<2x12288xf32, #tpu.memory_space<vmem>>, vector<16xf32>,
        tpu.vector_store_idx %arg7[%sub3A_354], %get3A_362 masked %lt3A_358 {add = true} : memref<73728xf32, #tpu.memory_space<vmem>>[vector<16xi32>], vector<16xf32>, vector<16xi1>
        %add3A_363 = arith.constant 96 : i32
        %add3A_364 = arith.addi %mul3A_228, %add3A_363 : i32
        %get3A_365 = arith.constant 1 : i32
        %get3A_366 = arith.index_cast %get3A_365 : i32 to index
        %get3A_367 = arith.index_cast %add3A_364 : i32 to index
        %get3A_368 = tpu.vector_load %arg5[%get3A_366, %get3A_367] {strides = array<i32>} : memref<2x12288xi32, #tpu.memory_space<vmem>>, vector<16xi32>,
        %shift_right_logical3A_369 = arith.constant 5 : i32
        %shift_right_logical3A_370 = vector.broadcast %shift_right_logical3A_369 : i32 to vector<16xi32>
        %shift_right_logical3A_371 = arith.shrui %get3A_368, %shift_right_logical3A_370 : vector<16xi32>
        %convert_element_type3A_372 = arith.sitofp %shift_right_logical3A_371 : vector<16xi32> to vector<16xf32>
        %mul3A_373 = vector.broadcast %while3A_4 : f32 to vector<16xf32>
        %mul3A_374 = arith.mulf %convert_element_type3A_372, %mul3A_373 : vector<16xf32>
        %convert_element_type3A_375 = arith.fptosi %mul3A_374 : vector<16xf32> to vector<16xi32>
        %sub3A_376 = vector.broadcast %mul3A_27 : i32 to vector<16xi32>
        %sub3A_377 = arith.subi %convert_element_type3A_375, %sub3A_376 : vector<16xi32>
        %bitcast3A_378 = vector.bitcast %sub3A_377 : vector<16xi32> to vector<16xi32>
        %lt3A_379 = arith.constant 73728 : i32
        %lt3A_380 = vector.broadcast %lt3A_379 : i32 to vector<16xi32>
        %lt3A_381 = arith.cmpi ult, %bitcast3A_378, %lt3A_380 : vector<16xi32>
        %get3A_382 = arith.constant 1 : i32
        %get3A_383 = arith.index_cast %get3A_382 : i32 to index
        %get3A_384 = arith.index_cast %add3A_364 : i32 to index
        %get3A_385 = tpu.vector_load %arg6[%get3A_383, %get3A_384] {strides = array<i32>} : memref<2x12288xf32, #tpu.memory_space<vmem>>, vector<16xf32>,
        tpu.vector_store_idx %arg7[%sub3A_377], %get3A_385 masked %lt3A_381 {add = true} : memref<73728xf32, #tpu.memory_space<vmem>>[vector<16xi32>], vector<16xf32>, vector<16xi1>
        %add3A_386 = arith.constant 112 : i32
        %add3A_387 = arith.addi %mul3A_228, %add3A_386 : i32
        %get3A_388 = arith.constant 1 : i32
        %get3A_389 = arith.index_cast %get3A_388 : i32 to index
        %get3A_390 = arith.index_cast %add3A_387 : i32 to index
        %get3A_391 = tpu.vector_load %arg5[%get3A_389, %get3A_390] {strides = array<i32>} : memref<2x12288xi32, #tpu.memory_space<vmem>>, vector<16xi32>,
        %shift_right_logical3A_392 = arith.constant 5 : i32
        %shift_right_logical3A_393 = vector.broadcast %shift_right_logical3A_392 : i32 to vector<16xi32>
        %shift_right_logical3A_394 = arith.shrui %get3A_391, %shift_right_logical3A_393 : vector<16xi32>
        %convert_element_type3A_395 = arith.sitofp %shift_right_logical3A_394 : vector<16xi32> to vector<16xf32>
        %mul3A_396 = vector.broadcast %while3A_4 : f32 to vector<16xf32>
        %mul3A_397 = arith.mulf %convert_element_type3A_395, %mul3A_396 : vector<16xf32>
        %convert_element_type3A_398 = arith.fptosi %mul3A_397 : vector<16xf32> to vector<16xi32>
        %sub3A_399 = vector.broadcast %mul3A_27 : i32 to vector<16xi32>
        %sub3A_400 = arith.subi %convert_element_type3A_398, %sub3A_399 : vector<16xi32>
        %bitcast3A_401 = vector.bitcast %sub3A_400 : vector<16xi32> to vector<16xi32>
        %lt3A_402 = arith.constant 73728 : i32
        %lt3A_403 = vector.broadcast %lt3A_402 : i32 to vector<16xi32>
        %lt3A_404 = arith.cmpi ult, %bitcast3A_401, %lt3A_403 : vector<16xi32>
        %get3A_405 = arith.constant 1 : i32
        %get3A_406 = arith.index_cast %get3A_405 : i32 to index
        %get3A_407 = arith.index_cast %add3A_387 : i32 to index
        %get3A_408 = tpu.vector_load %arg6[%get3A_406, %get3A_407] {strides = array<i32>} : memref<2x12288xf32, #tpu.memory_space<vmem>>, vector<16xf32>,
        tpu.vector_store_idx %arg7[%sub3A_400], %get3A_408 masked %lt3A_404 {add = true} : memref<73728xf32, #tpu.memory_space<vmem>>[vector<16xi32>], vector<16xf32>, vector<16xi1>
      }
      %while3A_184 = arith.constant 1 : i32
      scf.for %while3A_226 = %while3A_182 to %while3A_178 step %while3A_184  : i32 {
        %mul3A_227 = arith.constant 128 : i32
        %mul3A_228 = arith.muli %while3A_226, %mul3A_227 : i32
        %add3A_229 = arith.constant 0 : i32
        %add3A_230 = arith.addi %mul3A_228, %add3A_229 : i32
        %get3A = arith.constant 1 : i32
        %get3A_231 = arith.index_cast %get3A : i32 to index
        %get3A_232 = arith.index_cast %add3A_230 : i32 to index
        %get3A_233 = tpu.vector_load %arg5[%get3A_231, %get3A_232] {strides = array<i32>} : memref<2x12288xi32, #tpu.memory_space<vmem>>, vector<16xi32>,
        %shift_right_logical3A_234 = arith.constant 5 : i32
        %shift_right_logical3A_235 = vector.broadcast %shift_right_logical3A_234 : i32 to vector<16xi32>
        %shift_right_logical3A_236 = arith.shrui %get3A_233, %shift_right_logical3A_235 : vector<16xi32>
        %convert_element_type3A_237 = arith.sitofp %shift_right_logical3A_236 : vector<16xi32> to vector<16xf32>
        %mul3A_238 = vector.broadcast %while3A_4 : f32 to vector<16xf32>
        %mul3A_239 = arith.mulf %convert_element_type3A_237, %mul3A_238 : vector<16xf32>
        %convert_element_type3A_240 = arith.fptosi %mul3A_239 : vector<16xf32> to vector<16xi32>
        %sub3A = vector.broadcast %mul3A_27 : i32 to vector<16xi32>
        %sub3A_241 = arith.subi %convert_element_type3A_240, %sub3A : vector<16xi32>
        %bitcast3A = vector.bitcast %sub3A_241 : vector<16xi32> to vector<16xi32>
        %lt3A = arith.constant 73728 : i32
        %lt3A_242 = vector.broadcast %lt3A : i32 to vector<16xi32>
        %lt3A_243 = arith.cmpi ult, %bitcast3A, %lt3A_242 : vector<16xi32>
        %get3A_244 = arith.constant 1 : i32
        %get3A_245 = arith.index_cast %get3A_244 : i32 to index
        %get3A_246 = arith.index_cast %add3A_230 : i32 to index
        %get3A_247 = tpu.vector_load %arg6[%get3A_245, %get3A_246] {strides = array<i32>} : memref<2x12288xf32, #tpu.memory_space<vmem>>, vector<16xf32>,
        tpu.vector_store_idx %arg7[%sub3A_241], %get3A_247 masked %lt3A_243 {add = true} : memref<73728xf32, #tpu.memory_space<vmem>>[vector<16xi32>], vector<16xf32>, vector<16xi1>
        %add3A_248 = arith.constant 16 : i32
        %add3A_249 = arith.addi %mul3A_228, %add3A_248 : i32
        %get3A_250 = arith.constant 1 : i32
        %get3A_251 = arith.index_cast %get3A_250 : i32 to index
        %get3A_252 = arith.index_cast %add3A_249 : i32 to index
        %get3A_253 = tpu.vector_load %arg5[%get3A_251, %get3A_252] {strides = array<i32>} : memref<2x12288xi32, #tpu.memory_space<vmem>>, vector<16xi32>,
        %shift_right_logical3A_254 = arith.constant 5 : i32
        %shift_right_logical3A_255 = vector.broadcast %shift_right_logical3A_254 : i32 to vector<16xi32>
        %shift_right_logical3A_256 = arith.shrui %get3A_253, %shift_right_logical3A_255 : vector<16xi32>
        %convert_element_type3A_257 = arith.sitofp %shift_right_logical3A_256 : vector<16xi32> to vector<16xf32>
        %mul3A_258 = vector.broadcast %while3A_4 : f32 to vector<16xf32>
        %mul3A_259 = arith.mulf %convert_element_type3A_257, %mul3A_258 : vector<16xf32>
        %convert_element_type3A_260 = arith.fptosi %mul3A_259 : vector<16xf32> to vector<16xi32>
        %sub3A_261 = vector.broadcast %mul3A_27 : i32 to vector<16xi32>
        %sub3A_262 = arith.subi %convert_element_type3A_260, %sub3A_261 : vector<16xi32>
        %bitcast3A_263 = vector.bitcast %sub3A_262 : vector<16xi32> to vector<16xi32>
        %lt3A_264 = arith.constant 73728 : i32
        %lt3A_265 = vector.broadcast %lt3A_264 : i32 to vector<16xi32>
        %lt3A_266 = arith.cmpi ult, %bitcast3A_263, %lt3A_265 : vector<16xi32>
        %get3A_267 = arith.constant 1 : i32
        %get3A_268 = arith.index_cast %get3A_267 : i32 to index
        %get3A_269 = arith.index_cast %add3A_249 : i32 to index
        %get3A_270 = tpu.vector_load %arg6[%get3A_268, %get3A_269] {strides = array<i32>} : memref<2x12288xf32, #tpu.memory_space<vmem>>, vector<16xf32>,
        tpu.vector_store_idx %arg7[%sub3A_262], %get3A_270 masked %lt3A_266 {add = true} : memref<73728xf32, #tpu.memory_space<vmem>>[vector<16xi32>], vector<16xf32>, vector<16xi1>
        %add3A_271 = arith.constant 32 : i32
        %add3A_272 = arith.addi %mul3A_228, %add3A_271 : i32
        %get3A_273 = arith.constant 1 : i32
        %get3A_274 = arith.index_cast %get3A_273 : i32 to index
        %get3A_275 = arith.index_cast %add3A_272 : i32 to index
        %get3A_276 = tpu.vector_load %arg5[%get3A_274, %get3A_275] {strides = array<i32>} : memref<2x12288xi32, #tpu.memory_space<vmem>>, vector<16xi32>,
        %shift_right_logical3A_277 = arith.constant 5 : i32
        %shift_right_logical3A_278 = vector.broadcast %shift_right_logical3A_277 : i32 to vector<16xi32>
        %shift_right_logical3A_279 = arith.shrui %get3A_276, %shift_right_logical3A_278 : vector<16xi32>
        %convert_element_type3A_280 = arith.sitofp %shift_right_logical3A_279 : vector<16xi32> to vector<16xf32>
        %mul3A_281 = vector.broadcast %while3A_4 : f32 to vector<16xf32>
        %mul3A_282 = arith.mulf %convert_element_type3A_280, %mul3A_281 : vector<16xf32>
        %convert_element_type3A_283 = arith.fptosi %mul3A_282 : vector<16xf32> to vector<16xi32>
        %sub3A_284 = vector.broadcast %mul3A_27 : i32 to vector<16xi32>
        %sub3A_285 = arith.subi %convert_element_type3A_283, %sub3A_284 : vector<16xi32>
        %bitcast3A_286 = vector.bitcast %sub3A_285 : vector<16xi32> to vector<16xi32>
        %lt3A_287 = arith.constant 73728 : i32
        %lt3A_288 = vector.broadcast %lt3A_287 : i32 to vector<16xi32>
        %lt3A_289 = arith.cmpi ult, %bitcast3A_286, %lt3A_288 : vector<16xi32>
        %get3A_290 = arith.constant 1 : i32
        %get3A_291 = arith.index_cast %get3A_290 : i32 to index
        %get3A_292 = arith.index_cast %add3A_272 : i32 to index
        %get3A_293 = tpu.vector_load %arg6[%get3A_291, %get3A_292] {strides = array<i32>} : memref<2x12288xf32, #tpu.memory_space<vmem>>, vector<16xf32>,
        tpu.vector_store_idx %arg7[%sub3A_285], %get3A_293 masked %lt3A_289 {add = true} : memref<73728xf32, #tpu.memory_space<vmem>>[vector<16xi32>], vector<16xf32>, vector<16xi1>
        %add3A_294 = arith.constant 48 : i32
        %add3A_295 = arith.addi %mul3A_228, %add3A_294 : i32
        %get3A_296 = arith.constant 1 : i32
        %get3A_297 = arith.index_cast %get3A_296 : i32 to index
        %get3A_298 = arith.index_cast %add3A_295 : i32 to index
        %get3A_299 = tpu.vector_load %arg5[%get3A_297, %get3A_298] {strides = array<i32>} : memref<2x12288xi32, #tpu.memory_space<vmem>>, vector<16xi32>,
        %shift_right_logical3A_300 = arith.constant 5 : i32
        %shift_right_logical3A_301 = vector.broadcast %shift_right_logical3A_300 : i32 to vector<16xi32>
        %shift_right_logical3A_302 = arith.shrui %get3A_299, %shift_right_logical3A_301 : vector<16xi32>
        %convert_element_type3A_303 = arith.sitofp %shift_right_logical3A_302 : vector<16xi32> to vector<16xf32>
        %mul3A_304 = vector.broadcast %while3A_4 : f32 to vector<16xf32>
        %mul3A_305 = arith.mulf %convert_element_type3A_303, %mul3A_304 : vector<16xf32>
        %convert_element_type3A_306 = arith.fptosi %mul3A_305 : vector<16xf32> to vector<16xi32>
        %sub3A_307 = vector.broadcast %mul3A_27 : i32 to vector<16xi32>
        %sub3A_308 = arith.subi %convert_element_type3A_306, %sub3A_307 : vector<16xi32>
        %bitcast3A_309 = vector.bitcast %sub3A_308 : vector<16xi32> to vector<16xi32>
        %lt3A_310 = arith.constant 73728 : i32
        %lt3A_311 = vector.broadcast %lt3A_310 : i32 to vector<16xi32>
        %lt3A_312 = arith.cmpi ult, %bitcast3A_309, %lt3A_311 : vector<16xi32>
        %get3A_313 = arith.constant 1 : i32
        %get3A_314 = arith.index_cast %get3A_313 : i32 to index
        %get3A_315 = arith.index_cast %add3A_295 : i32 to index
        %get3A_316 = tpu.vector_load %arg6[%get3A_314, %get3A_315] {strides = array<i32>} : memref<2x12288xf32, #tpu.memory_space<vmem>>, vector<16xf32>,
        tpu.vector_store_idx %arg7[%sub3A_308], %get3A_316 masked %lt3A_312 {add = true} : memref<73728xf32, #tpu.memory_space<vmem>>[vector<16xi32>], vector<16xf32>, vector<16xi1>
        %add3A_317 = arith.constant 64 : i32
        %add3A_318 = arith.addi %mul3A_228, %add3A_317 : i32
        %get3A_319 = arith.constant 1 : i32
        %get3A_320 = arith.index_cast %get3A_319 : i32 to index
        %get3A_321 = arith.index_cast %add3A_318 : i32 to index
        %get3A_322 = tpu.vector_load %arg5[%get3A_320, %get3A_321] {strides = array<i32>} : memref<2x12288xi32, #tpu.memory_space<vmem>>, vector<16xi32>,
        %shift_right_logical3A_323 = arith.constant 5 : i32
        %shift_right_logical3A_324 = vector.broadcast %shift_right_logical3A_323 : i32 to vector<16xi32>
        %shift_right_logical3A_325 = arith.shrui %get3A_322, %shift_right_logical3A_324 : vector<16xi32>
        %convert_element_type3A_326 = arith.sitofp %shift_right_logical3A_325 : vector<16xi32> to vector<16xf32>
        %mul3A_327 = vector.broadcast %while3A_4 : f32 to vector<16xf32>
        %mul3A_328 = arith.mulf %convert_element_type3A_326, %mul3A_327 : vector<16xf32>
        %convert_element_type3A_329 = arith.fptosi %mul3A_328 : vector<16xf32> to vector<16xi32>
        %sub3A_330 = vector.broadcast %mul3A_27 : i32 to vector<16xi32>
        %sub3A_331 = arith.subi %convert_element_type3A_329, %sub3A_330 : vector<16xi32>
        %bitcast3A_332 = vector.bitcast %sub3A_331 : vector<16xi32> to vector<16xi32>
        %lt3A_333 = arith.constant 73728 : i32
        %lt3A_334 = vector.broadcast %lt3A_333 : i32 to vector<16xi32>
        %lt3A_335 = arith.cmpi ult, %bitcast3A_332, %lt3A_334 : vector<16xi32>
        %get3A_336 = arith.constant 1 : i32
        %get3A_337 = arith.index_cast %get3A_336 : i32 to index
        %get3A_338 = arith.index_cast %add3A_318 : i32 to index
        %get3A_339 = tpu.vector_load %arg6[%get3A_337, %get3A_338] {strides = array<i32>} : memref<2x12288xf32, #tpu.memory_space<vmem>>, vector<16xf32>,
        tpu.vector_store_idx %arg7[%sub3A_331], %get3A_339 masked %lt3A_335 {add = true} : memref<73728xf32, #tpu.memory_space<vmem>>[vector<16xi32>], vector<16xf32>, vector<16xi1>
        %add3A_340 = arith.constant 80 : i32
        %add3A_341 = arith.addi %mul3A_228, %add3A_340 : i32
        %get3A_342 = arith.constant 1 : i32
        %get3A_343 = arith.index_cast %get3A_342 : i32 to index
        %get3A_344 = arith.index_cast %add3A_341 : i32 to index
        %get3A_345 = tpu.vector_load %arg5[%get3A_343, %get3A_344] {strides = array<i32>} : memref<2x12288xi32, #tpu.memory_space<vmem>>, vector<16xi32>,
        %shift_right_logical3A_346 = arith.constant 5 : i32
        %shift_right_logical3A_347 = vector.broadcast %shift_right_logical3A_346 : i32 to vector<16xi32>
        %shift_right_logical3A_348 = arith.shrui %get3A_345, %shift_right_logical3A_347 : vector<16xi32>
        %convert_element_type3A_349 = arith.sitofp %shift_right_logical3A_348 : vector<16xi32> to vector<16xf32>
        %mul3A_350 = vector.broadcast %while3A_4 : f32 to vector<16xf32>
        %mul3A_351 = arith.mulf %convert_element_type3A_349, %mul3A_350 : vector<16xf32>
        %convert_element_type3A_352 = arith.fptosi %mul3A_351 : vector<16xf32> to vector<16xi32>
        %sub3A_353 = vector.broadcast %mul3A_27 : i32 to vector<16xi32>
        %sub3A_354 = arith.subi %convert_element_type3A_352, %sub3A_353 : vector<16xi32>
        %bitcast3A_355 = vector.bitcast %sub3A_354 : vector<16xi32> to vector<16xi32>
        %lt3A_356 = arith.constant 73728 : i32
        %lt3A_357 = vector.broadcast %lt3A_356 : i32 to vector<16xi32>
        %lt3A_358 = arith.cmpi ult, %bitcast3A_355, %lt3A_357 : vector<16xi32>
        %get3A_359 = arith.constant 1 : i32
        %get3A_360 = arith.index_cast %get3A_359 : i32 to index
        %get3A_361 = arith.index_cast %add3A_341 : i32 to index
        %get3A_362 = tpu.vector_load %arg6[%get3A_360, %get3A_361] {strides = array<i32>} : memref<2x12288xf32, #tpu.memory_space<vmem>>, vector<16xf32>,
        tpu.vector_store_idx %arg7[%sub3A_354], %get3A_362 masked %lt3A_358 {add = true} : memref<73728xf32, #tpu.memory_space<vmem>>[vector<16xi32>], vector<16xf32>, vector<16xi1>
        %add3A_363 = arith.constant 96 : i32
        %add3A_364 = arith.addi %mul3A_228, %add3A_363 : i32
        %get3A_365 = arith.constant 1 : i32
        %get3A_366 = arith.index_cast %get3A_365 : i32 to index
        %get3A_367 = arith.index_cast %add3A_364 : i32 to index
        %get3A_368 = tpu.vector_load %arg5[%get3A_366, %get3A_367] {strides = array<i32>} : memref<2x12288xi32, #tpu.memory_space<vmem>>, vector<16xi32>,
        %shift_right_logical3A_369 = arith.constant 5 : i32
        %shift_right_logical3A_370 = vector.broadcast %shift_right_logical3A_369 : i32 to vector<16xi32>
        %shift_right_logical3A_371 = arith.shrui %get3A_368, %shift_right_logical3A_370 : vector<16xi32>
        %convert_element_type3A_372 = arith.sitofp %shift_right_logical3A_371 : vector<16xi32> to vector<16xf32>
        %mul3A_373 = vector.broadcast %while3A_4 : f32 to vector<16xf32>
        %mul3A_374 = arith.mulf %convert_element_type3A_372, %mul3A_373 : vector<16xf32>
        %convert_element_type3A_375 = arith.fptosi %mul3A_374 : vector<16xf32> to vector<16xi32>
        %sub3A_376 = vector.broadcast %mul3A_27 : i32 to vector<16xi32>
        %sub3A_377 = arith.subi %convert_element_type3A_375, %sub3A_376 : vector<16xi32>
        %bitcast3A_378 = vector.bitcast %sub3A_377 : vector<16xi32> to vector<16xi32>
        %lt3A_379 = arith.constant 73728 : i32
        %lt3A_380 = vector.broadcast %lt3A_379 : i32 to vector<16xi32>
        %lt3A_381 = arith.cmpi ult, %bitcast3A_378, %lt3A_380 : vector<16xi32>
        %get3A_382 = arith.constant 1 : i32
        %get3A_383 = arith.index_cast %get3A_382 : i32 to index
        %get3A_384 = arith.index_cast %add3A_364 : i32 to index
        %get3A_385 = tpu.vector_load %arg6[%get3A_383, %get3A_384] {strides = array<i32>} : memref<2x12288xf32, #tpu.memory_space<vmem>>, vector<16xf32>,
        tpu.vector_store_idx %arg7[%sub3A_377], %get3A_385 masked %lt3A_381 {add = true} : memref<73728xf32, #tpu.memory_space<vmem>>[vector<16xi32>], vector<16xf32>, vector<16xi1>
        %add3A_386 = arith.constant 112 : i32
        %add3A_387 = arith.addi %mul3A_228, %add3A_386 : i32
        %get3A_388 = arith.constant 1 : i32
        %get3A_389 = arith.index_cast %get3A_388 : i32 to index
        %get3A_390 = arith.index_cast %add3A_387 : i32 to index
        %get3A_391 = tpu.vector_load %arg5[%get3A_389, %get3A_390] {strides = array<i32>} : memref<2x12288xi32, #tpu.memory_space<vmem>>, vector<16xi32>,
        %shift_right_logical3A_392 = arith.constant 5 : i32
        %shift_right_logical3A_393 = vector.broadcast %shift_right_logical3A_392 : i32 to vector<16xi32>
        %shift_right_logical3A_394 = arith.shrui %get3A_391, %shift_right_logical3A_393 : vector<16xi32>
        %convert_element_type3A_395 = arith.sitofp %shift_right_logical3A_394 : vector<16xi32> to vector<16xf32>
        %mul3A_396 = vector.broadcast %while3A_4 : f32 to vector<16xf32>
        %mul3A_397 = arith.mulf %convert_element_type3A_395, %mul3A_396 : vector<16xf32>
        %convert_element_type3A_398 = arith.fptosi %mul3A_397 : vector<16xf32> to vector<16xi32>
        %sub3A_399 = vector.broadcast %mul3A_27 : i32 to vector<16xi32>
        %sub3A_400 = arith.subi %convert_element_type3A_398, %sub3A_399 : vector<16xi32>
        %bitcast3A_401 = vector.bitcast %sub3A_400 : vector<16xi32> to vector<16xi32>
        %lt3A_402 = arith.constant 73728 : i32
        %lt3A_403 = vector.broadcast %lt3A_402 : i32 to vector<16xi32>
        %lt3A_404 = arith.cmpi ult, %bitcast3A_401, %lt3A_403 : vector<16xi32>
        %get3A_405 = arith.constant 1 : i32
        %get3A_406 = arith.index_cast %get3A_405 : i32 to index
        %get3A_407 = arith.index_cast %add3A_387 : i32 to index
        %get3A_408 = tpu.vector_load %arg6[%get3A_406, %get3A_407] {strides = array<i32>} : memref<2x12288xf32, #tpu.memory_space<vmem>>, vector<16xf32>,
        tpu.vector_store_idx %arg7[%sub3A_400], %get3A_408 masked %lt3A_404 {add = true} : memref<73728xf32, #tpu.memory_space<vmem>>[vector<16xi32>], vector<16xf32>, vector<16xi1>
      }
      %dma_wait3A_185 = arith.constant 0 : i32
      %dma_wait3A_186 = arith.constant 0 : i32
      %dma_wait3A_187 = arith.constant 0 : i32
      %dma_wait3A_188 = tpu.memref_slice %arg5[%dma_wait3A_186, %dma_wait3A_187] : memref<2x12288xi32, #tpu.memory_space<vmem>> -> memref<1x12288xi32, #tpu.memory_space<vmem>>
      %dma_wait3A_189 = tpu.memref_squeeze %dma_wait3A_188 : memref<1x12288xi32, #tpu.memory_space<vmem>> -> memref<12288xi32, #tpu.memory_space<vmem>>
      %dma_wait3A_190 = tpu.memref_slice %arg3[%add3A_24, %dma_wait3A_185] : memref<384x36864xi32, #tpu.memory_space<hbm>> -> memref<1x12288xi32, #tpu.memory_space<hbm>>
      %dma_wait3A_191 = tpu.memref_squeeze %dma_wait3A_190 : memref<1x12288xi32, #tpu.memory_space<hbm>> -> memref<12288xi32, #tpu.memory_space<hbm>>
      %dma_wait3A_192 = arith.constant 0 : i32
      %dma_wait3A_193 = tpu.memref_slice %arg5[%dma_wait3A_186, %dma_wait3A_192] : memref<2x12288xi32, #tpu.memory_space<vmem>> -> memref<1x12288xi32, #tpu.memory_space<vmem>>
      %dma_wait3A_194 = tpu.memref_squeeze %dma_wait3A_193 : memref<1x12288xi32, #tpu.memory_space<vmem>> -> memref<12288xi32, #tpu.memory_space<vmem>>
      %dma_wait3A_195 = tpu.memref_slice %arg3[%add3A_24, %dma_wait3A_185] : memref<384x36864xi32, #tpu.memory_space<hbm>> -> memref<1x12288xi32, #tpu.memory_space<hbm>>
      %dma_wait3A_196 = tpu.memref_squeeze %dma_wait3A_195 : memref<1x12288xi32, #tpu.memory_space<hbm>> -> memref<12288xi32, #tpu.memory_space<hbm>>
      tpu.wait_dma2 semaphore(%arg8 : memref<!tpu.dma_semaphore, #tpu.memory_space<semaphore_mem>>) src(%dma_wait3A_196 : memref<12288xi32, #tpu.memory_space<hbm>>) dst(%dma_wait3A_194 : memref<12288xi32, #tpu.memory_space<vmem>>)
      %dma_wait3A_197 = arith.constant 0 : i32
      %dma_wait3A_198 = arith.constant 0 : i32
      %dma_wait3A_199 = arith.constant 0 : i32
      %dma_wait3A_200 = tpu.memref_slice %arg6[%dma_wait3A_198, %dma_wait3A_199] : memref<2x12288xf32, #tpu.memory_space<vmem>> -> memref<1x12288xf32, #tpu.memory_space<vmem>>
      %dma_wait3A_201 = tpu.memref_squeeze %dma_wait3A_200 : memref<1x12288xf32, #tpu.memory_space<vmem>> -> memref<12288xf32, #tpu.memory_space<vmem>>
      %dma_wait3A_202 = tpu.memref_slice %arg2[%add3A_24, %dma_wait3A_197] : memref<384x36864xf32, #tpu.memory_space<hbm>> -> memref<1x12288xf32, #tpu.memory_space<hbm>>
      %dma_wait3A_203 = tpu.memref_squeeze %dma_wait3A_202 : memref<1x12288xf32, #tpu.memory_space<hbm>> -> memref<12288xf32, #tpu.memory_space<hbm>>
      %dma_wait3A_204 = arith.constant 0 : i32
      %dma_wait3A_205 = tpu.memref_slice %arg6[%dma_wait3A_198, %dma_wait3A_204] : memref<2x12288xf32, #tpu.memory_space<vmem>> -> memref<1x12288xf32, #tpu.memory_space<vmem>>
      %dma_wait3A_206 = tpu.memref_squeeze %dma_wait3A_205 : memref<1x12288xf32, #tpu.memory_space<vmem>> -> memref<12288xf32, #tpu.memory_space<vmem>>
      %dma_wait3A_207 = tpu.memref_slice %arg2[%add3A_24, %dma_wait3A_197] : memref<384x36864xf32, #tpu.memory_space<hbm>> -> memref<1x12288xf32, #tpu.memory_space<hbm>>
      %dma_wait3A_208 = tpu.memref_squeeze %dma_wait3A_207 : memref<1x12288xf32, #tpu.memory_space<hbm>> -> memref<12288xf32, #tpu.memory_space<hbm>>
      tpu.wait_dma2 semaphore(%arg10 : memref<!tpu.dma_semaphore, #tpu.memory_space<semaphore_mem>>) src(%dma_wait3A_208 : memref<12288xf32, #tpu.memory_space<hbm>>) dst(%dma_wait3A_206 : memref<12288xf32, #tpu.memory_space<vmem>>)
      %while3A_209 = arith.constant 0 : i32
      %while3A_210 = arith.constant 0 : i32
      %while3A_211 = arith.constant 96 : i32
      %while3A_212 = arith.subi %while3A_211, %while3A_210 : i32
      %while3A_213 = arith.addi %while3A_210, %while3A_212 : i32
      %while3A_214 = arith.constant 1 : i32
      %while3A_215 = arith.divsi %while3A_212, %while3A_214 : i32
      %while3A_216 = arith.muli %while3A_215, %while3A_214 : i32
      %while3A_217 = arith.addi %while3A_210, %while3A_216 : i32
      %while3A_218 = arith.constant 1 : i32
      scf.for %while3A_226 = %while3A_210 to %while3A_217 step %while3A_218  : i32 {
        %mul3A_227 = arith.constant 128 : i32
        %mul3A_228 = arith.muli %while3A_226, %mul3A_227 : i32
        %add3A_229 = arith.constant 0 : i32
        %add3A_230 = arith.addi %mul3A_228, %add3A_229 : i32
        %get3A = arith.constant 0 : i32
        %get3A_231 = arith.index_cast %get3A : i32 to index
        %get3A_232 = arith.index_cast %add3A_230 : i32 to index
        %get3A_233 = tpu.vector_load %arg5[%get3A_231, %get3A_232] {strides = array<i32>} : memref<2x12288xi32, #tpu.memory_space<vmem>>, vector<16xi32>,
        %shift_right_logical3A_234 = arith.constant 5 : i32
        %shift_right_logical3A_235 = vector.broadcast %shift_right_logical3A_234 : i32 to vector<16xi32>
        %shift_right_logical3A_236 = arith.shrui %get3A_233, %shift_right_logical3A_235 : vector<16xi32>
        %convert_element_type3A_237 = arith.sitofp %shift_right_logical3A_236 : vector<16xi32> to vector<16xf32>
        %mul3A_238 = vector.broadcast %while3A_4 : f32 to vector<16xf32>
        %mul3A_239 = arith.mulf %convert_element_type3A_237, %mul3A_238 : vector<16xf32>
        %convert_element_type3A_240 = arith.fptosi %mul3A_239 : vector<16xf32> to vector<16xi32>
        %sub3A = vector.broadcast %mul3A_27 : i32 to vector<16xi32>
        %sub3A_241 = arith.subi %convert_element_type3A_240, %sub3A : vector<16xi32>
        %bitcast3A = vector.bitcast %sub3A_241 : vector<16xi32> to vector<16xi32>
        %lt3A = arith.constant 73728 : i32
        %lt3A_242 = vector.broadcast %lt3A : i32 to vector<16xi32>
        %lt3A_243 = arith.cmpi ult, %bitcast3A, %lt3A_242 : vector<16xi32>
        %get3A_244 = arith.constant 0 : i32
        %get3A_245 = arith.index_cast %get3A_244 : i32 to index
        %get3A_246 = arith.index_cast %add3A_230 : i32 to index
        %get3A_247 = tpu.vector_load %arg6[%get3A_245, %get3A_246] {strides = array<i32>} : memref<2x12288xf32, #tpu.memory_space<vmem>>, vector<16xf32>,
        tpu.vector_store_idx %arg7[%sub3A_241], %get3A_247 masked %lt3A_243 {add = true} : memref<73728xf32, #tpu.memory_space<vmem>>[vector<16xi32>], vector<16xf32>, vector<16xi1>
        %add3A_248 = arith.constant 16 : i32
        %add3A_249 = arith.addi %mul3A_228, %add3A_248 : i32
        %get3A_250 = arith.constant 0 : i32
        %get3A_251 = arith.index_cast %get3A_250 : i32 to index
        %get3A_252 = arith.index_cast %add3A_249 : i32 to index
        %get3A_253 = tpu.vector_load %arg5[%get3A_251, %get3A_252] {strides = array<i32>} : memref<2x12288xi32, #tpu.memory_space<vmem>>, vector<16xi32>,
        %shift_right_logical3A_254 = arith.constant 5 : i32
        %shift_right_logical3A_255 = vector.broadcast %shift_right_logical3A_254 : i32 to vector<16xi32>
        %shift_right_logical3A_256 = arith.shrui %get3A_253, %shift_right_logical3A_255 : vector<16xi32>
        %convert_element_type3A_257 = arith.sitofp %shift_right_logical3A_256 : vector<16xi32> to vector<16xf32>
        %mul3A_258 = vector.broadcast %while3A_4 : f32 to vector<16xf32>
        %mul3A_259 = arith.mulf %convert_element_type3A_257, %mul3A_258 : vector<16xf32>
        %convert_element_type3A_260 = arith.fptosi %mul3A_259 : vector<16xf32> to vector<16xi32>
        %sub3A_261 = vector.broadcast %mul3A_27 : i32 to vector<16xi32>
        %sub3A_262 = arith.subi %convert_element_type3A_260, %sub3A_261 : vector<16xi32>
        %bitcast3A_263 = vector.bitcast %sub3A_262 : vector<16xi32> to vector<16xi32>
        %lt3A_264 = arith.constant 73728 : i32
        %lt3A_265 = vector.broadcast %lt3A_264 : i32 to vector<16xi32>
        %lt3A_266 = arith.cmpi ult, %bitcast3A_263, %lt3A_265 : vector<16xi32>
        %get3A_267 = arith.constant 0 : i32
        %get3A_268 = arith.index_cast %get3A_267 : i32 to index
        %get3A_269 = arith.index_cast %add3A_249 : i32 to index
        %get3A_270 = tpu.vector_load %arg6[%get3A_268, %get3A_269] {strides = array<i32>} : memref<2x12288xf32, #tpu.memory_space<vmem>>, vector<16xf32>,
        tpu.vector_store_idx %arg7[%sub3A_262], %get3A_270 masked %lt3A_266 {add = true} : memref<73728xf32, #tpu.memory_space<vmem>>[vector<16xi32>], vector<16xf32>, vector<16xi1>
        %add3A_271 = arith.constant 32 : i32
        %add3A_272 = arith.addi %mul3A_228, %add3A_271 : i32
        %get3A_273 = arith.constant 0 : i32
        %get3A_274 = arith.index_cast %get3A_273 : i32 to index
        %get3A_275 = arith.index_cast %add3A_272 : i32 to index
        %get3A_276 = tpu.vector_load %arg5[%get3A_274, %get3A_275] {strides = array<i32>} : memref<2x12288xi32, #tpu.memory_space<vmem>>, vector<16xi32>,
        %shift_right_logical3A_277 = arith.constant 5 : i32
        %shift_right_logical3A_278 = vector.broadcast %shift_right_logical3A_277 : i32 to vector<16xi32>
        %shift_right_logical3A_279 = arith.shrui %get3A_276, %shift_right_logical3A_278 : vector<16xi32>
        %convert_element_type3A_280 = arith.sitofp %shift_right_logical3A_279 : vector<16xi32> to vector<16xf32>
        %mul3A_281 = vector.broadcast %while3A_4 : f32 to vector<16xf32>
        %mul3A_282 = arith.mulf %convert_element_type3A_280, %mul3A_281 : vector<16xf32>
        %convert_element_type3A_283 = arith.fptosi %mul3A_282 : vector<16xf32> to vector<16xi32>
        %sub3A_284 = vector.broadcast %mul3A_27 : i32 to vector<16xi32>
        %sub3A_285 = arith.subi %convert_element_type3A_283, %sub3A_284 : vector<16xi32>
        %bitcast3A_286 = vector.bitcast %sub3A_285 : vector<16xi32> to vector<16xi32>
        %lt3A_287 = arith.constant 73728 : i32
        %lt3A_288 = vector.broadcast %lt3A_287 : i32 to vector<16xi32>
        %lt3A_289 = arith.cmpi ult, %bitcast3A_286, %lt3A_288 : vector<16xi32>
        %get3A_290 = arith.constant 0 : i32
        %get3A_291 = arith.index_cast %get3A_290 : i32 to index
        %get3A_292 = arith.index_cast %add3A_272 : i32 to index
        %get3A_293 = tpu.vector_load %arg6[%get3A_291, %get3A_292] {strides = array<i32>} : memref<2x12288xf32, #tpu.memory_space<vmem>>, vector<16xf32>,
        tpu.vector_store_idx %arg7[%sub3A_285], %get3A_293 masked %lt3A_289 {add = true} : memref<73728xf32, #tpu.memory_space<vmem>>[vector<16xi32>], vector<16xf32>, vector<16xi1>
        %add3A_294 = arith.constant 48 : i32
        %add3A_295 = arith.addi %mul3A_228, %add3A_294 : i32
        %get3A_296 = arith.constant 0 : i32
        %get3A_297 = arith.index_cast %get3A_296 : i32 to index
        %get3A_298 = arith.index_cast %add3A_295 : i32 to index
        %get3A_299 = tpu.vector_load %arg5[%get3A_297, %get3A_298] {strides = array<i32>} : memref<2x12288xi32, #tpu.memory_space<vmem>>, vector<16xi32>,
        %shift_right_logical3A_300 = arith.constant 5 : i32
        %shift_right_logical3A_301 = vector.broadcast %shift_right_logical3A_300 : i32 to vector<16xi32>
        %shift_right_logical3A_302 = arith.shrui %get3A_299, %shift_right_logical3A_301 : vector<16xi32>
        %convert_element_type3A_303 = arith.sitofp %shift_right_logical3A_302 : vector<16xi32> to vector<16xf32>
        %mul3A_304 = vector.broadcast %while3A_4 : f32 to vector<16xf32>
        %mul3A_305 = arith.mulf %convert_element_type3A_303, %mul3A_304 : vector<16xf32>
        %convert_element_type3A_306 = arith.fptosi %mul3A_305 : vector<16xf32> to vector<16xi32>
        %sub3A_307 = vector.broadcast %mul3A_27 : i32 to vector<16xi32>
        %sub3A_308 = arith.subi %convert_element_type3A_306, %sub3A_307 : vector<16xi32>
        %bitcast3A_309 = vector.bitcast %sub3A_308 : vector<16xi32> to vector<16xi32>
        %lt3A_310 = arith.constant 73728 : i32
        %lt3A_311 = vector.broadcast %lt3A_310 : i32 to vector<16xi32>
        %lt3A_312 = arith.cmpi ult, %bitcast3A_309, %lt3A_311 : vector<16xi32>
        %get3A_313 = arith.constant 0 : i32
        %get3A_314 = arith.index_cast %get3A_313 : i32 to index
        %get3A_315 = arith.index_cast %add3A_295 : i32 to index
        %get3A_316 = tpu.vector_load %arg6[%get3A_314, %get3A_315] {strides = array<i32>} : memref<2x12288xf32, #tpu.memory_space<vmem>>, vector<16xf32>,
        tpu.vector_store_idx %arg7[%sub3A_308], %get3A_316 masked %lt3A_312 {add = true} : memref<73728xf32, #tpu.memory_space<vmem>>[vector<16xi32>], vector<16xf32>, vector<16xi1>
        %add3A_317 = arith.constant 64 : i32
        %add3A_318 = arith.addi %mul3A_228, %add3A_317 : i32
        %get3A_319 = arith.constant 0 : i32
        %get3A_320 = arith.index_cast %get3A_319 : i32 to index
        %get3A_321 = arith.index_cast %add3A_318 : i32 to index
        %get3A_322 = tpu.vector_load %arg5[%get3A_320, %get3A_321] {strides = array<i32>} : memref<2x12288xi32, #tpu.memory_space<vmem>>, vector<16xi32>,
        %shift_right_logical3A_323 = arith.constant 5 : i32
        %shift_right_logical3A_324 = vector.broadcast %shift_right_logical3A_323 : i32 to vector<16xi32>
        %shift_right_logical3A_325 = arith.shrui %get3A_322, %shift_right_logical3A_324 : vector<16xi32>
        %convert_element_type3A_326 = arith.sitofp %shift_right_logical3A_325 : vector<16xi32> to vector<16xf32>
        %mul3A_327 = vector.broadcast %while3A_4 : f32 to vector<16xf32>
        %mul3A_328 = arith.mulf %convert_element_type3A_326, %mul3A_327 : vector<16xf32>
        %convert_element_type3A_329 = arith.fptosi %mul3A_328 : vector<16xf32> to vector<16xi32>
        %sub3A_330 = vector.broadcast %mul3A_27 : i32 to vector<16xi32>
        %sub3A_331 = arith.subi %convert_element_type3A_329, %sub3A_330 : vector<16xi32>
        %bitcast3A_332 = vector.bitcast %sub3A_331 : vector<16xi32> to vector<16xi32>
        %lt3A_333 = arith.constant 73728 : i32
        %lt3A_334 = vector.broadcast %lt3A_333 : i32 to vector<16xi32>
        %lt3A_335 = arith.cmpi ult, %bitcast3A_332, %lt3A_334 : vector<16xi32>
        %get3A_336 = arith.constant 0 : i32
        %get3A_337 = arith.index_cast %get3A_336 : i32 to index
        %get3A_338 = arith.index_cast %add3A_318 : i32 to index
        %get3A_339 = tpu.vector_load %arg6[%get3A_337, %get3A_338] {strides = array<i32>} : memref<2x12288xf32, #tpu.memory_space<vmem>>, vector<16xf32>,
        tpu.vector_store_idx %arg7[%sub3A_331], %get3A_339 masked %lt3A_335 {add = true} : memref<73728xf32, #tpu.memory_space<vmem>>[vector<16xi32>], vector<16xf32>, vector<16xi1>
        %add3A_340 = arith.constant 80 : i32
        %add3A_341 = arith.addi %mul3A_228, %add3A_340 : i32
        %get3A_342 = arith.constant 0 : i32
        %get3A_343 = arith.index_cast %get3A_342 : i32 to index
        %get3A_344 = arith.index_cast %add3A_341 : i32 to index
        %get3A_345 = tpu.vector_load %arg5[%get3A_343, %get3A_344] {strides = array<i32>} : memref<2x12288xi32, #tpu.memory_space<vmem>>, vector<16xi32>,
        %shift_right_logical3A_346 = arith.constant 5 : i32
        %shift_right_logical3A_347 = vector.broadcast %shift_right_logical3A_346 : i32 to vector<16xi32>
        %shift_right_logical3A_348 = arith.shrui %get3A_345, %shift_right_logical3A_347 : vector<16xi32>
        %convert_element_type3A_349 = arith.sitofp %shift_right_logical3A_348 : vector<16xi32> to vector<16xf32>
        %mul3A_350 = vector.broadcast %while3A_4 : f32 to vector<16xf32>
        %mul3A_351 = arith.mulf %convert_element_type3A_349, %mul3A_350 : vector<16xf32>
        %convert_element_type3A_352 = arith.fptosi %mul3A_351 : vector<16xf32> to vector<16xi32>
        %sub3A_353 = vector.broadcast %mul3A_27 : i32 to vector<16xi32>
        %sub3A_354 = arith.subi %convert_element_type3A_352, %sub3A_353 : vector<16xi32>
        %bitcast3A_355 = vector.bitcast %sub3A_354 : vector<16xi32> to vector<16xi32>
        %lt3A_356 = arith.constant 73728 : i32
        %lt3A_357 = vector.broadcast %lt3A_356 : i32 to vector<16xi32>
        %lt3A_358 = arith.cmpi ult, %bitcast3A_355, %lt3A_357 : vector<16xi32>
        %get3A_359 = arith.constant 0 : i32
        %get3A_360 = arith.index_cast %get3A_359 : i32 to index
        %get3A_361 = arith.index_cast %add3A_341 : i32 to index
        %get3A_362 = tpu.vector_load %arg6[%get3A_360, %get3A_361] {strides = array<i32>} : memref<2x12288xf32, #tpu.memory_space<vmem>>, vector<16xf32>,
        tpu.vector_store_idx %arg7[%sub3A_354], %get3A_362 masked %lt3A_358 {add = true} : memref<73728xf32, #tpu.memory_space<vmem>>[vector<16xi32>], vector<16xf32>, vector<16xi1>
        %add3A_363 = arith.constant 96 : i32
        %add3A_364 = arith.addi %mul3A_228, %add3A_363 : i32
        %get3A_365 = arith.constant 0 : i32
        %get3A_366 = arith.index_cast %get3A_365 : i32 to index
        %get3A_367 = arith.index_cast %add3A_364 : i32 to index
        %get3A_368 = tpu.vector_load %arg5[%get3A_366, %get3A_367] {strides = array<i32>} : memref<2x12288xi32, #tpu.memory_space<vmem>>, vector<16xi32>,
        %shift_right_logical3A_369 = arith.constant 5 : i32
        %shift_right_logical3A_370 = vector.broadcast %shift_right_logical3A_369 : i32 to vector<16xi32>
        %shift_right_logical3A_371 = arith.shrui %get3A_368, %shift_right_logical3A_370 : vector<16xi32>
        %convert_element_type3A_372 = arith.sitofp %shift_right_logical3A_371 : vector<16xi32> to vector<16xf32>
        %mul3A_373 = vector.broadcast %while3A_4 : f32 to vector<16xf32>
        %mul3A_374 = arith.mulf %convert_element_type3A_372, %mul3A_373 : vector<16xf32>
        %convert_element_type3A_375 = arith.fptosi %mul3A_374 : vector<16xf32> to vector<16xi32>
        %sub3A_376 = vector.broadcast %mul3A_27 : i32 to vector<16xi32>
        %sub3A_377 = arith.subi %convert_element_type3A_375, %sub3A_376 : vector<16xi32>
        %bitcast3A_378 = vector.bitcast %sub3A_377 : vector<16xi32> to vector<16xi32>
        %lt3A_379 = arith.constant 73728 : i32
        %lt3A_380 = vector.broadcast %lt3A_379 : i32 to vector<16xi32>
        %lt3A_381 = arith.cmpi ult, %bitcast3A_378, %lt3A_380 : vector<16xi32>
        %get3A_382 = arith.constant 0 : i32
        %get3A_383 = arith.index_cast %get3A_382 : i32 to index
        %get3A_384 = arith.index_cast %add3A_364 : i32 to index
        %get3A_385 = tpu.vector_load %arg6[%get3A_383, %get3A_384] {strides = array<i32>} : memref<2x12288xf32, #tpu.memory_space<vmem>>, vector<16xf32>,
        tpu.vector_store_idx %arg7[%sub3A_377], %get3A_385 masked %lt3A_381 {add = true} : memref<73728xf32, #tpu.memory_space<vmem>>[vector<16xi32>], vector<16xf32>, vector<16xi1>
        %add3A_386 = arith.constant 112 : i32
        %add3A_387 = arith.addi %mul3A_228, %add3A_386 : i32
        %get3A_388 = arith.constant 0 : i32
        %get3A_389 = arith.index_cast %get3A_388 : i32 to index
        %get3A_390 = arith.index_cast %add3A_387 : i32 to index
        %get3A_391 = tpu.vector_load %arg5[%get3A_389, %get3A_390] {strides = array<i32>} : memref<2x12288xi32, #tpu.memory_space<vmem>>, vector<16xi32>,
        %shift_right_logical3A_392 = arith.constant 5 : i32
        %shift_right_logical3A_393 = vector.broadcast %shift_right_logical3A_392 : i32 to vector<16xi32>
        %shift_right_logical3A_394 = arith.shrui %get3A_391, %shift_right_logical3A_393 : vector<16xi32>
        %convert_element_type3A_395 = arith.sitofp %shift_right_logical3A_394 : vector<16xi32> to vector<16xf32>
        %mul3A_396 = vector.broadcast %while3A_4 : f32 to vector<16xf32>
        %mul3A_397 = arith.mulf %convert_element_type3A_395, %mul3A_396 : vector<16xf32>
        %convert_element_type3A_398 = arith.fptosi %mul3A_397 : vector<16xf32> to vector<16xi32>
        %sub3A_399 = vector.broadcast %mul3A_27 : i32 to vector<16xi32>
        %sub3A_400 = arith.subi %convert_element_type3A_398, %sub3A_399 : vector<16xi32>
        %bitcast3A_401 = vector.bitcast %sub3A_400 : vector<16xi32> to vector<16xi32>
        %lt3A_402 = arith.constant 73728 : i32
        %lt3A_403 = vector.broadcast %lt3A_402 : i32 to vector<16xi32>
        %lt3A_404 = arith.cmpi ult, %bitcast3A_401, %lt3A_403 : vector<16xi32>
        %get3A_405 = arith.constant 0 : i32
        %get3A_406 = arith.index_cast %get3A_405 : i32 to index
        %get3A_407 = arith.index_cast %add3A_387 : i32 to index
        %get3A_408 = tpu.vector_load %arg6[%get3A_406, %get3A_407] {strides = array<i32>} : memref<2x12288xf32, #tpu.memory_space<vmem>>, vector<16xf32>,
        tpu.vector_store_idx %arg7[%sub3A_400], %get3A_408 masked %lt3A_404 {add = true} : memref<73728xf32, #tpu.memory_space<vmem>>[vector<16xi32>], vector<16xf32>, vector<16xi1>
      }
      %while3A_219 = arith.constant 1 : i32
      scf.for %while3A_226 = %while3A_217 to %while3A_213 step %while3A_219  : i32 {
        %mul3A_227 = arith.constant 128 : i32
        %mul3A_228 = arith.muli %while3A_226, %mul3A_227 : i32
        %add3A_229 = arith.constant 0 : i32
        %add3A_230 = arith.addi %mul3A_228, %add3A_229 : i32
        %get3A = arith.constant 0 : i32
        %get3A_231 = arith.index_cast %get3A : i32 to index
        %get3A_232 = arith.index_cast %add3A_230 : i32 to index
        %get3A_233 = tpu.vector_load %arg5[%get3A_231, %get3A_232] {strides = array<i32>} : memref<2x12288xi32, #tpu.memory_space<vmem>>, vector<16xi32>,
        %shift_right_logical3A_234 = arith.constant 5 : i32
        %shift_right_logical3A_235 = vector.broadcast %shift_right_logical3A_234 : i32 to vector<16xi32>
        %shift_right_logical3A_236 = arith.shrui %get3A_233, %shift_right_logical3A_235 : vector<16xi32>
        %convert_element_type3A_237 = arith.sitofp %shift_right_logical3A_236 : vector<16xi32> to vector<16xf32>
        %mul3A_238 = vector.broadcast %while3A_4 : f32 to vector<16xf32>
        %mul3A_239 = arith.mulf %convert_element_type3A_237, %mul3A_238 : vector<16xf32>
        %convert_element_type3A_240 = arith.fptosi %mul3A_239 : vector<16xf32> to vector<16xi32>
        %sub3A = vector.broadcast %mul3A_27 : i32 to vector<16xi32>
        %sub3A_241 = arith.subi %convert_element_type3A_240, %sub3A : vector<16xi32>
        %bitcast3A = vector.bitcast %sub3A_241 : vector<16xi32> to vector<16xi32>
        %lt3A = arith.constant 73728 : i32
        %lt3A_242 = vector.broadcast %lt3A : i32 to vector<16xi32>
        %lt3A_243 = arith.cmpi ult, %bitcast3A, %lt3A_242 : vector<16xi32>
        %get3A_244 = arith.constant 0 : i32
        %get3A_245 = arith.index_cast %get3A_244 : i32 to index
        %get3A_246 = arith.index_cast %add3A_230 : i32 to index
        %get3A_247 = tpu.vector_load %arg6[%get3A_245, %get3A_246] {strides = array<i32>} : memref<2x12288xf32, #tpu.memory_space<vmem>>, vector<16xf32>,
        tpu.vector_store_idx %arg7[%sub3A_241], %get3A_247 masked %lt3A_243 {add = true} : memref<73728xf32, #tpu.memory_space<vmem>>[vector<16xi32>], vector<16xf32>, vector<16xi1>
        %add3A_248 = arith.constant 16 : i32
        %add3A_249 = arith.addi %mul3A_228, %add3A_248 : i32
        %get3A_250 = arith.constant 0 : i32
        %get3A_251 = arith.index_cast %get3A_250 : i32 to index
        %get3A_252 = arith.index_cast %add3A_249 : i32 to index
        %get3A_253 = tpu.vector_load %arg5[%get3A_251, %get3A_252] {strides = array<i32>} : memref<2x12288xi32, #tpu.memory_space<vmem>>, vector<16xi32>,
        %shift_right_logical3A_254 = arith.constant 5 : i32
        %shift_right_logical3A_255 = vector.broadcast %shift_right_logical3A_254 : i32 to vector<16xi32>
        %shift_right_logical3A_256 = arith.shrui %get3A_253, %shift_right_logical3A_255 : vector<16xi32>
        %convert_element_type3A_257 = arith.sitofp %shift_right_logical3A_256 : vector<16xi32> to vector<16xf32>
        %mul3A_258 = vector.broadcast %while3A_4 : f32 to vector<16xf32>
        %mul3A_259 = arith.mulf %convert_element_type3A_257, %mul3A_258 : vector<16xf32>
        %convert_element_type3A_260 = arith.fptosi %mul3A_259 : vector<16xf32> to vector<16xi32>
        %sub3A_261 = vector.broadcast %mul3A_27 : i32 to vector<16xi32>
        %sub3A_262 = arith.subi %convert_element_type3A_260, %sub3A_261 : vector<16xi32>
        %bitcast3A_263 = vector.bitcast %sub3A_262 : vector<16xi32> to vector<16xi32>
        %lt3A_264 = arith.constant 73728 : i32
        %lt3A_265 = vector.broadcast %lt3A_264 : i32 to vector<16xi32>
        %lt3A_266 = arith.cmpi ult, %bitcast3A_263, %lt3A_265 : vector<16xi32>
        %get3A_267 = arith.constant 0 : i32
        %get3A_268 = arith.index_cast %get3A_267 : i32 to index
        %get3A_269 = arith.index_cast %add3A_249 : i32 to index
        %get3A_270 = tpu.vector_load %arg6[%get3A_268, %get3A_269] {strides = array<i32>} : memref<2x12288xf32, #tpu.memory_space<vmem>>, vector<16xf32>,
        tpu.vector_store_idx %arg7[%sub3A_262], %get3A_270 masked %lt3A_266 {add = true} : memref<73728xf32, #tpu.memory_space<vmem>>[vector<16xi32>], vector<16xf32>, vector<16xi1>
        %add3A_271 = arith.constant 32 : i32
        %add3A_272 = arith.addi %mul3A_228, %add3A_271 : i32
        %get3A_273 = arith.constant 0 : i32
        %get3A_274 = arith.index_cast %get3A_273 : i32 to index
        %get3A_275 = arith.index_cast %add3A_272 : i32 to index
        %get3A_276 = tpu.vector_load %arg5[%get3A_274, %get3A_275] {strides = array<i32>} : memref<2x12288xi32, #tpu.memory_space<vmem>>, vector<16xi32>,
        %shift_right_logical3A_277 = arith.constant 5 : i32
        %shift_right_logical3A_278 = vector.broadcast %shift_right_logical3A_277 : i32 to vector<16xi32>
        %shift_right_logical3A_279 = arith.shrui %get3A_276, %shift_right_logical3A_278 : vector<16xi32>
        %convert_element_type3A_280 = arith.sitofp %shift_right_logical3A_279 : vector<16xi32> to vector<16xf32>
        %mul3A_281 = vector.broadcast %while3A_4 : f32 to vector<16xf32>
        %mul3A_282 = arith.mulf %convert_element_type3A_280, %mul3A_281 : vector<16xf32>
        %convert_element_type3A_283 = arith.fptosi %mul3A_282 : vector<16xf32> to vector<16xi32>
        %sub3A_284 = vector.broadcast %mul3A_27 : i32 to vector<16xi32>
        %sub3A_285 = arith.subi %convert_element_type3A_283, %sub3A_284 : vector<16xi32>
        %bitcast3A_286 = vector.bitcast %sub3A_285 : vector<16xi32> to vector<16xi32>
        %lt3A_287 = arith.constant 73728 : i32
        %lt3A_288 = vector.broadcast %lt3A_287 : i32 to vector<16xi32>
        %lt3A_289 = arith.cmpi ult, %bitcast3A_286, %lt3A_288 : vector<16xi32>
        %get3A_290 = arith.constant 0 : i32
        %get3A_291 = arith.index_cast %get3A_290 : i32 to index
        %get3A_292 = arith.index_cast %add3A_272 : i32 to index
        %get3A_293 = tpu.vector_load %arg6[%get3A_291, %get3A_292] {strides = array<i32>} : memref<2x12288xf32, #tpu.memory_space<vmem>>, vector<16xf32>,
        tpu.vector_store_idx %arg7[%sub3A_285], %get3A_293 masked %lt3A_289 {add = true} : memref<73728xf32, #tpu.memory_space<vmem>>[vector<16xi32>], vector<16xf32>, vector<16xi1>
        %add3A_294 = arith.constant 48 : i32
        %add3A_295 = arith.addi %mul3A_228, %add3A_294 : i32
        %get3A_296 = arith.constant 0 : i32
        %get3A_297 = arith.index_cast %get3A_296 : i32 to index
        %get3A_298 = arith.index_cast %add3A_295 : i32 to index
        %get3A_299 = tpu.vector_load %arg5[%get3A_297, %get3A_298] {strides = array<i32>} : memref<2x12288xi32, #tpu.memory_space<vmem>>, vector<16xi32>,
        %shift_right_logical3A_300 = arith.constant 5 : i32
        %shift_right_logical3A_301 = vector.broadcast %shift_right_logical3A_300 : i32 to vector<16xi32>
        %shift_right_logical3A_302 = arith.shrui %get3A_299, %shift_right_logical3A_301 : vector<16xi32>
        %convert_element_type3A_303 = arith.sitofp %shift_right_logical3A_302 : vector<16xi32> to vector<16xf32>
        %mul3A_304 = vector.broadcast %while3A_4 : f32 to vector<16xf32>
        %mul3A_305 = arith.mulf %convert_element_type3A_303, %mul3A_304 : vector<16xf32>
        %convert_element_type3A_306 = arith.fptosi %mul3A_305 : vector<16xf32> to vector<16xi32>
        %sub3A_307 = vector.broadcast %mul3A_27 : i32 to vector<16xi32>
        %sub3A_308 = arith.subi %convert_element_type3A_306, %sub3A_307 : vector<16xi32>
        %bitcast3A_309 = vector.bitcast %sub3A_308 : vector<16xi32> to vector<16xi32>
        %lt3A_310 = arith.constant 73728 : i32
        %lt3A_311 = vector.broadcast %lt3A_310 : i32 to vector<16xi32>
        %lt3A_312 = arith.cmpi ult, %bitcast3A_309, %lt3A_311 : vector<16xi32>
        %get3A_313 = arith.constant 0 : i32
        %get3A_314 = arith.index_cast %get3A_313 : i32 to index
        %get3A_315 = arith.index_cast %add3A_295 : i32 to index
        %get3A_316 = tpu.vector_load %arg6[%get3A_314, %get3A_315] {strides = array<i32>} : memref<2x12288xf32, #tpu.memory_space<vmem>>, vector<16xf32>,
        tpu.vector_store_idx %arg7[%sub3A_308], %get3A_316 masked %lt3A_312 {add = true} : memref<73728xf32, #tpu.memory_space<vmem>>[vector<16xi32>], vector<16xf32>, vector<16xi1>
        %add3A_317 = arith.constant 64 : i32
        %add3A_318 = arith.addi %mul3A_228, %add3A_317 : i32
        %get3A_319 = arith.constant 0 : i32
        %get3A_320 = arith.index_cast %get3A_319 : i32 to index
        %get3A_321 = arith.index_cast %add3A_318 : i32 to index
        %get3A_322 = tpu.vector_load %arg5[%get3A_320, %get3A_321] {strides = array<i32>} : memref<2x12288xi32, #tpu.memory_space<vmem>>, vector<16xi32>,
        %shift_right_logical3A_323 = arith.constant 5 : i32
        %shift_right_logical3A_324 = vector.broadcast %shift_right_logical3A_323 : i32 to vector<16xi32>
        %shift_right_logical3A_325 = arith.shrui %get3A_322, %shift_right_logical3A_324 : vector<16xi32>
        %convert_element_type3A_326 = arith.sitofp %shift_right_logical3A_325 : vector<16xi32> to vector<16xf32>
        %mul3A_327 = vector.broadcast %while3A_4 : f32 to vector<16xf32>
        %mul3A_328 = arith.mulf %convert_element_type3A_326, %mul3A_327 : vector<16xf32>
        %convert_element_type3A_329 = arith.fptosi %mul3A_328 : vector<16xf32> to vector<16xi32>
        %sub3A_330 = vector.broadcast %mul3A_27 : i32 to vector<16xi32>
        %sub3A_331 = arith.subi %convert_element_type3A_329, %sub3A_330 : vector<16xi32>
        %bitcast3A_332 = vector.bitcast %sub3A_331 : vector<16xi32> to vector<16xi32>
        %lt3A_333 = arith.constant 73728 : i32
        %lt3A_334 = vector.broadcast %lt3A_333 : i32 to vector<16xi32>
        %lt3A_335 = arith.cmpi ult, %bitcast3A_332, %lt3A_334 : vector<16xi32>
        %get3A_336 = arith.constant 0 : i32
        %get3A_337 = arith.index_cast %get3A_336 : i32 to index
        %get3A_338 = arith.index_cast %add3A_318 : i32 to index
        %get3A_339 = tpu.vector_load %arg6[%get3A_337, %get3A_338] {strides = array<i32>} : memref<2x12288xf32, #tpu.memory_space<vmem>>, vector<16xf32>,
        tpu.vector_store_idx %arg7[%sub3A_331], %get3A_339 masked %lt3A_335 {add = true} : memref<73728xf32, #tpu.memory_space<vmem>>[vector<16xi32>], vector<16xf32>, vector<16xi1>
        %add3A_340 = arith.constant 80 : i32
        %add3A_341 = arith.addi %mul3A_228, %add3A_340 : i32
        %get3A_342 = arith.constant 0 : i32
        %get3A_343 = arith.index_cast %get3A_342 : i32 to index
        %get3A_344 = arith.index_cast %add3A_341 : i32 to index
        %get3A_345 = tpu.vector_load %arg5[%get3A_343, %get3A_344] {strides = array<i32>} : memref<2x12288xi32, #tpu.memory_space<vmem>>, vector<16xi32>,
        %shift_right_logical3A_346 = arith.constant 5 : i32
        %shift_right_logical3A_347 = vector.broadcast %shift_right_logical3A_346 : i32 to vector<16xi32>
        %shift_right_logical3A_348 = arith.shrui %get3A_345, %shift_right_logical3A_347 : vector<16xi32>
        %convert_element_type3A_349 = arith.sitofp %shift_right_logical3A_348 : vector<16xi32> to vector<16xf32>
        %mul3A_350 = vector.broadcast %while3A_4 : f32 to vector<16xf32>
        %mul3A_351 = arith.mulf %convert_element_type3A_349, %mul3A_350 : vector<16xf32>
        %convert_element_type3A_352 = arith.fptosi %mul3A_351 : vector<16xf32> to vector<16xi32>
        %sub3A_353 = vector.broadcast %mul3A_27 : i32 to vector<16xi32>
        %sub3A_354 = arith.subi %convert_element_type3A_352, %sub3A_353 : vector<16xi32>
        %bitcast3A_355 = vector.bitcast %sub3A_354 : vector<16xi32> to vector<16xi32>
        %lt3A_356 = arith.constant 73728 : i32
        %lt3A_357 = vector.broadcast %lt3A_356 : i32 to vector<16xi32>
        %lt3A_358 = arith.cmpi ult, %bitcast3A_355, %lt3A_357 : vector<16xi32>
        %get3A_359 = arith.constant 0 : i32
        %get3A_360 = arith.index_cast %get3A_359 : i32 to index
        %get3A_361 = arith.index_cast %add3A_341 : i32 to index
        %get3A_362 = tpu.vector_load %arg6[%get3A_360, %get3A_361] {strides = array<i32>} : memref<2x12288xf32, #tpu.memory_space<vmem>>, vector<16xf32>,
        tpu.vector_store_idx %arg7[%sub3A_354], %get3A_362 masked %lt3A_358 {add = true} : memref<73728xf32, #tpu.memory_space<vmem>>[vector<16xi32>], vector<16xf32>, vector<16xi1>
        %add3A_363 = arith.constant 96 : i32
        %add3A_364 = arith.addi %mul3A_228, %add3A_363 : i32
        %get3A_365 = arith.constant 0 : i32
        %get3A_366 = arith.index_cast %get3A_365 : i32 to index
        %get3A_367 = arith.index_cast %add3A_364 : i32 to index
        %get3A_368 = tpu.vector_load %arg5[%get3A_366, %get3A_367] {strides = array<i32>} : memref<2x12288xi32, #tpu.memory_space<vmem>>, vector<16xi32>,
        %shift_right_logical3A_369 = arith.constant 5 : i32
        %shift_right_logical3A_370 = vector.broadcast %shift_right_logical3A_369 : i32 to vector<16xi32>
        %shift_right_logical3A_371 = arith.shrui %get3A_368, %shift_right_logical3A_370 : vector<16xi32>
        %convert_element_type3A_372 = arith.sitofp %shift_right_logical3A_371 : vector<16xi32> to vector<16xf32>
        %mul3A_373 = vector.broadcast %while3A_4 : f32 to vector<16xf32>
        %mul3A_374 = arith.mulf %convert_element_type3A_372, %mul3A_373 : vector<16xf32>
        %convert_element_type3A_375 = arith.fptosi %mul3A_374 : vector<16xf32> to vector<16xi32>
        %sub3A_376 = vector.broadcast %mul3A_27 : i32 to vector<16xi32>
        %sub3A_377 = arith.subi %convert_element_type3A_375, %sub3A_376 : vector<16xi32>
        %bitcast3A_378 = vector.bitcast %sub3A_377 : vector<16xi32> to vector<16xi32>
        %lt3A_379 = arith.constant 73728 : i32
        %lt3A_380 = vector.broadcast %lt3A_379 : i32 to vector<16xi32>
        %lt3A_381 = arith.cmpi ult, %bitcast3A_378, %lt3A_380 : vector<16xi32>
        %get3A_382 = arith.constant 0 : i32
        %get3A_383 = arith.index_cast %get3A_382 : i32 to index
        %get3A_384 = arith.index_cast %add3A_364 : i32 to index
        %get3A_385 = tpu.vector_load %arg6[%get3A_383, %get3A_384] {strides = array<i32>} : memref<2x12288xf32, #tpu.memory_space<vmem>>, vector<16xf32>,
        tpu.vector_store_idx %arg7[%sub3A_377], %get3A_385 masked %lt3A_381 {add = true} : memref<73728xf32, #tpu.memory_space<vmem>>[vector<16xi32>], vector<16xf32>, vector<16xi1>
        %add3A_386 = arith.constant 112 : i32
        %add3A_387 = arith.addi %mul3A_228, %add3A_386 : i32
        %get3A_388 = arith.constant 0 : i32
        %get3A_389 = arith.index_cast %get3A_388 : i32 to index
        %get3A_390 = arith.index_cast %add3A_387 : i32 to index
        %get3A_391 = tpu.vector_load %arg5[%get3A_389, %get3A_390] {strides = array<i32>} : memref<2x12288xi32, #tpu.memory_space<vmem>>, vector<16xi32>,
        %shift_right_logical3A_392 = arith.constant 5 : i32
        %shift_right_logical3A_393 = vector.broadcast %shift_right_logical3A_392 : i32 to vector<16xi32>
        %shift_right_logical3A_394 = arith.shrui %get3A_391, %shift_right_logical3A_393 : vector<16xi32>
        %convert_element_type3A_395 = arith.sitofp %shift_right_logical3A_394 : vector<16xi32> to vector<16xf32>
        %mul3A_396 = vector.broadcast %while3A_4 : f32 to vector<16xf32>
        %mul3A_397 = arith.mulf %convert_element_type3A_395, %mul3A_396 : vector<16xf32>
        %convert_element_type3A_398 = arith.fptosi %mul3A_397 : vector<16xf32> to vector<16xi32>
        %sub3A_399 = vector.broadcast %mul3A_27 : i32 to vector<16xi32>
        %sub3A_400 = arith.subi %convert_element_type3A_398, %sub3A_399 : vector<16xi32>
        %bitcast3A_401 = vector.bitcast %sub3A_400 : vector<16xi32> to vector<16xi32>
        %lt3A_402 = arith.constant 73728 : i32
        %lt3A_403 = vector.broadcast %lt3A_402 : i32 to vector<16xi32>
        %lt3A_404 = arith.cmpi ult, %bitcast3A_401, %lt3A_403 : vector<16xi32>
        %get3A_405 = arith.constant 0 : i32
        %get3A_406 = arith.index_cast %get3A_405 : i32 to index
        %get3A_407 = arith.index_cast %add3A_387 : i32 to index
        %get3A_408 = tpu.vector_load %arg6[%get3A_406, %get3A_407] {strides = array<i32>} : memref<2x12288xf32, #tpu.memory_space<vmem>>, vector<16xf32>,
        tpu.vector_store_idx %arg7[%sub3A_400], %get3A_408 masked %lt3A_404 {add = true} : memref<73728xf32, #tpu.memory_space<vmem>>[vector<16xi32>], vector<16xf32>, vector<16xi1>
      }
      %dma_start3A_220 = arith.constant 0 : i32
      %dma_start3A_221 = tpu.memref_slice %arg4[%add3A_24, %and3A_25, %dma_start3A_220] : memref<384x2x73728xf32, #tpu.memory_space<hbm>> -> memref<1x1x73728xf32, #tpu.memory_space<hbm>>
      %dma_start3A_222 = tpu.memref_squeeze %dma_start3A_221 : memref<1x1x73728xf32, #tpu.memory_space<hbm>> -> memref<73728xf32, #tpu.memory_space<hbm>>
      %dma_start3A_223 = arith.constant 0 : i32
      %dma_start3A_224 = tpu.memref_slice %arg4[%add3A_24, %and3A_25, %dma_start3A_223] : memref<384x2x73728xf32, #tpu.memory_space<hbm>> -> memref<1x1x73728xf32, #tpu.memory_space<hbm>>
      %dma_start3A_225 = tpu.memref_squeeze %dma_start3A_224 : memref<1x1x73728xf32, #tpu.memory_space<hbm>> -> memref<73728xf32, #tpu.memory_space<hbm>>
      tpu.enqueue_dma source(%arg7 : memref<73728xf32, #tpu.memory_space<vmem>>) target(%dma_start3A_225 : memref<73728xf32, #tpu.memory_space<hbm>>) target_semaphore(%arg12 : memref<!tpu.dma_semaphore, #tpu.memory_space<semaphore_mem>>)
    }
    %while3A_14 = arith.constant 1 : i32
    scf.for %while3A_22 = %while3A_12 to %while3A_8 step %while3A_14  : i32 {
      %shift_right_logical3A = arith.constant 1 : i32
      %shift_right_logical3A_23 = arith.shrui %while3A_22, %shift_right_logical3A : i32
      %add3A_24 = arith.addi %mul3A_2, %shift_right_logical3A_23 : i32
      %and3A = arith.constant 1 : i32
      %and3A_25 = arith.andi %while3A_22, %and3A : i32
      %mul3A_26 = arith.constant 73728 : i32
      %mul3A_27 = arith.muli %and3A_25, %mul3A_26 : i32
      %mul3A_28 = arith.constant 0 : i32
      %mul3A_29 = arith.constant 12288 : i32
      %mul3A_30 = arith.muli %mul3A_28, %mul3A_29 : i32
      %dma_start3A = arith.constant 0 : i32
      %dma_start3A_31 = arith.constant 0 : i32
      %dma_start3A_32 = tpu.memref_slice %arg5[%dma_start3A, %dma_start3A_31] : memref<2x12288xi32, #tpu.memory_space<vmem>> -> memref<1x12288xi32, #tpu.memory_space<vmem>>
      %dma_start3A_33 = tpu.memref_squeeze %dma_start3A_32 : memref<1x12288xi32, #tpu.memory_space<vmem>> -> memref<12288xi32, #tpu.memory_space<vmem>>
      %dma_start3A_34 = tpu.memref_slice %arg3[%add3A_24, %mul3A_30] : memref<384x36864xi32, #tpu.memory_space<hbm>> -> memref<1x12288xi32, #tpu.memory_space<hbm>>
      %dma_start3A_35 = tpu.memref_squeeze %dma_start3A_34 : memref<1x12288xi32, #tpu.memory_space<hbm>> -> memref<12288xi32, #tpu.memory_space<hbm>>
      %dma_start3A_36 = arith.constant 0 : i32
      %dma_start3A_37 = tpu.memref_slice %arg5[%dma_start3A, %dma_start3A_36] : memref<2x12288xi32, #tpu.memory_space<vmem>> -> memref<1x12288xi32, #tpu.memory_space<vmem>>
      %dma_start3A_38 = tpu.memref_squeeze %dma_start3A_37 : memref<1x12288xi32, #tpu.memory_space<vmem>> -> memref<12288xi32, #tpu.memory_space<vmem>>
      %dma_start3A_39 = tpu.memref_slice %arg3[%add3A_24, %mul3A_30] : memref<384x36864xi32, #tpu.memory_space<hbm>> -> memref<1x12288xi32, #tpu.memory_space<hbm>>
      %dma_start3A_40 = tpu.memref_squeeze %dma_start3A_39 : memref<1x12288xi32, #tpu.memory_space<hbm>> -> memref<12288xi32, #tpu.memory_space<hbm>>
      tpu.enqueue_dma source(%dma_start3A_40 : memref<12288xi32, #tpu.memory_space<hbm>>) target(%dma_start3A_38 : memref<12288xi32, #tpu.memory_space<vmem>>) target_semaphore(%arg8 : memref<!tpu.dma_semaphore, #tpu.memory_space<semaphore_mem>>)
      %dma_start3A_41 = arith.constant 0 : i32
      %dma_start3A_42 = arith.constant 0 : i32
      %dma_start3A_43 = tpu.memref_slice %arg6[%dma_start3A_41, %dma_start3A_42] : memref<2x12288xf32, #tpu.memory_space<vmem>> -> memref<1x12288xf32, #tpu.memory_space<vmem>>
      %dma_start3A_44 = tpu.memref_squeeze %dma_start3A_43 : memref<1x12288xf32, #tpu.memory_space<vmem>> -> memref<12288xf32, #tpu.memory_space<vmem>>
      %dma_start3A_45 = tpu.memref_slice %arg2[%add3A_24, %mul3A_30] : memref<384x36864xf32, #tpu.memory_space<hbm>> -> memref<1x12288xf32, #tpu.memory_space<hbm>>
      %dma_start3A_46 = tpu.memref_squeeze %dma_start3A_45 : memref<1x12288xf32, #tpu.memory_space<hbm>> -> memref<12288xf32, #tpu.memory_space<hbm>>
      %dma_start3A_47 = arith.constant 0 : i32
      %dma_start3A_48 = tpu.memref_slice %arg6[%dma_start3A_41, %dma_start3A_47] : memref<2x12288xf32, #tpu.memory_space<vmem>> -> memref<1x12288xf32, #tpu.memory_space<vmem>>
      %dma_start3A_49 = tpu.memref_squeeze %dma_start3A_48 : memref<1x12288xf32, #tpu.memory_space<vmem>> -> memref<12288xf32, #tpu.memory_space<vmem>>
      %dma_start3A_50 = tpu.memref_slice %arg2[%add3A_24, %mul3A_30] : memref<384x36864xf32, #tpu.memory_space<hbm>> -> memref<1x12288xf32, #tpu.memory_space<hbm>>
      %dma_start3A_51 = tpu.memref_squeeze %dma_start3A_50 : memref<1x12288xf32, #tpu.memory_space<hbm>> -> memref<12288xf32, #tpu.memory_space<hbm>>
      tpu.enqueue_dma source(%dma_start3A_51 : memref<12288xf32, #tpu.memory_space<hbm>>) target(%dma_start3A_49 : memref<12288xf32, #tpu.memory_space<vmem>>) target_semaphore(%arg10 : memref<!tpu.dma_semaphore, #tpu.memory_space<semaphore_mem>>)
      %gt3A = arith.constant 0 : i32
      %gt3A_52 = arith.cmpi sgt, %while3A_22, %gt3A : i32
      %convert_element_type3A = arith.extui %gt3A_52 : i1 to i32
      %cond3A = arith.constant 0 : i32
      %cond3A_53 = arith.cmpi ne, %convert_element_type3A, %cond3A : i32
      scf.if %cond3A_53 {
        %dma_wait3A_226 = arith.constant 0 : i32
        %dma_wait3A_227 = tpu.memref_slice %arg4[%add3A_24, %and3A_25, %dma_wait3A_226] : memref<384x2x73728xf32, #tpu.memory_space<hbm>> -> memref<1x1x73728xf32, #tpu.memory_space<hbm>>
        %dma_wait3A_228 = tpu.memref_squeeze %dma_wait3A_227 : memref<1x1x73728xf32, #tpu.memory_space<hbm>> -> memref<73728xf32, #tpu.memory_space<hbm>>
        %dma_wait3A_229 = arith.constant 0 : i32
        %dma_wait3A_230 = tpu.memref_slice %arg4[%add3A_24, %and3A_25, %dma_wait3A_229] : memref<384x2x73728xf32, #tpu.memory_space<hbm>> -> memref<1x1x73728xf32, #tpu.memory_space<hbm>>
        %dma_wait3A_231 = tpu.memref_squeeze %dma_wait3A_230 : memref<1x1x73728xf32, #tpu.memory_space<hbm>> -> memref<73728xf32, #tpu.memory_space<hbm>>
        tpu.wait_dma2 semaphore(%arg12 : memref<!tpu.dma_semaphore, #tpu.memory_space<semaphore_mem>>) src(%arg7 : memref<73728xf32, #tpu.memory_space<vmem>>) dst(%dma_wait3A_231 : memref<73728xf32, #tpu.memory_space<hbm>>)
      } else {
      }
      %while3A_54 = arith.constant 0 : i32
      %while3A_55 = arith.constant 0 : i32
      %while3A_56 = arith.constant 576 : i32
      %while3A_57 = arith.subi %while3A_56, %while3A_55 : i32
      %while3A_58 = arith.addi %while3A_55, %while3A_57 : i32
      %while3A_59 = arith.constant 1 : i32
      %while3A_60 = arith.divsi %while3A_57, %while3A_59 : i32
      %while3A_61 = arith.muli %while3A_60, %while3A_59 : i32
      %while3A_62 = arith.addi %while3A_55, %while3A_61 : i32
      %while3A_63 = arith.constant 1 : i32
      scf.for %while3A_226 = %while3A_55 to %while3A_62 step %while3A_63  : i32 {
        %mul3A_227 = arith.constant 128 : i32
        %mul3A_228 = arith.muli %while3A_226, %mul3A_227 : i32
        %add3A_229 = arith.constant 0 : i32
        %add3A_230 = arith.addi %mul3A_228, %add3A_229 : i32
        %swap3A = arith.index_cast %add3A_230 : i32 to index
        %swap3A_231 = tpu.vector_load %arg7[%swap3A] {strides = array<i32>} : memref<73728xf32, #tpu.memory_space<vmem>>, vector<16xf32>,
        tpu.vector_store %arg7[%swap3A], %broadcast_in_dim3A_3 {strides = array<i32>} : memref<73728xf32, #tpu.memory_space<vmem>>, vector<16xf32>,
        %add3A_232 = arith.constant 16 : i32
        %add3A_233 = arith.addi %mul3A_228, %add3A_232 : i32
        %swap3A_234 = arith.index_cast %add3A_233 : i32 to index
        %swap3A_235 = tpu.vector_load %arg7[%swap3A_234] {strides = array<i32>} : memref<73728xf32, #tpu.memory_space<vmem>>, vector<16xf32>,
        tpu.vector_store %arg7[%swap3A_234], %broadcast_in_dim3A_3 {strides = array<i32>} : memref<73728xf32, #tpu.memory_space<vmem>>, vector<16xf32>,
        %add3A_236 = arith.constant 32 : i32
        %add3A_237 = arith.addi %mul3A_228, %add3A_236 : i32
        %swap3A_238 = arith.index_cast %add3A_237 : i32 to index
        %swap3A_239 = tpu.vector_load %arg7[%swap3A_238] {strides = array<i32>} : memref<73728xf32, #tpu.memory_space<vmem>>, vector<16xf32>,
        tpu.vector_store %arg7[%swap3A_238], %broadcast_in_dim3A_3 {strides = array<i32>} : memref<73728xf32, #tpu.memory_space<vmem>>, vector<16xf32>,
        %add3A_240 = arith.constant 48 : i32
        %add3A_241 = arith.addi %mul3A_228, %add3A_240 : i32
        %swap3A_242 = arith.index_cast %add3A_241 : i32 to index
        %swap3A_243 = tpu.vector_load %arg7[%swap3A_242] {strides = array<i32>} : memref<73728xf32, #tpu.memory_space<vmem>>, vector<16xf32>,
        tpu.vector_store %arg7[%swap3A_242], %broadcast_in_dim3A_3 {strides = array<i32>} : memref<73728xf32, #tpu.memory_space<vmem>>, vector<16xf32>,
        %add3A_244 = arith.constant 64 : i32
        %add3A_245 = arith.addi %mul3A_228, %add3A_244 : i32
        %swap3A_246 = arith.index_cast %add3A_245 : i32 to index
        %swap3A_247 = tpu.vector_load %arg7[%swap3A_246] {strides = array<i32>} : memref<73728xf32, #tpu.memory_space<vmem>>, vector<16xf32>,
        tpu.vector_store %arg7[%swap3A_246], %broadcast_in_dim3A_3 {strides = array<i32>} : memref<73728xf32, #tpu.memory_space<vmem>>, vector<16xf32>,
        %add3A_248 = arith.constant 80 : i32
        %add3A_249 = arith.addi %mul3A_228, %add3A_248 : i32
        %swap3A_250 = arith.index_cast %add3A_249 : i32 to index
        %swap3A_251 = tpu.vector_load %arg7[%swap3A_250] {strides = array<i32>} : memref<73728xf32, #tpu.memory_space<vmem>>, vector<16xf32>,
        tpu.vector_store %arg7[%swap3A_250], %broadcast_in_dim3A_3 {strides = array<i32>} : memref<73728xf32, #tpu.memory_space<vmem>>, vector<16xf32>,
        %add3A_252 = arith.constant 96 : i32
        %add3A_253 = arith.addi %mul3A_228, %add3A_252 : i32
        %swap3A_254 = arith.index_cast %add3A_253 : i32 to index
        %swap3A_255 = tpu.vector_load %arg7[%swap3A_254] {strides = array<i32>} : memref<73728xf32, #tpu.memory_space<vmem>>, vector<16xf32>,
        tpu.vector_store %arg7[%swap3A_254], %broadcast_in_dim3A_3 {strides = array<i32>} : memref<73728xf32, #tpu.memory_space<vmem>>, vector<16xf32>,
        %add3A_256 = arith.constant 112 : i32
        %add3A_257 = arith.addi %mul3A_228, %add3A_256 : i32
        %swap3A_258 = arith.index_cast %add3A_257 : i32 to index
        %swap3A_259 = tpu.vector_load %arg7[%swap3A_258] {strides = array<i32>} : memref<73728xf32, #tpu.memory_space<vmem>>, vector<16xf32>,
        tpu.vector_store %arg7[%swap3A_258], %broadcast_in_dim3A_3 {strides = array<i32>} : memref<73728xf32, #tpu.memory_space<vmem>>, vector<16xf32>,
      }
      %while3A_64 = arith.constant 1 : i32
      scf.for %while3A_226 = %while3A_62 to %while3A_58 step %while3A_64  : i32 {
        %mul3A_227 = arith.constant 128 : i32
        %mul3A_228 = arith.muli %while3A_226, %mul3A_227 : i32
        %add3A_229 = arith.constant 0 : i32
        %add3A_230 = arith.addi %mul3A_228, %add3A_229 : i32
        %swap3A = arith.index_cast %add3A_230 : i32 to index
        %swap3A_231 = tpu.vector_load %arg7[%swap3A] {strides = array<i32>} : memref<73728xf32, #tpu.memory_space<vmem>>, vector<16xf32>,
        tpu.vector_store %arg7[%swap3A], %broadcast_in_dim3A_3 {strides = array<i32>} : memref<73728xf32, #tpu.memory_space<vmem>>, vector<16xf32>,
        %add3A_232 = arith.constant 16 : i32
        %add3A_233 = arith.addi %mul3A_228, %add3A_232 : i32
        %swap3A_234 = arith.index_cast %add3A_233 : i32 to index
        %swap3A_235 = tpu.vector_load %arg7[%swap3A_234] {strides = array<i32>} : memref<73728xf32, #tpu.memory_space<vmem>>, vector<16xf32>,
        tpu.vector_store %arg7[%swap3A_234], %broadcast_in_dim3A_3 {strides = array<i32>} : memref<73728xf32, #tpu.memory_space<vmem>>, vector<16xf32>,
        %add3A_236 = arith.constant 32 : i32
        %add3A_237 = arith.addi %mul3A_228, %add3A_236 : i32
        %swap3A_238 = arith.index_cast %add3A_237 : i32 to index
        %swap3A_239 = tpu.vector_load %arg7[%swap3A_238] {strides = array<i32>} : memref<73728xf32, #tpu.memory_space<vmem>>, vector<16xf32>,
        tpu.vector_store %arg7[%swap3A_238], %broadcast_in_dim3A_3 {strides = array<i32>} : memref<73728xf32, #tpu.memory_space<vmem>>, vector<16xf32>,
        %add3A_240 = arith.constant 48 : i32
        %add3A_241 = arith.addi %mul3A_228, %add3A_240 : i32
        %swap3A_242 = arith.index_cast %add3A_241 : i32 to index
        %swap3A_243 = tpu.vector_load %arg7[%swap3A_242] {strides = array<i32>} : memref<73728xf32, #tpu.memory_space<vmem>>, vector<16xf32>,
        tpu.vector_store %arg7[%swap3A_242], %broadcast_in_dim3A_3 {strides = array<i32>} : memref<73728xf32, #tpu.memory_space<vmem>>, vector<16xf32>,
        %add3A_244 = arith.constant 64 : i32
        %add3A_245 = arith.addi %mul3A_228, %add3A_244 : i32
        %swap3A_246 = arith.index_cast %add3A_245 : i32 to index
        %swap3A_247 = tpu.vector_load %arg7[%swap3A_246] {strides = array<i32>} : memref<73728xf32, #tpu.memory_space<vmem>>, vector<16xf32>,
        tpu.vector_store %arg7[%swap3A_246], %broadcast_in_dim3A_3 {strides = array<i32>} : memref<73728xf32, #tpu.memory_space<vmem>>, vector<16xf32>,
        %add3A_248 = arith.constant 80 : i32
        %add3A_249 = arith.addi %mul3A_228, %add3A_248 : i32
        %swap3A_250 = arith.index_cast %add3A_249 : i32 to index
        %swap3A_251 = tpu.vector_load %arg7[%swap3A_250] {strides = array<i32>} : memref<73728xf32, #tpu.memory_space<vmem>>, vector<16xf32>,
        tpu.vector_store %arg7[%swap3A_250], %broadcast_in_dim3A_3 {strides = array<i32>} : memref<73728xf32, #tpu.memory_space<vmem>>, vector<16xf32>,
        %add3A_252 = arith.constant 96 : i32
        %add3A_253 = arith.addi %mul3A_228, %add3A_252 : i32
        %swap3A_254 = arith.index_cast %add3A_253 : i32 to index
        %swap3A_255 = tpu.vector_load %arg7[%swap3A_254] {strides = array<i32>} : memref<73728xf32, #tpu.memory_space<vmem>>, vector<16xf32>,
        tpu.vector_store %arg7[%swap3A_254], %broadcast_in_dim3A_3 {strides = array<i32>} : memref<73728xf32, #tpu.memory_space<vmem>>, vector<16xf32>,
        %add3A_256 = arith.constant 112 : i32
        %add3A_257 = arith.addi %mul3A_228, %add3A_256 : i32
        %swap3A_258 = arith.index_cast %add3A_257 : i32 to index
        %swap3A_259 = tpu.vector_load %arg7[%swap3A_258] {strides = array<i32>} : memref<73728xf32, #tpu.memory_space<vmem>>, vector<16xf32>,
        tpu.vector_store %arg7[%swap3A_258], %broadcast_in_dim3A_3 {strides = array<i32>} : memref<73728xf32, #tpu.memory_space<vmem>>, vector<16xf32>,
      }
      %mul3A_65 = arith.constant 1 : i32
      %mul3A_66 = arith.constant 12288 : i32
      %mul3A_67 = arith.muli %mul3A_65, %mul3A_66 : i32
      %dma_start3A_68 = arith.constant 1 : i32
      %dma_start3A_69 = arith.constant 0 : i32
      %dma_start3A_70 = tpu.memref_slice %arg5[%dma_start3A_68, %dma_start3A_69] : memref<2x12288xi32, #tpu.memory_space<vmem>> -> memref<1x12288xi32, #tpu.memory_space<vmem>>
      %dma_start3A_71 = tpu.memref_squeeze %dma_start3A_70 : memref<1x12288xi32, #tpu.memory_space<vmem>> -> memref<12288xi32, #tpu.memory_space<vmem>>
      %dma_start3A_72 = tpu.memref_slice %arg3[%add3A_24, %mul3A_67] : memref<384x36864xi32, #tpu.memory_space<hbm>> -> memref<1x12288xi32, #tpu.memory_space<hbm>>
      %dma_start3A_73 = tpu.memref_squeeze %dma_start3A_72 : memref<1x12288xi32, #tpu.memory_space<hbm>> -> memref<12288xi32, #tpu.memory_space<hbm>>
      %dma_start3A_74 = arith.constant 0 : i32
      %dma_start3A_75 = tpu.memref_slice %arg5[%dma_start3A_68, %dma_start3A_74] : memref<2x12288xi32, #tpu.memory_space<vmem>> -> memref<1x12288xi32, #tpu.memory_space<vmem>>
      %dma_start3A_76 = tpu.memref_squeeze %dma_start3A_75 : memref<1x12288xi32, #tpu.memory_space<vmem>> -> memref<12288xi32, #tpu.memory_space<vmem>>
      %dma_start3A_77 = tpu.memref_slice %arg3[%add3A_24, %mul3A_67] : memref<384x36864xi32, #tpu.memory_space<hbm>> -> memref<1x12288xi32, #tpu.memory_space<hbm>>
      %dma_start3A_78 = tpu.memref_squeeze %dma_start3A_77 : memref<1x12288xi32, #tpu.memory_space<hbm>> -> memref<12288xi32, #tpu.memory_space<hbm>>
      tpu.enqueue_dma source(%dma_start3A_78 : memref<12288xi32, #tpu.memory_space<hbm>>) target(%dma_start3A_76 : memref<12288xi32, #tpu.memory_space<vmem>>) target_semaphore(%arg9 : memref<!tpu.dma_semaphore, #tpu.memory_space<semaphore_mem>>)
      %dma_start3A_79 = arith.constant 1 : i32
      %dma_start3A_80 = arith.constant 0 : i32
      %dma_start3A_81 = tpu.memref_slice %arg6[%dma_start3A_79, %dma_start3A_80] : memref<2x12288xf32, #tpu.memory_space<vmem>> -> memref<1x12288xf32, #tpu.memory_space<vmem>>
      %dma_start3A_82 = tpu.memref_squeeze %dma_start3A_81 : memref<1x12288xf32, #tpu.memory_space<vmem>> -> memref<12288xf32, #tpu.memory_space<vmem>>
      %dma_start3A_83 = tpu.memref_slice %arg2[%add3A_24, %mul3A_67] : memref<384x36864xf32, #tpu.memory_space<hbm>> -> memref<1x12288xf32, #tpu.memory_space<hbm>>
      %dma_start3A_84 = tpu.memref_squeeze %dma_start3A_83 : memref<1x12288xf32, #tpu.memory_space<hbm>> -> memref<12288xf32, #tpu.memory_space<hbm>>
      %dma_start3A_85 = arith.constant 0 : i32
      %dma_start3A_86 = tpu.memref_slice %arg6[%dma_start3A_79, %dma_start3A_85] : memref<2x12288xf32, #tpu.memory_space<vmem>> -> memref<1x12288xf32, #tpu.memory_space<vmem>>
      %dma_start3A_87 = tpu.memref_squeeze %dma_start3A_86 : memref<1x12288xf32, #tpu.memory_space<vmem>> -> memref<12288xf32, #tpu.memory_space<vmem>>
      %dma_start3A_88 = tpu.memref_slice %arg2[%add3A_24, %mul3A_67] : memref<384x36864xf32, #tpu.memory_space<hbm>> -> memref<1x12288xf32, #tpu.memory_space<hbm>>
      %dma_start3A_89 = tpu.memref_squeeze %dma_start3A_88 : memref<1x12288xf32, #tpu.memory_space<hbm>> -> memref<12288xf32, #tpu.memory_space<hbm>>
      tpu.enqueue_dma source(%dma_start3A_89 : memref<12288xf32, #tpu.memory_space<hbm>>) target(%dma_start3A_87 : memref<12288xf32, #tpu.memory_space<vmem>>) target_semaphore(%arg11 : memref<!tpu.dma_semaphore, #tpu.memory_space<semaphore_mem>>)
      %dma_wait3A_90 = arith.constant 0 : i32
      %dma_wait3A_91 = arith.constant 0 : i32
      %dma_wait3A_92 = arith.constant 0 : i32
      %dma_wait3A_93 = tpu.memref_slice %arg5[%dma_wait3A_91, %dma_wait3A_92] : memref<2x12288xi32, #tpu.memory_space<vmem>> -> memref<1x12288xi32, #tpu.memory_space<vmem>>
      %dma_wait3A_94 = tpu.memref_squeeze %dma_wait3A_93 : memref<1x12288xi32, #tpu.memory_space<vmem>> -> memref<12288xi32, #tpu.memory_space<vmem>>
      %dma_wait3A_95 = tpu.memref_slice %arg3[%add3A_24, %dma_wait3A_90] : memref<384x36864xi32, #tpu.memory_space<hbm>> -> memref<1x12288xi32, #tpu.memory_space<hbm>>
      %dma_wait3A_96 = tpu.memref_squeeze %dma_wait3A_95 : memref<1x12288xi32, #tpu.memory_space<hbm>> -> memref<12288xi32, #tpu.memory_space<hbm>>
      %dma_wait3A_97 = arith.constant 0 : i32
      %dma_wait3A_98 = tpu.memref_slice %arg5[%dma_wait3A_91, %dma_wait3A_97] : memref<2x12288xi32, #tpu.memory_space<vmem>> -> memref<1x12288xi32, #tpu.memory_space<vmem>>
      %dma_wait3A_99 = tpu.memref_squeeze %dma_wait3A_98 : memref<1x12288xi32, #tpu.memory_space<vmem>> -> memref<12288xi32, #tpu.memory_space<vmem>>
      %dma_wait3A_100 = tpu.memref_slice %arg3[%add3A_24, %dma_wait3A_90] : memref<384x36864xi32, #tpu.memory_space<hbm>> -> memref<1x12288xi32, #tpu.memory_space<hbm>>
      %dma_wait3A_101 = tpu.memref_squeeze %dma_wait3A_100 : memref<1x12288xi32, #tpu.memory_space<hbm>> -> memref<12288xi32, #tpu.memory_space<hbm>>
      tpu.wait_dma2 semaphore(%arg8 : memref<!tpu.dma_semaphore, #tpu.memory_space<semaphore_mem>>) src(%dma_wait3A_101 : memref<12288xi32, #tpu.memory_space<hbm>>) dst(%dma_wait3A_99 : memref<12288xi32, #tpu.memory_space<vmem>>)
      %dma_wait3A_102 = arith.constant 0 : i32
      %dma_wait3A_103 = arith.constant 0 : i32
      %dma_wait3A_104 = arith.constant 0 : i32
      %dma_wait3A_105 = tpu.memref_slice %arg6[%dma_wait3A_103, %dma_wait3A_104] : memref<2x12288xf32, #tpu.memory_space<vmem>> -> memref<1x12288xf32, #tpu.memory_space<vmem>>
      %dma_wait3A_106 = tpu.memref_squeeze %dma_wait3A_105 : memref<1x12288xf32, #tpu.memory_space<vmem>> -> memref<12288xf32, #tpu.memory_space<vmem>>
      %dma_wait3A_107 = tpu.memref_slice %arg2[%add3A_24, %dma_wait3A_102] : memref<384x36864xf32, #tpu.memory_space<hbm>> -> memref<1x12288xf32, #tpu.memory_space<hbm>>
      %dma_wait3A_108 = tpu.memref_squeeze %dma_wait3A_107 : memref<1x12288xf32, #tpu.memory_space<hbm>> -> memref<12288xf32, #tpu.memory_space<hbm>>
      %dma_wait3A_109 = arith.constant 0 : i32
      %dma_wait3A_110 = tpu.memref_slice %arg6[%dma_wait3A_103, %dma_wait3A_109] : memref<2x12288xf32, #tpu.memory_space<vmem>> -> memref<1x12288xf32, #tpu.memory_space<vmem>>
      %dma_wait3A_111 = tpu.memref_squeeze %dma_wait3A_110 : memref<1x12288xf32, #tpu.memory_space<vmem>> -> memref<12288xf32, #tpu.memory_space<vmem>>
      %dma_wait3A_112 = tpu.memref_slice %arg2[%add3A_24, %dma_wait3A_102] : memref<384x36864xf32, #tpu.memory_space<hbm>> -> memref<1x12288xf32, #tpu.memory_space<hbm>>
      %dma_wait3A_113 = tpu.memref_squeeze %dma_wait3A_112 : memref<1x12288xf32, #tpu.memory_space<hbm>> -> memref<12288xf32, #tpu.memory_space<hbm>>
      tpu.wait_dma2 semaphore(%arg10 : memref<!tpu.dma_semaphore, #tpu.memory_space<semaphore_mem>>) src(%dma_wait3A_113 : memref<12288xf32, #tpu.memory_space<hbm>>) dst(%dma_wait3A_111 : memref<12288xf32, #tpu.memory_space<vmem>>)
      %while3A_114 = arith.constant 0 : i32
      %while3A_115 = arith.constant 0 : i32
      %while3A_116 = arith.constant 96 : i32
      %while3A_117 = arith.subi %while3A_116, %while3A_115 : i32
      %while3A_118 = arith.addi %while3A_115, %while3A_117 : i32
      %while3A_119 = arith.constant 1 : i32
      %while3A_120 = arith.divsi %while3A_117, %while3A_119 : i32
      %while3A_121 = arith.muli %while3A_120, %while3A_119 : i32
      %while3A_122 = arith.addi %while3A_115, %while3A_121 : i32
      %while3A_123 = arith.constant 1 : i32
      scf.for %while3A_226 = %while3A_115 to %while3A_122 step %while3A_123  : i32 {
        %mul3A_227 = arith.constant 128 : i32
        %mul3A_228 = arith.muli %while3A_226, %mul3A_227 : i32
        %add3A_229 = arith.constant 0 : i32
        %add3A_230 = arith.addi %mul3A_228, %add3A_229 : i32
        %get3A = arith.constant 0 : i32
        %get3A_231 = arith.index_cast %get3A : i32 to index
        %get3A_232 = arith.index_cast %add3A_230 : i32 to index
        %get3A_233 = tpu.vector_load %arg5[%get3A_231, %get3A_232] {strides = array<i32>} : memref<2x12288xi32, #tpu.memory_space<vmem>>, vector<16xi32>,
        %shift_right_logical3A_234 = arith.constant 5 : i32
        %shift_right_logical3A_235 = vector.broadcast %shift_right_logical3A_234 : i32 to vector<16xi32>
        %shift_right_logical3A_236 = arith.shrui %get3A_233, %shift_right_logical3A_235 : vector<16xi32>
        %convert_element_type3A_237 = arith.sitofp %shift_right_logical3A_236 : vector<16xi32> to vector<16xf32>
        %mul3A_238 = vector.broadcast %while3A_4 : f32 to vector<16xf32>
        %mul3A_239 = arith.mulf %convert_element_type3A_237, %mul3A_238 : vector<16xf32>
        %convert_element_type3A_240 = arith.fptosi %mul3A_239 : vector<16xf32> to vector<16xi32>
        %sub3A = vector.broadcast %mul3A_27 : i32 to vector<16xi32>
        %sub3A_241 = arith.subi %convert_element_type3A_240, %sub3A : vector<16xi32>
        %bitcast3A = vector.bitcast %sub3A_241 : vector<16xi32> to vector<16xi32>
        %lt3A = arith.constant 73728 : i32
        %lt3A_242 = vector.broadcast %lt3A : i32 to vector<16xi32>
        %lt3A_243 = arith.cmpi ult, %bitcast3A, %lt3A_242 : vector<16xi32>
        %get3A_244 = arith.constant 0 : i32
        %get3A_245 = arith.index_cast %get3A_244 : i32 to index
        %get3A_246 = arith.index_cast %add3A_230 : i32 to index
        %get3A_247 = tpu.vector_load %arg6[%get3A_245, %get3A_246] {strides = array<i32>} : memref<2x12288xf32, #tpu.memory_space<vmem>>, vector<16xf32>,
        tpu.vector_store_idx %arg7[%sub3A_241], %get3A_247 masked %lt3A_243 {add = true} : memref<73728xf32, #tpu.memory_space<vmem>>[vector<16xi32>], vector<16xf32>, vector<16xi1>
        %add3A_248 = arith.constant 16 : i32
        %add3A_249 = arith.addi %mul3A_228, %add3A_248 : i32
        %get3A_250 = arith.constant 0 : i32
        %get3A_251 = arith.index_cast %get3A_250 : i32 to index
        %get3A_252 = arith.index_cast %add3A_249 : i32 to index
        %get3A_253 = tpu.vector_load %arg5[%get3A_251, %get3A_252] {strides = array<i32>} : memref<2x12288xi32, #tpu.memory_space<vmem>>, vector<16xi32>,
        %shift_right_logical3A_254 = arith.constant 5 : i32
        %shift_right_logical3A_255 = vector.broadcast %shift_right_logical3A_254 : i32 to vector<16xi32>
        %shift_right_logical3A_256 = arith.shrui %get3A_253, %shift_right_logical3A_255 : vector<16xi32>
        %convert_element_type3A_257 = arith.sitofp %shift_right_logical3A_256 : vector<16xi32> to vector<16xf32>
        %mul3A_258 = vector.broadcast %while3A_4 : f32 to vector<16xf32>
        %mul3A_259 = arith.mulf %convert_element_type3A_257, %mul3A_258 : vector<16xf32>
        %convert_element_type3A_260 = arith.fptosi %mul3A_259 : vector<16xf32> to vector<16xi32>
        %sub3A_261 = vector.broadcast %mul3A_27 : i32 to vector<16xi32>
        %sub3A_262 = arith.subi %convert_element_type3A_260, %sub3A_261 : vector<16xi32>
        %bitcast3A_263 = vector.bitcast %sub3A_262 : vector<16xi32> to vector<16xi32>
        %lt3A_264 = arith.constant 73728 : i32
        %lt3A_265 = vector.broadcast %lt3A_264 : i32 to vector<16xi32>
        %lt3A_266 = arith.cmpi ult, %bitcast3A_263, %lt3A_265 : vector<16xi32>
        %get3A_267 = arith.constant 0 : i32
        %get3A_268 = arith.index_cast %get3A_267 : i32 to index
        %get3A_269 = arith.index_cast %add3A_249 : i32 to index
        %get3A_270 = tpu.vector_load %arg6[%get3A_268, %get3A_269] {strides = array<i32>} : memref<2x12288xf32, #tpu.memory_space<vmem>>, vector<16xf32>,
        tpu.vector_store_idx %arg7[%sub3A_262], %get3A_270 masked %lt3A_266 {add = true} : memref<73728xf32, #tpu.memory_space<vmem>>[vector<16xi32>], vector<16xf32>, vector<16xi1>
        %add3A_271 = arith.constant 32 : i32
        %add3A_272 = arith.addi %mul3A_228, %add3A_271 : i32
        %get3A_273 = arith.constant 0 : i32
        %get3A_274 = arith.index_cast %get3A_273 : i32 to index
        %get3A_275 = arith.index_cast %add3A_272 : i32 to index
        %get3A_276 = tpu.vector_load %arg5[%get3A_274, %get3A_275] {strides = array<i32>} : memref<2x12288xi32, #tpu.memory_space<vmem>>, vector<16xi32>,
        %shift_right_logical3A_277 = arith.constant 5 : i32
        %shift_right_logical3A_278 = vector.broadcast %shift_right_logical3A_277 : i32 to vector<16xi32>
        %shift_right_logical3A_279 = arith.shrui %get3A_276, %shift_right_logical3A_278 : vector<16xi32>
        %convert_element_type3A_280 = arith.sitofp %shift_right_logical3A_279 : vector<16xi32> to vector<16xf32>
        %mul3A_281 = vector.broadcast %while3A_4 : f32 to vector<16xf32>
        %mul3A_282 = arith.mulf %convert_element_type3A_280, %mul3A_281 : vector<16xf32>
        %convert_element_type3A_283 = arith.fptosi %mul3A_282 : vector<16xf32> to vector<16xi32>
        %sub3A_284 = vector.broadcast %mul3A_27 : i32 to vector<16xi32>
        %sub3A_285 = arith.subi %convert_element_type3A_283, %sub3A_284 : vector<16xi32>
        %bitcast3A_286 = vector.bitcast %sub3A_285 : vector<16xi32> to vector<16xi32>
        %lt3A_287 = arith.constant 73728 : i32
        %lt3A_288 = vector.broadcast %lt3A_287 : i32 to vector<16xi32>
        %lt3A_289 = arith.cmpi ult, %bitcast3A_286, %lt3A_288 : vector<16xi32>
        %get3A_290 = arith.constant 0 : i32
        %get3A_291 = arith.index_cast %get3A_290 : i32 to index
        %get3A_292 = arith.index_cast %add3A_272 : i32 to index
        %get3A_293 = tpu.vector_load %arg6[%get3A_291, %get3A_292] {strides = array<i32>} : memref<2x12288xf32, #tpu.memory_space<vmem>>, vector<16xf32>,
        tpu.vector_store_idx %arg7[%sub3A_285], %get3A_293 masked %lt3A_289 {add = true} : memref<73728xf32, #tpu.memory_space<vmem>>[vector<16xi32>], vector<16xf32>, vector<16xi1>
        %add3A_294 = arith.constant 48 : i32
        %add3A_295 = arith.addi %mul3A_228, %add3A_294 : i32
        %get3A_296 = arith.constant 0 : i32
        %get3A_297 = arith.index_cast %get3A_296 : i32 to index
        %get3A_298 = arith.index_cast %add3A_295 : i32 to index
        %get3A_299 = tpu.vector_load %arg5[%get3A_297, %get3A_298] {strides = array<i32>} : memref<2x12288xi32, #tpu.memory_space<vmem>>, vector<16xi32>,
        %shift_right_logical3A_300 = arith.constant 5 : i32
        %shift_right_logical3A_301 = vector.broadcast %shift_right_logical3A_300 : i32 to vector<16xi32>
        %shift_right_logical3A_302 = arith.shrui %get3A_299, %shift_right_logical3A_301 : vector<16xi32>
        %convert_element_type3A_303 = arith.sitofp %shift_right_logical3A_302 : vector<16xi32> to vector<16xf32>
        %mul3A_304 = vector.broadcast %while3A_4 : f32 to vector<16xf32>
        %mul3A_305 = arith.mulf %convert_element_type3A_303, %mul3A_304 : vector<16xf32>
        %convert_element_type3A_306 = arith.fptosi %mul3A_305 : vector<16xf32> to vector<16xi32>
        %sub3A_307 = vector.broadcast %mul3A_27 : i32 to vector<16xi32>
        %sub3A_308 = arith.subi %convert_element_type3A_306, %sub3A_307 : vector<16xi32>
        %bitcast3A_309 = vector.bitcast %sub3A_308 : vector<16xi32> to vector<16xi32>
        %lt3A_310 = arith.constant 73728 : i32
        %lt3A_311 = vector.broadcast %lt3A_310 : i32 to vector<16xi32>
        %lt3A_312 = arith.cmpi ult, %bitcast3A_309, %lt3A_311 : vector<16xi32>
        %get3A_313 = arith.constant 0 : i32
        %get3A_314 = arith.index_cast %get3A_313 : i32 to index
        %get3A_315 = arith.index_cast %add3A_295 : i32 to index
        %get3A_316 = tpu.vector_load %arg6[%get3A_314, %get3A_315] {strides = array<i32>} : memref<2x12288xf32, #tpu.memory_space<vmem>>, vector<16xf32>,
        tpu.vector_store_idx %arg7[%sub3A_308], %get3A_316 masked %lt3A_312 {add = true} : memref<73728xf32, #tpu.memory_space<vmem>>[vector<16xi32>], vector<16xf32>, vector<16xi1>
        %add3A_317 = arith.constant 64 : i32
        %add3A_318 = arith.addi %mul3A_228, %add3A_317 : i32
        %get3A_319 = arith.constant 0 : i32
        %get3A_320 = arith.index_cast %get3A_319 : i32 to index
        %get3A_321 = arith.index_cast %add3A_318 : i32 to index
        %get3A_322 = tpu.vector_load %arg5[%get3A_320, %get3A_321] {strides = array<i32>} : memref<2x12288xi32, #tpu.memory_space<vmem>>, vector<16xi32>,
        %shift_right_logical3A_323 = arith.constant 5 : i32
        %shift_right_logical3A_324 = vector.broadcast %shift_right_logical3A_323 : i32 to vector<16xi32>
        %shift_right_logical3A_325 = arith.shrui %get3A_322, %shift_right_logical3A_324 : vector<16xi32>
        %convert_element_type3A_326 = arith.sitofp %shift_right_logical3A_325 : vector<16xi32> to vector<16xf32>
        %mul3A_327 = vector.broadcast %while3A_4 : f32 to vector<16xf32>
        %mul3A_328 = arith.mulf %convert_element_type3A_326, %mul3A_327 : vector<16xf32>
        %convert_element_type3A_329 = arith.fptosi %mul3A_328 : vector<16xf32> to vector<16xi32>
        %sub3A_330 = vector.broadcast %mul3A_27 : i32 to vector<16xi32>
        %sub3A_331 = arith.subi %convert_element_type3A_329, %sub3A_330 : vector<16xi32>
        %bitcast3A_332 = vector.bitcast %sub3A_331 : vector<16xi32> to vector<16xi32>
        %lt3A_333 = arith.constant 73728 : i32
        %lt3A_334 = vector.broadcast %lt3A_333 : i32 to vector<16xi32>
        %lt3A_335 = arith.cmpi ult, %bitcast3A_332, %lt3A_334 : vector<16xi32>
        %get3A_336 = arith.constant 0 : i32
        %get3A_337 = arith.index_cast %get3A_336 : i32 to index
        %get3A_338 = arith.index_cast %add3A_318 : i32 to index
        %get3A_339 = tpu.vector_load %arg6[%get3A_337, %get3A_338] {strides = array<i32>} : memref<2x12288xf32, #tpu.memory_space<vmem>>, vector<16xf32>,
        tpu.vector_store_idx %arg7[%sub3A_331], %get3A_339 masked %lt3A_335 {add = true} : memref<73728xf32, #tpu.memory_space<vmem>>[vector<16xi32>], vector<16xf32>, vector<16xi1>
        %add3A_340 = arith.constant 80 : i32
        %add3A_341 = arith.addi %mul3A_228, %add3A_340 : i32
        %get3A_342 = arith.constant 0 : i32
        %get3A_343 = arith.index_cast %get3A_342 : i32 to index
        %get3A_344 = arith.index_cast %add3A_341 : i32 to index
        %get3A_345 = tpu.vector_load %arg5[%get3A_343, %get3A_344] {strides = array<i32>} : memref<2x12288xi32, #tpu.memory_space<vmem>>, vector<16xi32>,
        %shift_right_logical3A_346 = arith.constant 5 : i32
        %shift_right_logical3A_347 = vector.broadcast %shift_right_logical3A_346 : i32 to vector<16xi32>
        %shift_right_logical3A_348 = arith.shrui %get3A_345, %shift_right_logical3A_347 : vector<16xi32>
        %convert_element_type3A_349 = arith.sitofp %shift_right_logical3A_348 : vector<16xi32> to vector<16xf32>
        %mul3A_350 = vector.broadcast %while3A_4 : f32 to vector<16xf32>
        %mul3A_351 = arith.mulf %convert_element_type3A_349, %mul3A_350 : vector<16xf32>
        %convert_element_type3A_352 = arith.fptosi %mul3A_351 : vector<16xf32> to vector<16xi32>
        %sub3A_353 = vector.broadcast %mul3A_27 : i32 to vector<16xi32>
        %sub3A_354 = arith.subi %convert_element_type3A_352, %sub3A_353 : vector<16xi32>
        %bitcast3A_355 = vector.bitcast %sub3A_354 : vector<16xi32> to vector<16xi32>
        %lt3A_356 = arith.constant 73728 : i32
        %lt3A_357 = vector.broadcast %lt3A_356 : i32 to vector<16xi32>
        %lt3A_358 = arith.cmpi ult, %bitcast3A_355, %lt3A_357 : vector<16xi32>
        %get3A_359 = arith.constant 0 : i32
        %get3A_360 = arith.index_cast %get3A_359 : i32 to index
        %get3A_361 = arith.index_cast %add3A_341 : i32 to index
        %get3A_362 = tpu.vector_load %arg6[%get3A_360, %get3A_361] {strides = array<i32>} : memref<2x12288xf32, #tpu.memory_space<vmem>>, vector<16xf32>,
        tpu.vector_store_idx %arg7[%sub3A_354], %get3A_362 masked %lt3A_358 {add = true} : memref<73728xf32, #tpu.memory_space<vmem>>[vector<16xi32>], vector<16xf32>, vector<16xi1>
        %add3A_363 = arith.constant 96 : i32
        %add3A_364 = arith.addi %mul3A_228, %add3A_363 : i32
        %get3A_365 = arith.constant 0 : i32
        %get3A_366 = arith.index_cast %get3A_365 : i32 to index
        %get3A_367 = arith.index_cast %add3A_364 : i32 to index
        %get3A_368 = tpu.vector_load %arg5[%get3A_366, %get3A_367] {strides = array<i32>} : memref<2x12288xi32, #tpu.memory_space<vmem>>, vector<16xi32>,
        %shift_right_logical3A_369 = arith.constant 5 : i32
        %shift_right_logical3A_370 = vector.broadcast %shift_right_logical3A_369 : i32 to vector<16xi32>
        %shift_right_logical3A_371 = arith.shrui %get3A_368, %shift_right_logical3A_370 : vector<16xi32>
        %convert_element_type3A_372 = arith.sitofp %shift_right_logical3A_371 : vector<16xi32> to vector<16xf32>
        %mul3A_373 = vector.broadcast %while3A_4 : f32 to vector<16xf32>
        %mul3A_374 = arith.mulf %convert_element_type3A_372, %mul3A_373 : vector<16xf32>
        %convert_element_type3A_375 = arith.fptosi %mul3A_374 : vector<16xf32> to vector<16xi32>
        %sub3A_376 = vector.broadcast %mul3A_27 : i32 to vector<16xi32>
        %sub3A_377 = arith.subi %convert_element_type3A_375, %sub3A_376 : vector<16xi32>
        %bitcast3A_378 = vector.bitcast %sub3A_377 : vector<16xi32> to vector<16xi32>
        %lt3A_379 = arith.constant 73728 : i32
        %lt3A_380 = vector.broadcast %lt3A_379 : i32 to vector<16xi32>
        %lt3A_381 = arith.cmpi ult, %bitcast3A_378, %lt3A_380 : vector<16xi32>
        %get3A_382 = arith.constant 0 : i32
        %get3A_383 = arith.index_cast %get3A_382 : i32 to index
        %get3A_384 = arith.index_cast %add3A_364 : i32 to index
        %get3A_385 = tpu.vector_load %arg6[%get3A_383, %get3A_384] {strides = array<i32>} : memref<2x12288xf32, #tpu.memory_space<vmem>>, vector<16xf32>,
        tpu.vector_store_idx %arg7[%sub3A_377], %get3A_385 masked %lt3A_381 {add = true} : memref<73728xf32, #tpu.memory_space<vmem>>[vector<16xi32>], vector<16xf32>, vector<16xi1>
        %add3A_386 = arith.constant 112 : i32
        %add3A_387 = arith.addi %mul3A_228, %add3A_386 : i32
        %get3A_388 = arith.constant 0 : i32
        %get3A_389 = arith.index_cast %get3A_388 : i32 to index
        %get3A_390 = arith.index_cast %add3A_387 : i32 to index
        %get3A_391 = tpu.vector_load %arg5[%get3A_389, %get3A_390] {strides = array<i32>} : memref<2x12288xi32, #tpu.memory_space<vmem>>, vector<16xi32>,
        %shift_right_logical3A_392 = arith.constant 5 : i32
        %shift_right_logical3A_393 = vector.broadcast %shift_right_logical3A_392 : i32 to vector<16xi32>
        %shift_right_logical3A_394 = arith.shrui %get3A_391, %shift_right_logical3A_393 : vector<16xi32>
        %convert_element_type3A_395 = arith.sitofp %shift_right_logical3A_394 : vector<16xi32> to vector<16xf32>
        %mul3A_396 = vector.broadcast %while3A_4 : f32 to vector<16xf32>
        %mul3A_397 = arith.mulf %convert_element_type3A_395, %mul3A_396 : vector<16xf32>
        %convert_element_type3A_398 = arith.fptosi %mul3A_397 : vector<16xf32> to vector<16xi32>
        %sub3A_399 = vector.broadcast %mul3A_27 : i32 to vector<16xi32>
        %sub3A_400 = arith.subi %convert_element_type3A_398, %sub3A_399 : vector<16xi32>
        %bitcast3A_401 = vector.bitcast %sub3A_400 : vector<16xi32> to vector<16xi32>
        %lt3A_402 = arith.constant 73728 : i32
        %lt3A_403 = vector.broadcast %lt3A_402 : i32 to vector<16xi32>
        %lt3A_404 = arith.cmpi ult, %bitcast3A_401, %lt3A_403 : vector<16xi32>
        %get3A_405 = arith.constant 0 : i32
        %get3A_406 = arith.index_cast %get3A_405 : i32 to index
        %get3A_407 = arith.index_cast %add3A_387 : i32 to index
        %get3A_408 = tpu.vector_load %arg6[%get3A_406, %get3A_407] {strides = array<i32>} : memref<2x12288xf32, #tpu.memory_space<vmem>>, vector<16xf32>,
        tpu.vector_store_idx %arg7[%sub3A_400], %get3A_408 masked %lt3A_404 {add = true} : memref<73728xf32, #tpu.memory_space<vmem>>[vector<16xi32>], vector<16xf32>, vector<16xi1>
      }
      %while3A_124 = arith.constant 1 : i32
      scf.for %while3A_226 = %while3A_122 to %while3A_118 step %while3A_124  : i32 {
        %mul3A_227 = arith.constant 128 : i32
        %mul3A_228 = arith.muli %while3A_226, %mul3A_227 : i32
        %add3A_229 = arith.constant 0 : i32
        %add3A_230 = arith.addi %mul3A_228, %add3A_229 : i32
        %get3A = arith.constant 0 : i32
        %get3A_231 = arith.index_cast %get3A : i32 to index
        %get3A_232 = arith.index_cast %add3A_230 : i32 to index
        %get3A_233 = tpu.vector_load %arg5[%get3A_231, %get3A_232] {strides = array<i32>} : memref<2x12288xi32, #tpu.memory_space<vmem>>, vector<16xi32>,
        %shift_right_logical3A_234 = arith.constant 5 : i32
        %shift_right_logical3A_235 = vector.broadcast %shift_right_logical3A_234 : i32 to vector<16xi32>
        %shift_right_logical3A_236 = arith.shrui %get3A_233, %shift_right_logical3A_235 : vector<16xi32>
        %convert_element_type3A_237 = arith.sitofp %shift_right_logical3A_236 : vector<16xi32> to vector<16xf32>
        %mul3A_238 = vector.broadcast %while3A_4 : f32 to vector<16xf32>
        %mul3A_239 = arith.mulf %convert_element_type3A_237, %mul3A_238 : vector<16xf32>
        %convert_element_type3A_240 = arith.fptosi %mul3A_239 : vector<16xf32> to vector<16xi32>
        %sub3A = vector.broadcast %mul3A_27 : i32 to vector<16xi32>
        %sub3A_241 = arith.subi %convert_element_type3A_240, %sub3A : vector<16xi32>
        %bitcast3A = vector.bitcast %sub3A_241 : vector<16xi32> to vector<16xi32>
        %lt3A = arith.constant 73728 : i32
        %lt3A_242 = vector.broadcast %lt3A : i32 to vector<16xi32>
        %lt3A_243 = arith.cmpi ult, %bitcast3A, %lt3A_242 : vector<16xi32>
        %get3A_244 = arith.constant 0 : i32
        %get3A_245 = arith.index_cast %get3A_244 : i32 to index
        %get3A_246 = arith.index_cast %add3A_230 : i32 to index
        %get3A_247 = tpu.vector_load %arg6[%get3A_245, %get3A_246] {strides = array<i32>} : memref<2x12288xf32, #tpu.memory_space<vmem>>, vector<16xf32>,
        tpu.vector_store_idx %arg7[%sub3A_241], %get3A_247 masked %lt3A_243 {add = true} : memref<73728xf32, #tpu.memory_space<vmem>>[vector<16xi32>], vector<16xf32>, vector<16xi1>
        %add3A_248 = arith.constant 16 : i32
        %add3A_249 = arith.addi %mul3A_228, %add3A_248 : i32
        %get3A_250 = arith.constant 0 : i32
        %get3A_251 = arith.index_cast %get3A_250 : i32 to index
        %get3A_252 = arith.index_cast %add3A_249 : i32 to index
        %get3A_253 = tpu.vector_load %arg5[%get3A_251, %get3A_252] {strides = array<i32>} : memref<2x12288xi32, #tpu.memory_space<vmem>>, vector<16xi32>,
        %shift_right_logical3A_254 = arith.constant 5 : i32
        %shift_right_logical3A_255 = vector.broadcast %shift_right_logical3A_254 : i32 to vector<16xi32>
        %shift_right_logical3A_256 = arith.shrui %get3A_253, %shift_right_logical3A_255 : vector<16xi32>
        %convert_element_type3A_257 = arith.sitofp %shift_right_logical3A_256 : vector<16xi32> to vector<16xf32>
        %mul3A_258 = vector.broadcast %while3A_4 : f32 to vector<16xf32>
        %mul3A_259 = arith.mulf %convert_element_type3A_257, %mul3A_258 : vector<16xf32>
        %convert_element_type3A_260 = arith.fptosi %mul3A_259 : vector<16xf32> to vector<16xi32>
        %sub3A_261 = vector.broadcast %mul3A_27 : i32 to vector<16xi32>
        %sub3A_262 = arith.subi %convert_element_type3A_260, %sub3A_261 : vector<16xi32>
        %bitcast3A_263 = vector.bitcast %sub3A_262 : vector<16xi32> to vector<16xi32>
        %lt3A_264 = arith.constant 73728 : i32
        %lt3A_265 = vector.broadcast %lt3A_264 : i32 to vector<16xi32>
        %lt3A_266 = arith.cmpi ult, %bitcast3A_263, %lt3A_265 : vector<16xi32>
        %get3A_267 = arith.constant 0 : i32
        %get3A_268 = arith.index_cast %get3A_267 : i32 to index
        %get3A_269 = arith.index_cast %add3A_249 : i32 to index
        %get3A_270 = tpu.vector_load %arg6[%get3A_268, %get3A_269] {strides = array<i32>} : memref<2x12288xf32, #tpu.memory_space<vmem>>, vector<16xf32>,
        tpu.vector_store_idx %arg7[%sub3A_262], %get3A_270 masked %lt3A_266 {add = true} : memref<73728xf32, #tpu.memory_space<vmem>>[vector<16xi32>], vector<16xf32>, vector<16xi1>
        %add3A_271 = arith.constant 32 : i32
        %add3A_272 = arith.addi %mul3A_228, %add3A_271 : i32
        %get3A_273 = arith.constant 0 : i32
        %get3A_274 = arith.index_cast %get3A_273 : i32 to index
        %get3A_275 = arith.index_cast %add3A_272 : i32 to index
        %get3A_276 = tpu.vector_load %arg5[%get3A_274, %get3A_275] {strides = array<i32>} : memref<2x12288xi32, #tpu.memory_space<vmem>>, vector<16xi32>,
        %shift_right_logical3A_277 = arith.constant 5 : i32
        %shift_right_logical3A_278 = vector.broadcast %shift_right_logical3A_277 : i32 to vector<16xi32>
        %shift_right_logical3A_279 = arith.shrui %get3A_276, %shift_right_logical3A_278 : vector<16xi32>
        %convert_element_type3A_280 = arith.sitofp %shift_right_logical3A_279 : vector<16xi32> to vector<16xf32>
        %mul3A_281 = vector.broadcast %while3A_4 : f32 to vector<16xf32>
        %mul3A_282 = arith.mulf %convert_element_type3A_280, %mul3A_281 : vector<16xf32>
        %convert_element_type3A_283 = arith.fptosi %mul3A_282 : vector<16xf32> to vector<16xi32>
        %sub3A_284 = vector.broadcast %mul3A_27 : i32 to vector<16xi32>
        %sub3A_285 = arith.subi %convert_element_type3A_283, %sub3A_284 : vector<16xi32>
        %bitcast3A_286 = vector.bitcast %sub3A_285 : vector<16xi32> to vector<16xi32>
        %lt3A_287 = arith.constant 73728 : i32
        %lt3A_288 = vector.broadcast %lt3A_287 : i32 to vector<16xi32>
        %lt3A_289 = arith.cmpi ult, %bitcast3A_286, %lt3A_288 : vector<16xi32>
        %get3A_290 = arith.constant 0 : i32
        %get3A_291 = arith.index_cast %get3A_290 : i32 to index
        %get3A_292 = arith.index_cast %add3A_272 : i32 to index
        %get3A_293 = tpu.vector_load %arg6[%get3A_291, %get3A_292] {strides = array<i32>} : memref<2x12288xf32, #tpu.memory_space<vmem>>, vector<16xf32>,
        tpu.vector_store_idx %arg7[%sub3A_285], %get3A_293 masked %lt3A_289 {add = true} : memref<73728xf32, #tpu.memory_space<vmem>>[vector<16xi32>], vector<16xf32>, vector<16xi1>
        %add3A_294 = arith.constant 48 : i32
        %add3A_295 = arith.addi %mul3A_228, %add3A_294 : i32
        %get3A_296 = arith.constant 0 : i32
        %get3A_297 = arith.index_cast %get3A_296 : i32 to index
        %get3A_298 = arith.index_cast %add3A_295 : i32 to index
        %get3A_299 = tpu.vector_load %arg5[%get3A_297, %get3A_298] {strides = array<i32>} : memref<2x12288xi32, #tpu.memory_space<vmem>>, vector<16xi32>,
        %shift_right_logical3A_300 = arith.constant 5 : i32
        %shift_right_logical3A_301 = vector.broadcast %shift_right_logical3A_300 : i32 to vector<16xi32>
        %shift_right_logical3A_302 = arith.shrui %get3A_299, %shift_right_logical3A_301 : vector<16xi32>
        %convert_element_type3A_303 = arith.sitofp %shift_right_logical3A_302 : vector<16xi32> to vector<16xf32>
        %mul3A_304 = vector.broadcast %while3A_4 : f32 to vector<16xf32>
        %mul3A_305 = arith.mulf %convert_element_type3A_303, %mul3A_304 : vector<16xf32>
        %convert_element_type3A_306 = arith.fptosi %mul3A_305 : vector<16xf32> to vector<16xi32>
        %sub3A_307 = vector.broadcast %mul3A_27 : i32 to vector<16xi32>
        %sub3A_308 = arith.subi %convert_element_type3A_306, %sub3A_307 : vector<16xi32>
        %bitcast3A_309 = vector.bitcast %sub3A_308 : vector<16xi32> to vector<16xi32>
        %lt3A_310 = arith.constant 73728 : i32
        %lt3A_311 = vector.broadcast %lt3A_310 : i32 to vector<16xi32>
        %lt3A_312 = arith.cmpi ult, %bitcast3A_309, %lt3A_311 : vector<16xi32>
        %get3A_313 = arith.constant 0 : i32
        %get3A_314 = arith.index_cast %get3A_313 : i32 to index
        %get3A_315 = arith.index_cast %add3A_295 : i32 to index
        %get3A_316 = tpu.vector_load %arg6[%get3A_314, %get3A_315] {strides = array<i32>} : memref<2x12288xf32, #tpu.memory_space<vmem>>, vector<16xf32>,
        tpu.vector_store_idx %arg7[%sub3A_308], %get3A_316 masked %lt3A_312 {add = true} : memref<73728xf32, #tpu.memory_space<vmem>>[vector<16xi32>], vector<16xf32>, vector<16xi1>
        %add3A_317 = arith.constant 64 : i32
        %add3A_318 = arith.addi %mul3A_228, %add3A_317 : i32
        %get3A_319 = arith.constant 0 : i32
        %get3A_320 = arith.index_cast %get3A_319 : i32 to index
        %get3A_321 = arith.index_cast %add3A_318 : i32 to index
        %get3A_322 = tpu.vector_load %arg5[%get3A_320, %get3A_321] {strides = array<i32>} : memref<2x12288xi32, #tpu.memory_space<vmem>>, vector<16xi32>,
        %shift_right_logical3A_323 = arith.constant 5 : i32
        %shift_right_logical3A_324 = vector.broadcast %shift_right_logical3A_323 : i32 to vector<16xi32>
        %shift_right_logical3A_325 = arith.shrui %get3A_322, %shift_right_logical3A_324 : vector<16xi32>
        %convert_element_type3A_326 = arith.sitofp %shift_right_logical3A_325 : vector<16xi32> to vector<16xf32>
        %mul3A_327 = vector.broadcast %while3A_4 : f32 to vector<16xf32>
        %mul3A_328 = arith.mulf %convert_element_type3A_326, %mul3A_327 : vector<16xf32>
        %convert_element_type3A_329 = arith.fptosi %mul3A_328 : vector<16xf32> to vector<16xi32>
        %sub3A_330 = vector.broadcast %mul3A_27 : i32 to vector<16xi32>
        %sub3A_331 = arith.subi %convert_element_type3A_329, %sub3A_330 : vector<16xi32>
        %bitcast3A_332 = vector.bitcast %sub3A_331 : vector<16xi32> to vector<16xi32>
        %lt3A_333 = arith.constant 73728 : i32
        %lt3A_334 = vector.broadcast %lt3A_333 : i32 to vector<16xi32>
        %lt3A_335 = arith.cmpi ult, %bitcast3A_332, %lt3A_334 : vector<16xi32>
        %get3A_336 = arith.constant 0 : i32
        %get3A_337 = arith.index_cast %get3A_336 : i32 to index
        %get3A_338 = arith.index_cast %add3A_318 : i32 to index
        %get3A_339 = tpu.vector_load %arg6[%get3A_337, %get3A_338] {strides = array<i32>} : memref<2x12288xf32, #tpu.memory_space<vmem>>, vector<16xf32>,
        tpu.vector_store_idx %arg7[%sub3A_331], %get3A_339 masked %lt3A_335 {add = true} : memref<73728xf32, #tpu.memory_space<vmem>>[vector<16xi32>], vector<16xf32>, vector<16xi1>
        %add3A_340 = arith.constant 80 : i32
        %add3A_341 = arith.addi %mul3A_228, %add3A_340 : i32
        %get3A_342 = arith.constant 0 : i32
        %get3A_343 = arith.index_cast %get3A_342 : i32 to index
        %get3A_344 = arith.index_cast %add3A_341 : i32 to index
        %get3A_345 = tpu.vector_load %arg5[%get3A_343, %get3A_344] {strides = array<i32>} : memref<2x12288xi32, #tpu.memory_space<vmem>>, vector<16xi32>,
        %shift_right_logical3A_346 = arith.constant 5 : i32
        %shift_right_logical3A_347 = vector.broadcast %shift_right_logical3A_346 : i32 to vector<16xi32>
        %shift_right_logical3A_348 = arith.shrui %get3A_345, %shift_right_logical3A_347 : vector<16xi32>
        %convert_element_type3A_349 = arith.sitofp %shift_right_logical3A_348 : vector<16xi32> to vector<16xf32>
        %mul3A_350 = vector.broadcast %while3A_4 : f32 to vector<16xf32>
        %mul3A_351 = arith.mulf %convert_element_type3A_349, %mul3A_350 : vector<16xf32>
        %convert_element_type3A_352 = arith.fptosi %mul3A_351 : vector<16xf32> to vector<16xi32>
        %sub3A_353 = vector.broadcast %mul3A_27 : i32 to vector<16xi32>
        %sub3A_354 = arith.subi %convert_element_type3A_352, %sub3A_353 : vector<16xi32>
        %bitcast3A_355 = vector.bitcast %sub3A_354 : vector<16xi32> to vector<16xi32>
        %lt3A_356 = arith.constant 73728 : i32
        %lt3A_357 = vector.broadcast %lt3A_356 : i32 to vector<16xi32>
        %lt3A_358 = arith.cmpi ult, %bitcast3A_355, %lt3A_357 : vector<16xi32>
        %get3A_359 = arith.constant 0 : i32
        %get3A_360 = arith.index_cast %get3A_359 : i32 to index
        %get3A_361 = arith.index_cast %add3A_341 : i32 to index
        %get3A_362 = tpu.vector_load %arg6[%get3A_360, %get3A_361] {strides = array<i32>} : memref<2x12288xf32, #tpu.memory_space<vmem>>, vector<16xf32>,
        tpu.vector_store_idx %arg7[%sub3A_354], %get3A_362 masked %lt3A_358 {add = true} : memref<73728xf32, #tpu.memory_space<vmem>>[vector<16xi32>], vector<16xf32>, vector<16xi1>
        %add3A_363 = arith.constant 96 : i32
        %add3A_364 = arith.addi %mul3A_228, %add3A_363 : i32
        %get3A_365 = arith.constant 0 : i32
        %get3A_366 = arith.index_cast %get3A_365 : i32 to index
        %get3A_367 = arith.index_cast %add3A_364 : i32 to index
        %get3A_368 = tpu.vector_load %arg5[%get3A_366, %get3A_367] {strides = array<i32>} : memref<2x12288xi32, #tpu.memory_space<vmem>>, vector<16xi32>,
        %shift_right_logical3A_369 = arith.constant 5 : i32
        %shift_right_logical3A_370 = vector.broadcast %shift_right_logical3A_369 : i32 to vector<16xi32>
        %shift_right_logical3A_371 = arith.shrui %get3A_368, %shift_right_logical3A_370 : vector<16xi32>
        %convert_element_type3A_372 = arith.sitofp %shift_right_logical3A_371 : vector<16xi32> to vector<16xf32>
        %mul3A_373 = vector.broadcast %while3A_4 : f32 to vector<16xf32>
        %mul3A_374 = arith.mulf %convert_element_type3A_372, %mul3A_373 : vector<16xf32>
        %convert_element_type3A_375 = arith.fptosi %mul3A_374 : vector<16xf32> to vector<16xi32>
        %sub3A_376 = vector.broadcast %mul3A_27 : i32 to vector<16xi32>
        %sub3A_377 = arith.subi %convert_element_type3A_375, %sub3A_376 : vector<16xi32>
        %bitcast3A_378 = vector.bitcast %sub3A_377 : vector<16xi32> to vector<16xi32>
        %lt3A_379 = arith.constant 73728 : i32
        %lt3A_380 = vector.broadcast %lt3A_379 : i32 to vector<16xi32>
        %lt3A_381 = arith.cmpi ult, %bitcast3A_378, %lt3A_380 : vector<16xi32>
        %get3A_382 = arith.constant 0 : i32
        %get3A_383 = arith.index_cast %get3A_382 : i32 to index
        %get3A_384 = arith.index_cast %add3A_364 : i32 to index
        %get3A_385 = tpu.vector_load %arg6[%get3A_383, %get3A_384] {strides = array<i32>} : memref<2x12288xf32, #tpu.memory_space<vmem>>, vector<16xf32>,
        tpu.vector_store_idx %arg7[%sub3A_377], %get3A_385 masked %lt3A_381 {add = true} : memref<73728xf32, #tpu.memory_space<vmem>>[vector<16xi32>], vector<16xf32>, vector<16xi1>
        %add3A_386 = arith.constant 112 : i32
        %add3A_387 = arith.addi %mul3A_228, %add3A_386 : i32
        %get3A_388 = arith.constant 0 : i32
        %get3A_389 = arith.index_cast %get3A_388 : i32 to index
        %get3A_390 = arith.index_cast %add3A_387 : i32 to index
        %get3A_391 = tpu.vector_load %arg5[%get3A_389, %get3A_390] {strides = array<i32>} : memref<2x12288xi32, #tpu.memory_space<vmem>>, vector<16xi32>,
        %shift_right_logical3A_392 = arith.constant 5 : i32
        %shift_right_logical3A_393 = vector.broadcast %shift_right_logical3A_392 : i32 to vector<16xi32>
        %shift_right_logical3A_394 = arith.shrui %get3A_391, %shift_right_logical3A_393 : vector<16xi32>
        %convert_element_type3A_395 = arith.sitofp %shift_right_logical3A_394 : vector<16xi32> to vector<16xf32>
        %mul3A_396 = vector.broadcast %while3A_4 : f32 to vector<16xf32>
        %mul3A_397 = arith.mulf %convert_element_type3A_395, %mul3A_396 : vector<16xf32>
        %convert_element_type3A_398 = arith.fptosi %mul3A_397 : vector<16xf32> to vector<16xi32>
        %sub3A_399 = vector.broadcast %mul3A_27 : i32 to vector<16xi32>
        %sub3A_400 = arith.subi %convert_element_type3A_398, %sub3A_399 : vector<16xi32>
        %bitcast3A_401 = vector.bitcast %sub3A_400 : vector<16xi32> to vector<16xi32>
        %lt3A_402 = arith.constant 73728 : i32
        %lt3A_403 = vector.broadcast %lt3A_402 : i32 to vector<16xi32>
        %lt3A_404 = arith.cmpi ult, %bitcast3A_401, %lt3A_403 : vector<16xi32>
        %get3A_405 = arith.constant 0 : i32
        %get3A_406 = arith.index_cast %get3A_405 : i32 to index
        %get3A_407 = arith.index_cast %add3A_387 : i32 to index
        %get3A_408 = tpu.vector_load %arg6[%get3A_406, %get3A_407] {strides = array<i32>} : memref<2x12288xf32, #tpu.memory_space<vmem>>, vector<16xf32>,
        tpu.vector_store_idx %arg7[%sub3A_400], %get3A_408 masked %lt3A_404 {add = true} : memref<73728xf32, #tpu.memory_space<vmem>>[vector<16xi32>], vector<16xf32>, vector<16xi1>
      }
      %mul3A_125 = arith.constant 2 : i32
      %mul3A_126 = arith.constant 12288 : i32
      %mul3A_127 = arith.muli %mul3A_125, %mul3A_126 : i32
      %dma_start3A_128 = arith.constant 0 : i32
      %dma_start3A_129 = arith.constant 0 : i32
      %dma_start3A_130 = tpu.memref_slice %arg5[%dma_start3A_128, %dma_start3A_129] : memref<2x12288xi32, #tpu.memory_space<vmem>> -> memref<1x12288xi32, #tpu.memory_space<vmem>>
      %dma_start3A_131 = tpu.memref_squeeze %dma_start3A_130 : memref<1x12288xi32, #tpu.memory_space<vmem>> -> memref<12288xi32, #tpu.memory_space<vmem>>
      %dma_start3A_132 = tpu.memref_slice %arg3[%add3A_24, %mul3A_127] : memref<384x36864xi32, #tpu.memory_space<hbm>> -> memref<1x12288xi32, #tpu.memory_space<hbm>>
      %dma_start3A_133 = tpu.memref_squeeze %dma_start3A_132 : memref<1x12288xi32, #tpu.memory_space<hbm>> -> memref<12288xi32, #tpu.memory_space<hbm>>
      %dma_start3A_134 = arith.constant 0 : i32
      %dma_start3A_135 = tpu.memref_slice %arg5[%dma_start3A_128, %dma_start3A_134] : memref<2x12288xi32, #tpu.memory_space<vmem>> -> memref<1x12288xi32, #tpu.memory_space<vmem>>
      %dma_start3A_136 = tpu.memref_squeeze %dma_start3A_135 : memref<1x12288xi32, #tpu.memory_space<vmem>> -> memref<12288xi32, #tpu.memory_space<vmem>>
      %dma_start3A_137 = tpu.memref_slice %arg3[%add3A_24, %mul3A_127] : memref<384x36864xi32, #tpu.memory_space<hbm>> -> memref<1x12288xi32, #tpu.memory_space<hbm>>
      %dma_start3A_138 = tpu.memref_squeeze %dma_start3A_137 : memref<1x12288xi32, #tpu.memory_space<hbm>> -> memref<12288xi32, #tpu.memory_space<hbm>>
      tpu.enqueue_dma source(%dma_start3A_138 : memref<12288xi32, #tpu.memory_space<hbm>>) target(%dma_start3A_136 : memref<12288xi32, #tpu.memory_space<vmem>>) target_semaphore(%arg8 : memref<!tpu.dma_semaphore, #tpu.memory_space<semaphore_mem>>)
      %dma_start3A_139 = arith.constant 0 : i32
      %dma_start3A_140 = arith.constant 0 : i32
      %dma_start3A_141 = tpu.memref_slice %arg6[%dma_start3A_139, %dma_start3A_140] : memref<2x12288xf32, #tpu.memory_space<vmem>> -> memref<1x12288xf32, #tpu.memory_space<vmem>>
      %dma_start3A_142 = tpu.memref_squeeze %dma_start3A_141 : memref<1x12288xf32, #tpu.memory_space<vmem>> -> memref<12288xf32, #tpu.memory_space<vmem>>
      %dma_start3A_143 = tpu.memref_slice %arg2[%add3A_24, %mul3A_127] : memref<384x36864xf32, #tpu.memory_space<hbm>> -> memref<1x12288xf32, #tpu.memory_space<hbm>>
      %dma_start3A_144 = tpu.memref_squeeze %dma_start3A_143 : memref<1x12288xf32, #tpu.memory_space<hbm>> -> memref<12288xf32, #tpu.memory_space<hbm>>
      %dma_start3A_145 = arith.constant 0 : i32
      %dma_start3A_146 = tpu.memref_slice %arg6[%dma_start3A_139, %dma_start3A_145] : memref<2x12288xf32, #tpu.memory_space<vmem>> -> memref<1x12288xf32, #tpu.memory_space<vmem>>
      %dma_start3A_147 = tpu.memref_squeeze %dma_start3A_146 : memref<1x12288xf32, #tpu.memory_space<vmem>> -> memref<12288xf32, #tpu.memory_space<vmem>>
      %dma_start3A_148 = tpu.memref_slice %arg2[%add3A_24, %mul3A_127] : memref<384x36864xf32, #tpu.memory_space<hbm>> -> memref<1x12288xf32, #tpu.memory_space<hbm>>
      %dma_start3A_149 = tpu.memref_squeeze %dma_start3A_148 : memref<1x12288xf32, #tpu.memory_space<hbm>> -> memref<12288xf32, #tpu.memory_space<hbm>>
      tpu.enqueue_dma source(%dma_start3A_149 : memref<12288xf32, #tpu.memory_space<hbm>>) target(%dma_start3A_147 : memref<12288xf32, #tpu.memory_space<vmem>>) target_semaphore(%arg10 : memref<!tpu.dma_semaphore, #tpu.memory_space<semaphore_mem>>)
      %dma_wait3A_150 = arith.constant 0 : i32
      %dma_wait3A_151 = arith.constant 1 : i32
      %dma_wait3A_152 = arith.constant 0 : i32
      %dma_wait3A_153 = tpu.memref_slice %arg5[%dma_wait3A_151, %dma_wait3A_152] : memref<2x12288xi32, #tpu.memory_space<vmem>> -> memref<1x12288xi32, #tpu.memory_space<vmem>>
      %dma_wait3A_154 = tpu.memref_squeeze %dma_wait3A_153 : memref<1x12288xi32, #tpu.memory_space<vmem>> -> memref<12288xi32, #tpu.memory_space<vmem>>
      %dma_wait3A_155 = tpu.memref_slice %arg3[%add3A_24, %dma_wait3A_150] : memref<384x36864xi32, #tpu.memory_space<hbm>> -> memref<1x12288xi32, #tpu.memory_space<hbm>>
      %dma_wait3A_156 = tpu.memref_squeeze %dma_wait3A_155 : memref<1x12288xi32, #tpu.memory_space<hbm>> -> memref<12288xi32, #tpu.memory_space<hbm>>
      %dma_wait3A_157 = arith.constant 0 : i32
      %dma_wait3A_158 = tpu.memref_slice %arg5[%dma_wait3A_151, %dma_wait3A_157] : memref<2x12288xi32, #tpu.memory_space<vmem>> -> memref<1x12288xi32, #tpu.memory_space<vmem>>
      %dma_wait3A_159 = tpu.memref_squeeze %dma_wait3A_158 : memref<1x12288xi32, #tpu.memory_space<vmem>> -> memref<12288xi32, #tpu.memory_space<vmem>>
      %dma_wait3A_160 = tpu.memref_slice %arg3[%add3A_24, %dma_wait3A_150] : memref<384x36864xi32, #tpu.memory_space<hbm>> -> memref<1x12288xi32, #tpu.memory_space<hbm>>
      %dma_wait3A_161 = tpu.memref_squeeze %dma_wait3A_160 : memref<1x12288xi32, #tpu.memory_space<hbm>> -> memref<12288xi32, #tpu.memory_space<hbm>>
      tpu.wait_dma2 semaphore(%arg9 : memref<!tpu.dma_semaphore, #tpu.memory_space<semaphore_mem>>) src(%dma_wait3A_161 : memref<12288xi32, #tpu.memory_space<hbm>>) dst(%dma_wait3A_159 : memref<12288xi32, #tpu.memory_space<vmem>>)
      %dma_wait3A_162 = arith.constant 0 : i32
      %dma_wait3A_163 = arith.constant 1 : i32
      %dma_wait3A_164 = arith.constant 0 : i32
      %dma_wait3A_165 = tpu.memref_slice %arg6[%dma_wait3A_163, %dma_wait3A_164] : memref<2x12288xf32, #tpu.memory_space<vmem>> -> memref<1x12288xf32, #tpu.memory_space<vmem>>
      %dma_wait3A_166 = tpu.memref_squeeze %dma_wait3A_165 : memref<1x12288xf32, #tpu.memory_space<vmem>> -> memref<12288xf32, #tpu.memory_space<vmem>>
      %dma_wait3A_167 = tpu.memref_slice %arg2[%add3A_24, %dma_wait3A_162] : memref<384x36864xf32, #tpu.memory_space<hbm>> -> memref<1x12288xf32, #tpu.memory_space<hbm>>
      %dma_wait3A_168 = tpu.memref_squeeze %dma_wait3A_167 : memref<1x12288xf32, #tpu.memory_space<hbm>> -> memref<12288xf32, #tpu.memory_space<hbm>>
      %dma_wait3A_169 = arith.constant 0 : i32
      %dma_wait3A_170 = tpu.memref_slice %arg6[%dma_wait3A_163, %dma_wait3A_169] : memref<2x12288xf32, #tpu.memory_space<vmem>> -> memref<1x12288xf32, #tpu.memory_space<vmem>>
      %dma_wait3A_171 = tpu.memref_squeeze %dma_wait3A_170 : memref<1x12288xf32, #tpu.memory_space<vmem>> -> memref<12288xf32, #tpu.memory_space<vmem>>
      %dma_wait3A_172 = tpu.memref_slice %arg2[%add3A_24, %dma_wait3A_162] : memref<384x36864xf32, #tpu.memory_space<hbm>> -> memref<1x12288xf32, #tpu.memory_space<hbm>>
      %dma_wait3A_173 = tpu.memref_squeeze %dma_wait3A_172 : memref<1x12288xf32, #tpu.memory_space<hbm>> -> memref<12288xf32, #tpu.memory_space<hbm>>
      tpu.wait_dma2 semaphore(%arg11 : memref<!tpu.dma_semaphore, #tpu.memory_space<semaphore_mem>>) src(%dma_wait3A_173 : memref<12288xf32, #tpu.memory_space<hbm>>) dst(%dma_wait3A_171 : memref<12288xf32, #tpu.memory_space<vmem>>)
      %while3A_174 = arith.constant 0 : i32
      %while3A_175 = arith.constant 0 : i32
      %while3A_176 = arith.constant 96 : i32
      %while3A_177 = arith.subi %while3A_176, %while3A_175 : i32
      %while3A_178 = arith.addi %while3A_175, %while3A_177 : i32
      %while3A_179 = arith.constant 1 : i32
      %while3A_180 = arith.divsi %while3A_177, %while3A_179 : i32
      %while3A_181 = arith.muli %while3A_180, %while3A_179 : i32
      %while3A_182 = arith.addi %while3A_175, %while3A_181 : i32
      %while3A_183 = arith.constant 1 : i32
      scf.for %while3A_226 = %while3A_175 to %while3A_182 step %while3A_183  : i32 {
        %mul3A_227 = arith.constant 128 : i32
        %mul3A_228 = arith.muli %while3A_226, %mul3A_227 : i32
        %add3A_229 = arith.constant 0 : i32
        %add3A_230 = arith.addi %mul3A_228, %add3A_229 : i32
        %get3A = arith.constant 1 : i32
        %get3A_231 = arith.index_cast %get3A : i32 to index
        %get3A_232 = arith.index_cast %add3A_230 : i32 to index
        %get3A_233 = tpu.vector_load %arg5[%get3A_231, %get3A_232] {strides = array<i32>} : memref<2x12288xi32, #tpu.memory_space<vmem>>, vector<16xi32>,
        %shift_right_logical3A_234 = arith.constant 5 : i32
        %shift_right_logical3A_235 = vector.broadcast %shift_right_logical3A_234 : i32 to vector<16xi32>
        %shift_right_logical3A_236 = arith.shrui %get3A_233, %shift_right_logical3A_235 : vector<16xi32>
        %convert_element_type3A_237 = arith.sitofp %shift_right_logical3A_236 : vector<16xi32> to vector<16xf32>
        %mul3A_238 = vector.broadcast %while3A_4 : f32 to vector<16xf32>
        %mul3A_239 = arith.mulf %convert_element_type3A_237, %mul3A_238 : vector<16xf32>
        %convert_element_type3A_240 = arith.fptosi %mul3A_239 : vector<16xf32> to vector<16xi32>
        %sub3A = vector.broadcast %mul3A_27 : i32 to vector<16xi32>
        %sub3A_241 = arith.subi %convert_element_type3A_240, %sub3A : vector<16xi32>
        %bitcast3A = vector.bitcast %sub3A_241 : vector<16xi32> to vector<16xi32>
        %lt3A = arith.constant 73728 : i32
        %lt3A_242 = vector.broadcast %lt3A : i32 to vector<16xi32>
        %lt3A_243 = arith.cmpi ult, %bitcast3A, %lt3A_242 : vector<16xi32>
        %get3A_244 = arith.constant 1 : i32
        %get3A_245 = arith.index_cast %get3A_244 : i32 to index
        %get3A_246 = arith.index_cast %add3A_230 : i32 to index
        %get3A_247 = tpu.vector_load %arg6[%get3A_245, %get3A_246] {strides = array<i32>} : memref<2x12288xf32, #tpu.memory_space<vmem>>, vector<16xf32>,
        tpu.vector_store_idx %arg7[%sub3A_241], %get3A_247 masked %lt3A_243 {add = true} : memref<73728xf32, #tpu.memory_space<vmem>>[vector<16xi32>], vector<16xf32>, vector<16xi1>
        %add3A_248 = arith.constant 16 : i32
        %add3A_249 = arith.addi %mul3A_228, %add3A_248 : i32
        %get3A_250 = arith.constant 1 : i32
        %get3A_251 = arith.index_cast %get3A_250 : i32 to index
        %get3A_252 = arith.index_cast %add3A_249 : i32 to index
        %get3A_253 = tpu.vector_load %arg5[%get3A_251, %get3A_252] {strides = array<i32>} : memref<2x12288xi32, #tpu.memory_space<vmem>>, vector<16xi32>,
        %shift_right_logical3A_254 = arith.constant 5 : i32
        %shift_right_logical3A_255 = vector.broadcast %shift_right_logical3A_254 : i32 to vector<16xi32>
        %shift_right_logical3A_256 = arith.shrui %get3A_253, %shift_right_logical3A_255 : vector<16xi32>
        %convert_element_type3A_257 = arith.sitofp %shift_right_logical3A_256 : vector<16xi32> to vector<16xf32>
        %mul3A_258 = vector.broadcast %while3A_4 : f32 to vector<16xf32>
        %mul3A_259 = arith.mulf %convert_element_type3A_257, %mul3A_258 : vector<16xf32>
        %convert_element_type3A_260 = arith.fptosi %mul3A_259 : vector<16xf32> to vector<16xi32>
        %sub3A_261 = vector.broadcast %mul3A_27 : i32 to vector<16xi32>
        %sub3A_262 = arith.subi %convert_element_type3A_260, %sub3A_261 : vector<16xi32>
        %bitcast3A_263 = vector.bitcast %sub3A_262 : vector<16xi32> to vector<16xi32>
        %lt3A_264 = arith.constant 73728 : i32
        %lt3A_265 = vector.broadcast %lt3A_264 : i32 to vector<16xi32>
        %lt3A_266 = arith.cmpi ult, %bitcast3A_263, %lt3A_265 : vector<16xi32>
        %get3A_267 = arith.constant 1 : i32
        %get3A_268 = arith.index_cast %get3A_267 : i32 to index
        %get3A_269 = arith.index_cast %add3A_249 : i32 to index
        %get3A_270 = tpu.vector_load %arg6[%get3A_268, %get3A_269] {strides = array<i32>} : memref<2x12288xf32, #tpu.memory_space<vmem>>, vector<16xf32>,
        tpu.vector_store_idx %arg7[%sub3A_262], %get3A_270 masked %lt3A_266 {add = true} : memref<73728xf32, #tpu.memory_space<vmem>>[vector<16xi32>], vector<16xf32>, vector<16xi1>
        %add3A_271 = arith.constant 32 : i32
        %add3A_272 = arith.addi %mul3A_228, %add3A_271 : i32
        %get3A_273 = arith.constant 1 : i32
        %get3A_274 = arith.index_cast %get3A_273 : i32 to index
        %get3A_275 = arith.index_cast %add3A_272 : i32 to index
        %get3A_276 = tpu.vector_load %arg5[%get3A_274, %get3A_275] {strides = array<i32>} : memref<2x12288xi32, #tpu.memory_space<vmem>>, vector<16xi32>,
        %shift_right_logical3A_277 = arith.constant 5 : i32
        %shift_right_logical3A_278 = vector.broadcast %shift_right_logical3A_277 : i32 to vector<16xi32>
        %shift_right_logical3A_279 = arith.shrui %get3A_276, %shift_right_logical3A_278 : vector<16xi32>
        %convert_element_type3A_280 = arith.sitofp %shift_right_logical3A_279 : vector<16xi32> to vector<16xf32>
        %mul3A_281 = vector.broadcast %while3A_4 : f32 to vector<16xf32>
        %mul3A_282 = arith.mulf %convert_element_type3A_280, %mul3A_281 : vector<16xf32>
        %convert_element_type3A_283 = arith.fptosi %mul3A_282 : vector<16xf32> to vector<16xi32>
        %sub3A_284 = vector.broadcast %mul3A_27 : i32 to vector<16xi32>
        %sub3A_285 = arith.subi %convert_element_type3A_283, %sub3A_284 : vector<16xi32>
        %bitcast3A_286 = vector.bitcast %sub3A_285 : vector<16xi32> to vector<16xi32>
        %lt3A_287 = arith.constant 73728 : i32
        %lt3A_288 = vector.broadcast %lt3A_287 : i32 to vector<16xi32>
        %lt3A_289 = arith.cmpi ult, %bitcast3A_286, %lt3A_288 : vector<16xi32>
        %get3A_290 = arith.constant 1 : i32
        %get3A_291 = arith.index_cast %get3A_290 : i32 to index
        %get3A_292 = arith.index_cast %add3A_272 : i32 to index
        %get3A_293 = tpu.vector_load %arg6[%get3A_291, %get3A_292] {strides = array<i32>} : memref<2x12288xf32, #tpu.memory_space<vmem>>, vector<16xf32>,
        tpu.vector_store_idx %arg7[%sub3A_285], %get3A_293 masked %lt3A_289 {add = true} : memref<73728xf32, #tpu.memory_space<vmem>>[vector<16xi32>], vector<16xf32>, vector<16xi1>
        %add3A_294 = arith.constant 48 : i32
        %add3A_295 = arith.addi %mul3A_228, %add3A_294 : i32
        %get3A_296 = arith.constant 1 : i32
        %get3A_297 = arith.index_cast %get3A_296 : i32 to index
        %get3A_298 = arith.index_cast %add3A_295 : i32 to index
        %get3A_299 = tpu.vector_load %arg5[%get3A_297, %get3A_298] {strides = array<i32>} : memref<2x12288xi32, #tpu.memory_space<vmem>>, vector<16xi32>,
        %shift_right_logical3A_300 = arith.constant 5 : i32
        %shift_right_logical3A_301 = vector.broadcast %shift_right_logical3A_300 : i32 to vector<16xi32>
        %shift_right_logical3A_302 = arith.shrui %get3A_299, %shift_right_logical3A_301 : vector<16xi32>
        %convert_element_type3A_303 = arith.sitofp %shift_right_logical3A_302 : vector<16xi32> to vector<16xf32>
        %mul3A_304 = vector.broadcast %while3A_4 : f32 to vector<16xf32>
        %mul3A_305 = arith.mulf %convert_element_type3A_303, %mul3A_304 : vector<16xf32>
        %convert_element_type3A_306 = arith.fptosi %mul3A_305 : vector<16xf32> to vector<16xi32>
        %sub3A_307 = vector.broadcast %mul3A_27 : i32 to vector<16xi32>
        %sub3A_308 = arith.subi %convert_element_type3A_306, %sub3A_307 : vector<16xi32>
        %bitcast3A_309 = vector.bitcast %sub3A_308 : vector<16xi32> to vector<16xi32>
        %lt3A_310 = arith.constant 73728 : i32
        %lt3A_311 = vector.broadcast %lt3A_310 : i32 to vector<16xi32>
        %lt3A_312 = arith.cmpi ult, %bitcast3A_309, %lt3A_311 : vector<16xi32>
        %get3A_313 = arith.constant 1 : i32
        %get3A_314 = arith.index_cast %get3A_313 : i32 to index
        %get3A_315 = arith.index_cast %add3A_295 : i32 to index
        %get3A_316 = tpu.vector_load %arg6[%get3A_314, %get3A_315] {strides = array<i32>} : memref<2x12288xf32, #tpu.memory_space<vmem>>, vector<16xf32>,
        tpu.vector_store_idx %arg7[%sub3A_308], %get3A_316 masked %lt3A_312 {add = true} : memref<73728xf32, #tpu.memory_space<vmem>>[vector<16xi32>], vector<16xf32>, vector<16xi1>
        %add3A_317 = arith.constant 64 : i32
        %add3A_318 = arith.addi %mul3A_228, %add3A_317 : i32
        %get3A_319 = arith.constant 1 : i32
        %get3A_320 = arith.index_cast %get3A_319 : i32 to index
        %get3A_321 = arith.index_cast %add3A_318 : i32 to index
        %get3A_322 = tpu.vector_load %arg5[%get3A_320, %get3A_321] {strides = array<i32>} : memref<2x12288xi32, #tpu.memory_space<vmem>>, vector<16xi32>,
        %shift_right_logical3A_323 = arith.constant 5 : i32
        %shift_right_logical3A_324 = vector.broadcast %shift_right_logical3A_323 : i32 to vector<16xi32>
        %shift_right_logical3A_325 = arith.shrui %get3A_322, %shift_right_logical3A_324 : vector<16xi32>
        %convert_element_type3A_326 = arith.sitofp %shift_right_logical3A_325 : vector<16xi32> to vector<16xf32>
        %mul3A_327 = vector.broadcast %while3A_4 : f32 to vector<16xf32>
        %mul3A_328 = arith.mulf %convert_element_type3A_326, %mul3A_327 : vector<16xf32>
        %convert_element_type3A_329 = arith.fptosi %mul3A_328 : vector<16xf32> to vector<16xi32>
        %sub3A_330 = vector.broadcast %mul3A_27 : i32 to vector<16xi32>
        %sub3A_331 = arith.subi %convert_element_type3A_329, %sub3A_330 : vector<16xi32>
        %bitcast3A_332 = vector.bitcast %sub3A_331 : vector<16xi32> to vector<16xi32>
        %lt3A_333 = arith.constant 73728 : i32
        %lt3A_334 = vector.broadcast %lt3A_333 : i32 to vector<16xi32>
        %lt3A_335 = arith.cmpi ult, %bitcast3A_332, %lt3A_334 : vector<16xi32>
        %get3A_336 = arith.constant 1 : i32
        %get3A_337 = arith.index_cast %get3A_336 : i32 to index
        %get3A_338 = arith.index_cast %add3A_318 : i32 to index
        %get3A_339 = tpu.vector_load %arg6[%get3A_337, %get3A_338] {strides = array<i32>} : memref<2x12288xf32, #tpu.memory_space<vmem>>, vector<16xf32>,
        tpu.vector_store_idx %arg7[%sub3A_331], %get3A_339 masked %lt3A_335 {add = true} : memref<73728xf32, #tpu.memory_space<vmem>>[vector<16xi32>], vector<16xf32>, vector<16xi1>
        %add3A_340 = arith.constant 80 : i32
        %add3A_341 = arith.addi %mul3A_228, %add3A_340 : i32
        %get3A_342 = arith.constant 1 : i32
        %get3A_343 = arith.index_cast %get3A_342 : i32 to index
        %get3A_344 = arith.index_cast %add3A_341 : i32 to index
        %get3A_345 = tpu.vector_load %arg5[%get3A_343, %get3A_344] {strides = array<i32>} : memref<2x12288xi32, #tpu.memory_space<vmem>>, vector<16xi32>,
        %shift_right_logical3A_346 = arith.constant 5 : i32
        %shift_right_logical3A_347 = vector.broadcast %shift_right_logical3A_346 : i32 to vector<16xi32>
        %shift_right_logical3A_348 = arith.shrui %get3A_345, %shift_right_logical3A_347 : vector<16xi32>
        %convert_element_type3A_349 = arith.sitofp %shift_right_logical3A_348 : vector<16xi32> to vector<16xf32>
        %mul3A_350 = vector.broadcast %while3A_4 : f32 to vector<16xf32>
        %mul3A_351 = arith.mulf %convert_element_type3A_349, %mul3A_350 : vector<16xf32>
        %convert_element_type3A_352 = arith.fptosi %mul3A_351 : vector<16xf32> to vector<16xi32>
        %sub3A_353 = vector.broadcast %mul3A_27 : i32 to vector<16xi32>
        %sub3A_354 = arith.subi %convert_element_type3A_352, %sub3A_353 : vector<16xi32>
        %bitcast3A_355 = vector.bitcast %sub3A_354 : vector<16xi32> to vector<16xi32>
        %lt3A_356 = arith.constant 73728 : i32
        %lt3A_357 = vector.broadcast %lt3A_356 : i32 to vector<16xi32>
        %lt3A_358 = arith.cmpi ult, %bitcast3A_355, %lt3A_357 : vector<16xi32>
        %get3A_359 = arith.constant 1 : i32
        %get3A_360 = arith.index_cast %get3A_359 : i32 to index
        %get3A_361 = arith.index_cast %add3A_341 : i32 to index
        %get3A_362 = tpu.vector_load %arg6[%get3A_360, %get3A_361] {strides = array<i32>} : memref<2x12288xf32, #tpu.memory_space<vmem>>, vector<16xf32>,
        tpu.vector_store_idx %arg7[%sub3A_354], %get3A_362 masked %lt3A_358 {add = true} : memref<73728xf32, #tpu.memory_space<vmem>>[vector<16xi32>], vector<16xf32>, vector<16xi1>
        %add3A_363 = arith.constant 96 : i32
        %add3A_364 = arith.addi %mul3A_228, %add3A_363 : i32
        %get3A_365 = arith.constant 1 : i32
        %get3A_366 = arith.index_cast %get3A_365 : i32 to index
        %get3A_367 = arith.index_cast %add3A_364 : i32 to index
        %get3A_368 = tpu.vector_load %arg5[%get3A_366, %get3A_367] {strides = array<i32>} : memref<2x12288xi32, #tpu.memory_space<vmem>>, vector<16xi32>,
        %shift_right_logical3A_369 = arith.constant 5 : i32
        %shift_right_logical3A_370 = vector.broadcast %shift_right_logical3A_369 : i32 to vector<16xi32>
        %shift_right_logical3A_371 = arith.shrui %get3A_368, %shift_right_logical3A_370 : vector<16xi32>
        %convert_element_type3A_372 = arith.sitofp %shift_right_logical3A_371 : vector<16xi32> to vector<16xf32>
        %mul3A_373 = vector.broadcast %while3A_4 : f32 to vector<16xf32>
        %mul3A_374 = arith.mulf %convert_element_type3A_372, %mul3A_373 : vector<16xf32>
        %convert_element_type3A_375 = arith.fptosi %mul3A_374 : vector<16xf32> to vector<16xi32>
        %sub3A_376 = vector.broadcast %mul3A_27 : i32 to vector<16xi32>
        %sub3A_377 = arith.subi %convert_element_type3A_375, %sub3A_376 : vector<16xi32>
        %bitcast3A_378 = vector.bitcast %sub3A_377 : vector<16xi32> to vector<16xi32>
        %lt3A_379 = arith.constant 73728 : i32
        %lt3A_380 = vector.broadcast %lt3A_379 : i32 to vector<16xi32>
        %lt3A_381 = arith.cmpi ult, %bitcast3A_378, %lt3A_380 : vector<16xi32>
        %get3A_382 = arith.constant 1 : i32
        %get3A_383 = arith.index_cast %get3A_382 : i32 to index
        %get3A_384 = arith.index_cast %add3A_364 : i32 to index
        %get3A_385 = tpu.vector_load %arg6[%get3A_383, %get3A_384] {strides = array<i32>} : memref<2x12288xf32, #tpu.memory_space<vmem>>, vector<16xf32>,
        tpu.vector_store_idx %arg7[%sub3A_377], %get3A_385 masked %lt3A_381 {add = true} : memref<73728xf32, #tpu.memory_space<vmem>>[vector<16xi32>], vector<16xf32>, vector<16xi1>
        %add3A_386 = arith.constant 112 : i32
        %add3A_387 = arith.addi %mul3A_228, %add3A_386 : i32
        %get3A_388 = arith.constant 1 : i32
        %get3A_389 = arith.index_cast %get3A_388 : i32 to index
        %get3A_390 = arith.index_cast %add3A_387 : i32 to index
        %get3A_391 = tpu.vector_load %arg5[%get3A_389, %get3A_390] {strides = array<i32>} : memref<2x12288xi32, #tpu.memory_space<vmem>>, vector<16xi32>,
        %shift_right_logical3A_392 = arith.constant 5 : i32
        %shift_right_logical3A_393 = vector.broadcast %shift_right_logical3A_392 : i32 to vector<16xi32>
        %shift_right_logical3A_394 = arith.shrui %get3A_391, %shift_right_logical3A_393 : vector<16xi32>
        %convert_element_type3A_395 = arith.sitofp %shift_right_logical3A_394 : vector<16xi32> to vector<16xf32>
        %mul3A_396 = vector.broadcast %while3A_4 : f32 to vector<16xf32>
        %mul3A_397 = arith.mulf %convert_element_type3A_395, %mul3A_396 : vector<16xf32>
        %convert_element_type3A_398 = arith.fptosi %mul3A_397 : vector<16xf32> to vector<16xi32>
        %sub3A_399 = vector.broadcast %mul3A_27 : i32 to vector<16xi32>
        %sub3A_400 = arith.subi %convert_element_type3A_398, %sub3A_399 : vector<16xi32>
        %bitcast3A_401 = vector.bitcast %sub3A_400 : vector<16xi32> to vector<16xi32>
        %lt3A_402 = arith.constant 73728 : i32
        %lt3A_403 = vector.broadcast %lt3A_402 : i32 to vector<16xi32>
        %lt3A_404 = arith.cmpi ult, %bitcast3A_401, %lt3A_403 : vector<16xi32>
        %get3A_405 = arith.constant 1 : i32
        %get3A_406 = arith.index_cast %get3A_405 : i32 to index
        %get3A_407 = arith.index_cast %add3A_387 : i32 to index
        %get3A_408 = tpu.vector_load %arg6[%get3A_406, %get3A_407] {strides = array<i32>} : memref<2x12288xf32, #tpu.memory_space<vmem>>, vector<16xf32>,
        tpu.vector_store_idx %arg7[%sub3A_400], %get3A_408 masked %lt3A_404 {add = true} : memref<73728xf32, #tpu.memory_space<vmem>>[vector<16xi32>], vector<16xf32>, vector<16xi1>
      }
      %while3A_184 = arith.constant 1 : i32
      scf.for %while3A_226 = %while3A_182 to %while3A_178 step %while3A_184  : i32 {
        %mul3A_227 = arith.constant 128 : i32
        %mul3A_228 = arith.muli %while3A_226, %mul3A_227 : i32
        %add3A_229 = arith.constant 0 : i32
        %add3A_230 = arith.addi %mul3A_228, %add3A_229 : i32
        %get3A = arith.constant 1 : i32
        %get3A_231 = arith.index_cast %get3A : i32 to index
        %get3A_232 = arith.index_cast %add3A_230 : i32 to index
        %get3A_233 = tpu.vector_load %arg5[%get3A_231, %get3A_232] {strides = array<i32>} : memref<2x12288xi32, #tpu.memory_space<vmem>>, vector<16xi32>,
        %shift_right_logical3A_234 = arith.constant 5 : i32
        %shift_right_logical3A_235 = vector.broadcast %shift_right_logical3A_234 : i32 to vector<16xi32>
        %shift_right_logical3A_236 = arith.shrui %get3A_233, %shift_right_logical3A_235 : vector<16xi32>
        %convert_element_type3A_237 = arith.sitofp %shift_right_logical3A_236 : vector<16xi32> to vector<16xf32>
        %mul3A_238 = vector.broadcast %while3A_4 : f32 to vector<16xf32>
        %mul3A_239 = arith.mulf %convert_element_type3A_237, %mul3A_238 : vector<16xf32>
        %convert_element_type3A_240 = arith.fptosi %mul3A_239 : vector<16xf32> to vector<16xi32>
        %sub3A = vector.broadcast %mul3A_27 : i32 to vector<16xi32>
        %sub3A_241 = arith.subi %convert_element_type3A_240, %sub3A : vector<16xi32>
        %bitcast3A = vector.bitcast %sub3A_241 : vector<16xi32> to vector<16xi32>
        %lt3A = arith.constant 73728 : i32
        %lt3A_242 = vector.broadcast %lt3A : i32 to vector<16xi32>
        %lt3A_243 = arith.cmpi ult, %bitcast3A, %lt3A_242 : vector<16xi32>
        %get3A_244 = arith.constant 1 : i32
        %get3A_245 = arith.index_cast %get3A_244 : i32 to index
        %get3A_246 = arith.index_cast %add3A_230 : i32 to index
        %get3A_247 = tpu.vector_load %arg6[%get3A_245, %get3A_246] {strides = array<i32>} : memref<2x12288xf32, #tpu.memory_space<vmem>>, vector<16xf32>,
        tpu.vector_store_idx %arg7[%sub3A_241], %get3A_247 masked %lt3A_243 {add = true} : memref<73728xf32, #tpu.memory_space<vmem>>[vector<16xi32>], vector<16xf32>, vector<16xi1>
        %add3A_248 = arith.constant 16 : i32
        %add3A_249 = arith.addi %mul3A_228, %add3A_248 : i32
        %get3A_250 = arith.constant 1 : i32
        %get3A_251 = arith.index_cast %get3A_250 : i32 to index
        %get3A_252 = arith.index_cast %add3A_249 : i32 to index
        %get3A_253 = tpu.vector_load %arg5[%get3A_251, %get3A_252] {strides = array<i32>} : memref<2x12288xi32, #tpu.memory_space<vmem>>, vector<16xi32>,
        %shift_right_logical3A_254 = arith.constant 5 : i32
        %shift_right_logical3A_255 = vector.broadcast %shift_right_logical3A_254 : i32 to vector<16xi32>
        %shift_right_logical3A_256 = arith.shrui %get3A_253, %shift_right_logical3A_255 : vector<16xi32>
        %convert_element_type3A_257 = arith.sitofp %shift_right_logical3A_256 : vector<16xi32> to vector<16xf32>
        %mul3A_258 = vector.broadcast %while3A_4 : f32 to vector<16xf32>
        %mul3A_259 = arith.mulf %convert_element_type3A_257, %mul3A_258 : vector<16xf32>
        %convert_element_type3A_260 = arith.fptosi %mul3A_259 : vector<16xf32> to vector<16xi32>
        %sub3A_261 = vector.broadcast %mul3A_27 : i32 to vector<16xi32>
        %sub3A_262 = arith.subi %convert_element_type3A_260, %sub3A_261 : vector<16xi32>
        %bitcast3A_263 = vector.bitcast %sub3A_262 : vector<16xi32> to vector<16xi32>
        %lt3A_264 = arith.constant 73728 : i32
        %lt3A_265 = vector.broadcast %lt3A_264 : i32 to vector<16xi32>
        %lt3A_266 = arith.cmpi ult, %bitcast3A_263, %lt3A_265 : vector<16xi32>
        %get3A_267 = arith.constant 1 : i32
        %get3A_268 = arith.index_cast %get3A_267 : i32 to index
        %get3A_269 = arith.index_cast %add3A_249 : i32 to index
        %get3A_270 = tpu.vector_load %arg6[%get3A_268, %get3A_269] {strides = array<i32>} : memref<2x12288xf32, #tpu.memory_space<vmem>>, vector<16xf32>,
        tpu.vector_store_idx %arg7[%sub3A_262], %get3A_270 masked %lt3A_266 {add = true} : memref<73728xf32, #tpu.memory_space<vmem>>[vector<16xi32>], vector<16xf32>, vector<16xi1>
        %add3A_271 = arith.constant 32 : i32
        %add3A_272 = arith.addi %mul3A_228, %add3A_271 : i32
        %get3A_273 = arith.constant 1 : i32
        %get3A_274 = arith.index_cast %get3A_273 : i32 to index
        %get3A_275 = arith.index_cast %add3A_272 : i32 to index
        %get3A_276 = tpu.vector_load %arg5[%get3A_274, %get3A_275] {strides = array<i32>} : memref<2x12288xi32, #tpu.memory_space<vmem>>, vector<16xi32>,
        %shift_right_logical3A_277 = arith.constant 5 : i32
        %shift_right_logical3A_278 = vector.broadcast %shift_right_logical3A_277 : i32 to vector<16xi32>
        %shift_right_logical3A_279 = arith.shrui %get3A_276, %shift_right_logical3A_278 : vector<16xi32>
        %convert_element_type3A_280 = arith.sitofp %shift_right_logical3A_279 : vector<16xi32> to vector<16xf32>
        %mul3A_281 = vector.broadcast %while3A_4 : f32 to vector<16xf32>
        %mul3A_282 = arith.mulf %convert_element_type3A_280, %mul3A_281 : vector<16xf32>
        %convert_element_type3A_283 = arith.fptosi %mul3A_282 : vector<16xf32> to vector<16xi32>
        %sub3A_284 = vector.broadcast %mul3A_27 : i32 to vector<16xi32>
        %sub3A_285 = arith.subi %convert_element_type3A_283, %sub3A_284 : vector<16xi32>
        %bitcast3A_286 = vector.bitcast %sub3A_285 : vector<16xi32> to vector<16xi32>
        %lt3A_287 = arith.constant 73728 : i32
        %lt3A_288 = vector.broadcast %lt3A_287 : i32 to vector<16xi32>
        %lt3A_289 = arith.cmpi ult, %bitcast3A_286, %lt3A_288 : vector<16xi32>
        %get3A_290 = arith.constant 1 : i32
        %get3A_291 = arith.index_cast %get3A_290 : i32 to index
        %get3A_292 = arith.index_cast %add3A_272 : i32 to index
        %get3A_293 = tpu.vector_load %arg6[%get3A_291, %get3A_292] {strides = array<i32>} : memref<2x12288xf32, #tpu.memory_space<vmem>>, vector<16xf32>,
        tpu.vector_store_idx %arg7[%sub3A_285], %get3A_293 masked %lt3A_289 {add = true} : memref<73728xf32, #tpu.memory_space<vmem>>[vector<16xi32>], vector<16xf32>, vector<16xi1>
        %add3A_294 = arith.constant 48 : i32
        %add3A_295 = arith.addi %mul3A_228, %add3A_294 : i32
        %get3A_296 = arith.constant 1 : i32
        %get3A_297 = arith.index_cast %get3A_296 : i32 to index
        %get3A_298 = arith.index_cast %add3A_295 : i32 to index
        %get3A_299 = tpu.vector_load %arg5[%get3A_297, %get3A_298] {strides = array<i32>} : memref<2x12288xi32, #tpu.memory_space<vmem>>, vector<16xi32>,
        %shift_right_logical3A_300 = arith.constant 5 : i32
        %shift_right_logical3A_301 = vector.broadcast %shift_right_logical3A_300 : i32 to vector<16xi32>
        %shift_right_logical3A_302 = arith.shrui %get3A_299, %shift_right_logical3A_301 : vector<16xi32>
        %convert_element_type3A_303 = arith.sitofp %shift_right_logical3A_302 : vector<16xi32> to vector<16xf32>
        %mul3A_304 = vector.broadcast %while3A_4 : f32 to vector<16xf32>
        %mul3A_305 = arith.mulf %convert_element_type3A_303, %mul3A_304 : vector<16xf32>
        %convert_element_type3A_306 = arith.fptosi %mul3A_305 : vector<16xf32> to vector<16xi32>
        %sub3A_307 = vector.broadcast %mul3A_27 : i32 to vector<16xi32>
        %sub3A_308 = arith.subi %convert_element_type3A_306, %sub3A_307 : vector<16xi32>
        %bitcast3A_309 = vector.bitcast %sub3A_308 : vector<16xi32> to vector<16xi32>
        %lt3A_310 = arith.constant 73728 : i32
        %lt3A_311 = vector.broadcast %lt3A_310 : i32 to vector<16xi32>
        %lt3A_312 = arith.cmpi ult, %bitcast3A_309, %lt3A_311 : vector<16xi32>
        %get3A_313 = arith.constant 1 : i32
        %get3A_314 = arith.index_cast %get3A_313 : i32 to index
        %get3A_315 = arith.index_cast %add3A_295 : i32 to index
        %get3A_316 = tpu.vector_load %arg6[%get3A_314, %get3A_315] {strides = array<i32>} : memref<2x12288xf32, #tpu.memory_space<vmem>>, vector<16xf32>,
        tpu.vector_store_idx %arg7[%sub3A_308], %get3A_316 masked %lt3A_312 {add = true} : memref<73728xf32, #tpu.memory_space<vmem>>[vector<16xi32>], vector<16xf32>, vector<16xi1>
        %add3A_317 = arith.constant 64 : i32
        %add3A_318 = arith.addi %mul3A_228, %add3A_317 : i32
        %get3A_319 = arith.constant 1 : i32
        %get3A_320 = arith.index_cast %get3A_319 : i32 to index
        %get3A_321 = arith.index_cast %add3A_318 : i32 to index
        %get3A_322 = tpu.vector_load %arg5[%get3A_320, %get3A_321] {strides = array<i32>} : memref<2x12288xi32, #tpu.memory_space<vmem>>, vector<16xi32>,
        %shift_right_logical3A_323 = arith.constant 5 : i32
        %shift_right_logical3A_324 = vector.broadcast %shift_right_logical3A_323 : i32 to vector<16xi32>
        %shift_right_logical3A_325 = arith.shrui %get3A_322, %shift_right_logical3A_324 : vector<16xi32>
        %convert_element_type3A_326 = arith.sitofp %shift_right_logical3A_325 : vector<16xi32> to vector<16xf32>
        %mul3A_327 = vector.broadcast %while3A_4 : f32 to vector<16xf32>
        %mul3A_328 = arith.mulf %convert_element_type3A_326, %mul3A_327 : vector<16xf32>
        %convert_element_type3A_329 = arith.fptosi %mul3A_328 : vector<16xf32> to vector<16xi32>
        %sub3A_330 = vector.broadcast %mul3A_27 : i32 to vector<16xi32>
        %sub3A_331 = arith.subi %convert_element_type3A_329, %sub3A_330 : vector<16xi32>
        %bitcast3A_332 = vector.bitcast %sub3A_331 : vector<16xi32> to vector<16xi32>
        %lt3A_333 = arith.constant 73728 : i32
        %lt3A_334 = vector.broadcast %lt3A_333 : i32 to vector<16xi32>
        %lt3A_335 = arith.cmpi ult, %bitcast3A_332, %lt3A_334 : vector<16xi32>
        %get3A_336 = arith.constant 1 : i32
        %get3A_337 = arith.index_cast %get3A_336 : i32 to index
        %get3A_338 = arith.index_cast %add3A_318 : i32 to index
        %get3A_339 = tpu.vector_load %arg6[%get3A_337, %get3A_338] {strides = array<i32>} : memref<2x12288xf32, #tpu.memory_space<vmem>>, vector<16xf32>,
        tpu.vector_store_idx %arg7[%sub3A_331], %get3A_339 masked %lt3A_335 {add = true} : memref<73728xf32, #tpu.memory_space<vmem>>[vector<16xi32>], vector<16xf32>, vector<16xi1>
        %add3A_340 = arith.constant 80 : i32
        %add3A_341 = arith.addi %mul3A_228, %add3A_340 : i32
        %get3A_342 = arith.constant 1 : i32
        %get3A_343 = arith.index_cast %get3A_342 : i32 to index
        %get3A_344 = arith.index_cast %add3A_341 : i32 to index
        %get3A_345 = tpu.vector_load %arg5[%get3A_343, %get3A_344] {strides = array<i32>} : memref<2x12288xi32, #tpu.memory_space<vmem>>, vector<16xi32>,
        %shift_right_logical3A_346 = arith.constant 5 : i32
        %shift_right_logical3A_347 = vector.broadcast %shift_right_logical3A_346 : i32 to vector<16xi32>
        %shift_right_logical3A_348 = arith.shrui %get3A_345, %shift_right_logical3A_347 : vector<16xi32>
        %convert_element_type3A_349 = arith.sitofp %shift_right_logical3A_348 : vector<16xi32> to vector<16xf32>
        %mul3A_350 = vector.broadcast %while3A_4 : f32 to vector<16xf32>
        %mul3A_351 = arith.mulf %convert_element_type3A_349, %mul3A_350 : vector<16xf32>
        %convert_element_type3A_352 = arith.fptosi %mul3A_351 : vector<16xf32> to vector<16xi32>
        %sub3A_353 = vector.broadcast %mul3A_27 : i32 to vector<16xi32>
        %sub3A_354 = arith.subi %convert_element_type3A_352, %sub3A_353 : vector<16xi32>
        %bitcast3A_355 = vector.bitcast %sub3A_354 : vector<16xi32> to vector<16xi32>
        %lt3A_356 = arith.constant 73728 : i32
        %lt3A_357 = vector.broadcast %lt3A_356 : i32 to vector<16xi32>
        %lt3A_358 = arith.cmpi ult, %bitcast3A_355, %lt3A_357 : vector<16xi32>
        %get3A_359 = arith.constant 1 : i32
        %get3A_360 = arith.index_cast %get3A_359 : i32 to index
        %get3A_361 = arith.index_cast %add3A_341 : i32 to index
        %get3A_362 = tpu.vector_load %arg6[%get3A_360, %get3A_361] {strides = array<i32>} : memref<2x12288xf32, #tpu.memory_space<vmem>>, vector<16xf32>,
        tpu.vector_store_idx %arg7[%sub3A_354], %get3A_362 masked %lt3A_358 {add = true} : memref<73728xf32, #tpu.memory_space<vmem>>[vector<16xi32>], vector<16xf32>, vector<16xi1>
        %add3A_363 = arith.constant 96 : i32
        %add3A_364 = arith.addi %mul3A_228, %add3A_363 : i32
        %get3A_365 = arith.constant 1 : i32
        %get3A_366 = arith.index_cast %get3A_365 : i32 to index
        %get3A_367 = arith.index_cast %add3A_364 : i32 to index
        %get3A_368 = tpu.vector_load %arg5[%get3A_366, %get3A_367] {strides = array<i32>} : memref<2x12288xi32, #tpu.memory_space<vmem>>, vector<16xi32>,
        %shift_right_logical3A_369 = arith.constant 5 : i32
        %shift_right_logical3A_370 = vector.broadcast %shift_right_logical3A_369 : i32 to vector<16xi32>
        %shift_right_logical3A_371 = arith.shrui %get3A_368, %shift_right_logical3A_370 : vector<16xi32>
        %convert_element_type3A_372 = arith.sitofp %shift_right_logical3A_371 : vector<16xi32> to vector<16xf32>
        %mul3A_373 = vector.broadcast %while3A_4 : f32 to vector<16xf32>
        %mul3A_374 = arith.mulf %convert_element_type3A_372, %mul3A_373 : vector<16xf32>
        %convert_element_type3A_375 = arith.fptosi %mul3A_374 : vector<16xf32> to vector<16xi32>
        %sub3A_376 = vector.broadcast %mul3A_27 : i32 to vector<16xi32>
        %sub3A_377 = arith.subi %convert_element_type3A_375, %sub3A_376 : vector<16xi32>
        %bitcast3A_378 = vector.bitcast %sub3A_377 : vector<16xi32> to vector<16xi32>
        %lt3A_379 = arith.constant 73728 : i32
        %lt3A_380 = vector.broadcast %lt3A_379 : i32 to vector<16xi32>
        %lt3A_381 = arith.cmpi ult, %bitcast3A_378, %lt3A_380 : vector<16xi32>
        %get3A_382 = arith.constant 1 : i32
        %get3A_383 = arith.index_cast %get3A_382 : i32 to index
        %get3A_384 = arith.index_cast %add3A_364 : i32 to index
        %get3A_385 = tpu.vector_load %arg6[%get3A_383, %get3A_384] {strides = array<i32>} : memref<2x12288xf32, #tpu.memory_space<vmem>>, vector<16xf32>,
        tpu.vector_store_idx %arg7[%sub3A_377], %get3A_385 masked %lt3A_381 {add = true} : memref<73728xf32, #tpu.memory_space<vmem>>[vector<16xi32>], vector<16xf32>, vector<16xi1>
        %add3A_386 = arith.constant 112 : i32
        %add3A_387 = arith.addi %mul3A_228, %add3A_386 : i32
        %get3A_388 = arith.constant 1 : i32
        %get3A_389 = arith.index_cast %get3A_388 : i32 to index
        %get3A_390 = arith.index_cast %add3A_387 : i32 to index
        %get3A_391 = tpu.vector_load %arg5[%get3A_389, %get3A_390] {strides = array<i32>} : memref<2x12288xi32, #tpu.memory_space<vmem>>, vector<16xi32>,
        %shift_right_logical3A_392 = arith.constant 5 : i32
        %shift_right_logical3A_393 = vector.broadcast %shift_right_logical3A_392 : i32 to vector<16xi32>
        %shift_right_logical3A_394 = arith.shrui %get3A_391, %shift_right_logical3A_393 : vector<16xi32>
        %convert_element_type3A_395 = arith.sitofp %shift_right_logical3A_394 : vector<16xi32> to vector<16xf32>
        %mul3A_396 = vector.broadcast %while3A_4 : f32 to vector<16xf32>
        %mul3A_397 = arith.mulf %convert_element_type3A_395, %mul3A_396 : vector<16xf32>
        %convert_element_type3A_398 = arith.fptosi %mul3A_397 : vector<16xf32> to vector<16xi32>
        %sub3A_399 = vector.broadcast %mul3A_27 : i32 to vector<16xi32>
        %sub3A_400 = arith.subi %convert_element_type3A_398, %sub3A_399 : vector<16xi32>
        %bitcast3A_401 = vector.bitcast %sub3A_400 : vector<16xi32> to vector<16xi32>
        %lt3A_402 = arith.constant 73728 : i32
        %lt3A_403 = vector.broadcast %lt3A_402 : i32 to vector<16xi32>
        %lt3A_404 = arith.cmpi ult, %bitcast3A_401, %lt3A_403 : vector<16xi32>
        %get3A_405 = arith.constant 1 : i32
        %get3A_406 = arith.index_cast %get3A_405 : i32 to index
        %get3A_407 = arith.index_cast %add3A_387 : i32 to index
        %get3A_408 = tpu.vector_load %arg6[%get3A_406, %get3A_407] {strides = array<i32>} : memref<2x12288xf32, #tpu.memory_space<vmem>>, vector<16xf32>,
        tpu.vector_store_idx %arg7[%sub3A_400], %get3A_408 masked %lt3A_404 {add = true} : memref<73728xf32, #tpu.memory_space<vmem>>[vector<16xi32>], vector<16xf32>, vector<16xi1>
      }
      %dma_wait3A_185 = arith.constant 0 : i32
      %dma_wait3A_186 = arith.constant 0 : i32
      %dma_wait3A_187 = arith.constant 0 : i32
      %dma_wait3A_188 = tpu.memref_slice %arg5[%dma_wait3A_186, %dma_wait3A_187] : memref<2x12288xi32, #tpu.memory_space<vmem>> -> memref<1x12288xi32, #tpu.memory_space<vmem>>
      %dma_wait3A_189 = tpu.memref_squeeze %dma_wait3A_188 : memref<1x12288xi32, #tpu.memory_space<vmem>> -> memref<12288xi32, #tpu.memory_space<vmem>>
      %dma_wait3A_190 = tpu.memref_slice %arg3[%add3A_24, %dma_wait3A_185] : memref<384x36864xi32, #tpu.memory_space<hbm>> -> memref<1x12288xi32, #tpu.memory_space<hbm>>
      %dma_wait3A_191 = tpu.memref_squeeze %dma_wait3A_190 : memref<1x12288xi32, #tpu.memory_space<hbm>> -> memref<12288xi32, #tpu.memory_space<hbm>>
      %dma_wait3A_192 = arith.constant 0 : i32
      %dma_wait3A_193 = tpu.memref_slice %arg5[%dma_wait3A_186, %dma_wait3A_192] : memref<2x12288xi32, #tpu.memory_space<vmem>> -> memref<1x12288xi32, #tpu.memory_space<vmem>>
      %dma_wait3A_194 = tpu.memref_squeeze %dma_wait3A_193 : memref<1x12288xi32, #tpu.memory_space<vmem>> -> memref<12288xi32, #tpu.memory_space<vmem>>
      %dma_wait3A_195 = tpu.memref_slice %arg3[%add3A_24, %dma_wait3A_185] : memref<384x36864xi32, #tpu.memory_space<hbm>> -> memref<1x12288xi32, #tpu.memory_space<hbm>>
      %dma_wait3A_196 = tpu.memref_squeeze %dma_wait3A_195 : memref<1x12288xi32, #tpu.memory_space<hbm>> -> memref<12288xi32, #tpu.memory_space<hbm>>
      tpu.wait_dma2 semaphore(%arg8 : memref<!tpu.dma_semaphore, #tpu.memory_space<semaphore_mem>>) src(%dma_wait3A_196 : memref<12288xi32, #tpu.memory_space<hbm>>) dst(%dma_wait3A_194 : memref<12288xi32, #tpu.memory_space<vmem>>)
      %dma_wait3A_197 = arith.constant 0 : i32
      %dma_wait3A_198 = arith.constant 0 : i32
      %dma_wait3A_199 = arith.constant 0 : i32
      %dma_wait3A_200 = tpu.memref_slice %arg6[%dma_wait3A_198, %dma_wait3A_199] : memref<2x12288xf32, #tpu.memory_space<vmem>> -> memref<1x12288xf32, #tpu.memory_space<vmem>>
      %dma_wait3A_201 = tpu.memref_squeeze %dma_wait3A_200 : memref<1x12288xf32, #tpu.memory_space<vmem>> -> memref<12288xf32, #tpu.memory_space<vmem>>
      %dma_wait3A_202 = tpu.memref_slice %arg2[%add3A_24, %dma_wait3A_197] : memref<384x36864xf32, #tpu.memory_space<hbm>> -> memref<1x12288xf32, #tpu.memory_space<hbm>>
      %dma_wait3A_203 = tpu.memref_squeeze %dma_wait3A_202 : memref<1x12288xf32, #tpu.memory_space<hbm>> -> memref<12288xf32, #tpu.memory_space<hbm>>
      %dma_wait3A_204 = arith.constant 0 : i32
      %dma_wait3A_205 = tpu.memref_slice %arg6[%dma_wait3A_198, %dma_wait3A_204] : memref<2x12288xf32, #tpu.memory_space<vmem>> -> memref<1x12288xf32, #tpu.memory_space<vmem>>
      %dma_wait3A_206 = tpu.memref_squeeze %dma_wait3A_205 : memref<1x12288xf32, #tpu.memory_space<vmem>> -> memref<12288xf32, #tpu.memory_space<vmem>>
      %dma_wait3A_207 = tpu.memref_slice %arg2[%add3A_24, %dma_wait3A_197] : memref<384x36864xf32, #tpu.memory_space<hbm>> -> memref<1x12288xf32, #tpu.memory_space<hbm>>
      %dma_wait3A_208 = tpu.memref_squeeze %dma_wait3A_207 : memref<1x12288xf32, #tpu.memory_space<hbm>> -> memref<12288xf32, #tpu.memory_space<hbm>>
      tpu.wait_dma2 semaphore(%arg10 : memref<!tpu.dma_semaphore, #tpu.memory_space<semaphore_mem>>) src(%dma_wait3A_208 : memref<12288xf32, #tpu.memory_space<hbm>>) dst(%dma_wait3A_206 : memref<12288xf32, #tpu.memory_space<vmem>>)
      %while3A_209 = arith.constant 0 : i32
      %while3A_210 = arith.constant 0 : i32
      %while3A_211 = arith.constant 96 : i32
      %while3A_212 = arith.subi %while3A_211, %while3A_210 : i32
      %while3A_213 = arith.addi %while3A_210, %while3A_212 : i32
      %while3A_214 = arith.constant 1 : i32
      %while3A_215 = arith.divsi %while3A_212, %while3A_214 : i32
      %while3A_216 = arith.muli %while3A_215, %while3A_214 : i32
      %while3A_217 = arith.addi %while3A_210, %while3A_216 : i32
      %while3A_218 = arith.constant 1 : i32
      scf.for %while3A_226 = %while3A_210 to %while3A_217 step %while3A_218  : i32 {
        %mul3A_227 = arith.constant 128 : i32
        %mul3A_228 = arith.muli %while3A_226, %mul3A_227 : i32
        %add3A_229 = arith.constant 0 : i32
        %add3A_230 = arith.addi %mul3A_228, %add3A_229 : i32
        %get3A = arith.constant 0 : i32
        %get3A_231 = arith.index_cast %get3A : i32 to index
        %get3A_232 = arith.index_cast %add3A_230 : i32 to index
        %get3A_233 = tpu.vector_load %arg5[%get3A_231, %get3A_232] {strides = array<i32>} : memref<2x12288xi32, #tpu.memory_space<vmem>>, vector<16xi32>,
        %shift_right_logical3A_234 = arith.constant 5 : i32
        %shift_right_logical3A_235 = vector.broadcast %shift_right_logical3A_234 : i32 to vector<16xi32>
        %shift_right_logical3A_236 = arith.shrui %get3A_233, %shift_right_logical3A_235 : vector<16xi32>
        %convert_element_type3A_237 = arith.sitofp %shift_right_logical3A_236 : vector<16xi32> to vector<16xf32>
        %mul3A_238 = vector.broadcast %while3A_4 : f32 to vector<16xf32>
        %mul3A_239 = arith.mulf %convert_element_type3A_237, %mul3A_238 : vector<16xf32>
        %convert_element_type3A_240 = arith.fptosi %mul3A_239 : vector<16xf32> to vector<16xi32>
        %sub3A = vector.broadcast %mul3A_27 : i32 to vector<16xi32>
        %sub3A_241 = arith.subi %convert_element_type3A_240, %sub3A : vector<16xi32>
        %bitcast3A = vector.bitcast %sub3A_241 : vector<16xi32> to vector<16xi32>
        %lt3A = arith.constant 73728 : i32
        %lt3A_242 = vector.broadcast %lt3A : i32 to vector<16xi32>
        %lt3A_243 = arith.cmpi ult, %bitcast3A, %lt3A_242 : vector<16xi32>
        %get3A_244 = arith.constant 0 : i32
        %get3A_245 = arith.index_cast %get3A_244 : i32 to index
        %get3A_246 = arith.index_cast %add3A_230 : i32 to index
        %get3A_247 = tpu.vector_load %arg6[%get3A_245, %get3A_246] {strides = array<i32>} : memref<2x12288xf32, #tpu.memory_space<vmem>>, vector<16xf32>,
        tpu.vector_store_idx %arg7[%sub3A_241], %get3A_247 masked %lt3A_243 {add = true} : memref<73728xf32, #tpu.memory_space<vmem>>[vector<16xi32>], vector<16xf32>, vector<16xi1>
        %add3A_248 = arith.constant 16 : i32
        %add3A_249 = arith.addi %mul3A_228, %add3A_248 : i32
        %get3A_250 = arith.constant 0 : i32
        %get3A_251 = arith.index_cast %get3A_250 : i32 to index
        %get3A_252 = arith.index_cast %add3A_249 : i32 to index
        %get3A_253 = tpu.vector_load %arg5[%get3A_251, %get3A_252] {strides = array<i32>} : memref<2x12288xi32, #tpu.memory_space<vmem>>, vector<16xi32>,
        %shift_right_logical3A_254 = arith.constant 5 : i32
        %shift_right_logical3A_255 = vector.broadcast %shift_right_logical3A_254 : i32 to vector<16xi32>
        %shift_right_logical3A_256 = arith.shrui %get3A_253, %shift_right_logical3A_255 : vector<16xi32>
        %convert_element_type3A_257 = arith.sitofp %shift_right_logical3A_256 : vector<16xi32> to vector<16xf32>
        %mul3A_258 = vector.broadcast %while3A_4 : f32 to vector<16xf32>
        %mul3A_259 = arith.mulf %convert_element_type3A_257, %mul3A_258 : vector<16xf32>
        %convert_element_type3A_260 = arith.fptosi %mul3A_259 : vector<16xf32> to vector<16xi32>
        %sub3A_261 = vector.broadcast %mul3A_27 : i32 to vector<16xi32>
        %sub3A_262 = arith.subi %convert_element_type3A_260, %sub3A_261 : vector<16xi32>
        %bitcast3A_263 = vector.bitcast %sub3A_262 : vector<16xi32> to vector<16xi32>
        %lt3A_264 = arith.constant 73728 : i32
        %lt3A_265 = vector.broadcast %lt3A_264 : i32 to vector<16xi32>
        %lt3A_266 = arith.cmpi ult, %bitcast3A_263, %lt3A_265 : vector<16xi32>
        %get3A_267 = arith.constant 0 : i32
        %get3A_268 = arith.index_cast %get3A_267 : i32 to index
        %get3A_269 = arith.index_cast %add3A_249 : i32 to index
        %get3A_270 = tpu.vector_load %arg6[%get3A_268, %get3A_269] {strides = array<i32>} : memref<2x12288xf32, #tpu.memory_space<vmem>>, vector<16xf32>,
        tpu.vector_store_idx %arg7[%sub3A_262], %get3A_270 masked %lt3A_266 {add = true} : memref<73728xf32, #tpu.memory_space<vmem>>[vector<16xi32>], vector<16xf32>, vector<16xi1>
        %add3A_271 = arith.constant 32 : i32
        %add3A_272 = arith.addi %mul3A_228, %add3A_271 : i32
        %get3A_273 = arith.constant 0 : i32
        %get3A_274 = arith.index_cast %get3A_273 : i32 to index
        %get3A_275 = arith.index_cast %add3A_272 : i32 to index
        %get3A_276 = tpu.vector_load %arg5[%get3A_274, %get3A_275] {strides = array<i32>} : memref<2x12288xi32, #tpu.memory_space<vmem>>, vector<16xi32>,
        %shift_right_logical3A_277 = arith.constant 5 : i32
        %shift_right_logical3A_278 = vector.broadcast %shift_right_logical3A_277 : i32 to vector<16xi32>
        %shift_right_logical3A_279 = arith.shrui %get3A_276, %shift_right_logical3A_278 : vector<16xi32>
        %convert_element_type3A_280 = arith.sitofp %shift_right_logical3A_279 : vector<16xi32> to vector<16xf32>
        %mul3A_281 = vector.broadcast %while3A_4 : f32 to vector<16xf32>
        %mul3A_282 = arith.mulf %convert_element_type3A_280, %mul3A_281 : vector<16xf32>
        %convert_element_type3A_283 = arith.fptosi %mul3A_282 : vector<16xf32> to vector<16xi32>
        %sub3A_284 = vector.broadcast %mul3A_27 : i32 to vector<16xi32>
        %sub3A_285 = arith.subi %convert_element_type3A_283, %sub3A_284 : vector<16xi32>
        %bitcast3A_286 = vector.bitcast %sub3A_285 : vector<16xi32> to vector<16xi32>
        %lt3A_287 = arith.constant 73728 : i32
        %lt3A_288 = vector.broadcast %lt3A_287 : i32 to vector<16xi32>
        %lt3A_289 = arith.cmpi ult, %bitcast3A_286, %lt3A_288 : vector<16xi32>
        %get3A_290 = arith.constant 0 : i32
        %get3A_291 = arith.index_cast %get3A_290 : i32 to index
        %get3A_292 = arith.index_cast %add3A_272 : i32 to index
        %get3A_293 = tpu.vector_load %arg6[%get3A_291, %get3A_292] {strides = array<i32>} : memref<2x12288xf32, #tpu.memory_space<vmem>>, vector<16xf32>,
        tpu.vector_store_idx %arg7[%sub3A_285], %get3A_293 masked %lt3A_289 {add = true} : memref<73728xf32, #tpu.memory_space<vmem>>[vector<16xi32>], vector<16xf32>, vector<16xi1>
        %add3A_294 = arith.constant 48 : i32
        %add3A_295 = arith.addi %mul3A_228, %add3A_294 : i32
        %get3A_296 = arith.constant 0 : i32
        %get3A_297 = arith.index_cast %get3A_296 : i32 to index
        %get3A_298 = arith.index_cast %add3A_295 : i32 to index
        %get3A_299 = tpu.vector_load %arg5[%get3A_297, %get3A_298] {strides = array<i32>} : memref<2x12288xi32, #tpu.memory_space<vmem>>, vector<16xi32>,
        %shift_right_logical3A_300 = arith.constant 5 : i32
        %shift_right_logical3A_301 = vector.broadcast %shift_right_logical3A_300 : i32 to vector<16xi32>
        %shift_right_logical3A_302 = arith.shrui %get3A_299, %shift_right_logical3A_301 : vector<16xi32>
        %convert_element_type3A_303 = arith.sitofp %shift_right_logical3A_302 : vector<16xi32> to vector<16xf32>
        %mul3A_304 = vector.broadcast %while3A_4 : f32 to vector<16xf32>
        %mul3A_305 = arith.mulf %convert_element_type3A_303, %mul3A_304 : vector<16xf32>
        %convert_element_type3A_306 = arith.fptosi %mul3A_305 : vector<16xf32> to vector<16xi32>
        %sub3A_307 = vector.broadcast %mul3A_27 : i32 to vector<16xi32>
        %sub3A_308 = arith.subi %convert_element_type3A_306, %sub3A_307 : vector<16xi32>
        %bitcast3A_309 = vector.bitcast %sub3A_308 : vector<16xi32> to vector<16xi32>
        %lt3A_310 = arith.constant 73728 : i32
        %lt3A_311 = vector.broadcast %lt3A_310 : i32 to vector<16xi32>
        %lt3A_312 = arith.cmpi ult, %bitcast3A_309, %lt3A_311 : vector<16xi32>
        %get3A_313 = arith.constant 0 : i32
        %get3A_314 = arith.index_cast %get3A_313 : i32 to index
        %get3A_315 = arith.index_cast %add3A_295 : i32 to index
        %get3A_316 = tpu.vector_load %arg6[%get3A_314, %get3A_315] {strides = array<i32>} : memref<2x12288xf32, #tpu.memory_space<vmem>>, vector<16xf32>,
        tpu.vector_store_idx %arg7[%sub3A_308], %get3A_316 masked %lt3A_312 {add = true} : memref<73728xf32, #tpu.memory_space<vmem>>[vector<16xi32>], vector<16xf32>, vector<16xi1>
        %add3A_317 = arith.constant 64 : i32
        %add3A_318 = arith.addi %mul3A_228, %add3A_317 : i32
        %get3A_319 = arith.constant 0 : i32
        %get3A_320 = arith.index_cast %get3A_319 : i32 to index
        %get3A_321 = arith.index_cast %add3A_318 : i32 to index
        %get3A_322 = tpu.vector_load %arg5[%get3A_320, %get3A_321] {strides = array<i32>} : memref<2x12288xi32, #tpu.memory_space<vmem>>, vector<16xi32>,
        %shift_right_logical3A_323 = arith.constant 5 : i32
        %shift_right_logical3A_324 = vector.broadcast %shift_right_logical3A_323 : i32 to vector<16xi32>
        %shift_right_logical3A_325 = arith.shrui %get3A_322, %shift_right_logical3A_324 : vector<16xi32>
        %convert_element_type3A_326 = arith.sitofp %shift_right_logical3A_325 : vector<16xi32> to vector<16xf32>
        %mul3A_327 = vector.broadcast %while3A_4 : f32 to vector<16xf32>
        %mul3A_328 = arith.mulf %convert_element_type3A_326, %mul3A_327 : vector<16xf32>
        %convert_element_type3A_329 = arith.fptosi %mul3A_328 : vector<16xf32> to vector<16xi32>
        %sub3A_330 = vector.broadcast %mul3A_27 : i32 to vector<16xi32>
        %sub3A_331 = arith.subi %convert_element_type3A_329, %sub3A_330 : vector<16xi32>
        %bitcast3A_332 = vector.bitcast %sub3A_331 : vector<16xi32> to vector<16xi32>
        %lt3A_333 = arith.constant 73728 : i32
        %lt3A_334 = vector.broadcast %lt3A_333 : i32 to vector<16xi32>
        %lt3A_335 = arith.cmpi ult, %bitcast3A_332, %lt3A_334 : vector<16xi32>
        %get3A_336 = arith.constant 0 : i32
        %get3A_337 = arith.index_cast %get3A_336 : i32 to index
        %get3A_338 = arith.index_cast %add3A_318 : i32 to index
        %get3A_339 = tpu.vector_load %arg6[%get3A_337, %get3A_338] {strides = array<i32>} : memref<2x12288xf32, #tpu.memory_space<vmem>>, vector<16xf32>,
        tpu.vector_store_idx %arg7[%sub3A_331], %get3A_339 masked %lt3A_335 {add = true} : memref<73728xf32, #tpu.memory_space<vmem>>[vector<16xi32>], vector<16xf32>, vector<16xi1>
        %add3A_340 = arith.constant 80 : i32
        %add3A_341 = arith.addi %mul3A_228, %add3A_340 : i32
        %get3A_342 = arith.constant 0 : i32
        %get3A_343 = arith.index_cast %get3A_342 : i32 to index
        %get3A_344 = arith.index_cast %add3A_341 : i32 to index
        %get3A_345 = tpu.vector_load %arg5[%get3A_343, %get3A_344] {strides = array<i32>} : memref<2x12288xi32, #tpu.memory_space<vmem>>, vector<16xi32>,
        %shift_right_logical3A_346 = arith.constant 5 : i32
        %shift_right_logical3A_347 = vector.broadcast %shift_right_logical3A_346 : i32 to vector<16xi32>
        %shift_right_logical3A_348 = arith.shrui %get3A_345, %shift_right_logical3A_347 : vector<16xi32>
        %convert_element_type3A_349 = arith.sitofp %shift_right_logical3A_348 : vector<16xi32> to vector<16xf32>
        %mul3A_350 = vector.broadcast %while3A_4 : f32 to vector<16xf32>
        %mul3A_351 = arith.mulf %convert_element_type3A_349, %mul3A_350 : vector<16xf32>
        %convert_element_type3A_352 = arith.fptosi %mul3A_351 : vector<16xf32> to vector<16xi32>
        %sub3A_353 = vector.broadcast %mul3A_27 : i32 to vector<16xi32>
        %sub3A_354 = arith.subi %convert_element_type3A_352, %sub3A_353 : vector<16xi32>
        %bitcast3A_355 = vector.bitcast %sub3A_354 : vector<16xi32> to vector<16xi32>
        %lt3A_356 = arith.constant 73728 : i32
        %lt3A_357 = vector.broadcast %lt3A_356 : i32 to vector<16xi32>
        %lt3A_358 = arith.cmpi ult, %bitcast3A_355, %lt3A_357 : vector<16xi32>
        %get3A_359 = arith.constant 0 : i32
        %get3A_360 = arith.index_cast %get3A_359 : i32 to index
        %get3A_361 = arith.index_cast %add3A_341 : i32 to index
        %get3A_362 = tpu.vector_load %arg6[%get3A_360, %get3A_361] {strides = array<i32>} : memref<2x12288xf32, #tpu.memory_space<vmem>>, vector<16xf32>,
        tpu.vector_store_idx %arg7[%sub3A_354], %get3A_362 masked %lt3A_358 {add = true} : memref<73728xf32, #tpu.memory_space<vmem>>[vector<16xi32>], vector<16xf32>, vector<16xi1>
        %add3A_363 = arith.constant 96 : i32
        %add3A_364 = arith.addi %mul3A_228, %add3A_363 : i32
        %get3A_365 = arith.constant 0 : i32
        %get3A_366 = arith.index_cast %get3A_365 : i32 to index
        %get3A_367 = arith.index_cast %add3A_364 : i32 to index
        %get3A_368 = tpu.vector_load %arg5[%get3A_366, %get3A_367] {strides = array<i32>} : memref<2x12288xi32, #tpu.memory_space<vmem>>, vector<16xi32>,
        %shift_right_logical3A_369 = arith.constant 5 : i32
        %shift_right_logical3A_370 = vector.broadcast %shift_right_logical3A_369 : i32 to vector<16xi32>
        %shift_right_logical3A_371 = arith.shrui %get3A_368, %shift_right_logical3A_370 : vector<16xi32>
        %convert_element_type3A_372 = arith.sitofp %shift_right_logical3A_371 : vector<16xi32> to vector<16xf32>
        %mul3A_373 = vector.broadcast %while3A_4 : f32 to vector<16xf32>
        %mul3A_374 = arith.mulf %convert_element_type3A_372, %mul3A_373 : vector<16xf32>
        %convert_element_type3A_375 = arith.fptosi %mul3A_374 : vector<16xf32> to vector<16xi32>
        %sub3A_376 = vector.broadcast %mul3A_27 : i32 to vector<16xi32>
        %sub3A_377 = arith.subi %convert_element_type3A_375, %sub3A_376 : vector<16xi32>
        %bitcast3A_378 = vector.bitcast %sub3A_377 : vector<16xi32> to vector<16xi32>
        %lt3A_379 = arith.constant 73728 : i32
        %lt3A_380 = vector.broadcast %lt3A_379 : i32 to vector<16xi32>
        %lt3A_381 = arith.cmpi ult, %bitcast3A_378, %lt3A_380 : vector<16xi32>
        %get3A_382 = arith.constant 0 : i32
        %get3A_383 = arith.index_cast %get3A_382 : i32 to index
        %get3A_384 = arith.index_cast %add3A_364 : i32 to index
        %get3A_385 = tpu.vector_load %arg6[%get3A_383, %get3A_384] {strides = array<i32>} : memref<2x12288xf32, #tpu.memory_space<vmem>>, vector<16xf32>,
        tpu.vector_store_idx %arg7[%sub3A_377], %get3A_385 masked %lt3A_381 {add = true} : memref<73728xf32, #tpu.memory_space<vmem>>[vector<16xi32>], vector<16xf32>, vector<16xi1>
        %add3A_386 = arith.constant 112 : i32
        %add3A_387 = arith.addi %mul3A_228, %add3A_386 : i32
        %get3A_388 = arith.constant 0 : i32
        %get3A_389 = arith.index_cast %get3A_388 : i32 to index
        %get3A_390 = arith.index_cast %add3A_387 : i32 to index
        %get3A_391 = tpu.vector_load %arg5[%get3A_389, %get3A_390] {strides = array<i32>} : memref<2x12288xi32, #tpu.memory_space<vmem>>, vector<16xi32>,
        %shift_right_logical3A_392 = arith.constant 5 : i32
        %shift_right_logical3A_393 = vector.broadcast %shift_right_logical3A_392 : i32 to vector<16xi32>
        %shift_right_logical3A_394 = arith.shrui %get3A_391, %shift_right_logical3A_393 : vector<16xi32>
        %convert_element_type3A_395 = arith.sitofp %shift_right_logical3A_394 : vector<16xi32> to vector<16xf32>
        %mul3A_396 = vector.broadcast %while3A_4 : f32 to vector<16xf32>
        %mul3A_397 = arith.mulf %convert_element_type3A_395, %mul3A_396 : vector<16xf32>
        %convert_element_type3A_398 = arith.fptosi %mul3A_397 : vector<16xf32> to vector<16xi32>
        %sub3A_399 = vector.broadcast %mul3A_27 : i32 to vector<16xi32>
        %sub3A_400 = arith.subi %convert_element_type3A_398, %sub3A_399 : vector<16xi32>
        %bitcast3A_401 = vector.bitcast %sub3A_400 : vector<16xi32> to vector<16xi32>
        %lt3A_402 = arith.constant 73728 : i32
        %lt3A_403 = vector.broadcast %lt3A_402 : i32 to vector<16xi32>
        %lt3A_404 = arith.cmpi ult, %bitcast3A_401, %lt3A_403 : vector<16xi32>
        %get3A_405 = arith.constant 0 : i32
        %get3A_406 = arith.index_cast %get3A_405 : i32 to index
        %get3A_407 = arith.index_cast %add3A_387 : i32 to index
        %get3A_408 = tpu.vector_load %arg6[%get3A_406, %get3A_407] {strides = array<i32>} : memref<2x12288xf32, #tpu.memory_space<vmem>>, vector<16xf32>,
        tpu.vector_store_idx %arg7[%sub3A_400], %get3A_408 masked %lt3A_404 {add = true} : memref<73728xf32, #tpu.memory_space<vmem>>[vector<16xi32>], vector<16xf32>, vector<16xi1>
      }
      %while3A_219 = arith.constant 1 : i32
      scf.for %while3A_226 = %while3A_217 to %while3A_213 step %while3A_219  : i32 {
        %mul3A_227 = arith.constant 128 : i32
        %mul3A_228 = arith.muli %while3A_226, %mul3A_227 : i32
        %add3A_229 = arith.constant 0 : i32
        %add3A_230 = arith.addi %mul3A_228, %add3A_229 : i32
        %get3A = arith.constant 0 : i32
        %get3A_231 = arith.index_cast %get3A : i32 to index
        %get3A_232 = arith.index_cast %add3A_230 : i32 to index
        %get3A_233 = tpu.vector_load %arg5[%get3A_231, %get3A_232] {strides = array<i32>} : memref<2x12288xi32, #tpu.memory_space<vmem>>, vector<16xi32>,
        %shift_right_logical3A_234 = arith.constant 5 : i32
        %shift_right_logical3A_235 = vector.broadcast %shift_right_logical3A_234 : i32 to vector<16xi32>
        %shift_right_logical3A_236 = arith.shrui %get3A_233, %shift_right_logical3A_235 : vector<16xi32>
        %convert_element_type3A_237 = arith.sitofp %shift_right_logical3A_236 : vector<16xi32> to vector<16xf32>
        %mul3A_238 = vector.broadcast %while3A_4 : f32 to vector<16xf32>
        %mul3A_239 = arith.mulf %convert_element_type3A_237, %mul3A_238 : vector<16xf32>
        %convert_element_type3A_240 = arith.fptosi %mul3A_239 : vector<16xf32> to vector<16xi32>
        %sub3A = vector.broadcast %mul3A_27 : i32 to vector<16xi32>
        %sub3A_241 = arith.subi %convert_element_type3A_240, %sub3A : vector<16xi32>
        %bitcast3A = vector.bitcast %sub3A_241 : vector<16xi32> to vector<16xi32>
        %lt3A = arith.constant 73728 : i32
        %lt3A_242 = vector.broadcast %lt3A : i32 to vector<16xi32>
        %lt3A_243 = arith.cmpi ult, %bitcast3A, %lt3A_242 : vector<16xi32>
        %get3A_244 = arith.constant 0 : i32
        %get3A_245 = arith.index_cast %get3A_244 : i32 to index
        %get3A_246 = arith.index_cast %add3A_230 : i32 to index
        %get3A_247 = tpu.vector_load %arg6[%get3A_245, %get3A_246] {strides = array<i32>} : memref<2x12288xf32, #tpu.memory_space<vmem>>, vector<16xf32>,
        tpu.vector_store_idx %arg7[%sub3A_241], %get3A_247 masked %lt3A_243 {add = true} : memref<73728xf32, #tpu.memory_space<vmem>>[vector<16xi32>], vector<16xf32>, vector<16xi1>
        %add3A_248 = arith.constant 16 : i32
        %add3A_249 = arith.addi %mul3A_228, %add3A_248 : i32
        %get3A_250 = arith.constant 0 : i32
        %get3A_251 = arith.index_cast %get3A_250 : i32 to index
        %get3A_252 = arith.index_cast %add3A_249 : i32 to index
        %get3A_253 = tpu.vector_load %arg5[%get3A_251, %get3A_252] {strides = array<i32>} : memref<2x12288xi32, #tpu.memory_space<vmem>>, vector<16xi32>,
        %shift_right_logical3A_254 = arith.constant 5 : i32
        %shift_right_logical3A_255 = vector.broadcast %shift_right_logical3A_254 : i32 to vector<16xi32>
        %shift_right_logical3A_256 = arith.shrui %get3A_253, %shift_right_logical3A_255 : vector<16xi32>
        %convert_element_type3A_257 = arith.sitofp %shift_right_logical3A_256 : vector<16xi32> to vector<16xf32>
        %mul3A_258 = vector.broadcast %while3A_4 : f32 to vector<16xf32>
        %mul3A_259 = arith.mulf %convert_element_type3A_257, %mul3A_258 : vector<16xf32>
        %convert_element_type3A_260 = arith.fptosi %mul3A_259 : vector<16xf32> to vector<16xi32>
        %sub3A_261 = vector.broadcast %mul3A_27 : i32 to vector<16xi32>
        %sub3A_262 = arith.subi %convert_element_type3A_260, %sub3A_261 : vector<16xi32>
        %bitcast3A_263 = vector.bitcast %sub3A_262 : vector<16xi32> to vector<16xi32>
        %lt3A_264 = arith.constant 73728 : i32
        %lt3A_265 = vector.broadcast %lt3A_264 : i32 to vector<16xi32>
        %lt3A_266 = arith.cmpi ult, %bitcast3A_263, %lt3A_265 : vector<16xi32>
        %get3A_267 = arith.constant 0 : i32
        %get3A_268 = arith.index_cast %get3A_267 : i32 to index
        %get3A_269 = arith.index_cast %add3A_249 : i32 to index
        %get3A_270 = tpu.vector_load %arg6[%get3A_268, %get3A_269] {strides = array<i32>} : memref<2x12288xf32, #tpu.memory_space<vmem>>, vector<16xf32>,
        tpu.vector_store_idx %arg7[%sub3A_262], %get3A_270 masked %lt3A_266 {add = true} : memref<73728xf32, #tpu.memory_space<vmem>>[vector<16xi32>], vector<16xf32>, vector<16xi1>
        %add3A_271 = arith.constant 32 : i32
        %add3A_272 = arith.addi %mul3A_228, %add3A_271 : i32
        %get3A_273 = arith.constant 0 : i32
        %get3A_274 = arith.index_cast %get3A_273 : i32 to index
        %get3A_275 = arith.index_cast %add3A_272 : i32 to index
        %get3A_276 = tpu.vector_load %arg5[%get3A_274, %get3A_275] {strides = array<i32>} : memref<2x12288xi32, #tpu.memory_space<vmem>>, vector<16xi32>,
        %shift_right_logical3A_277 = arith.constant 5 : i32
        %shift_right_logical3A_278 = vector.broadcast %shift_right_logical3A_277 : i32 to vector<16xi32>
        %shift_right_logical3A_279 = arith.shrui %get3A_276, %shift_right_logical3A_278 : vector<16xi32>
        %convert_element_type3A_280 = arith.sitofp %shift_right_logical3A_279 : vector<16xi32> to vector<16xf32>
        %mul3A_281 = vector.broadcast %while3A_4 : f32 to vector<16xf32>
        %mul3A_282 = arith.mulf %convert_element_type3A_280, %mul3A_281 : vector<16xf32>
        %convert_element_type3A_283 = arith.fptosi %mul3A_282 : vector<16xf32> to vector<16xi32>
        %sub3A_284 = vector.broadcast %mul3A_27 : i32 to vector<16xi32>
        %sub3A_285 = arith.subi %convert_element_type3A_283, %sub3A_284 : vector<16xi32>
        %bitcast3A_286 = vector.bitcast %sub3A_285 : vector<16xi32> to vector<16xi32>
        %lt3A_287 = arith.constant 73728 : i32
        %lt3A_288 = vector.broadcast %lt3A_287 : i32 to vector<16xi32>
        %lt3A_289 = arith.cmpi ult, %bitcast3A_286, %lt3A_288 : vector<16xi32>
        %get3A_290 = arith.constant 0 : i32
        %get3A_291 = arith.index_cast %get3A_290 : i32 to index
        %get3A_292 = arith.index_cast %add3A_272 : i32 to index
        %get3A_293 = tpu.vector_load %arg6[%get3A_291, %get3A_292] {strides = array<i32>} : memref<2x12288xf32, #tpu.memory_space<vmem>>, vector<16xf32>,
        tpu.vector_store_idx %arg7[%sub3A_285], %get3A_293 masked %lt3A_289 {add = true} : memref<73728xf32, #tpu.memory_space<vmem>>[vector<16xi32>], vector<16xf32>, vector<16xi1>
        %add3A_294 = arith.constant 48 : i32
        %add3A_295 = arith.addi %mul3A_228, %add3A_294 : i32
        %get3A_296 = arith.constant 0 : i32
        %get3A_297 = arith.index_cast %get3A_296 : i32 to index
        %get3A_298 = arith.index_cast %add3A_295 : i32 to index
        %get3A_299 = tpu.vector_load %arg5[%get3A_297, %get3A_298] {strides = array<i32>} : memref<2x12288xi32, #tpu.memory_space<vmem>>, vector<16xi32>,
        %shift_right_logical3A_300 = arith.constant 5 : i32
        %shift_right_logical3A_301 = vector.broadcast %shift_right_logical3A_300 : i32 to vector<16xi32>
        %shift_right_logical3A_302 = arith.shrui %get3A_299, %shift_right_logical3A_301 : vector<16xi32>
        %convert_element_type3A_303 = arith.sitofp %shift_right_logical3A_302 : vector<16xi32> to vector<16xf32>
        %mul3A_304 = vector.broadcast %while3A_4 : f32 to vector<16xf32>
        %mul3A_305 = arith.mulf %convert_element_type3A_303, %mul3A_304 : vector<16xf32>
        %convert_element_type3A_306 = arith.fptosi %mul3A_305 : vector<16xf32> to vector<16xi32>
        %sub3A_307 = vector.broadcast %mul3A_27 : i32 to vector<16xi32>
        %sub3A_308 = arith.subi %convert_element_type3A_306, %sub3A_307 : vector<16xi32>
        %bitcast3A_309 = vector.bitcast %sub3A_308 : vector<16xi32> to vector<16xi32>
        %lt3A_310 = arith.constant 73728 : i32
        %lt3A_311 = vector.broadcast %lt3A_310 : i32 to vector<16xi32>
        %lt3A_312 = arith.cmpi ult, %bitcast3A_309, %lt3A_311 : vector<16xi32>
        %get3A_313 = arith.constant 0 : i32
        %get3A_314 = arith.index_cast %get3A_313 : i32 to index
        %get3A_315 = arith.index_cast %add3A_295 : i32 to index
        %get3A_316 = tpu.vector_load %arg6[%get3A_314, %get3A_315] {strides = array<i32>} : memref<2x12288xf32, #tpu.memory_space<vmem>>, vector<16xf32>,
        tpu.vector_store_idx %arg7[%sub3A_308], %get3A_316 masked %lt3A_312 {add = true} : memref<73728xf32, #tpu.memory_space<vmem>>[vector<16xi32>], vector<16xf32>, vector<16xi1>
        %add3A_317 = arith.constant 64 : i32
        %add3A_318 = arith.addi %mul3A_228, %add3A_317 : i32
        %get3A_319 = arith.constant 0 : i32
        %get3A_320 = arith.index_cast %get3A_319 : i32 to index
        %get3A_321 = arith.index_cast %add3A_318 : i32 to index
        %get3A_322 = tpu.vector_load %arg5[%get3A_320, %get3A_321] {strides = array<i32>} : memref<2x12288xi32, #tpu.memory_space<vmem>>, vector<16xi32>,
        %shift_right_logical3A_323 = arith.constant 5 : i32
        %shift_right_logical3A_324 = vector.broadcast %shift_right_logical3A_323 : i32 to vector<16xi32>
        %shift_right_logical3A_325 = arith.shrui %get3A_322, %shift_right_logical3A_324 : vector<16xi32>
        %convert_element_type3A_326 = arith.sitofp %shift_right_logical3A_325 : vector<16xi32> to vector<16xf32>
        %mul3A_327 = vector.broadcast %while3A_4 : f32 to vector<16xf32>
        %mul3A_328 = arith.mulf %convert_element_type3A_326, %mul3A_327 : vector<16xf32>
        %convert_element_type3A_329 = arith.fptosi %mul3A_328 : vector<16xf32> to vector<16xi32>
        %sub3A_330 = vector.broadcast %mul3A_27 : i32 to vector<16xi32>
        %sub3A_331 = arith.subi %convert_element_type3A_329, %sub3A_330 : vector<16xi32>
        %bitcast3A_332 = vector.bitcast %sub3A_331 : vector<16xi32> to vector<16xi32>
        %lt3A_333 = arith.constant 73728 : i32
        %lt3A_334 = vector.broadcast %lt3A_333 : i32 to vector<16xi32>
        %lt3A_335 = arith.cmpi ult, %bitcast3A_332, %lt3A_334 : vector<16xi32>
        %get3A_336 = arith.constant 0 : i32
        %get3A_337 = arith.index_cast %get3A_336 : i32 to index
        %get3A_338 = arith.index_cast %add3A_318 : i32 to index
        %get3A_339 = tpu.vector_load %arg6[%get3A_337, %get3A_338] {strides = array<i32>} : memref<2x12288xf32, #tpu.memory_space<vmem>>, vector<16xf32>,
        tpu.vector_store_idx %arg7[%sub3A_331], %get3A_339 masked %lt3A_335 {add = true} : memref<73728xf32, #tpu.memory_space<vmem>>[vector<16xi32>], vector<16xf32>, vector<16xi1>
        %add3A_340 = arith.constant 80 : i32
        %add3A_341 = arith.addi %mul3A_228, %add3A_340 : i32
        %get3A_342 = arith.constant 0 : i32
        %get3A_343 = arith.index_cast %get3A_342 : i32 to index
        %get3A_344 = arith.index_cast %add3A_341 : i32 to index
        %get3A_345 = tpu.vector_load %arg5[%get3A_343, %get3A_344] {strides = array<i32>} : memref<2x12288xi32, #tpu.memory_space<vmem>>, vector<16xi32>,
        %shift_right_logical3A_346 = arith.constant 5 : i32
        %shift_right_logical3A_347 = vector.broadcast %shift_right_logical3A_346 : i32 to vector<16xi32>
        %shift_right_logical3A_348 = arith.shrui %get3A_345, %shift_right_logical3A_347 : vector<16xi32>
        %convert_element_type3A_349 = arith.sitofp %shift_right_logical3A_348 : vector<16xi32> to vector<16xf32>
        %mul3A_350 = vector.broadcast %while3A_4 : f32 to vector<16xf32>
        %mul3A_351 = arith.mulf %convert_element_type3A_349, %mul3A_350 : vector<16xf32>
        %convert_element_type3A_352 = arith.fptosi %mul3A_351 : vector<16xf32> to vector<16xi32>
        %sub3A_353 = vector.broadcast %mul3A_27 : i32 to vector<16xi32>
        %sub3A_354 = arith.subi %convert_element_type3A_352, %sub3A_353 : vector<16xi32>
        %bitcast3A_355 = vector.bitcast %sub3A_354 : vector<16xi32> to vector<16xi32>
        %lt3A_356 = arith.constant 73728 : i32
        %lt3A_357 = vector.broadcast %lt3A_356 : i32 to vector<16xi32>
        %lt3A_358 = arith.cmpi ult, %bitcast3A_355, %lt3A_357 : vector<16xi32>
        %get3A_359 = arith.constant 0 : i32
        %get3A_360 = arith.index_cast %get3A_359 : i32 to index
        %get3A_361 = arith.index_cast %add3A_341 : i32 to index
        %get3A_362 = tpu.vector_load %arg6[%get3A_360, %get3A_361] {strides = array<i32>} : memref<2x12288xf32, #tpu.memory_space<vmem>>, vector<16xf32>,
        tpu.vector_store_idx %arg7[%sub3A_354], %get3A_362 masked %lt3A_358 {add = true} : memref<73728xf32, #tpu.memory_space<vmem>>[vector<16xi32>], vector<16xf32>, vector<16xi1>
        %add3A_363 = arith.constant 96 : i32
        %add3A_364 = arith.addi %mul3A_228, %add3A_363 : i32
        %get3A_365 = arith.constant 0 : i32
        %get3A_366 = arith.index_cast %get3A_365 : i32 to index
        %get3A_367 = arith.index_cast %add3A_364 : i32 to index
        %get3A_368 = tpu.vector_load %arg5[%get3A_366, %get3A_367] {strides = array<i32>} : memref<2x12288xi32, #tpu.memory_space<vmem>>, vector<16xi32>,
        %shift_right_logical3A_369 = arith.constant 5 : i32
        %shift_right_logical3A_370 = vector.broadcast %shift_right_logical3A_369 : i32 to vector<16xi32>
        %shift_right_logical3A_371 = arith.shrui %get3A_368, %shift_right_logical3A_370 : vector<16xi32>
        %convert_element_type3A_372 = arith.sitofp %shift_right_logical3A_371 : vector<16xi32> to vector<16xf32>
        %mul3A_373 = vector.broadcast %while3A_4 : f32 to vector<16xf32>
        %mul3A_374 = arith.mulf %convert_element_type3A_372, %mul3A_373 : vector<16xf32>
        %convert_element_type3A_375 = arith.fptosi %mul3A_374 : vector<16xf32> to vector<16xi32>
        %sub3A_376 = vector.broadcast %mul3A_27 : i32 to vector<16xi32>
        %sub3A_377 = arith.subi %convert_element_type3A_375, %sub3A_376 : vector<16xi32>
        %bitcast3A_378 = vector.bitcast %sub3A_377 : vector<16xi32> to vector<16xi32>
        %lt3A_379 = arith.constant 73728 : i32
        %lt3A_380 = vector.broadcast %lt3A_379 : i32 to vector<16xi32>
        %lt3A_381 = arith.cmpi ult, %bitcast3A_378, %lt3A_380 : vector<16xi32>
        %get3A_382 = arith.constant 0 : i32
        %get3A_383 = arith.index_cast %get3A_382 : i32 to index
        %get3A_384 = arith.index_cast %add3A_364 : i32 to index
        %get3A_385 = tpu.vector_load %arg6[%get3A_383, %get3A_384] {strides = array<i32>} : memref<2x12288xf32, #tpu.memory_space<vmem>>, vector<16xf32>,
        tpu.vector_store_idx %arg7[%sub3A_377], %get3A_385 masked %lt3A_381 {add = true} : memref<73728xf32, #tpu.memory_space<vmem>>[vector<16xi32>], vector<16xf32>, vector<16xi1>
        %add3A_386 = arith.constant 112 : i32
        %add3A_387 = arith.addi %mul3A_228, %add3A_386 : i32
        %get3A_388 = arith.constant 0 : i32
        %get3A_389 = arith.index_cast %get3A_388 : i32 to index
        %get3A_390 = arith.index_cast %add3A_387 : i32 to index
        %get3A_391 = tpu.vector_load %arg5[%get3A_389, %get3A_390] {strides = array<i32>} : memref<2x12288xi32, #tpu.memory_space<vmem>>, vector<16xi32>,
        %shift_right_logical3A_392 = arith.constant 5 : i32
        %shift_right_logical3A_393 = vector.broadcast %shift_right_logical3A_392 : i32 to vector<16xi32>
        %shift_right_logical3A_394 = arith.shrui %get3A_391, %shift_right_logical3A_393 : vector<16xi32>
        %convert_element_type3A_395 = arith.sitofp %shift_right_logical3A_394 : vector<16xi32> to vector<16xf32>
        %mul3A_396 = vector.broadcast %while3A_4 : f32 to vector<16xf32>
        %mul3A_397 = arith.mulf %convert_element_type3A_395, %mul3A_396 : vector<16xf32>
        %convert_element_type3A_398 = arith.fptosi %mul3A_397 : vector<16xf32> to vector<16xi32>
        %sub3A_399 = vector.broadcast %mul3A_27 : i32 to vector<16xi32>
        %sub3A_400 = arith.subi %convert_element_type3A_398, %sub3A_399 : vector<16xi32>
        %bitcast3A_401 = vector.bitcast %sub3A_400 : vector<16xi32> to vector<16xi32>
        %lt3A_402 = arith.constant 73728 : i32
        %lt3A_403 = vector.broadcast %lt3A_402 : i32 to vector<16xi32>
        %lt3A_404 = arith.cmpi ult, %bitcast3A_401, %lt3A_403 : vector<16xi32>
        %get3A_405 = arith.constant 0 : i32
        %get3A_406 = arith.index_cast %get3A_405 : i32 to index
        %get3A_407 = arith.index_cast %add3A_387 : i32 to index
        %get3A_408 = tpu.vector_load %arg6[%get3A_406, %get3A_407] {strides = array<i32>} : memref<2x12288xf32, #tpu.memory_space<vmem>>, vector<16xf32>,
        tpu.vector_store_idx %arg7[%sub3A_400], %get3A_408 masked %lt3A_404 {add = true} : memref<73728xf32, #tpu.memory_space<vmem>>[vector<16xi32>], vector<16xf32>, vector<16xi1>
      }
      %dma_start3A_220 = arith.constant 0 : i32
      %dma_start3A_221 = tpu.memref_slice %arg4[%add3A_24, %and3A_25, %dma_start3A_220] : memref<384x2x73728xf32, #tpu.memory_space<hbm>> -> memref<1x1x73728xf32, #tpu.memory_space<hbm>>
      %dma_start3A_222 = tpu.memref_squeeze %dma_start3A_221 : memref<1x1x73728xf32, #tpu.memory_space<hbm>> -> memref<73728xf32, #tpu.memory_space<hbm>>
      %dma_start3A_223 = arith.constant 0 : i32
      %dma_start3A_224 = tpu.memref_slice %arg4[%add3A_24, %and3A_25, %dma_start3A_223] : memref<384x2x73728xf32, #tpu.memory_space<hbm>> -> memref<1x1x73728xf32, #tpu.memory_space<hbm>>
      %dma_start3A_225 = tpu.memref_squeeze %dma_start3A_224 : memref<1x1x73728xf32, #tpu.memory_space<hbm>> -> memref<73728xf32, #tpu.memory_space<hbm>>
      tpu.enqueue_dma source(%arg7 : memref<73728xf32, #tpu.memory_space<vmem>>) target(%dma_start3A_225 : memref<73728xf32, #tpu.memory_space<hbm>>) target_semaphore(%arg12 : memref<!tpu.dma_semaphore, #tpu.memory_space<semaphore_mem>>)
    }
    %dma_wait3A = arith.constant 0 : i32
    %dma_wait3A_15 = arith.constant 0 : i32
    %dma_wait3A_16 = arith.constant 0 : i32
    %dma_wait3A_17 = tpu.memref_slice %arg4[%dma_wait3A, %dma_wait3A_15, %dma_wait3A_16] : memref<384x2x73728xf32, #tpu.memory_space<hbm>> -> memref<1x1x73728xf32, #tpu.memory_space<hbm>>
    %dma_wait3A_18 = tpu.memref_squeeze %dma_wait3A_17 : memref<1x1x73728xf32, #tpu.memory_space<hbm>> -> memref<73728xf32, #tpu.memory_space<hbm>>
    %dma_wait3A_19 = arith.constant 0 : i32
    %dma_wait3A_20 = tpu.memref_slice %arg4[%dma_wait3A, %dma_wait3A_15, %dma_wait3A_19] : memref<384x2x73728xf32, #tpu.memory_space<hbm>> -> memref<1x1x73728xf32, #tpu.memory_space<hbm>>
    %dma_wait3A_21 = tpu.memref_squeeze %dma_wait3A_20 : memref<1x1x73728xf32, #tpu.memory_space<hbm>> -> memref<73728xf32, #tpu.memory_space<hbm>>
    tpu.wait_dma2 semaphore(%arg12 : memref<!tpu.dma_semaphore, #tpu.memory_space<semaphore_mem>>) src(%arg7 : memref<73728xf32, #tpu.memory_space<vmem>>) dst(%dma_wait3A_21 : memref<73728xf32, #tpu.memory_space<hbm>>)
    return
  }
}

</mosaic_0001>

<sc_bundles>
// kernel: kernel.3.cloned.1.call-start
scs
__scs_entry_jumppad:
0x0: {  	(pc) =	sbr.rel $0x88, $3  }
0x1: {  	(tag) =	ssettag $0x0;
	lr =	simm.s32 $0x1  }
0x2: {  	[smem:$0x3F9F] =	sst lr;
	_ =	strace $0xD0000000  }
0x3: {  	_ = 	snop  }
0x4: {  	_ = 	snop  }
0x5: {  	_ = 	snop  }
0x6: {  	_ = 	snop  }
0x7: {  	_ = 	snop  }
__scs_overlays_trampoline_lowered:
0x8: {  	[smem:$0x3FAE] =	sst s0  }
0x9: {  	[smem:$0x3FAF] =	sst s1  }
0xa: {  	[smem:$0x3FB0] =	sst s2  }
0xb: {  	[smem:$0x3FB1] =	sst s3  }
0xc: {  	[smem:$0x3FB2] =	sst s4  }
0xd: {  	[smem:$0x3FB3] =	sst s5  }
0xe: {  	[smem:$0x3FB4] =	sst s6  }
0xf: {  	[smem:$0x3FB5] =	sst s7  }
0x10: {  	[smem:$0x3FB6] =	sst s8  }
0x11: {  	[smem:$0x3FB7] =	sst s9;
	s0 =	simm.s32 @!p0 $0x0  }
0x12: {  	s1 =	sld [smem:$0x3F9D];
	s0 =	simm.s32 @p0 $0x1  }
0x13: {  	[smem:$0x3FB8] =	sst s0;
	s0 =	simm.s32 @!p1 $0x0  }
0x14: {  	s2 =	sld [smem:$0x3F9C];
	s0 =	simm.s32 @p1 $0x1  }
0x15: {  	[smem:$0x3FB9] =	sst s0;
	s0 =	simm.s32 @!p2 $0x0  }
0x16: {  	s3 =	sld [smem:$0x3FDB];
	s0 =	simm.s32 @p2 $0x1  }
0x17: {  	s4 =	simm.s32 $0x1BF5;
	[smem:$0x3FBB] =	sst s0  }
0x18: {  	s0 =	sld [smem:$0x3F9E];
	_ =	swait.ge [sflag:s4], $0x0  }
0x19: {  	s7 =	sld [smem:$0x3F9F]  }
0x1a: {  	s8 =	sadd.s32 $0xFFFFE003, lr  }
0x1b: {  	s9 =	sadd.s32 $0xFFFFFEF7, lr;
	s5 =	simm.s32 $0xFFFFFFFF;
	p2 =	slt.u32 s8, $0xFFFFF086  }
0x1c: {  	p1 =	slt.u32 s9, $0xF7A;
	s5 =	simm.s32 @!p2 $0x0  }
0x1d: {  	s5 =	simm.s32 @p1 $0x1;
	p0 =	seq.s32 s7, s2  }
0x1e: {  	s7 =	smul.u32 @!p0 $0xF7A, s2;
	p2 =	seq.s32 @!p0 s5, $0x0  }
0x1f: {  	s9 =	smul.u32 $0xF7A, s1;
	s8 =	simm.s32 @!p0 $0x1BF5;
	p2 =	por !p2, p0  }
0x20: {  	[sflag:s8] =	ssyncset.s32 @!p0 $0xFFFFF086;
	s6 =	sadd.s32 @!p0 s3, s7;
	s7 =	simm.s32 @!p0 $0x108  }
0x21: {  	s3 =	sadd.s32 s3, s9;
	s6 =	sadd.s32 @!p0 $0x88, s6;
	s7 =	simm.s32 @p2 $0x1082  }
0x22: {  	[simem:s7], [sflag:s8] =	dma.local @!p0 [hbm:s6], $0xF7A  }
0x23: {  	s9 =	sor.u32 $0xD0000000, s2;
	s6 =	simm.s32 $0x108;
	_ =	swait.ge @!p0 [sflag:s8], $0x0  }
0x24: {  	s3 =	sadd.s32 $0x88, s3;
	s6 =	simm.s32 @!p1 $0x1082;
	[sflag:s4] =	ssyncset.s32 $0xFFFFF086  }
0x25: {  	[simem:s6], [sflag:s4] =	dma.local [hbm:s3], $0xF7A  }
0x26: {  	[smem:$0x3F9F] =	sst s1;
	(tag) =	ssettag s2;
	_ =	strace s9  }
0x27: {  	s1 =	sld [smem:$0x3FAF]  }
0x28: {  	s2 =	sld [smem:$0x3FB0]  }
0x29: {  	s4 =	sld [smem:$0x3FB2]  }
0x2a: {  	p0 =	seq.s32 s5, $0x0;
	s5 =	sld [smem:$0x3FB3]  }
0x2b: {  	s6 =	sld [smem:$0x3FB4]  }
0x2c: {  	s7 =	sld [smem:$0x3FB5]  }
0x2d: {  	s3 =	simm.s32 $0x108;
	s8 =	sld [smem:$0x3FB6]  }
0x2e: {  	s3 =	simm.s32 @!p0 $0x1082;
	s9 =	sld [smem:$0x3FB7]  }
0x2f: {  	lr =	sadd.s32 s0, s3;
	s0 =	sld [smem:$0x3FAE]  }
0x30: {  	s3 =	sld [smem:$0x3FB1]  }
0x31: {  	[smem:$0x3FBA] =	sst s10  }
0x32: {  	s10 =	sld [smem:$0x3FB8];
	_ =	sdelay $0x3  }
0x33: {  	p0 =	seq.s32 s10, $0x1;
	s10 =	sld [smem:$0x3FBA];
	_ =	sdelay $0x3  }
0x34: {  	[smem:$0x3FBA] =	sst s10  }
0x35: {  	s10 =	sld [smem:$0x3FB9];
	_ =	sdelay $0x3  }
0x36: {  	p1 =	seq.s32 s10, $0x1;
	s10 =	sld [smem:$0x3FBA];
	_ =	sdelay $0x3  }
0x37: {  	[smem:$0x3FBA] =	sst s10  }
0x38: {  	s10 =	sld [smem:$0x3FBB]  }
0x39: {  	_ = 	snop;
	(pc) =	sbr.ind lr, $3  }
0x3a: {  	_ = 	snop  }
0x3b: {  	_ = 	snop  }
0x3c: {  	p2 =	seq.s32 s10, $0x1;
	s10 =	sld [smem:$0x3FBA]  }
0x3d: {  	_ =	shalt  }
0x3e: {  	_ =	shalt  }
0x3f: {  	_ =	shalt  }
0x40: {  	_ =	shalt  }
0x41: {  	_ =	shalt  }
0x42: {  	_ =	shalt  }
0x43: {  	_ =	shalt  }
0x44: {  	_ =	shalt  }
0x45: {  	_ =	shalt  }
0x46: {  	_ =	shalt  }
0x47: {  	_ =	shalt  }
0x48: {  	_ =	shalt  }
0x49: {  	_ =	shalt  }
0x4a: {  	_ =	shalt  }
0x4b: {  	_ =	shalt  }
0x4c: {  	_ =	shalt  }
0x4d: {  	_ =	shalt  }
0x4e: {  	_ =	shalt  }
0x4f: {  	_ =	shalt  }
0x50: {  	_ =	shalt  }
0x51: {  	_ =	shalt  }
0x52: {  	_ =	shalt  }
0x53: {  	_ =	shalt  }
0x54: {  	_ =	shalt  }
0x55: {  	_ =	shalt  }
0x56: {  	_ =	shalt  }
0x57: {  	_ =	shalt  }
0x58: {  	_ =	shalt  }
0x59: {  	_ =	shalt  }
0x5a: {  	_ =	shalt  }
0x5b: {  	_ =	shalt  }
0x5c: {  	_ =	shalt  }
0x5d: {  	_ =	shalt  }
0x5e: {  	_ =	shalt  }
0x5f: {  	_ =	shalt  }
0x60: {  	_ =	shalt  }
0x61: {  	_ =	shalt  }
0x62: {  	_ =	shalt  }
0x63: {  	_ =	shalt  }
0x64: {  	_ =	shalt  }
0x65: {  	_ =	shalt  }
0x66: {  	_ =	shalt  }
0x67: {  	_ =	shalt  }
0x68: {  	_ =	shalt  }
0x69: {  	_ =	shalt  }
0x6a: {  	_ =	shalt  }
0x6b: {  	_ =	shalt  }
0x6c: {  	_ =	shalt  }
0x6d: {  	_ =	shalt  }
0x6e: {  	_ =	shalt  }
0x6f: {  	_ =	shalt  }
0x70: {  	_ =	shalt  }
0x71: {  	_ =	shalt  }
0x72: {  	_ =	shalt  }
0x73: {  	_ =	shalt  }
0x74: {  	_ =	shalt  }
0x75: {  	_ =	shalt  }
0x76: {  	_ =	shalt  }
0x77: {  	_ =	shalt  }
0x78: {  	_ =	shalt  }
0x79: {  	_ =	shalt  }
0x7a: {  	_ =	shalt  }
0x7b: {  	_ =	shalt  }
0x7c: {  	_ =	shalt  }
0x7d: {  	_ =	shalt  }
0x7e: {  	_ =	shalt  }
0x7f: {  	_ =	shalt  }
0x80: {  	_ =	shalt  }
0x81: {  	_ =	shalt  }
0x82: {  	_ =	shalt  }
0x83: {  	_ =	shalt  }
0x84: {  	_ =	shalt  }
0x85: {  	_ =	shalt  }
0x86: {  	_ =	shalt  }
0x87: {  	_ =	shalt  }
.Lfunc_end0:
.L_simem_size_0:
called_computation.3_lowered:
.L_overlay_start_0:
0x88: {  	s2 =	sld [smem:$0x3FD9]  }
0x89: {  	s3 =	sld [smem:$0x3FFE];
	_ =	sdelay $0x1  }
0x8a: {  	s1 =	srdreg.scid  }
0x8b: {  	s0 =	sand.u32 $0x1, s1  }
0x8c: {  	s17 =	sshll.u32 s0, $0xA;
	s2 =	sadd.s32 s3, s2  }
0x8d: {  	s2 =	sadd.s32 s2, s17  }
0x8e: {  	[smem:$0x3FC6] =	sst s2  }
0x8f: {  	_ = 	snop  }
0x90: {  	s2 =	sld [smem:$0x3FD0];
	(tm) =	ssettm $0x1  }
0x91: {  	s18 =	sld [smem:$0x3FFB];
	_ =	sdelay $0x3  }
0x92: {  	_ =	strace s18  }
0x93: {  	s3 =	sld [smem:$0x3FFC];
	_ =	sdelay $0x3  }
0x94: {  	_ =	strace s3  }
0x95: {  	s3 =	sld [smem:$0x3FFD];
	_ =	sdelay $0x3  }
0x96: {  	_ =	strace s3  }
0x97: {  	_ =	strace $0x8FFFFFFF  }
0x98: {  	s19 =	sld [smem:$0x3FDB];
	_ =	sdelay $0x1  }
0x99: {  	s4 =	simm.s32 $_scs_section_size  }
0x9a: {  	s5 =	simm.s32 $_size__tile_overlayer_lowered;
	s6 =	simm.s32 $_tile_overlayer_lowered  }
0x9b: {  	s22 =	simm.s32 $0x1BFF;
	s21 =	sshll.u32 s6, $0x1;
	s3 =	sadd.s32 s4, s19  }
0x9c: {  	s7 =	simm.s32 $0x0;
	s20 =	sshll.u32 s5, $0x1;
	s5 =	sadd.s32 s21, s3  }
0x9d: {  	[timem:s7], [sflag:s22] =	dma.local [hbm:s5], s20  }
0x9e: {  	_ =	swait.ge [sflag:s22], s20  }
0x9f: {  	s4 =	ssub.s32 $0x0, s20;
	[sflag:s22] =	ssyncset.done $0x0  }
0xa0: {  	[sflag:s22] =	ssyncadd.s32 s4;
	_ =	sdelay $0x1  }
0xa1: {  	s23 =	simm.s32 $0x1B8B  }
0xa2: {  	_ =	swait.ge [sflag:s23], $0x1  }
0xa3: {  	[sflag:s23] =	ssyncset.done $0x0  }
0xa4: {  	s25 =	simm.s32 $0x1B8E;
	s24 =	sld [smem:$0x3FFE];
	[sflag:s23] =	ssyncadd.s32 $0xFFFFFFFF  }
0xa5: {  	s26 =	simm.s32 $execute0_lowered;
	[smem:$0x3FD2] =	sst s25  }
0xa6: {  	s5 =	sshll.u32 s26, $0x1;
	_ =	strace $0x8000004C;
	[dreg:$0x1] =	wrdreg $0xFFFFFFFF  }
0xa7: {  	s28 =	simm.s32 $_size_execute0_lowered;
	s3 =	sadd.s32 s3, s5;
	[dreg:$0x0] =	wrdreg $0x0  }
0xa8: {  	s5 =	sshll.u32 s28, $0x1;
	[dreg:$0x2] =	wrdreg s3  }
0xa9: {  	[dreg:$0x3] =	wrdreg s5  }
0xaa: {  	[dreg:$0x4] =	wrdreg $0xC0  }
0xab: {  	_ =	task [dreg:s7], $0x5FFFF  }
0xac: {  	[dreg:$0x1] =	wrdreg $0xFFFFFFFF  }
0xad: {  	[dreg:$0x0] =	wrdreg $0x60  }
0xae: {  	[dreg:$0x2] =	wrdreg s24  }
0xaf: {  	[dreg:$0x3] =	wrdreg s2  }
0xb0: {  	[dreg:$0x4] =	wrdreg $0x9  }
0xb1: {  	_ =	task.clear_ibuf [dreg:s7], $0x5FFFF;
	_ =	strace $0x9000004C  }
0xb2: {  	s29 =	simm.s32 $0x9;
	_ =	strace $0x8000004E  }
0xb3: {  	_ =	swait.ge [sflag:s29], $0x1  }
0xb4: {  	[sflag:s29] =	ssyncadd.s32 $0xFFFFFFFF  }
0xb5: {  	_ =	strace $0x9000004E  }
0xb6: {  	_ =	sfence  }
0xb7: {  	s30 =	sld [smem:$0x0];
	_ =	sdelay $0x2  }
0xb8: {  	s31 =	sshll.u32 s1, $0xD;
	s1 =	sshrl.u32 s1, $0x2  }
0xb9: {  	s3 =	sand.u32 $0x4000, s31;
	s1 =	sadd.s32 s1, s30  }
0xba: {  	s0 =	sor.u32 s3, s0;
	s1 =	sshll.u32 s1, $0x11  }
0xbb: {  	s0 =	sor.u32 s1, s0  }
0xbc: {  	s0 =	sadd.s32 $0x8F2B, s0  }
0xbd: {  	[sflag:s0] =	ssyncadd.remote.s32 $0x1  }
0xbe: {  	_ =	sfence.sel $0xFFFF  }
0xbf: {  	[dreg:$0x0] =	wrdreg $0xFFFFFFFF;
	(pc) =	sbr.abs _section_cstart, $3  }
0xc0: {  	[dreg:$0x1] =	wrdreg $0xFFFFFFFF  }
0xc1: {  	_ =	task.clear_ibuf [dreg:s7], $0x2FFFF;
	_ =	strace $0x9FFFFFFF  }
0xc2: {  	(tm) =	ssettm $0x7FFFFFFF  }
0xc3: {  	_ =	shalt  }
tec
execute0_lowered:
.L_overlay_start_1:
0x0: {  	(tag) =	ssettag $0x1  }
0x1: {  	s5 =	rddreg [dreg:$0x0]  }
0x2: {  	s1 =	rddreg [dreg:$0x1];
	s2 =	srdreg.scid  }
0x3: {  	s0 =	rddreg [dreg:$0x2];
	s3 =	simm.s32 $0x0;
	s10 =	simm.s32 $0xC000  }
0x4: {  	s11 =	simm.s32 $0x2;
	s12 =	simm.s32 $0x4;
	s13 =	simm.s32 $0x80  }
0x5: {  	s14 =	simm.s32 $0x100;
	s15 =	simm.s32 $0x5;
	s16 =	simm.s32 $0x0  }
0x6: {  	s6 =	sand.u32 $0x1, s2;
	[smem:$0x7FF] =	sst s3;
	s2 =	stileid.u32  }
0x7: {  	s4 =	sadd.s32 $0x1B1000, s5;
	s5 =	sadd.s32 $0x1000, s5;
	s7 =	ssub.s32 $0x2, s6  }
0x8: {  	_ =	strace $0x8000004D;
	s9 =	sshll.u32 s2, $0x1;
	s8 =	sshrl.u32 s7, $0x1  }
0x9: {  	s6 =	sor.u32 s6, s9;
	s9 =	simm.s32 $0x3;
	s7 =	ssub.s32 s7, s8  }
0xa: {  	v0 =	vimm.f32 $0.0e+00;
	s6 =	smul.u32 $0xC, s6;
	s8 =	simm.s32 $0x1;
	s7 =	smax.u32 s7, $0x1  }
.LBB2_1:
0xb: {  	s17 =	simm.s32 $0x0  }
.LBB2_2:
0xc: {  	s18 =	sshrl.u32 s17, $0x1  }
0xd: {  	s18 =	sadd.s32 s6, s18  }
0xe: {  	s19 =	sshrl.u32 s18, $0x3  }
0xf: {  	s31 =	sshll.u32 s18, $0x7;
	s20 =	smul.u32 $0x48000, s19  }
0x10: {  	s22 =	sand.u32 $0x380, s31  }
0x11: {  	s19 =	sor.u32 s22, s20  }
0x12: {  	s19 =	sshrl.u32 s19, $0x3  }
0x13: {  	s23 =	simm.s32 $0x0;
	s21 =	sadd.s32 s5, s19  }
0x14: {  	s24 =	simm.s32 $0x80;
	s25 =	simm.s32 $0x100;
	s26 =	sadd.s32 $0x0, s21  }
.LBB2_3:
0x15: {  	[tilespmem:s23], [sflag:$0x1] =	stream.linear.gather [hbm4b:s26+s3], $0x80, $0x38;
	[tilespmem:$0x1E000] =	vst v63  }
0x16: {  	s26 =	smov.u32 s24;
	s23 =	smov.u32 s25;
	p0 =	sne.s32 s24, $0x2F80  }
.Ltmp0:
0x17: {  	s24 =	sadd.s32 $0x80, s24;
	(pc) =	sbr.rel @p0 .LBB2_3-.Ltmp0, $2  }
0x18: {  	_ =	sdelay $0x2  }
0x19: {  	s25 =	sadd.s32 $0x100, s25;
	s26 =	sadd.s32 s26, s21  }
0x1a: {  	[tilespmem:s23], [sflag:$0x1] =	stream.linear.gather [hbm4b:s26+s3], $0x80, $0x38;
	[tilespmem:$0x1E000] =	vst v63  }
0x1b: {  	s19 =	sadd.s32 s4, s19;
	s21 =	simm.s32 $0x6000  }
0x1c: {  	s23 =	simm.s32 $0x80;
	s24 =	simm.s32 $0x6100;
	s25 =	sadd.s32 $0x0, s19  }
.LBB2_5:
0x1d: {  	[tilespmem:s21], [sflag:$0x3] =	stream.linear.gather [hbm4b:s25+s3], $0x80, $0x38;
	[tilespmem:$0x1E000] =	vst v63  }
0x1e: {  	s25 =	smov.u32 s23;
	s21 =	smov.u32 s24;
	p0 =	sne.s32 s23, $0x2F80  }
.Ltmp1:
0x1f: {  	s23 =	sadd.s32 $0x80, s23;
	(pc) =	sbr.rel @p0 .LBB2_5-.Ltmp1, $2  }
0x20: {  	_ =	sdelay $0x2  }
0x21: {  	s24 =	sadd.s32 $0x100, s24;
	s25 =	sadd.s32 s25, s19  }
0x22: {  	[tilespmem:s21], [sflag:$0x3] =	stream.linear.gather [hbm4b:s25+s3], $0x80, $0x38;
	[tilespmem:$0x1E000] =	vst v63  }
0x23: {  	p0 =	seq.s32 s17, $0x0  }
0x24: {  	s23 =	simm.s32 @!p0 $0x5  }
0x25: {  	_ =	swait.ge @!p0 [sflag:s23], $0x12000  }
0x26: {  	s19 =	sand.u32 $0x1, s17;
	s24 =	simm.s32 $0x200;
	[sflag:s23] =	ssyncset.done @!p0 $0x0  }
0x27: {  	s21 =	smul.u32 $0x12000, s19;
	[sflag:s23] =	ssyncadd.s32 @!p0 $0xFFFEE000;
	s23 =	simm.s32 $0x0  }
.LBB2_7:
0x28: {  	p0 =	sne.s32 s24, $0x47E00;
	[tilespmem:s23+$0xC070] =	vst v0  }
0x29: {  	[tilespmem:s23+$0xC000] =	vst v0  }
0x2a: {  	[tilespmem:s23+$0xC010] =	vst v0  }
.Ltmp2:
0x2b: {  	[tilespmem:s23+$0xC020] =	vst v0;
	(pc) =	sbr.rel @p0 .LBB2_7-.Ltmp2, $4  }
0x2c: {  	[tilespmem:s23+$0xC030] =	vst v0  }
0x2d: {  	[tilespmem:s23+$0xC040] =	vst v0  }
0x2e: {  	[tilespmem:s23+$0xC050] =	vst v0  }
0x2f: {  	[tilespmem:s23+$0xC060] =	vst v0;
	s23 =	sshra.s32 s24, $0x2;
	s24 =	sadd.s32 $0x200, s24  }
0x30: {  	[tilespmem:s23+$0xC070] =	vst v0  }
0x31: {  	[tilespmem:s23+$0xC000] =	vst v0  }
0x32: {  	[tilespmem:s23+$0xC010] =	vst v0  }
0x33: {  	[tilespmem:s23+$0xC020] =	vst v0;
	s20 =	sadd.s32 s22, s20  }
0x34: {  	[tilespmem:s23+$0xC030] =	vst v0;
	s22 =	sadd.s32 $0x18000, s20  }
0x35: {  	[tilespmem:s23+$0xC040] =	vst v0;
	s22 =	sshrl.u32 s22, $0x3  }
0x36: {  	[tilespmem:s23+$0xC050] =	vst v0;
	s25 =	simm.s32 $0x80;
	s24 =	sadd.s32 s5, s22  }
0x37: {  	[tilespmem:s23+$0xC060] =	vst v0;
	s23 =	simm.s32 $0x80;
	s26 =	simm.s32 $0x180;
	s28 =	sadd.s32 $0x0, s24  }
.LBB2_9:
0x38: {  	[tilespmem:s25], [sflag:$0x2] =	stream.linear.gather [hbm4b:s28+s3], $0x80, $0x38;
	[tilespmem:$0x1E000] =	vst v63  }
0x39: {  	s28 =	smov.u32 s23;
	s25 =	smov.u32 s26;
	p0 =	sne.s32 s23, $0x2F80  }
.Ltmp3:
0x3a: {  	s23 =	sadd.s32 $0x80, s23;
	(pc) =	sbr.rel @p0 .LBB2_9-.Ltmp3, $2  }
0x3b: {  	_ =	sdelay $0x2  }
0x3c: {  	s26 =	sadd.s32 $0x100, s26;
	s28 =	sadd.s32 s28, s24  }
0x3d: {  	[tilespmem:s25], [sflag:$0x2] =	stream.linear.gather [hbm4b:s28+s3], $0x80, $0x38;
	[tilespmem:$0x1E000] =	vst v63  }
0x3e: {  	s22 =	sadd.s32 s4, s22;
	s23 =	simm.s32 $0x6080  }
0x3f: {  	s24 =	simm.s32 $0x80;
	s25 =	simm.s32 $0x6180;
	s26 =	sadd.s32 $0x0, s22  }
.LBB2_11:
0x40: {  	[tilespmem:s23], [sflag:$0x4] =	stream.linear.gather [hbm4b:s26+s3], $0x80, $0x38;
	[tilespmem:$0x1E000] =	vst v63  }
0x41: {  	s26 =	smov.u32 s24;
	s23 =	smov.u32 s25;
	p0 =	sne.s32 s24, $0x2F80  }
.Ltmp4:
0x42: {  	s24 =	sadd.s32 $0x80, s24;
	(pc) =	sbr.rel @p0 .LBB2_11-.Ltmp4, $2  }
0x43: {  	_ =	sdelay $0x2  }
0x44: {  	s25 =	sadd.s32 $0x100, s25;
	s26 =	sadd.s32 s26, s22  }
0x45: {  	[tilespmem:s23], [sflag:$0x4] =	stream.linear.gather [hbm4b:s26+s3], $0x80, $0x38;
	[tilespmem:$0x1E000] =	vst v63  }
0x46: {  	_ =	swait.ge [sflag:s8], $0x3000  }
0x47: {  	[sflag:s8] =	ssyncset.done $0x0  }
0x48: {  	[sflag:s8] =	ssyncadd.s32 $0xFFFFD000  }
0x49: {  	_ =	swait.ge [sflag:s9], $0x3000  }
0x4a: {  	[sflag:s9] =	ssyncset.done $0x0  }
0x4b: {  	v1 =	vmov s21;
	s21 =	simm.s32 $0x0;
	[sflag:s9] =	ssyncadd.s32 $0xFFFFD000  }
.LBB2_13:
0x4c: {  	s22 =	sshra.s32 s21, $0x2  }
0x4d: {  	v2 =	vld [tilespmem:s22+$0x0];
	_ =	sdelay $0x4  }
0x4e: {  	v2 =	vshrl.u32 v2, $0x5  }
0x4f: {  	v2 =	vcvt.s32.f32 v2;
	_ =	sdelay $0x1  }
0x50: {  	v2 =	vmul.f32 $3.333333430e-01, v2;
	_ =	sdelay $0x1  }
0x51: {  	v2 =	vtrunc.f32 v2  }
0x52: {  	v2 =	vcvt.f32.s32 v2;
	_ =	sdelay $0x1  }
0x53: {  	v3 =	vsub.s32 v2, v1  }
0x54: {  	v2 =	vand.u32 $0x7F, v2;
	vm0 =	vlt.u32 v3, $0x12000;
	v3 =	vand.u32 $0xFFFFFF80, v3  }
0x55: {  	v4 =	vld [tilespmem:s22+$0x6000];
	v2 =	vor.u32 v2, v3;
	_ =	sdelay $0x4  }
0x56: {  	[tilespmem:v2+s10+$0x0] =	vst.idx.add.f32.msk vm0, v4  }
0x57: {  	v2 =	vld [tilespmem:s22+$0x10];
	_ =	sdelay $0x4  }
0x58: {  	v2 =	vshrl.u32 v2, $0x5  }
0x59: {  	v2 =	vcvt.s32.f32 v2;
	_ =	sdelay $0x1  }
0x5a: {  	v2 =	vmul.f32 $3.333333430e-01, v2;
	_ =	sdelay $0x1  }
0x5b: {  	v2 =	vtrunc.f32 v2  }
0x5c: {  	v2 =	vcvt.f32.s32 v2;
	_ =	sdelay $0x1  }
0x5d: {  	v3 =	vsub.s32 v2, v1  }
0x5e: {  	v2 =	vand.u32 $0x7F, v2;
	vm9 =	vlt.u32 v3, $0x12000;
	v3 =	vand.u32 $0xFFFFFF80, v3  }
0x5f: {  	v4 =	vld [tilespmem:s22+$0x6010];
	v2 =	vor.u32 v2, v3;
	_ =	sdelay $0x4  }
0x60: {  	[tilespmem:v2+s10+$0x0] =	vst.idx.add.f32.msk vm9, v4  }
0x61: {  	v2 =	vld [tilespmem:s22+$0x20];
	_ =	sdelay $0x4  }
0x62: {  	v2 =	vshrl.u32 v2, $0x5  }
0x63: {  	v2 =	vcvt.s32.f32 v2;
	_ =	sdelay $0x1  }
0x64: {  	v2 =	vmul.f32 $3.333333430e-01, v2;
	_ =	sdelay $0x1  }
0x65: {  	v2 =	vtrunc.f32 v2  }
0x66: {  	v2 =	vcvt.f32.s32 v2;
	_ =	sdelay $0x1  }
0x67: {  	v3 =	vsub.s32 v2, v1  }
0x68: {  	v2 =	vand.u32 $0x7F, v2;
	vm10 =	vlt.u32 v3, $0x12000;
	v3 =	vand.u32 $0xFFFFFF80, v3  }
0x69: {  	v4 =	vld [tilespmem:s22+$0x6020];
	v2 =	vor.u32 v2, v3;
	_ =	sdelay $0x4  }
0x6a: {  	[tilespmem:v2+s10+$0x0] =	vst.idx.add.f32.msk vm10, v4  }
0x6b: {  	v2 =	vld [tilespmem:s22+$0x30];
	_ =	sdelay $0x4  }
0x6c: {  	v2 =	vshrl.u32 v2, $0x5  }
0x6d: {  	v2 =	vcvt.s32.f32 v2;
	_ =	sdelay $0x1  }
0x6e: {  	v2 =	vmul.f32 $3.333333430e-01, v2;
	_ =	sdelay $0x1  }
0x6f: {  	v2 =	vtrunc.f32 v2  }
0x70: {  	v2 =	vcvt.f32.s32 v2;
	_ =	sdelay $0x1  }
0x71: {  	v3 =	vsub.s32 v2, v1  }
0x72: {  	v2 =	vand.u32 $0x7F, v2;
	vm11 =	vlt.u32 v3, $0x12000;
	v3 =	vand.u32 $0xFFFFFF80, v3  }
0x73: {  	v4 =	vld [tilespmem:s22+$0x6030];
	v2 =	vor.u32 v2, v3;
	_ =	sdelay $0x4  }
0x74: {  	[tilespmem:v2+s10+$0x0] =	vst.idx.add.f32.msk vm11, v4  }
0x75: {  	v2 =	vld [tilespmem:s22+$0x40];
	_ =	sdelay $0x4  }
0x76: {  	v2 =	vshrl.u32 v2, $0x5  }
0x77: {  	v2 =	vcvt.s32.f32 v2;
	_ =	sdelay $0x1  }
0x78: {  	v2 =	vmul.f32 $3.333333430e-01, v2;
	_ =	sdelay $0x1  }
0x79: {  	v2 =	vtrunc.f32 v2  }
0x7a: {  	v2 =	vcvt.f32.s32 v2;
	_ =	sdelay $0x1  }
0x7b: {  	v3 =	vsub.s32 v2, v1  }
0x7c: {  	v2 =	vand.u32 $0x7F, v2;
	vm12 =	vlt.u32 v3, $0x12000;
	v3 =	vand.u32 $0xFFFFFF80, v3  }
0x7d: {  	v4 =	vld [tilespmem:s22+$0x6040];
	v2 =	vor.u32 v2, v3;
	_ =	sdelay $0x4  }
0x7e: {  	[tilespmem:v2+s10+$0x0] =	vst.idx.add.f32.msk vm12, v4  }
0x7f: {  	v2 =	vld [tilespmem:s22+$0x50];
	_ =	sdelay $0x4  }
0x80: {  	v2 =	vshrl.u32 v2, $0x5  }
0x81: {  	v2 =	vcvt.s32.f32 v2;
	_ =	sdelay $0x1  }
0x82: {  	v2 =	vmul.f32 $3.333333430e-01, v2;
	_ =	sdelay $0x1  }
0x83: {  	v2 =	vtrunc.f32 v2  }
0x84: {  	v2 =	vcvt.f32.s32 v2;
	_ =	sdelay $0x1  }
0x85: {  	v3 =	vsub.s32 v2, v1  }
0x86: {  	v2 =	vand.u32 $0x7F, v2;
	vm13 =	vlt.u32 v3, $0x12000;
	v3 =	vand.u32 $0xFFFFFF80, v3  }
0x87: {  	v4 =	vld [tilespmem:s22+$0x6050];
	v2 =	vor.u32 v2, v3;
	_ =	sdelay $0x4  }
0x88: {  	[tilespmem:v2+s10+$0x0] =	vst.idx.add.f32.msk vm13, v4  }
0x89: {  	v2 =	vld [tilespmem:s22+$0x60];
	_ =	sdelay $0x4  }
0x8a: {  	v2 =	vshrl.u32 v2, $0x5  }
0x8b: {  	v2 =	vcvt.s32.f32 v2;
	_ =	sdelay $0x1  }
0x8c: {  	v2 =	vmul.f32 $3.333333430e-01, v2;
	_ =	sdelay $0x1  }
0x8d: {  	v2 =	vtrunc.f32 v2  }
0x8e: {  	v2 =	vcvt.f32.s32 v2;
	_ =	sdelay $0x1  }
0x8f: {  	v3 =	vsub.s32 v2, v1  }
0x90: {  	v2 =	vand.u32 $0x7F, v2;
	vm14 =	vlt.u32 v3, $0x12000;
	v3 =	vand.u32 $0xFFFFFF80, v3  }
0x91: {  	v4 =	vld [tilespmem:s22+$0x6060];
	v2 =	vor.u32 v2, v3;
	_ =	sdelay $0x4  }
0x92: {  	[tilespmem:v2+s10+$0x0] =	vst.idx.add.f32.msk vm14, v4  }
0x93: {  	v2 =	vld [tilespmem:s22+$0x70];
	_ =	sdelay $0x4  }
0x94: {  	v2 =	vshrl.u32 v2, $0x5  }
0x95: {  	v2 =	vcvt.s32.f32 v2;
	_ =	sdelay $0x1  }
0x96: {  	v2 =	vmul.f32 $3.333333430e-01, v2;
	_ =	sdelay $0x1  }
0x97: {  	v2 =	vtrunc.f32 v2  }
0x98: {  	v2 =	vcvt.f32.s32 v2;
	_ =	sdelay $0x1  }
0x99: {  	v3 =	vsub.s32 v2, v1  }
0x9a: {  	v2 =	vand.u32 $0x7F, v2;
	vm15 =	vlt.u32 v3, $0x12000;
	v3 =	vand.u32 $0xFFFFFF80, v3  }
0x9b: {  	p0 =	sne.s32 s21, $0x17C00;
	v4 =	vld [tilespmem:s22+$0x6070];
	v2 =	vor.u32 v2, v3  }
.Ltmp5:
0x9c: {  	_ = 	snop;
	(pc) =	sbr.rel @p0 .LBB2_13-.Ltmp5, $2  }
0x9d: {  	_ =	sdelay $0x2  }
0x9e: {  	s21 =	sadd.s32 $0x400, s21;
	[tilespmem:v2+s10+$0x0] =	vst.idx.add.f32.msk vm15, v4  }
0x9f: {  	s20 =	sadd.s32 $0x30000, s20  }
0xa0: {  	s20 =	sshrl.u32 s20, $0x3  }
0xa1: {  	s22 =	simm.s32 $0x0;
	s21 =	sadd.s32 s5, s20  }
0xa2: {  	s23 =	simm.s32 $0x80;
	s24 =	simm.s32 $0x100;
	s25 =	sadd.s32 $0x0, s21  }
.LBB2_15:
0xa3: {  	[tilespmem:s22], [sflag:$0x1] =	stream.linear.gather [hbm4b:s25+s3], $0x80, $0x38;
	[tilespmem:$0x1E000] =	vst v63  }
0xa4: {  	s25 =	smov.u32 s23;
	s22 =	smov.u32 s24;
	p0 =	sne.s32 s23, $0x2F80  }
.Ltmp6:
0xa5: {  	s23 =	sadd.s32 $0x80, s23;
	(pc) =	sbr.rel @p0 .LBB2_15-.Ltmp6, $2  }
0xa6: {  	_ =	sdelay $0x2  }
0xa7: {  	s24 =	sadd.s32 $0x100, s24;
	s25 =	sadd.s32 s25, s21  }
0xa8: {  	[tilespmem:s22], [sflag:$0x1] =	stream.linear.gather [hbm4b:s25+s3], $0x80, $0x38;
	[tilespmem:$0x1E000] =	vst v63  }
0xa9: {  	s20 =	sadd.s32 s4, s20;
	s21 =	simm.s32 $0x6000  }
0xaa: {  	s22 =	simm.s32 $0x80;
	s23 =	simm.s32 $0x6100;
	s24 =	sadd.s32 $0x0, s20  }
.LBB2_17:
0xab: {  	[tilespmem:s21], [sflag:$0x3] =	stream.linear.gather [hbm4b:s24+s3], $0x80, $0x38;
	[tilespmem:$0x1E000] =	vst v63  }
0xac: {  	s24 =	smov.u32 s22;
	s21 =	smov.u32 s23;
	p0 =	sne.s32 s22, $0x2F80  }
.Ltmp7:
0xad: {  	s22 =	sadd.s32 $0x80, s22;
	(pc) =	sbr.rel @p0 .LBB2_17-.Ltmp7, $2  }
0xae: {  	_ =	sdelay $0x2  }
0xaf: {  	s23 =	sadd.s32 $0x100, s23;
	s24 =	sadd.s32 s24, s20  }
0xb0: {  	[tilespmem:s21], [sflag:$0x3] =	stream.linear.gather [hbm4b:s24+s3], $0x80, $0x38;
	[tilespmem:$0x1E000] =	vst v63  }
0xb1: {  	_ =	swait.ge [sflag:s11], $0x3000  }
0xb2: {  	[sflag:s11] =	ssyncset.done $0x0  }
0xb3: {  	[sflag:s11] =	ssyncadd.s32 $0xFFFFD000  }
0xb4: {  	_ =	swait.ge [sflag:s12], $0x3000  }
0xb5: {  	[sflag:s12] =	ssyncset.done $0x0  }
0xb6: {  	s20 =	simm.s32 $0x0;
	[sflag:s12] =	ssyncadd.s32 $0xFFFFD000  }
.LBB2_19:
0xb7: {  	s21 =	sshra.s32 s20, $0x2  }
0xb8: {  	v2 =	vld [tilespmem:s21+$0x80];
	_ =	sdelay $0x4  }
0xb9: {  	v2 =	vshrl.u32 v2, $0x5  }
0xba: {  	v2 =	vcvt.s32.f32 v2;
	_ =	sdelay $0x1  }
0xbb: {  	v2 =	vmul.f32 $3.333333430e-01, v2;
	_ =	sdelay $0x1  }
0xbc: {  	v2 =	vtrunc.f32 v2  }
0xbd: {  	v2 =	vcvt.f32.s32 v2;
	_ =	sdelay $0x1  }
0xbe: {  	v3 =	vsub.s32 v2, v1  }
0xbf: {  	v2 =	vand.u32 $0x7F, v2;
	vm0 =	vlt.u32 v3, $0x12000;
	v3 =	vand.u32 $0xFFFFFF80, v3  }
0xc0: {  	v4 =	vld [tilespmem:s21+$0x6080];
	v2 =	vor.u32 v2, v3;
	_ =	sdelay $0x4  }
0xc1: {  	[tilespmem:v2+s10+$0x0] =	vst.idx.add.f32.msk vm0, v4  }
0xc2: {  	v2 =	vld [tilespmem:s21+$0x90];
	_ =	sdelay $0x4  }
0xc3: {  	v2 =	vshrl.u32 v2, $0x5  }
0xc4: {  	v2 =	vcvt.s32.f32 v2;
	_ =	sdelay $0x1  }
0xc5: {  	v2 =	vmul.f32 $3.333333430e-01, v2;
	_ =	sdelay $0x1  }
0xc6: {  	v2 =	vtrunc.f32 v2  }
0xc7: {  	v2 =	vcvt.f32.s32 v2;
	_ =	sdelay $0x1  }
0xc8: {  	v3 =	vsub.s32 v2, v1  }
0xc9: {  	v2 =	vand.u32 $0x7F, v2;
	vm9 =	vlt.u32 v3, $0x12000;
	v3 =	vand.u32 $0xFFFFFF80, v3  }
0xca: {  	v4 =	vld [tilespmem:s21+$0x6090];
	v2 =	vor.u32 v2, v3;
	_ =	sdelay $0x4  }
0xcb: {  	[tilespmem:v2+s10+$0x0] =	vst.idx.add.f32.msk vm9, v4  }
0xcc: {  	v2 =	vld [tilespmem:s21+$0xA0];
	_ =	sdelay $0x4  }
0xcd: {  	v2 =	vshrl.u32 v2, $0x5  }
0xce: {  	v2 =	vcvt.s32.f32 v2;
	_ =	sdelay $0x1  }
0xcf: {  	v2 =	vmul.f32 $3.333333430e-01, v2;
	_ =	sdelay $0x1  }
0xd0: {  	v2 =	vtrunc.f32 v2  }
0xd1: {  	v2 =	vcvt.f32.s32 v2;
	_ =	sdelay $0x1  }
0xd2: {  	v3 =	vsub.s32 v2, v1  }
0xd3: {  	v2 =	vand.u32 $0x7F, v2;
	vm10 =	vlt.u32 v3, $0x12000;
	v3 =	vand.u32 $0xFFFFFF80, v3  }
0xd4: {  	v4 =	vld [tilespmem:s21+$0x60A0];
	v2 =	vor.u32 v2, v3;
	_ =	sdelay $0x4  }
0xd5: {  	[tilespmem:v2+s10+$0x0] =	vst.idx.add.f32.msk vm10, v4  }
0xd6: {  	v2 =	vld [tilespmem:s21+$0xB0];
	_ =	sdelay $0x4  }
0xd7: {  	v2 =	vshrl.u32 v2, $0x5  }
0xd8: {  	v2 =	vcvt.s32.f32 v2;
	_ =	sdelay $0x1  }
0xd9: {  	v2 =	vmul.f32 $3.333333430e-01, v2;
	_ =	sdelay $0x1  }
0xda: {  	v2 =	vtrunc.f32 v2  }
0xdb: {  	v2 =	vcvt.f32.s32 v2;
	_ =	sdelay $0x1  }
0xdc: {  	v3 =	vsub.s32 v2, v1  }
0xdd: {  	v2 =	vand.u32 $0x7F, v2;
	vm11 =	vlt.u32 v3, $0x12000;
	v3 =	vand.u32 $0xFFFFFF80, v3  }
0xde: {  	v4 =	vld [tilespmem:s21+$0x60B0];
	v2 =	vor.u32 v2, v3;
	_ =	sdelay $0x4  }
0xdf: {  	[tilespmem:v2+s10+$0x0] =	vst.idx.add.f32.msk vm11, v4  }
0xe0: {  	v2 =	vld [tilespmem:s21+$0xC0];
	_ =	sdelay $0x4  }
0xe1: {  	v2 =	vshrl.u32 v2, $0x5  }
0xe2: {  	v2 =	vcvt.s32.f32 v2;
	_ =	sdelay $0x1  }
0xe3: {  	v2 =	vmul.f32 $3.333333430e-01, v2;
	_ =	sdelay $0x1  }
0xe4: {  	v2 =	vtrunc.f32 v2  }
0xe5: {  	v2 =	vcvt.f32.s32 v2;
	_ =	sdelay $0x1  }
0xe6: {  	v3 =	vsub.s32 v2, v1  }
0xe7: {  	v2 =	vand.u32 $0x7F, v2;
	vm12 =	vlt.u32 v3, $0x12000;
	v3 =	vand.u32 $0xFFFFFF80, v3  }
0xe8: {  	v4 =	vld [tilespmem:s21+$0x60C0];
	v2 =	vor.u32 v2, v3;
	_ =	sdelay $0x4  }
0xe9: {  	[tilespmem:v2+s10+$0x0] =	vst.idx.add.f32.msk vm12, v4  }
0xea: {  	v2 =	vld [tilespmem:s21+$0xD0];
	_ =	sdelay $0x4  }
0xeb: {  	v2 =	vshrl.u32 v2, $0x5  }
0xec: {  	v2 =	vcvt.s32.f32 v2;
	_ =	sdelay $0x1  }
0xed: {  	v2 =	vmul.f32 $3.333333430e-01, v2;
	_ =	sdelay $0x1  }
0xee: {  	v2 =	vtrunc.f32 v2  }
0xef: {  	v2 =	vcvt.f32.s32 v2;
	_ =	sdelay $0x1  }
0xf0: {  	v3 =	vsub.s32 v2, v1  }
0xf1: {  	v2 =	vand.u32 $0x7F, v2;
	vm13 =	vlt.u32 v3, $0x12000;
	v3 =	vand.u32 $0xFFFFFF80, v3  }
0xf2: {  	v4 =	vld [tilespmem:s21+$0x60D0];
	v2 =	vor.u32 v2, v3;
	_ =	sdelay $0x4  }
0xf3: {  	[tilespmem:v2+s10+$0x0] =	vst.idx.add.f32.msk vm13, v4  }
0xf4: {  	v2 =	vld [tilespmem:s21+$0xE0];
	_ =	sdelay $0x4  }
0xf5: {  	v2 =	vshrl.u32 v2, $0x5  }
0xf6: {  	v2 =	vcvt.s32.f32 v2;
	_ =	sdelay $0x1  }
0xf7: {  	v2 =	vmul.f32 $3.333333430e-01, v2;
	_ =	sdelay $0x1  }
0xf8: {  	v2 =	vtrunc.f32 v2  }
0xf9: {  	v2 =	vcvt.f32.s32 v2;
	_ =	sdelay $0x1  }
0xfa: {  	v3 =	vsub.s32 v2, v1  }
0xfb: {  	v2 =	vand.u32 $0x7F, v2;
	vm14 =	vlt.u32 v3, $0x12000;
	v3 =	vand.u32 $0xFFFFFF80, v3  }
0xfc: {  	v4 =	vld [tilespmem:s21+$0x60E0];
	v2 =	vor.u32 v2, v3;
	_ =	sdelay $0x4  }
0xfd: {  	[tilespmem:v2+s10+$0x0] =	vst.idx.add.f32.msk vm14, v4  }
0xfe: {  	v2 =	vld [tilespmem:s21+$0xF0];
	_ =	sdelay $0x4  }
0xff: {  	v2 =	vshrl.u32 v2, $0x5  }
0x100: {  	v2 =	vcvt.s32.f32 v2;
	_ =	sdelay $0x1  }
0x101: {  	v2 =	vmul.f32 $3.333333430e-01, v2;
	_ =	sdelay $0x1  }
0x102: {  	v2 =	vtrunc.f32 v2  }
0x103: {  	v2 =	vcvt.f32.s32 v2;
	_ =	sdelay $0x1  }
0x104: {  	v3 =	vsub.s32 v2, v1  }
0x105: {  	v2 =	vand.u32 $0x7F, v2;
	vm15 =	vlt.u32 v3, $0x12000;
	v3 =	vand.u32 $0xFFFFFF80, v3  }
0x106: {  	p0 =	sne.s32 s20, $0x17C00;
	v4 =	vld [tilespmem:s21+$0x60F0];
	v2 =	vor.u32 v2, v3  }
.Ltmp8:
0x107: {  	_ = 	snop;
	(pc) =	sbr.rel @p0 .LBB2_19-.Ltmp8, $2  }
0x108: {  	_ =	sdelay $0x2  }
0x109: {  	s20 =	sadd.s32 $0x400, s20;
	[tilespmem:v2+s10+$0x0] =	vst.idx.add.f32.msk vm15, v4  }
0x10a: {  	_ =	swait.ge [sflag:s8], $0x3000  }
0x10b: {  	[sflag:s8] =	ssyncset.done $0x0  }
0x10c: {  	[sflag:s8] =	ssyncadd.s32 $0xFFFFD000  }
0x10d: {  	_ =	swait.ge [sflag:s9], $0x3000  }
0x10e: {  	[sflag:s9] =	ssyncset.done $0x0  }
0x10f: {  	s20 =	simm.s32 $0x0;
	[sflag:s9] =	ssyncadd.s32 $0xFFFFD000  }
.LBB2_21:
0x110: {  	s21 =	sshra.s32 s20, $0x2  }
0x111: {  	v2 =	vld [tilespmem:s21+$0x0];
	_ =	sdelay $0x4  }
0x112: {  	v2 =	vshrl.u32 v2, $0x5  }
0x113: {  	v2 =	vcvt.s32.f32 v2;
	_ =	sdelay $0x1  }
0x114: {  	v2 =	vmul.f32 $3.333333430e-01, v2;
	_ =	sdelay $0x1  }
0x115: {  	v2 =	vtrunc.f32 v2  }
0x116: {  	v2 =	vcvt.f32.s32 v2;
	_ =	sdelay $0x1  }
0x117: {  	v3 =	vsub.s32 v2, v1  }
0x118: {  	v2 =	vand.u32 $0x7F, v2;
	vm0 =	vlt.u32 v3, $0x12000;
	v3 =	vand.u32 $0xFFFFFF80, v3  }
0x119: {  	v4 =	vld [tilespmem:s21+$0x6000];
	v2 =	vor.u32 v2, v3;
	_ =	sdelay $0x4  }
0x11a: {  	[tilespmem:v2+s10+$0x0] =	vst.idx.add.f32.msk vm0, v4  }
0x11b: {  	v2 =	vld [tilespmem:s21+$0x10];
	_ =	sdelay $0x4  }
0x11c: {  	v2 =	vshrl.u32 v2, $0x5  }
0x11d: {  	v2 =	vcvt.s32.f32 v2;
	_ =	sdelay $0x1  }
0x11e: {  	v2 =	vmul.f32 $3.333333430e-01, v2;
	_ =	sdelay $0x1  }
0x11f: {  	v2 =	vtrunc.f32 v2  }
0x120: {  	v2 =	vcvt.f32.s32 v2;
	_ =	sdelay $0x1  }
0x121: {  	v3 =	vsub.s32 v2, v1  }
0x122: {  	v2 =	vand.u32 $0x7F, v2;
	vm9 =	vlt.u32 v3, $0x12000;
	v3 =	vand.u32 $0xFFFFFF80, v3  }
0x123: {  	v4 =	vld [tilespmem:s21+$0x6010];
	v2 =	vor.u32 v2, v3;
	_ =	sdelay $0x4  }
0x124: {  	[tilespmem:v2+s10+$0x0] =	vst.idx.add.f32.msk vm9, v4  }
0x125: {  	v2 =	vld [tilespmem:s21+$0x20];
	_ =	sdelay $0x4  }
0x126: {  	v2 =	vshrl.u32 v2, $0x5  }
0x127: {  	v2 =	vcvt.s32.f32 v2;
	_ =	sdelay $0x1  }
0x128: {  	v2 =	vmul.f32 $3.333333430e-01, v2;
	_ =	sdelay $0x1  }
0x129: {  	v2 =	vtrunc.f32 v2  }
0x12a: {  	v2 =	vcvt.f32.s32 v2;
	_ =	sdelay $0x1  }
0x12b: {  	v3 =	vsub.s32 v2, v1  }
0x12c: {  	v2 =	vand.u32 $0x7F, v2;
	vm10 =	vlt.u32 v3, $0x12000;
	v3 =	vand.u32 $0xFFFFFF80, v3  }
0x12d: {  	v4 =	vld [tilespmem:s21+$0x6020];
	v2 =	vor.u32 v2, v3;
	_ =	sdelay $0x4  }
0x12e: {  	[tilespmem:v2+s10+$0x0] =	vst.idx.add.f32.msk vm10, v4  }
0x12f: {  	v2 =	vld [tilespmem:s21+$0x30];
	_ =	sdelay $0x4  }
0x130: {  	v2 =	vshrl.u32 v2, $0x5  }
0x131: {  	v2 =	vcvt.s32.f32 v2;
	_ =	sdelay $0x1  }
0x132: {  	v2 =	vmul.f32 $3.333333430e-01, v2;
	_ =	sdelay $0x1  }
0x133: {  	v2 =	vtrunc.f32 v2  }
0x134: {  	v2 =	vcvt.f32.s32 v2;
	_ =	sdelay $0x1  }
0x135: {  	v3 =	vsub.s32 v2, v1  }
0x136: {  	v2 =	vand.u32 $0x7F, v2;
	vm11 =	vlt.u32 v3, $0x12000;
	v3 =	vand.u32 $0xFFFFFF80, v3  }
0x137: {  	v4 =	vld [tilespmem:s21+$0x6030];
	v2 =	vor.u32 v2, v3;
	_ =	sdelay $0x4  }
0x138: {  	[tilespmem:v2+s10+$0x0] =	vst.idx.add.f32.msk vm11, v4  }
0x139: {  	v2 =	vld [tilespmem:s21+$0x40];
	_ =	sdelay $0x4  }
0x13a: {  	v2 =	vshrl.u32 v2, $0x5  }
0x13b: {  	v2 =	vcvt.s32.f32 v2;
	_ =	sdelay $0x1  }
0x13c: {  	v2 =	vmul.f32 $3.333333430e-01, v2;
	_ =	sdelay $0x1  }
0x13d: {  	v2 =	vtrunc.f32 v2  }
0x13e: {  	v2 =	vcvt.f32.s32 v2;
	_ =	sdelay $0x1  }
0x13f: {  	v3 =	vsub.s32 v2, v1  }
0x140: {  	v2 =	vand.u32 $0x7F, v2;
	vm12 =	vlt.u32 v3, $0x12000;
	v3 =	vand.u32 $0xFFFFFF80, v3  }
0x141: {  	v4 =	vld [tilespmem:s21+$0x6040];
	v2 =	vor.u32 v2, v3;
	_ =	sdelay $0x4  }
0x142: {  	[tilespmem:v2+s10+$0x0] =	vst.idx.add.f32.msk vm12, v4  }
0x143: {  	v2 =	vld [tilespmem:s21+$0x50];
	_ =	sdelay $0x4  }
0x144: {  	v2 =	vshrl.u32 v2, $0x5  }
0x145: {  	v2 =	vcvt.s32.f32 v2;
	_ =	sdelay $0x1  }
0x146: {  	v2 =	vmul.f32 $3.333333430e-01, v2;
	_ =	sdelay $0x1  }
0x147: {  	v2 =	vtrunc.f32 v2  }
0x148: {  	v2 =	vcvt.f32.s32 v2;
	_ =	sdelay $0x1  }
0x149: {  	v3 =	vsub.s32 v2, v1  }
0x14a: {  	v2 =	vand.u32 $0x7F, v2;
	vm13 =	vlt.u32 v3, $0x12000;
	v3 =	vand.u32 $0xFFFFFF80, v3  }
0x14b: {  	v4 =	vld [tilespmem:s21+$0x6050];
	v2 =	vor.u32 v2, v3;
	_ =	sdelay $0x4  }
0x14c: {  	[tilespmem:v2+s10+$0x0] =	vst.idx.add.f32.msk vm13, v4  }
0x14d: {  	v2 =	vld [tilespmem:s21+$0x60];
	_ =	sdelay $0x4  }
0x14e: {  	v2 =	vshrl.u32 v2, $0x5  }
0x14f: {  	v2 =	vcvt.s32.f32 v2;
	_ =	sdelay $0x1  }
0x150: {  	v2 =	vmul.f32 $3.333333430e-01, v2;
	_ =	sdelay $0x1  }
0x151: {  	v2 =	vtrunc.f32 v2  }
0x152: {  	v2 =	vcvt.f32.s32 v2;
	_ =	sdelay $0x1  }
0x153: {  	v3 =	vsub.s32 v2, v1  }
0x154: {  	v2 =	vand.u32 $0x7F, v2;
	vm14 =	vlt.u32 v3, $0x12000;
	v3 =	vand.u32 $0xFFFFFF80, v3  }
0x155: {  	v4 =	vld [tilespmem:s21+$0x6060];
	v2 =	vor.u32 v2, v3;
	_ =	sdelay $0x4  }
0x156: {  	[tilespmem:v2+s10+$0x0] =	vst.idx.add.f32.msk vm14, v4  }
0x157: {  	v2 =	vld [tilespmem:s21+$0x70];
	_ =	sdelay $0x4  }
0x158: {  	v2 =	vshrl.u32 v2, $0x5  }
0x159: {  	v2 =	vcvt.s32.f32 v2;
	_ =	sdelay $0x1  }
0x15a: {  	v2 =	vmul.f32 $3.333333430e-01, v2;
	_ =	sdelay $0x1  }
0x15b: {  	v2 =	vtrunc.f32 v2  }
0x15c: {  	v2 =	vcvt.f32.s32 v2;
	_ =	sdelay $0x1  }
0x15d: {  	v3 =	vsub.s32 v2, v1  }
0x15e: {  	v2 =	vand.u32 $0x7F, v2;
	vm15 =	vlt.u32 v3, $0x12000;
	v3 =	vand.u32 $0xFFFFFF80, v3  }
0x15f: {  	p0 =	sne.s32 s20, $0x17C00;
	v4 =	vld [tilespmem:s21+$0x6070];
	v2 =	vor.u32 v2, v3  }
.Ltmp9:
0x160: {  	_ = 	snop;
	(pc) =	sbr.rel @p0 .LBB2_21-.Ltmp9, $2  }
0x161: {  	_ =	sdelay $0x2  }
0x162: {  	s20 =	sadd.s32 $0x400, s20;
	[tilespmem:v2+s10+$0x0] =	vst.idx.add.f32.msk vm15, v4  }
0x163: {  	s17 =	sadd.s32 $0x1, s17  }
0x164: {  	s18 =	smul.u32 $0x24000, s18;
	p0 =	sne.s32 s17, $0x18  }
.Ltmp10:
0x165: {  	s19 =	sshll.u32 s19, $0x7;
	(pc) =	sbr.rel @p0 .LBB2_2-.Ltmp10, $4  }
0x166: {  	s18 =	sor.u32 s19, s18  }
0x167: {  	s18 =	sshrl.u32 s18, $0x3  }
0x168: {  	s18 =	sadd.s32 s1, s18  }
0x169: {  	[hbm4b:s18+s13] =	stream.strided.scatter [tilespmem:s10], [sflag:$0x5], $0x12000, s14, s13, $0x38;
	[tilespmem:$0x1E000] =	vst v63  }
0x16a: {  	s16 =	sadd.s32 $0x1, s16  }
0x16b: {  	p0 =	sne.s32 s16, s7  }
.Ltmp11:
0x16c: {  	_ = 	snop;
	(pc) =	sbr.rel @p0 .LBB2_1-.Ltmp11, $4  }
0x16d: {  	_ = 	snop  }
0x16e: {  	_ =	swait.ge [sflag:s15], $0x12000  }
0x16f: {  	[sflag:s15] =	ssyncset.done $0x0  }
0x170: {  	[sflag:s15] =	ssyncadd.s32 $0xFFFEE000  }
0x171: {  	_ =	sfence.sel $0x180000  }
0x172: {  	[bflag:$0x0] =	sbarrier.arrive $0xFFFF  }
0x173: {  	p0 =	sne.s32 s2, $0x0;
	_ =	strace $0x9000004D  }
0x174: {  	s0 =	sadd.s32 @!p0 $0x100000, s0;
	[bflag:$0x2] =	sbarrier.arrive $0xFFFF  }
0x175: {  	[sflag:s0] =	ssyncadd.tile.s32 @!p0 $0x1;
	_ =	shalt  }
.Lfunc_end2:
_tile_overlayer_lowered:
.L_overlay_start_2:
0x176: {  	(tag) =	ssettag $0x2  }
0x177: {  	s0 =	rddreg [dreg:$0x0];
	s2 =	stileid.u32  }
0x178: {  	s1 =	rddreg [dreg:$0x1];
	p0 =	sne.s32 s2, $0x0  }
0x179: {  	s3 =	rddreg [dreg:$0x2];
	[bflag:$0x3] =	sbarrier.arrive $0xFFFF;
	s2 =	simm.s32 @!p0 $0x1C06  }
0x17a: {  	[timem:s3], [sflag:s2] =	dma.local @!p0 [hbm:s0], s1  }
0x17b: {  	s0 =	simm.s32 @!p0 $0x6  }
0x17c: {  	_ =	swait.ge @!p0 [sflag:s0], s1  }
0x17d: {  	s1 =	ssub.s32 @!p0 $0x0, s1;
	[sflag:s0] =	ssyncset.done @!p0 $0x0  }
0x17e: {  	[sflag:s0] =	ssyncadd.s32 @!p0 s1  }
0x17f: {  	[bflag:$0x3] =	sbarrier.arrive $0xFFFF  }
0x180: {  	_ =	shalt  }

// kernel: sparse-core-data-format-call.1.cloned.1.call-start
scs
called_computation.1_lowered:
.L_overlay_start_0:
0x0: {  	s1 =	sld [smem:$0x3FD9]  }
0x1: {  	s2 =	sld [smem:$0x3FFE];
	_ =	sdelay $0x1  }
0x2: {  	s3 =	srdreg.scid  }
0x3: {  	s0 =	sand.u32 $0x1, s3  }
0x4: {  	s17 =	sshll.u32 s0, $0xA;
	s1 =	sadd.s32 s2, s1  }
0x5: {  	s1 =	sadd.s32 s1, s17  }
0x6: {  	[smem:$0x3FC6] =	sst s1  }
0x7: {  	_ = 	snop  }
0x8: {  	(tm) =	ssettm $0x1  }
0x9: {  	s18 =	sld [smem:$0x3FFB];
	_ =	sdelay $0x3  }
0xa: {  	_ =	strace s18  }
0xb: {  	s1 =	sld [smem:$0x3FFC];
	_ =	sdelay $0x3  }
0xc: {  	_ =	strace s1  }
0xd: {  	s1 =	sld [smem:$0x3FFD];
	_ =	sdelay $0x3  }
0xe: {  	_ =	strace s1  }
0xf: {  	_ =	strace $0x8FFFFFFF  }
0x10: {  	s19 =	sld [smem:$0x3FDB];
	_ =	sdelay $0x1  }
0x11: {  	s20 =	simm.s32 $_scs_section_size  }
0x12: {  	s4 =	simm.s32 $_size__tile_overlayer_lowered;
	s5 =	simm.s32 $_tile_overlayer_lowered  }
0x13: {  	s23 =	simm.s32 $0x1BFF;
	s22 =	sshll.u32 s5, $0x1;
	s1 =	sadd.s32 s20, s19  }
0x14: {  	s6 =	simm.s32 $0x0;
	s21 =	sshll.u32 s4, $0x1;
	s4 =	sadd.s32 s22, s1  }
0x15: {  	[timem:s6], [sflag:s23] =	dma.local [hbm:s4], s21  }
0x16: {  	_ =	swait.ge [sflag:s23], s21  }
0x17: {  	s2 =	ssub.s32 $0x0, s21;
	[sflag:s23] =	ssyncset.done $0x0  }
0x18: {  	[sflag:s23] =	ssyncadd.s32 s2;
	_ =	sdelay $0x1  }
0x19: {  	s24 =	simm.s32 $0x1B8B  }
0x1a: {  	_ =	swait.ge [sflag:s24], $0x1  }
0x1b: {  	[sflag:s24] =	ssyncset.done $0x0  }
0x1c: {  	s26 =	simm.s32 $0x1B8E;
	s25 =	sld [smem:$0x3FFE];
	[sflag:s24] =	ssyncadd.s32 $0xFFFFFFFF  }
0x1d: {  	s27 =	simm.s32 $execute0_lowered;
	[smem:$0x3FD2] =	sst s26  }
0x1e: {  	s4 =	sshll.u32 s27, $0x1;
	_ =	strace $0x80000046;
	[dreg:$0x1] =	wrdreg $0xFFFFFFFF  }
0x1f: {  	s28 =	simm.s32 $_size_execute0_lowered;
	s1 =	sadd.s32 s1, s4;
	[dreg:$0x0] =	wrdreg $0x0  }
0x20: {  	s4 =	sshll.u32 s28, $0x1;
	[dreg:$0x2] =	wrdreg s1  }
0x21: {  	[dreg:$0x3] =	wrdreg s4  }
0x22: {  	[dreg:$0x4] =	wrdreg $0xC0  }
0x23: {  	_ =	task [dreg:s6], $0x5FFFF  }
0x24: {  	[dreg:$0x1] =	wrdreg $0xFFFFFFFF  }
0x25: {  	[dreg:$0x0] =	wrdreg $0x60  }
0x26: {  	[dreg:$0x2] =	wrdreg s25  }
0x27: {  	[dreg:$0x3] =	wrdreg $0x9  }
0x28: {  	_ =	task.clear_ibuf [dreg:s6], $0x4FFFF;
	_ =	strace $0x90000046  }
0x29: {  	s29 =	simm.s32 $0x9;
	_ =	strace $0x80000048  }
0x2a: {  	_ =	swait.ge [sflag:s29], $0x1  }
0x2b: {  	[sflag:s29] =	ssyncadd.s32 $0xFFFFFFFF  }
0x2c: {  	_ =	strace $0x90000048  }
0x2d: {  	_ =	sfence  }
0x2e: {  	s30 =	sld [smem:$0x0];
	_ =	sdelay $0x2  }
0x2f: {  	s31 =	sshll.u32 s3, $0xD;
	s3 =	sshrl.u32 s3, $0x2  }
0x30: {  	s2 =	sand.u32 $0x4000, s31;
	s1 =	sadd.s32 s3, s30  }
0x31: {  	s0 =	sor.u32 s2, s0;
	s1 =	sshll.u32 s1, $0x11  }
0x32: {  	s0 =	sor.u32 s1, s0  }
0x33: {  	s0 =	sadd.s32 $0x8F2B, s0  }
0x34: {  	[sflag:s0] =	ssyncadd.remote.s32 $0x1  }
0x35: {  	_ =	sfence.sel $0xFFFF  }
0x36: {  	[dreg:$0x0] =	wrdreg $0xFFFFFFFF;
	(pc) =	sbr.abs _section_cstart, $3  }
0x37: {  	[dreg:$0x1] =	wrdreg $0xFFFFFFFF  }
0x38: {  	_ =	task.clear_ibuf [dreg:s6], $0x2FFFF;
	_ =	strace $0x9FFFFFFF  }
0x39: {  	(tm) =	ssettm $0x7FFFFFFF  }
tec
execute0_lowered:
.L_overlay_start_1:
0x0: {  	(tag) =	ssettag $0x1  }
0x1: {  	s0 =	rddreg [dreg:$0x0];
	_ =	strace $0x80000047;
	s1 =	srdreg.scid  }
0x2: {  	s2 =	stileid.u32;
	s30 =	simm.s32 $0x1;
	s31 =	simm.s32 $0x2  }
0x3: {  	s16 =	simm.s32 $0x0;
	s17 =	simm.s32 $0x0;
	s18 =	simm.s32 $0x0  }
0x4: {  	s8 =	simm.s32 $0x0;
	s10 =	simm.s32 $0x0;
	s15 =	simm.s32 $0x0  }
0x5: {  	s11 =	simm.s32 $0x0;
	s9 =	simm.s32 $0x0;
	s6 =	sadd.s32 $0x1000, s0  }
.Ltmp0:
0x6: {  	s0 =	sadd.s32 $0x241000, s0;
	s29 =	sshll.u32 s1, $0x4;
	(pc) =	sbr.rel .LBB1_1-.Ltmp0, $4  }
0x7: {  	[sflag:s30] =	ssyncpa.u1 $0x0;
	[dreg:$0x3] =	wrdreg s0;
	s0 =	sand.u32 $0x10, s29  }
0x8: {  	s7 =	sand.u32 $0x3, s2;
	[dreg:$0x2] =	wrdreg s6;
	s0 =	sor.u32 s2, s0  }
0x9: {  	[sflag:s31] =	ssyncpa.u1 $0x0;
	[dreg:$0x4] =	wrdreg s7;
	s12 =	sshrl.u32 s0, $0x2  }
0xa: {  	s14 =	smov.u32 s7;
	s13 =	smov.u32 s12;
	[dreg:$0x5] =	wrdreg s12  }
.LBB1_13:
0xb: {  	s4 =	rddreg [dreg:$0xb]  }
0xc: {  	s23 =	rddreg [dreg:$0xa]  }
0xd: {  	s15 =	rddreg [dreg:$0x6]  }
0xe: {  	s0 =	sshll.u32 s10, $0x8;
	s1 =	sshll.u32 s8, $0x3;
	s26 =	rddreg [dreg:$0x3]  }
0xf: {  	p0 =	sgt.s32 s8, $0x80;
	s2 =	smov.u32 s8;
	s29 =	rddreg [dreg:$0xc]  }
0x10: {  	s3 =	sshll.u32 s10, $0x7;
	s24 =	sand.u32 $0x78, s8;
	s6 =	rddreg [dreg:$0x2]  }
0x11: {  	s27 =	sand.u32 $0x7, s8;
	s31 =	simm.s32 $0xC000;
	s7 =	rddreg [dreg:$0x4]  }
0x12: {  	s0 =	sand.u32 $0xFFFFF800, s0;
	s1 =	sand.u32 $0xFFFFFC00, s1;
	s2 =	simm.s32 @!p0 $0x80  }
0x13: {  	s20 =	sand.u32 $0x300, s3;
	s0 =	sadd.s32 s0, s1;
	s2 =	sadd.s32 s4, s2  }
0x14: {  	s5 =	smul.u32 $0x90000, s15;
	s0 =	sor.u32 s20, s0;
	s21 =	sadd.s32 $0xFFFFFF80, s2  }
0x15: {  	s1 =	ssub.s32 $0x100, s2;
	s0 =	sshrl.u32 s0, $0x8;
	p0 =	sgt.s32 s21, $0x7F  }
0x16: {  	s12 =	rddreg [dreg:$0x5];
	s22 =	smulhi.u32 $0x1555556, s0;
	s1 =	simm.s32 @p0 $0x0  }
0x17: {  	s16 =	rddreg [dreg:$0x7];
	s3 =	sand.u32 $0x80, s3;
	s1 =	smul.u32 s1, s23  }
0x18: {  	s17 =	rddreg [dreg:$0x8];
	s3 =	sor.u32 s24, s3;
	s2 =	smul.u32 $0xC0, s22  }
0x19: {  	s18 =	rddreg [dreg:$0x9];
	s28 =	sshll.u32 s27, $0x12;
	s25 =	sshrl.u32 s3, $0x3  }
0x1a: {  	s3 =	sadd.s32 s26, s5;
	s1 =	smul.u32 $0x60, s1;
	s0 =	ssub.s32 s0, s2  }
0x1b: {  	s4 =	sor.u32 $0x8000, s29;
	s2 =	sadd.s32 s25, s3;
	s0 =	sshll.u32 s0, $0x5  }
0x1c: {  	s30 =	sor.u32 $0x80, s28;
	s1 =	sand.u32 $0x3FFFFFE0, s1;
	s0 =	sadd.s32 s0, s2  }
0x1d: {  	[hbm4b:s0+s30] =	stream.strided.scatter [tilespmem:s4], [sflag:$0x2], s1, s31, s30, $0x20;
	[tilespmem:$0x10100] =	vst v63  }
.LBB1_14:
0x1e: {  	p0 =	slt.u32 s9, $0x2  }
0x1f: {  	s0 =	smov.u32 s18;
	p1 =	sgt.s32 @!p0 s18, $0x3;
	s1 =	sshra.s32 @!p0 s18, $0x1F  }
0x20: {  	s2 =	sshra.s32 @!p0 s17, $0x1F;
	p2 =	sgt.s32 @!p0 s16, $0x80;
	p1 =	por !p1, p0  }
0x21: {  	s1 =	sand.u32 @!p0 s1, s18;
	s0 =	simm.s32 @p1 $0x3;
	p1 =	sgt.s32 @!p0 s17, $0xBF  }
0x22: {  	s0 =	ssub.s32 @!p0 s0, s1;
	p1 =	por !p1, p0;
	s1 =	smov.u32 s17  }
0x23: {  	s2 =	sand.u32 @!p0 s2, s17;
	p2 =	por !p2, p0;
	s1 =	simm.s32 @p1 $0xBF  }
0x24: {  	s3 =	sadd.s32 @!p0 $0xFFFFFFFD, s0;
	s0 =	ssub.s32 @!p0 $0x4, s0;
	s1 =	ssub.s32 @!p0 s1, s2  }
0x25: {  	p1 =	sgt.s32 @!p0 s3, $0x0;
	s3 =	smov.u32 s16;
	s2 =	sadd.s32 @!p0 $0xFFFFFF41, s1  }
0x26: {  	s3 =	simm.s32 @p2 $0x80;
	p2 =	sgt.s32 @!p0 s2, $0x0;
	s2 =	sshra.s32 @!p0 s16, $0x1F  }
0x27: {  	s0 =	smul.u32 @!p0 $0x60, s0;
	p1 =	por !p1, p0;
	s2 =	sand.u32 @!p0 s2, s16  }
0x28: {  	s1 =	ssub.s32 @!p0 $0xC0, s1;
	p2 =	por !p2, p0;
	s2 =	ssub.s32 @!p0 s3, s2  }
0x29: {  	s0 =	simm.s32 @!p1 $0x0;
	s1 =	simm.s32 @!p2 $0x0;
	s3 =	sadd.s32 @!p0 $0xFFFFFF80, s2  }
0x2a: {  	s4 =	smov.u32 s13;
	s0 =	smul.u32 @!p0 s1, s0;
	p1 =	sgt.s32 @!p0 s3, $0x7F  }
0x2b: {  	s1 =	ssub.s32 @!p0 $0x100, s2;
	s2 =	sadd.s32 $0x80, s11;
	p1 =	por !p1, p0  }
0x2c: {  	s3 =	sadd.s32 $0x8, s13;
	s1 =	simm.s32 @!p1 $0x0;
	p1 =	sgt.s32 s2, $0xBF  }
0x2d: {  	s0 =	smul.u32 @!p0 s1, s0;
	s4 =	smov.u32 @p1 s3  }
0x2e: {  	s1 =	sadd.s32 $0x4, s14;
	s3 =	smov.u32 s14;
	p2 =	sgt.s32 s4, $0xBF  }
0x2f: {  	s9 =	sadd.s32 $0x1, s9;
	s3 =	smov.u32 @p2 s1  }
0x30: {  	s18 =	smov.u32 s15;
	s2 =	simm.s32 @p1 $0x0;
	p1 =	sgt.s32 s3, $0x3  }
0x31: {  	s15 =	smov.u32 s14;
	s3 =	smov.u32 @p1 s7;
	p1 =	sne.s32 s9, $0x32  }
.Ltmp1:
0x32: {  	s17 =	smov.u32 s10;
	s10 =	smov.u32 s13;
	(pc) =	sbr.rel @!p1 .LBB1_15-.Ltmp1, $4  }
0x33: {  	s16 =	smov.u32 s8;
	s0 =	sand.u32 @!p0 $0x3FFFFFE0, s0;
	s1 =	simm.s32 @!p0 $0x2  }
0x34: {  	s8 =	smov.u32 s11;
	s11 =	smov.u32 s2;
	_ =	swait.ge @!p0 [sflag:s1], s0  }
0x35: {  	s4 =	smov.u32 @p2 s12;
	s0 =	ssub.s32 @!p0 $0x0, s0;
	[sflag:s1] =	ssyncset.done @!p0 $0x0  }
0x36: {  	s13 =	smov.u32 s4;
	[sflag:s1] =	ssyncadd.s32 @!p0 s0;
	s14 =	smov.u32 s3  }
.LBB1_1:
0x37: {  	p0 =	sgt.u32 s9, $0x2F  }
0x38: {  	s2 =	smov.u32 s14;
	s0 =	sand.u32 @!p0 $0x1FFFFFF, s11;
	p1 =	sgt.s32 @!p0 s14, $0x3  }
0x39: {  	s3 =	sshra.s32 @!p0 s14, $0x1F;
	s4 =	sshra.s32 @!p0 s13, $0x1F;
	s1 =	smulhi.u32 @!p0 $0x1555556, s0  }
0x3a: {  	p1 =	por !p1, p0;
	s3 =	sand.u32 @!p0 s3, s14;
	s4 =	sand.u32 @!p0 s4, s13  }
0x3b: {  	s2 =	simm.s32 @p1 $0x3;
	p1 =	sgt.s32 @!p0 s13, $0xBF;
	s1 =	smul.u32 @!p0 $0xC0, s1  }
0x3c: {  	s2 =	ssub.s32 @!p0 s2, s3;
	p1 =	por !p1, p0;
	s3 =	smov.u32 s13  }
0x3d: {  	s3 =	simm.s32 @p1 $0xBF;
	p1 =	sgt.s32 @!p0 s11, $0x40;
	s2 =	sadd.s32 @!p0 $0xFFFFFFFD, s2  }
0x3e: {  	s3 =	ssub.s32 @!p0 s3, s4;
	p1 =	por !p1, p0;
	s4 =	smov.u32 s11  }
0x3f: {  	p2 =	sgt.s32 @!p0 s2, $0x0;
	s2 =	sshll.u32 @!p0 s2, $0x7;
	s5 =	sadd.s32 @!p0 $0xFFFFFF41, s3  }
0x40: {  	s4 =	simm.s32 @p1 $0x40;
	p1 =	sgt.s32 @!p0 s5, $0x0;
	s5 =	sshra.s32 @!p0 s11, $0x1F  }
0x41: {  	s3 =	ssub.s32 @!p0 $0xC0, s3;
	s2 =	ssub.s32 @!p0 $0x80, s2;
	s5 =	sand.u32 @!p0 s5, s11  }
0x42: {  	p2 =	por !p2, p0;
	p1 =	por !p1, p0;
	s4 =	ssub.s32 @!p0 s4, s5  }
0x43: {  	s2 =	simm.s32 @!p2 $0x0;
	s3 =	simm.s32 @!p1 $0x0;
	s5 =	sadd.s32 @!p0 $0xFFFFFFC0, s4  }
0x44: {  	s0 =	ssub.s32 @!p0 s0, s1;
	s2 =	smul.u32 @!p0 s3, s2;
	p1 =	sgt.s32 @!p0 s5, $0x7F  }
0x45: {  	s3 =	ssub.s32 @!p0 $0xC0, s4;
	s4 =	smul.u32 @!p0 $0x90000, s14;
	p1 =	por !p1, p0  }
0x46: {  	s1 =	smul.u32 @!p0 $0xC00, s13;
	s5 =	sxor.u32 @!p0 $0xFFFFFFFF, s9;
	s3 =	simm.s32 @!p1 $0x0  }
0x47: {  	s5 =	sshll.u32 @!p0 s5, $0xE;
	s2 =	smul.u32 @!p0 s3, s2;
	s3 =	sadd.s32 @!p0 s6, s4  }
0x48: {  	s0 =	sshll.u32 @!p0 s0, $0x4;
	s4 =	sand.u32 @!p0 $0x4000, s5;
	s1 =	sadd.s32 @!p0 s1, s3  }
0x49: {  	s2 =	sand.u32 @!p0 $0x3FFFFF80, s2;
	s0 =	sadd.s32 @!p0 s0, s1;
	s1 =	simm.s32 @!p0 $0x0  }
0x4a: {  	[tilespmem:s4], [sflag:$0x1] =	stream.linear.gather @!p0 [hbm4b:s0+s1], s2, $0x38;
	[tilespmem:$0x10100] =	vst v63  }
0x4b: {  	p0 =	seq.s32 s9, $0x0  }
0x4c: {  	p1 =	seq.s32 @!p0 s9, $0x31  }
0x4d: {  	p0 =	por p0, p1  }
.Ltmp2:
0x4e: {  	_ = 	snop;
	(pc) =	sbr.rel @p0 .LBB1_14-.Ltmp2, $1  }
0x4f: {  	_ =	sdelay $0x3  }
0x50: {  	p0 =	sgt.s32 s15, $0x3;
	s0 =	smov.u32 s15;
	s1 =	sshra.s32 s15, $0x1F  }
0x51: {  	s2 =	smov.u32 s10;
	s3 =	sshra.s32 s10, $0x1F;
	s24 =	ssub.s32 $0x0, s8  }
0x52: {  	s25 =	sshra.s32 s8, $0x1F;
	p2 =	sgt.s32 s8, $0x40;
	s4 =	smov.u32 s8  }
0x53: {  	s0 =	simm.s32 @!p0 $0x3;
	p0 =	sgt.s32 s10, $0xBF;
	s1 =	sand.u32 s1, s15  }
0x54: {  	s3 =	sand.u32 s3, s10;
	s2 =	simm.s32 @!p0 $0xBF;
	s0 =	ssub.s32 s0, s1  }
0x55: {  	s4 =	simm.s32 @!p2 $0x40;
	s22 =	ssub.s32 s2, s3;
	s23 =	sadd.s32 $0xFFFFFFFD, s0  }
0x56: {  	s0 =	ssub.s32 $0x4, s0;
	s2 =	sand.u32 s24, s25;
	s3 =	sadd.s32 $0xFFFFFF41, s22  }
0x57: {  	p0 =	sgt.s32 s23, $0x0;
	[dreg:$0xb] =	wrdreg s2;
	s2 =	sadd.s32 s2, s4  }
0x58: {  	s1 =	ssub.s32 $0xC0, s22;
	p1 =	sgt.s32 s3, $0x0;
	s27 =	sadd.s32 $0xFFFFFFC0, s2  }
0x59: {  	s0 =	simm.s32 @p0 $0x0;
	s1 =	simm.s32 @p1 $0x0;
	p0 =	sgt.s32 s27, $0x7F  }
0x5a: {  	s26 =	smul.u32 s0, s1;
	s0 =	ssub.s32 $0xC0, s2;
	s1 =	sadd.s32 $0x1, s15  }
0x5b: {  	s2 =	sadd.s32 $0x1, s10;
	s0 =	simm.s32 @p0 $0x0;
	p0 =	slt.s32 s1, $0x4  }
0x5c: {  	s1 =	simm.s32 @!p0 $0x4;
	p0 =	slt.s32 s2, $0xC0  }
0x5d: {  	s21 =	ssub.s32 s1, s15;
	s2 =	simm.s32 @!p0 $0xC0;
	s1 =	sadd.s32 $0x80, s8  }
0x5e: {  	s22 =	ssub.s32 s2, s10;
	p1 =	slt.s32 s1, $0xC0;
	p0 =	slt.s32 s21, $0x1  }
0x5f: {  	[dreg:$0x9] =	wrdreg s18;
	s1 =	simm.s32 @!p1 $0xC0;
	p1 =	slt.s32 @!p0 s22, $0x1  }
0x60: {  	[dreg:$0x8] =	wrdreg s17;
	s23 =	ssub.s32 s1, s8;
	p1 =	por p0, p1  }
0x61: {  	[dreg:$0x7] =	wrdreg s16;
	s0 =	smul.u32 s0, s26;
	p2 =	slt.s32 @!p1 s23, $0x1  }
0x62: {  	[dreg:$0x6] =	wrdreg s15;
	p1 =	por p1, p2  }
.Ltmp3:
0x63: {  	s29 =	simm.s32 $0x1;
	s0 =	sshll.u32 s0, $0x7;
	(pc) =	sbr.rel @p1 .LBB1_13-.Ltmp3, $4  }
0x64: {  	[dreg:$0xa] =	wrdreg s26;
	s28 =	sand.u32 $0x3FFFFF80, s0;
	s0 =	sand.u32 $0x1, s9  }
0x65: {  	_ =	swait.ge [sflag:s29], s28;
	s31 =	smul.u32 $0x4080, s0  }
0x66: {  	s30 =	ssub.s32 $0x0, s28;
	[sflag:s29] =	ssyncset.done $0x0  }
0x67: {  	[sflag:s29] =	ssyncadd.s32 s30;
	[dreg:$0xc] =	wrdreg s31  }
.Ltmp4:
0x68: {  	(pc) =	sbr.rel .LBB1_4-.Ltmp4, $3  }
0x69: {  	_ =	sdelay $0x1  }
0x6a: {  	s24 =	sshll.u32 @!p0 s0, $0xE;
	s0 =	rddreg [dreg:$0xc]  }
0x6b: {  	s26 =	simm.s32 $0x0;
	s25 =	sor.u32 @!p0 $0x8000, s0  }
.LBB1_12:
0x6c: {  	s26 =	sadd.s32 $0x1, s26  }
0x6d: {  	p0 =	sne.s32 s26, s21  }
.Ltmp5:
0x6e: {  	_ = 	snop;
	(pc) =	sbr.rel @!p0 .LBB1_13-.Ltmp5, $1  }
0x6f: {  	_ =	sdelay $0x3  }
.LBB1_4:
0x70: {  	s0 =	smul.u32 $0x10200, s26;
	_ =	sdelay $0x1  }
0x71: {  	s0 =	sshra.s32 s0, $0x2  }
0x72: {  	s27 =	sadd.s32 s0, s25  }
0x73: {  	s1 =	simm.s32 $0x0;
	s28 =	sadd.s32 $0x810, s27;
	s29 =	sadd.s32 $0x1020, s27  }
0x74: {  	s30 =	sadd.s32 $0x1830, s27;
	s31 =	sadd.s32 $0x2040, s27;
	s0 =	sadd.s32 $0x2850, s27  }
.LBB1_5:
0x75: {  	s2 =	sadd.s32 s26, s1  }
0x76: {  	s2 =	sshll.u32 s2, $0x10  }
0x77: {  	s2 =	sshra.s32 s2, $0x2  }
0x78: {  	s2 =	sadd.s32 s2, s24  }
0x79: {  	v0 =	vmov s2;
	_ =	sdelay $0x2  }
0x7a: {  	s15 =	simm.s32 $0x0  }
0x7b: {  	p1 =	sne.s32 s23, $0x1;
	s19 =	sand.u32 $0x3F80, s15  }
.Ltmp6:
0x7c: {  	s20 =	sand.u32 $0x7, s1;
	v8 =	vld.idx.msk [tilespmem:v0+s19+$0x0 ss:$0x1], $0xffff;
	(pc) =	sbr.rel @!p1 .LBB1_6-.Ltmp6, $4  }
0x7d: {  	s12 =	simm.s32 $0x1;
	s7 =	smul.u32 $0x81, s20;
	v9 =	vld.idx.msk [tilespmem:v0+s19+$0x10 ss:$0x1], $0xffff  }
0x7e: {  	s16 =	simm.s32 $0x80;
	p0 =	por $0x0, $0x0;
	s15 =	sand.u32 $0x7F, s15;
	v10 =	vld.idx.msk [tilespmem:v0+s19+$0x20 ss:$0x1], $0xffff  }
0x7f: {  	s6 =	sadd.s32 s7, s27;
	s5 =	sadd.s32 s7, s29;
	s4 =	sadd.s32 s7, s30;
	v11 =	vld.idx.msk [tilespmem:v0+s19+$0x30 ss:$0x1], $0xffff  }
0x80: {  	s3 =	sadd.s32 s7, s31;
	s2 =	sadd.s32 s7, s28;
	s7 =	sadd.s32 s7, s0;
	v7 =	vld.idx.msk [tilespmem:v0+s19+$0x40 ss:$0x1], $0xffff  }
0x81: {  	_ =	sdelay $0x3  }
0x82: {  	s18 =	sand.u32 $0x3F80, s16;
	s17 =	sadd.s32 s15, s6;
	v1 =	vld.idx.msk [tilespmem:v0+s19+$0x50 ss:$0x1], $0xffff;
	p1 =	sne.s32 s23, $0x2  }
.Ltmp7:
0x83: {  	s20 =	sadd.s32 s15, s2;
	v2 =	vld.idx.msk [tilespmem:v0+s18+$0x0 ss:$0x1], $0xffff;
	[tilespmem:s17+$0x0 ss:$0x81] =	vst.msk $0xffff, v8;
	(pc) =	sbr.rel @!p1 .LBB1_8-.Ltmp7, $4  }
0x84: {  	v3 =	vld.idx.msk [tilespmem:v0+s18+$0x10 ss:$0x1], $0xffff;
	[tilespmem:s20+$0x0 ss:$0x81] =	vst.msk $0xffff, v9;
	s17 =	sadd.s32 s15, s5  }
0x85: {  	v4 =	vld.idx.msk [tilespmem:v0+s18+$0x20 ss:$0x1], $0xffff;
	s20 =	sadd.s32 s15, s4;
	[tilespmem:s17+$0x0 ss:$0x81] =	vst.msk $0xffff, v10  }
0x86: {  	s19 =	simm.s32 $0x2;
	s16 =	sadd.s32 s15, s7;
	v5 =	vld.idx.msk [tilespmem:v0+s18+$0x30 ss:$0x1], $0xffff;
	s17 =	sadd.s32 s15, s3;
	[tilespmem:s20+$0x0 ss:$0x81] =	vst.msk $0xffff, v11  }
0x87: {  	p0 =	por $0x1, $0x1;
	v6 =	vld.idx.msk [tilespmem:v0+s18+$0x40 ss:$0x1], $0xffff;
	s20 =	sand.u32 $0x7F, s12;
	s12 =	simm.s32 $0x100;
	[tilespmem:s17+$0x0 ss:$0x81] =	vst.msk $0xffff, v7  }
.LBB1_9:
0x88: {  	s17 =	smov.u32 s19;
	s19 =	sadd.s32 $0x1, s19  }
0x89: {  	s15 =	sadd.s32 s20, s6;
	[tilespmem:s16+$0x0 ss:$0x81] =	vst.msk $0xffff, v1;
	v1 =	vld.idx.msk [tilespmem:v0+s18+$0x50 ss:$0x1], $0xffff;
	s18 =	sand.u32 $0x3F80, s12;
	p1 =	sne.s32 s23, s19  }
.Ltmp8:
0x8a: {  	[tilespmem:s15+$0x0 ss:$0x81] =	vst.msk $0xffff, v2;
	v2 =	vld.idx.msk [tilespmem:v0+s18+$0x0 ss:$0x1], $0xffff;
	s15 =	sadd.s32 s20, s2;
	(pc) =	sbr.rel @p1 .LBB1_9-.Ltmp8, $4  }
0x8b: {  	[tilespmem:s15+$0x0 ss:$0x81] =	vst.msk $0xffff, v3;
	v3 =	vld.idx.msk [tilespmem:v0+s18+$0x10 ss:$0x1], $0xffff;
	s15 =	sadd.s32 s20, s5  }
0x8c: {  	[tilespmem:s15+$0x0 ss:$0x81] =	vst.msk $0xffff, v4;
	v4 =	vld.idx.msk [tilespmem:v0+s18+$0x20 ss:$0x1], $0xffff;
	s15 =	sadd.s32 s20, s4  }
0x8d: {  	[tilespmem:s15+$0x0 ss:$0x81] =	vst.msk $0xffff, v5;
	v5 =	vld.idx.msk [tilespmem:v0+s18+$0x30 ss:$0x1], $0xffff;
	s15 =	sadd.s32 s20, s3  }
0x8e: {  	s12 =	sadd.s32 $0x80, s12;
	s16 =	sadd.s32 s20, s7;
	s20 =	sand.u32 $0x7F, s17;
	[tilespmem:s15+$0x0 ss:$0x81] =	vst.msk $0xffff, v6;
	v6 =	vld.idx.msk [tilespmem:v0+s18+$0x40 ss:$0x1], $0xffff  }
0x8f: {  	_ =	sdelay $0x3  }
0x90: {  	s15 =	smov.u32 s20;
	s19 =	smov.u32 s18;
	v8 =	vmovc v2;
	v9 =	vmovc v3;
	v10 =	vmov v4;
	v11 =	vmov v5;
	v7 =	vmov v6  }
.LBB1_11:
0x91: {  	_ =	sdelay $0x2  }
0x92: {  	s6 =	sadd.s32 s15, s6;
	[tilespmem:s16+$0x0 ss:$0x81] =	vst.msk @p0 $0xffff, v1;
	s1 =	sadd.s32 $0x1, s1  }
0x93: {  	v0 =	vld.idx.msk [tilespmem:v0+s19+$0x50 ss:$0x1], $0xffff;
	s2 =	sadd.s32 s15, s2;
	[tilespmem:s6+$0x0 ss:$0x81] =	vst.msk $0xffff, v8;
	p0 =	sne.s32 s1, s22  }
.Ltmp9:
0x94: {  	s17 =	sadd.s32 s15, s5;
	[tilespmem:s2+$0x0 ss:$0x81] =	vst.msk $0xffff, v9;
	(pc) =	sbr.rel @p0 .LBB1_5-.Ltmp9, $4  }
.Ltmp10:
0x95: {  	s18 =	sadd.s32 s15, s4;
	[tilespmem:s17+$0x0 ss:$0x81] =	vst.msk $0xffff, v10;
	(pc) =	sbr.rel @!p0 .LBB1_12-.Ltmp10, $4  }
0x96: {  	s19 =	sadd.s32 s15, s3;
	[tilespmem:s18+$0x0 ss:$0x81] =	vst.msk $0xffff, v11  }
0x97: {  	s20 =	sadd.s32 s15, s7;
	[tilespmem:s19+$0x0 ss:$0x81] =	vst.msk $0xffff, v7  }
0x98: {  	[tilespmem:s20+$0x0 ss:$0x81] =	vst.msk $0xffff, v0  }
0x99: {  	_ = 	snop  }
.LBB1_6:
.Ltmp11:
0x9a: {  	(pc) =	sbr.rel .LBB1_11-.Ltmp11, $2  }
0x9b: {  	_ =	sdelay $0x2  }
0x9c: {  	_ = 	snop  }
.LBB1_8:
.Ltmp12:
0x9d: {  	_ = 	snop;
	(pc) =	sbr.rel .LBB1_11-.Ltmp12, $2  }
0x9e: {  	_ =	sdelay $0x2  }
0x9f: {  	s15 =	smov.u32 s20;
	s19 =	smov.u32 s18;
	v8 =	vmovc v2;
	v9 =	vmovc v3;
	v10 =	vmov v4;
	v11 =	vmov v5;
	v7 =	vmov v6  }
.LBB1_15:
0xa0: {  	_ =	sfence.sel $0x180000  }
0xa1: {  	s0 =	simm.s32 $0x1;
	[bflag:$0x0] =	sbarrier.arrive $0xFFFF  }
0xa2: {  	s30 =	simm.s32 $0x2;
	[sflag:s0] =	ssyncpa.u1 $0x1  }
0xa3: {  	[sflag:s30] =	ssyncpa.u1 $0x1  }
0xa4: {  	_ =	strace $0x90000047  }
0xa5: {  	s31 =	stileid.u32;
	[bflag:$0x2] =	sbarrier.arrive $0xFFFF  }
0xa6: {  	p0 =	sne.s32 s31, $0x0;
	s0 =	rddreg [dreg:$0x1]  }
0xa7: {  	s0 =	sadd.s32 @!p0 $0x100000, s0  }
0xa8: {  	[sflag:s0] =	ssyncadd.tile.s32 @!p0 $0x1;
	_ =	shalt  }
.Lfunc_end1:
_tile_overlayer_lowered:
.L_overlay_start_2:
0xa9: {  	(tag) =	ssettag $0x2  }
0xaa: {  	s0 =	rddreg [dreg:$0x0];
	s2 =	stileid.u32  }
0xab: {  	s1 =	rddreg [dreg:$0x1];
	p0 =	sne.s32 s2, $0x0  }
0xac: {  	s3 =	rddreg [dreg:$0x2];
	[bflag:$0x3] =	sbarrier.arrive $0xFFFF;
	s2 =	simm.s32 @!p0 $0x1C01  }
0xad: {  	[timem:s3], [sflag:s2] =	dma.local @!p0 [hbm:s0], s1  }
0xae: {  	s0 =	simm.s32 @!p0 $0x1  }
0xaf: {  	_ =	swait.ge @!p0 [sflag:s0], s1  }
0xb0: {  	s1 =	ssub.s32 @!p0 $0x0, s1;
	[sflag:s0] =	ssyncset.done @!p0 $0x0  }
0xb1: {  	[sflag:s0] =	ssyncadd.s32 @!p0 s1  }
0xb2: {  	[bflag:$0x3] =	sbarrier.arrive $0xFFFF  }
0xb3: {  	_ =	shalt  }

// kernel: sparse-core-data-format-call.2.cloned.1.call-start
scs
called_computation.2_lowered:
.L_overlay_start_0:
0x0: {  	s2 =	sld [smem:$0x3FD9]  }
0x1: {  	s3 =	sld [smem:$0x3FFE];
	_ =	sdelay $0x1  }
0x2: {  	s1 =	srdreg.scid  }
0x3: {  	s0 =	sand.u32 $0x1, s1  }
0x4: {  	s19 =	sshll.u32 s0, $0xA;
	s2 =	sadd.s32 s3, s2  }
0x5: {  	s2 =	sadd.s32 s2, s19  }
0x6: {  	[smem:$0x3FC6] =	sst s2  }
0x7: {  	_ = 	snop  }
0x8: {  	s20 =	sld [smem:$0x3FC9]  }
0x9: {  	s4 =	sld [smem:$0x3FD0];
	(tm) =	ssettm $0x1  }
0xa: {  	s21 =	sld [smem:$0x3FFB];
	_ =	sdelay $0x3  }
0xb: {  	_ =	strace s21  }
0xc: {  	s2 =	sld [smem:$0x3FFC];
	_ =	sdelay $0x3  }
0xd: {  	_ =	strace s2  }
0xe: {  	s2 =	sld [smem:$0x3FFD];
	_ =	sdelay $0x3  }
0xf: {  	_ =	strace s2  }
0x10: {  	_ =	strace $0x8FFFFFFF  }
0x11: {  	s22 =	sld [smem:$0x3FDB];
	_ =	sdelay $0x1  }
0x12: {  	s5 =	simm.s32 $_scs_section_size  }
0x13: {  	s6 =	simm.s32 $_size__tile_overlayer_lowered;
	s7 =	simm.s32 $_tile_overlayer_lowered  }
0x14: {  	s8 =	simm.s32 $0x1BFF;
	s23 =	sshll.u32 s7, $0x1;
	s5 =	sadd.s32 s5, s22  }
0x15: {  	s24 =	simm.s32 $0x0;
	s6 =	sshll.u32 s6, $0x1;
	s7 =	sadd.s32 s23, s5  }
0x16: {  	[timem:s24], [sflag:s8] =	dma.local [hbm:s7], s6  }
0x17: {  	_ =	swait.ge [sflag:s8], s6  }
0x18: {  	s6 =	ssub.s32 $0x0, s6;
	[sflag:s8] =	ssyncset.done $0x0  }
0x19: {  	[sflag:s8] =	ssyncadd.s32 s6;
	_ =	sdelay $0x1  }
0x1a: {  	s25 =	simm.s32 $0x1B8B  }
0x1b: {  	_ =	swait.ge [sflag:s25], $0x1  }
0x1c: {  	[sflag:s25] =	ssyncset.done $0x0  }
0x1d: {  	[sflag:s25] =	ssyncadd.s32 $0xFFFFFFFF  }
0x1e: {  	s6 =	sld [smem:$0x0]  }
0x1f: {  	s7 =	sand.u32 $0xFFFFFFFE, s1  }
0x20: {  	p0 =	sne.s32 s1, s7  }
0x21: {  	s7 =	sshll.u32 @p0 s7, $0xE  }
0x22: {  	s7 =	sadd.s32 @p0 $0x11B8D, s7;
	s8 =	sshll.u32 @p0 s6, $0x11  }
0x23: {  	s7 =	sor.u32 @p0 s8, s7  }
0x24: {  	[sflag:s7] =	ssyncadd.remote.s32 @p0 $0x1;
	_ =	sdelay $0x1  }
0x25: {  	s7 =	simm.s32 @p0 $0x1B8D  }
0x26: {  	_ =	swait.eq @p0 [sflag:s7], $0x1  }
0x27: {  	[sflag:s7] =	ssyncadd.s32 @p0 $0xFFFFFFFF  }
0x28: {  	s8 =	sshll.u32 @!p0 s1, $0xE  }
0x29: {  	s8 =	sor.u32 @!p0 $0x4000, s8;
	s7 =	simm.s32 @!p0 $0x1B8D  }
0x2a: {  	s6 =	sshll.u32 @!p0 s6, $0x11;
	s8 =	sadd.s32 @!p0 $0x11B8D, s8;
	_ =	swait.eq @!p0 [sflag:s7], $0x1  }
0x2b: {  	s6 =	sor.u32 @!p0 s6, s8;
	[sflag:s7] =	ssyncadd.s32 @!p0 $0xFFFFFFFF  }
0x2c: {  	s26 =	simm.s32 $0x1B8E;
	[sflag:s6] =	ssyncadd.remote.s32 @!p0 $0x1  }
0x2d: {  	s27 =	simm.s32 $execute0_lowered;
	[smem:$0x3FD2] =	sst s26  }
0x2e: {  	s6 =	sshll.u32 s27, $0x1;
	_ =	strace $0x80000049;
	[dreg:$0x1] =	wrdreg $0xFFFFFFFF  }
0x2f: {  	s28 =	simm.s32 $_size_execute0_lowered;
	s5 =	sadd.s32 s5, s6;
	[dreg:$0x0] =	wrdreg $0x0  }
0x30: {  	s6 =	sshll.u32 s28, $0x1;
	[dreg:$0x2] =	wrdreg s5  }
0x31: {  	[dreg:$0x3] =	wrdreg s6  }
0x32: {  	[dreg:$0x4] =	wrdreg $0xC0  }
0x33: {  	_ =	task [dreg:s24], $0x5FFFF  }
0x34: {  	[dreg:$0x1] =	wrdreg $0xFFFFFFFF  }
0x35: {  	[dreg:$0x0] =	wrdreg $0x60  }
0x36: {  	[dreg:$0x2] =	wrdreg s20  }
0x37: {  	[dreg:$0x3] =	wrdreg s4  }
0x38: {  	[dreg:$0x4] =	wrdreg $0xA  }
0x39: {  	_ =	task.clear_ibuf [dreg:s24], $0x5FFFF;
	_ =	strace $0x90000049  }
0x3a: {  	s29 =	simm.s32 $0xA;
	_ =	strace $0x8000004B  }
0x3b: {  	_ =	swait.ge [sflag:s29], $0x1  }
0x3c: {  	[sflag:s29] =	ssyncadd.s32 $0xFFFFFFFF  }
0x3d: {  	_ =	strace $0x9000004B  }
0x3e: {  	_ =	sfence  }
0x3f: {  	s30 =	sld [smem:$0x0];
	_ =	sdelay $0x2  }
0x40: {  	s31 =	sshll.u32 s1, $0xD;
	s1 =	sshrl.u32 s1, $0x2  }
0x41: {  	s4 =	sand.u32 $0x4000, s31;
	s1 =	sadd.s32 s1, s30  }
0x42: {  	s0 =	sor.u32 s4, s0;
	s1 =	sshll.u32 s1, $0x11  }
0x43: {  	s0 =	sor.u32 s1, s0  }
0x44: {  	s0 =	sadd.s32 $0x8F2B, s0  }
0x45: {  	[sflag:s0] =	ssyncadd.remote.s32 $0x1  }
0x46: {  	_ =	sfence.sel $0xFFFF  }
0x47: {  	[dreg:$0x0] =	wrdreg $0xFFFFFFFF;
	(pc) =	sbr.abs _section_cstart, $3  }
0x48: {  	[dreg:$0x1] =	wrdreg $0xFFFFFFFF  }
0x49: {  	_ =	task.clear_ibuf [dreg:s24], $0x2FFFF;
	_ =	strace $0x9FFFFFFF  }
0x4a: {  	(tm) =	ssettm $0x7FFFFFFF  }
0x4b: {  	_ =	shalt  }
tec
execute0_lowered:
.L_overlay_start_1:
0x0: {  	(tag) =	ssettag $0x1  }
0x1: {  	s6 =	rddreg [dreg:$0x0];
	s0 =	srdreg.scid  }
0x2: {  	_ =	strace $0x8000004A;
	s2 =	stileid.u32;
	s1 =	simm.s32 $0x1  }
0x3: {  	s31 =	simm.s32 $0x2;
	s16 =	simm.s32 $0x0;
	s17 =	simm.s32 $0x0  }
0x4: {  	s18 =	simm.s32 $0x0;
	s8 =	simm.s32 $0x0;
	s10 =	simm.s32 $0x0  }
.Ltmp0:
0x5: {  	s15 =	simm.s32 $0x0;
	s0 =	sshll.u32 s0, $0x4;
	(pc) =	sbr.rel .LBB1_1-.Ltmp0, $4  }
0x6: {  	s11 =	simm.s32 $0x0;
	s9 =	simm.s32 $0x0;
	s0 =	sand.u32 $0x10, s0  }
0x7: {  	[sflag:s1] =	ssyncpa.u1 $0x0;
	s7 =	sand.u32 $0x3, s2;
	s0 =	sor.u32 s2, s0  }
0x8: {  	[sflag:s31] =	ssyncpa.u1 $0x0;
	[dreg:$0x3] =	wrdreg s7;
	s12 =	sshrl.u32 s0, $0x2  }
0x9: {  	s14 =	smov.u32 s7;
	s13 =	smov.u32 s12;
	[dreg:$0x4] =	wrdreg s12  }
.LBB1_13:
0xa: {  	s4 =	rddreg [dreg:$0xa]  }
0xb: {  	s23 =	rddreg [dreg:$0x9]  }
0xc: {  	s15 =	rddreg [dreg:$0x5]  }
0xd: {  	s0 =	sshll.u32 s10, $0x8;
	s1 =	sshll.u32 s8, $0x3;
	s26 =	rddreg [dreg:$0x1]  }
0xe: {  	p0 =	sgt.s32 s8, $0x80;
	s2 =	smov.u32 s8;
	s29 =	rddreg [dreg:$0xb]  }
0xf: {  	s3 =	sshll.u32 s10, $0x7;
	s24 =	sand.u32 $0x78, s8;
	s6 =	rddreg [dreg:$0x0]  }
0x10: {  	s27 =	sand.u32 $0x7, s8;
	s31 =	simm.s32 $0xC000;
	s7 =	rddreg [dreg:$0x3]  }
0x11: {  	s0 =	sand.u32 $0xFFFFF800, s0;
	s1 =	sand.u32 $0xFFFFFC00, s1;
	s2 =	simm.s32 @!p0 $0x80  }
0x12: {  	s20 =	sand.u32 $0x300, s3;
	s0 =	sadd.s32 s0, s1;
	s2 =	sadd.s32 s4, s2  }
0x13: {  	s5 =	smul.u32 $0x90000, s15;
	s0 =	sor.u32 s20, s0;
	s21 =	sadd.s32 $0xFFFFFF80, s2  }
0x14: {  	s1 =	ssub.s32 $0x100, s2;
	s0 =	sshrl.u32 s0, $0x8;
	p0 =	sgt.s32 s21, $0x7F  }
0x15: {  	s12 =	rddreg [dreg:$0x4];
	s22 =	smulhi.u32 $0x1555556, s0;
	s1 =	simm.s32 @p0 $0x0  }
0x16: {  	s16 =	rddreg [dreg:$0x6];
	s3 =	sand.u32 $0x80, s3;
	s1 =	smul.u32 s1, s23  }
0x17: {  	s17 =	rddreg [dreg:$0x7];
	s3 =	sor.u32 s24, s3;
	s2 =	smul.u32 $0xC0, s22  }
0x18: {  	s18 =	rddreg [dreg:$0x8];
	s28 =	sshll.u32 s27, $0x12;
	s25 =	sshrl.u32 s3, $0x3  }
0x19: {  	s3 =	sadd.s32 s26, s5;
	s1 =	smul.u32 $0x60, s1;
	s0 =	ssub.s32 s0, s2  }
0x1a: {  	s4 =	sor.u32 $0x8000, s29;
	s2 =	sadd.s32 s25, s3;
	s0 =	sshll.u32 s0, $0x5  }
0x1b: {  	s30 =	sor.u32 $0x80, s28;
	s1 =	sand.u32 $0x3FFFFFE0, s1;
	s0 =	sadd.s32 s0, s2  }
0x1c: {  	[hbm4b:s0+s30] =	stream.strided.scatter [tilespmem:s4], [sflag:$0x2], s1, s31, s30, $0x20;
	[tilespmem:$0x10100] =	vst v63  }
.LBB1_14:
0x1d: {  	p0 =	slt.u32 s9, $0x2  }
0x1e: {  	s0 =	smov.u32 s18;
	p1 =	sgt.s32 @!p0 s18, $0x3;
	s1 =	sshra.s32 @!p0 s18, $0x1F  }
0x1f: {  	s2 =	sshra.s32 @!p0 s17, $0x1F;
	p2 =	sgt.s32 @!p0 s16, $0x80;
	p1 =	por !p1, p0  }
0x20: {  	s1 =	sand.u32 @!p0 s1, s18;
	s0 =	simm.s32 @p1 $0x3;
	p1 =	sgt.s32 @!p0 s17, $0xBF  }
0x21: {  	s0 =	ssub.s32 @!p0 s0, s1;
	p1 =	por !p1, p0;
	s1 =	smov.u32 s17  }
0x22: {  	s2 =	sand.u32 @!p0 s2, s17;
	p2 =	por !p2, p0;
	s1 =	simm.s32 @p1 $0xBF  }
0x23: {  	s3 =	sadd.s32 @!p0 $0xFFFFFFFD, s0;
	s0 =	ssub.s32 @!p0 $0x4, s0;
	s1 =	ssub.s32 @!p0 s1, s2  }
0x24: {  	p1 =	sgt.s32 @!p0 s3, $0x0;
	s3 =	smov.u32 s16;
	s2 =	sadd.s32 @!p0 $0xFFFFFF41, s1  }
0x25: {  	s3 =	simm.s32 @p2 $0x80;
	p2 =	sgt.s32 @!p0 s2, $0x0;
	s2 =	sshra.s32 @!p0 s16, $0x1F  }
0x26: {  	s0 =	smul.u32 @!p0 $0x60, s0;
	p1 =	por !p1, p0;
	s2 =	sand.u32 @!p0 s2, s16  }
0x27: {  	s1 =	ssub.s32 @!p0 $0xC0, s1;
	p2 =	por !p2, p0;
	s2 =	ssub.s32 @!p0 s3, s2  }
0x28: {  	s0 =	simm.s32 @!p1 $0x0;
	s1 =	simm.s32 @!p2 $0x0;
	s3 =	sadd.s32 @!p0 $0xFFFFFF80, s2  }
0x29: {  	s4 =	smov.u32 s13;
	s0 =	smul.u32 @!p0 s1, s0;
	p1 =	sgt.s32 @!p0 s3, $0x7F  }
0x2a: {  	s1 =	ssub.s32 @!p0 $0x100, s2;
	s2 =	sadd.s32 $0x80, s11;
	p1 =	por !p1, p0  }
0x2b: {  	s3 =	sadd.s32 $0x8, s13;
	s1 =	simm.s32 @!p1 $0x0;
	p1 =	sgt.s32 s2, $0xBF  }
0x2c: {  	s0 =	smul.u32 @!p0 s1, s0;
	s4 =	smov.u32 @p1 s3  }
0x2d: {  	s1 =	sadd.s32 $0x4, s14;
	s3 =	smov.u32 s14;
	p2 =	sgt.s32 s4, $0xBF  }
0x2e: {  	s9 =	sadd.s32 $0x1, s9;
	s3 =	smov.u32 @p2 s1  }
0x2f: {  	s18 =	smov.u32 s15;
	s2 =	simm.s32 @p1 $0x0;
	p1 =	sgt.s32 s3, $0x3  }
0x30: {  	s15 =	smov.u32 s14;
	s3 =	smov.u32 @p1 s7;
	p1 =	sne.s32 s9, $0x32  }
.Ltmp1:
0x31: {  	s17 =	smov.u32 s10;
	s10 =	smov.u32 s13;
	(pc) =	sbr.rel @!p1 .LBB1_15-.Ltmp1, $4  }
0x32: {  	s16 =	smov.u32 s8;
	s0 =	sand.u32 @!p0 $0x3FFFFFE0, s0;
	s1 =	simm.s32 @!p0 $0x2  }
0x33: {  	s8 =	smov.u32 s11;
	s11 =	smov.u32 s2;
	_ =	swait.ge @!p0 [sflag:s1], s0  }
0x34: {  	s4 =	smov.u32 @p2 s12;
	s0 =	ssub.s32 @!p0 $0x0, s0;
	[sflag:s1] =	ssyncset.done @!p0 $0x0  }
0x35: {  	s13 =	smov.u32 s4;
	[sflag:s1] =	ssyncadd.s32 @!p0 s0;
	s14 =	smov.u32 s3  }
.LBB1_1:
0x36: {  	p0 =	sgt.u32 s9, $0x2F  }
0x37: {  	s2 =	smov.u32 s14;
	s0 =	sand.u32 @!p0 $0x1FFFFFF, s11;
	p1 =	sgt.s32 @!p0 s14, $0x3  }
0x38: {  	s3 =	sshra.s32 @!p0 s14, $0x1F;
	s4 =	sshra.s32 @!p0 s13, $0x1F;
	s1 =	smulhi.u32 @!p0 $0x1555556, s0  }
0x39: {  	p1 =	por !p1, p0;
	s3 =	sand.u32 @!p0 s3, s14;
	s4 =	sand.u32 @!p0 s4, s13  }
0x3a: {  	s2 =	simm.s32 @p1 $0x3;
	p1 =	sgt.s32 @!p0 s13, $0xBF;
	s1 =	smul.u32 @!p0 $0xC0, s1  }
0x3b: {  	s2 =	ssub.s32 @!p0 s2, s3;
	p1 =	por !p1, p0;
	s3 =	smov.u32 s13  }
0x3c: {  	s3 =	simm.s32 @p1 $0xBF;
	p1 =	sgt.s32 @!p0 s11, $0x40;
	s2 =	sadd.s32 @!p0 $0xFFFFFFFD, s2  }
0x3d: {  	s3 =	ssub.s32 @!p0 s3, s4;
	p1 =	por !p1, p0;
	s4 =	smov.u32 s11  }
0x3e: {  	p2 =	sgt.s32 @!p0 s2, $0x0;
	s2 =	sshll.u32 @!p0 s2, $0x7;
	s5 =	sadd.s32 @!p0 $0xFFFFFF41, s3  }
0x3f: {  	s4 =	simm.s32 @p1 $0x40;
	p1 =	sgt.s32 @!p0 s5, $0x0;
	s5 =	sshra.s32 @!p0 s11, $0x1F  }
0x40: {  	s3 =	ssub.s32 @!p0 $0xC0, s3;
	s2 =	ssub.s32 @!p0 $0x80, s2;
	s5 =	sand.u32 @!p0 s5, s11  }
0x41: {  	p2 =	por !p2, p0;
	p1 =	por !p1, p0;
	s4 =	ssub.s32 @!p0 s4, s5  }
0x42: {  	s2 =	simm.s32 @!p2 $0x0;
	s3 =	simm.s32 @!p1 $0x0;
	s5 =	sadd.s32 @!p0 $0xFFFFFFC0, s4  }
0x43: {  	s0 =	ssub.s32 @!p0 s0, s1;
	s2 =	smul.u32 @!p0 s3, s2;
	p1 =	sgt.s32 @!p0 s5, $0x7F  }
0x44: {  	s3 =	ssub.s32 @!p0 $0xC0, s4;
	s4 =	smul.u32 @!p0 $0x90000, s14;
	p1 =	por !p1, p0  }
0x45: {  	s1 =	smul.u32 @!p0 $0xC00, s13;
	s5 =	sxor.u32 @!p0 $0xFFFFFFFF, s9;
	s3 =	simm.s32 @!p1 $0x0  }
0x46: {  	s5 =	sshll.u32 @!p0 s5, $0xE;
	s2 =	smul.u32 @!p0 s3, s2;
	s3 =	sadd.s32 @!p0 s6, s4  }
0x47: {  	s0 =	sshll.u32 @!p0 s0, $0x4;
	s4 =	sand.u32 @!p0 $0x4000, s5;
	s1 =	sadd.s32 @!p0 s1, s3  }
0x48: {  	s2 =	sand.u32 @!p0 $0x3FFFFF80, s2;
	s0 =	sadd.s32 @!p0 s0, s1;
	s1 =	simm.s32 @!p0 $0x0  }
0x49: {  	[tilespmem:s4], [sflag:$0x1] =	stream.linear.gather @!p0 [hbm4b:s0+s1], s2, $0x38;
	[tilespmem:$0x10100] =	vst v63  }
0x4a: {  	p0 =	seq.s32 s9, $0x0  }
0x4b: {  	p1 =	seq.s32 @!p0 s9, $0x31  }
0x4c: {  	p0 =	por p0, p1  }
.Ltmp2:
0x4d: {  	_ = 	snop;
	(pc) =	sbr.rel @p0 .LBB1_14-.Ltmp2, $1  }
0x4e: {  	_ =	sdelay $0x3  }
0x4f: {  	p0 =	sgt.s32 s15, $0x3;
	s0 =	smov.u32 s15;
	s1 =	sshra.s32 s15, $0x1F  }
0x50: {  	s2 =	smov.u32 s10;
	s3 =	sshra.s32 s10, $0x1F;
	s24 =	ssub.s32 $0x0, s8  }
0x51: {  	s25 =	sshra.s32 s8, $0x1F;
	p2 =	sgt.s32 s8, $0x40;
	s4 =	smov.u32 s8  }
0x52: {  	s0 =	simm.s32 @!p0 $0x3;
	p0 =	sgt.s32 s10, $0xBF;
	s1 =	sand.u32 s1, s15  }
0x53: {  	s3 =	sand.u32 s3, s10;
	s2 =	simm.s32 @!p0 $0xBF;
	s0 =	ssub.s32 s0, s1  }
0x54: {  	s4 =	simm.s32 @!p2 $0x40;
	s22 =	ssub.s32 s2, s3;
	s23 =	sadd.s32 $0xFFFFFFFD, s0  }
0x55: {  	s0 =	ssub.s32 $0x4, s0;
	s2 =	sand.u32 s24, s25;
	s3 =	sadd.s32 $0xFFFFFF41, s22  }
0x56: {  	p0 =	sgt.s32 s23, $0x0;
	[dreg:$0xa] =	wrdreg s2;
	s2 =	sadd.s32 s2, s4  }
0x57: {  	s1 =	ssub.s32 $0xC0, s22;
	p1 =	sgt.s32 s3, $0x0;
	s27 =	sadd.s32 $0xFFFFFFC0, s2  }
0x58: {  	s0 =	simm.s32 @p0 $0x0;
	s1 =	simm.s32 @p1 $0x0;
	p0 =	sgt.s32 s27, $0x7F  }
0x59: {  	s26 =	smul.u32 s0, s1;
	s0 =	ssub.s32 $0xC0, s2;
	s1 =	sadd.s32 $0x1, s15  }
0x5a: {  	s2 =	sadd.s32 $0x1, s10;
	s0 =	simm.s32 @p0 $0x0;
	p0 =	slt.s32 s1, $0x4  }
0x5b: {  	s1 =	simm.s32 @!p0 $0x4;
	p0 =	slt.s32 s2, $0xC0  }
0x5c: {  	s21 =	ssub.s32 s1, s15;
	s2 =	simm.s32 @!p0 $0xC0;
	s1 =	sadd.s32 $0x80, s8  }
0x5d: {  	s22 =	ssub.s32 s2, s10;
	p1 =	slt.s32 s1, $0xC0;
	p0 =	slt.s32 s21, $0x1  }
0x5e: {  	[dreg:$0x8] =	wrdreg s18;
	s1 =	simm.s32 @!p1 $0xC0;
	p1 =	slt.s32 @!p0 s22, $0x1  }
0x5f: {  	[dreg:$0x7] =	wrdreg s17;
	s23 =	ssub.s32 s1, s8;
	p1 =	por p0, p1  }
0x60: {  	[dreg:$0x6] =	wrdreg s16;
	s0 =	smul.u32 s0, s26;
	p2 =	slt.s32 @!p1 s23, $0x1  }
0x61: {  	[dreg:$0x5] =	wrdreg s15;
	p1 =	por p1, p2  }
.Ltmp3:
0x62: {  	s29 =	simm.s32 $0x1;
	s0 =	sshll.u32 s0, $0x7;
	(pc) =	sbr.rel @p1 .LBB1_13-.Ltmp3, $4  }
0x63: {  	[dreg:$0x9] =	wrdreg s26;
	s28 =	sand.u32 $0x3FFFFF80, s0;
	s0 =	sand.u32 $0x1, s9  }
0x64: {  	_ =	swait.ge [sflag:s29], s28;
	s31 =	smul.u32 $0x4080, s0  }
0x65: {  	s30 =	ssub.s32 $0x0, s28;
	[sflag:s29] =	ssyncset.done $0x0  }
0x66: {  	[sflag:s29] =	ssyncadd.s32 s30;
	[dreg:$0xb] =	wrdreg s31  }
.Ltmp4:
0x67: {  	(pc) =	sbr.rel .LBB1_4-.Ltmp4, $3  }
0x68: {  	_ =	sdelay $0x1  }
0x69: {  	s24 =	sshll.u32 @!p0 s0, $0xE;
	s0 =	rddreg [dreg:$0xb]  }
0x6a: {  	s26 =	simm.s32 $0x0;
	s25 =	sor.u32 @!p0 $0x8000, s0  }
.LBB1_12:
0x6b: {  	s26 =	sadd.s32 $0x1, s26  }
0x6c: {  	p0 =	sne.s32 s26, s21  }
.Ltmp5:
0x6d: {  	_ = 	snop;
	(pc) =	sbr.rel @!p0 .LBB1_13-.Ltmp5, $1  }
0x6e: {  	_ =	sdelay $0x3  }
.LBB1_4:
0x6f: {  	s0 =	smul.u32 $0x10200, s26;
	_ =	sdelay $0x1  }
0x70: {  	s0 =	sshra.s32 s0, $0x2  }
0x71: {  	s27 =	sadd.s32 s0, s25  }
0x72: {  	s1 =	simm.s32 $0x0;
	s28 =	sadd.s32 $0x810, s27;
	s29 =	sadd.s32 $0x1020, s27  }
0x73: {  	s30 =	sadd.s32 $0x1830, s27;
	s31 =	sadd.s32 $0x2040, s27;
	s0 =	sadd.s32 $0x2850, s27  }
.LBB1_5:
0x74: {  	s2 =	sadd.s32 s26, s1  }
0x75: {  	s2 =	sshll.u32 s2, $0x10  }
0x76: {  	s2 =	sshra.s32 s2, $0x2  }
0x77: {  	s2 =	sadd.s32 s2, s24  }
0x78: {  	v0 =	vmov s2;
	_ =	sdelay $0x2  }
0x79: {  	s15 =	simm.s32 $0x0  }
0x7a: {  	p1 =	sne.s32 s23, $0x1;
	s19 =	sand.u32 $0x3F80, s15  }
.Ltmp6:
0x7b: {  	s20 =	sand.u32 $0x7, s1;
	v8 =	vld.idx.msk [tilespmem:v0+s19+$0x0 ss:$0x1], $0xffff;
	(pc) =	sbr.rel @!p1 .LBB1_6-.Ltmp6, $4  }
0x7c: {  	s12 =	simm.s32 $0x1;
	s3 =	smul.u32 $0x81, s20;
	v9 =	vld.idx.msk [tilespmem:v0+s19+$0x10 ss:$0x1], $0xffff  }
0x7d: {  	s16 =	simm.s32 $0x80;
	p0 =	por $0x0, $0x0;
	s15 =	sand.u32 $0x7F, s15;
	v10 =	vld.idx.msk [tilespmem:v0+s19+$0x20 ss:$0x1], $0xffff  }
0x7e: {  	s6 =	sadd.s32 s3, s27;
	s4 =	sadd.s32 s3, s28;
	s5 =	sadd.s32 s3, s29;
	v11 =	vld.idx.msk [tilespmem:v0+s19+$0x30 ss:$0x1], $0xffff  }
0x7f: {  	s7 =	sadd.s32 s3, s31;
	s2 =	sadd.s32 s3, s30;
	s3 =	sadd.s32 s3, s0;
	v7 =	vld.idx.msk [tilespmem:v0+s19+$0x40 ss:$0x1], $0xffff  }
0x80: {  	_ =	sdelay $0x3  }
0x81: {  	s18 =	sand.u32 $0x3F80, s16;
	s17 =	sadd.s32 s15, s6;
	v1 =	vld.idx.msk [tilespmem:v0+s19+$0x50 ss:$0x1], $0xffff;
	p1 =	sne.s32 s23, $0x2  }
.Ltmp7:
0x82: {  	s20 =	sadd.s32 s15, s4;
	v2 =	vld.idx.msk [tilespmem:v0+s18+$0x0 ss:$0x1], $0xffff;
	[tilespmem:s17+$0x0 ss:$0x81] =	vst.msk $0xffff, v8;
	(pc) =	sbr.rel @!p1 .LBB1_8-.Ltmp7, $4  }
0x83: {  	v3 =	vld.idx.msk [tilespmem:v0+s18+$0x10 ss:$0x1], $0xffff;
	[tilespmem:s20+$0x0 ss:$0x81] =	vst.msk $0xffff, v9;
	s17 =	sadd.s32 s15, s5  }
0x84: {  	v4 =	vld.idx.msk [tilespmem:v0+s18+$0x20 ss:$0x1], $0xffff;
	s20 =	sadd.s32 s15, s2;
	[tilespmem:s17+$0x0 ss:$0x81] =	vst.msk $0xffff, v10  }
0x85: {  	s19 =	simm.s32 $0x2;
	s16 =	sadd.s32 s15, s3;
	v5 =	vld.idx.msk [tilespmem:v0+s18+$0x30 ss:$0x1], $0xffff;
	s17 =	sadd.s32 s15, s7;
	[tilespmem:s20+$0x0 ss:$0x81] =	vst.msk $0xffff, v11  }
0x86: {  	p0 =	por $0x1, $0x1;
	v6 =	vld.idx.msk [tilespmem:v0+s18+$0x40 ss:$0x1], $0xffff;
	s20 =	sand.u32 $0x7F, s12;
	s12 =	simm.s32 $0x100;
	[tilespmem:s17+$0x0 ss:$0x81] =	vst.msk $0xffff, v7  }
.LBB1_9:
0x87: {  	s17 =	smov.u32 s19;
	s19 =	sadd.s32 $0x1, s19  }
0x88: {  	s15 =	sadd.s32 s20, s6;
	[tilespmem:s16+$0x0 ss:$0x81] =	vst.msk $0xffff, v1;
	v1 =	vld.idx.msk [tilespmem:v0+s18+$0x50 ss:$0x1], $0xffff;
	s18 =	sand.u32 $0x3F80, s12;
	p1 =	sne.s32 s23, s19  }
.Ltmp8:
0x89: {  	[tilespmem:s15+$0x0 ss:$0x81] =	vst.msk $0xffff, v2;
	v2 =	vld.idx.msk [tilespmem:v0+s18+$0x0 ss:$0x1], $0xffff;
	s15 =	sadd.s32 s20, s4;
	(pc) =	sbr.rel @p1 .LBB1_9-.Ltmp8, $4  }
0x8a: {  	[tilespmem:s15+$0x0 ss:$0x81] =	vst.msk $0xffff, v3;
	v3 =	vld.idx.msk [tilespmem:v0+s18+$0x10 ss:$0x1], $0xffff;
	s15 =	sadd.s32 s20, s5  }
0x8b: {  	[tilespmem:s15+$0x0 ss:$0x81] =	vst.msk $0xffff, v4;
	v4 =	vld.idx.msk [tilespmem:v0+s18+$0x20 ss:$0x1], $0xffff;
	s15 =	sadd.s32 s20, s2  }
0x8c: {  	[tilespmem:s15+$0x0 ss:$0x81] =	vst.msk $0xffff, v5;
	v5 =	vld.idx.msk [tilespmem:v0+s18+$0x30 ss:$0x1], $0xffff;
	s15 =	sadd.s32 s20, s7  }
0x8d: {  	s12 =	sadd.s32 $0x80, s12;
	s16 =	sadd.s32 s20, s3;
	s20 =	sand.u32 $0x7F, s17;
	[tilespmem:s15+$0x0 ss:$0x81] =	vst.msk $0xffff, v6;
	v6 =	vld.idx.msk [tilespmem:v0+s18+$0x40 ss:$0x1], $0xffff  }
0x8e: {  	_ =	sdelay $0x3  }
0x8f: {  	s15 =	smov.u32 s20;
	s19 =	smov.u32 s18;
	v8 =	vmovc v2;
	v9 =	vmovc v3;
	v10 =	vmov v4;
	v11 =	vmov v5;
	v7 =	vmov v6  }
.LBB1_11:
0x90: {  	_ =	sdelay $0x2  }
0x91: {  	s6 =	sadd.s32 s15, s6;
	[tilespmem:s16+$0x0 ss:$0x81] =	vst.msk @p0 $0xffff, v1;
	s1 =	sadd.s32 $0x1, s1  }
0x92: {  	v0 =	vld.idx.msk [tilespmem:v0+s19+$0x50 ss:$0x1], $0xffff;
	s4 =	sadd.s32 s15, s4;
	[tilespmem:s6+$0x0 ss:$0x81] =	vst.msk $0xffff, v8;
	p0 =	sne.s32 s1, s22  }
.Ltmp9:
0x93: {  	s18 =	sadd.s32 s15, s5;
	[tilespmem:s4+$0x0 ss:$0x81] =	vst.msk $0xffff, v9;
	(pc) =	sbr.rel @p0 .LBB1_5-.Ltmp9, $4  }
.Ltmp10:
0x94: {  	s2 =	sadd.s32 s15, s2;
	[tilespmem:s18+$0x0 ss:$0x81] =	vst.msk $0xffff, v10;
	(pc) =	sbr.rel @!p0 .LBB1_12-.Ltmp10, $4  }
0x95: {  	s19 =	sadd.s32 s15, s7;
	[tilespmem:s2+$0x0 ss:$0x81] =	vst.msk $0xffff, v11  }
0x96: {  	s20 =	sadd.s32 s15, s3;
	[tilespmem:s19+$0x0 ss:$0x81] =	vst.msk $0xffff, v7  }
0x97: {  	[tilespmem:s20+$0x0 ss:$0x81] =	vst.msk $0xffff, v0  }
0x98: {  	_ = 	snop  }
.LBB1_6:
.Ltmp11:
0x99: {  	(pc) =	sbr.rel .LBB1_11-.Ltmp11, $2  }
0x9a: {  	_ =	sdelay $0x2  }
0x9b: {  	_ = 	snop  }
.LBB1_8:
.Ltmp12:
0x9c: {  	_ = 	snop;
	(pc) =	sbr.rel .LBB1_11-.Ltmp12, $2  }
0x9d: {  	_ =	sdelay $0x2  }
0x9e: {  	s15 =	smov.u32 s20;
	s19 =	smov.u32 s18;
	v8 =	vmovc v2;
	v9 =	vmovc v3;
	v10 =	vmov v4;
	v11 =	vmov v5;
	v7 =	vmov v6  }
.LBB1_15:
0x9f: {  	_ =	sfence.sel $0x180000  }
0xa0: {  	s0 =	simm.s32 $0x1;
	[bflag:$0x0] =	sbarrier.arrive $0xFFFF  }
0xa1: {  	s30 =	simm.s32 $0x2;
	[sflag:s0] =	ssyncpa.u1 $0x1  }
0xa2: {  	[sflag:s30] =	ssyncpa.u1 $0x1  }
0xa3: {  	_ =	strace $0x9000004A  }
0xa4: {  	s31 =	stileid.u32;
	[bflag:$0x2] =	sbarrier.arrive $0xFFFF  }
0xa5: {  	p0 =	sne.s32 s31, $0x0;
	s0 =	rddreg [dreg:$0x2]  }
0xa6: {  	s0 =	sadd.s32 @!p0 $0x100000, s0  }
0xa7: {  	[sflag:s0] =	ssyncadd.tile.s32 @!p0 $0x1;
	_ =	shalt  }
.Lfunc_end1:
_tile_overlayer_lowered:
.L_overlay_start_2:
0xa8: {  	(tag) =	ssettag $0x2  }
0xa9: {  	s0 =	rddreg [dreg:$0x0];
	s2 =	stileid.u32  }
0xaa: {  	s1 =	rddreg [dreg:$0x1];
	p0 =	sne.s32 s2, $0x0  }
0xab: {  	s3 =	rddreg [dreg:$0x2];
	[bflag:$0x3] =	sbarrier.arrive $0xFFFF;
	s2 =	simm.s32 @!p0 $0x1C01  }
0xac: {  	[timem:s3], [sflag:s2] =	dma.local @!p0 [hbm:s0], s1  }
0xad: {  	s0 =	simm.s32 @!p0 $0x1  }
0xae: {  	_ =	swait.ge @!p0 [sflag:s0], s1  }
0xaf: {  	s1 =	ssub.s32 @!p0 $0x0, s1;
	[sflag:s0] =	ssyncset.done @!p0 $0x0  }
0xb0: {  	[sflag:s0] =	ssyncadd.s32 @!p0 s1  }
0xb1: {  	[bflag:$0x3] =	sbarrier.arrive $0xFFFF  }
0xb2: {  	_ =	shalt  }

// kernel: sparse-core-data-format-call.cloned.1.call-start
scs
called_computation_lowered:
.L_overlay_start_0:
0x0: {  	s2 =	sld [smem:$0x3FD9]  }
0x1: {  	s3 =	sld [smem:$0x3FFE];
	_ =	sdelay $0x1  }
0x2: {  	s1 =	srdreg.scid  }
0x3: {  	s0 =	sand.u32 $0x1, s1  }
0x4: {  	s18 =	sshll.u32 s0, $0xA;
	s2 =	sadd.s32 s3, s2  }
0x5: {  	s2 =	sadd.s32 s2, s18  }
0x6: {  	[smem:$0x3FC6] =	sst s2  }
0x7: {  	_ = 	snop  }
0x8: {  	s2 =	sld [smem:$0x3FD0];
	(tm) =	ssettm $0x1  }
0x9: {  	s19 =	sld [smem:$0x3FFB];
	_ =	sdelay $0x3  }
0xa: {  	_ =	strace s19  }
0xb: {  	s3 =	sld [smem:$0x3FFC];
	_ =	sdelay $0x3  }
0xc: {  	_ =	strace s3  }
0xd: {  	s3 =	sld [smem:$0x3FFD];
	_ =	sdelay $0x3  }
0xe: {  	_ =	strace s3  }
0xf: {  	_ =	strace $0x8FFFFFFF  }
0x10: {  	s20 =	sld [smem:$0x3FDB];
	_ =	sdelay $0x1  }
0x11: {  	s4 =	simm.s32 $_scs_section_size  }
0x12: {  	s5 =	simm.s32 $_size__tile_overlayer_lowered;
	s6 =	simm.s32 $_tile_overlayer_lowered  }
0x13: {  	s23 =	simm.s32 $0x1BFF;
	s22 =	sshll.u32 s6, $0x1;
	s3 =	sadd.s32 s4, s20  }
0x14: {  	s7 =	simm.s32 $0x0;
	s21 =	sshll.u32 s5, $0x1;
	s5 =	sadd.s32 s22, s3  }
0x15: {  	[timem:s7], [sflag:s23] =	dma.local [hbm:s5], s21  }
0x16: {  	_ =	swait.ge [sflag:s23], s21  }
0x17: {  	s4 =	ssub.s32 $0x0, s21;
	[sflag:s23] =	ssyncset.done $0x0  }
0x18: {  	[sflag:s23] =	ssyncadd.s32 s4;
	_ =	sdelay $0x1  }
0x19: {  	s24 =	simm.s32 $0x1B8B  }
0x1a: {  	_ =	swait.ge [sflag:s24], $0x1  }
0x1b: {  	[sflag:s24] =	ssyncset.done $0x0  }
0x1c: {  	s26 =	simm.s32 $0x1B8E;
	s25 =	sld [smem:$0x3FFE];
	[sflag:s24] =	ssyncadd.s32 $0xFFFFFFFF  }
0x1d: {  	s27 =	simm.s32 $execute0_lowered;
	[smem:$0x3FD2] =	sst s26  }
0x1e: {  	s5 =	sshll.u32 s27, $0x1;
	_ =	strace $0x8000004F;
	[dreg:$0x1] =	wrdreg $0xFFFFFFFF  }
0x1f: {  	s28 =	simm.s32 $_size_execute0_lowered;
	s3 =	sadd.s32 s3, s5;
	[dreg:$0x0] =	wrdreg $0x0  }
0x20: {  	s5 =	sshll.u32 s28, $0x1;
	[dreg:$0x2] =	wrdreg s3  }
0x21: {  	[dreg:$0x3] =	wrdreg s5  }
0x22: {  	[dreg:$0x4] =	wrdreg $0xC0  }
0x23: {  	_ =	task [dreg:s7], $0x5FFFF  }
0x24: {  	[dreg:$0x1] =	wrdreg $0xFFFFFFFF  }
0x25: {  	[dreg:$0x0] =	wrdreg $0x60  }
0x26: {  	[dreg:$0x2] =	wrdreg s25  }
0x27: {  	[dreg:$0x3] =	wrdreg s2  }
0x28: {  	[dreg:$0x4] =	wrdreg $0x9  }
0x29: {  	_ =	task.clear_ibuf [dreg:s7], $0x5FFFF;
	_ =	strace $0x9000004F  }
0x2a: {  	s29 =	simm.s32 $0x9;
	_ =	strace $0x80000051  }
0x2b: {  	_ =	swait.ge [sflag:s29], $0x1  }
0x2c: {  	[sflag:s29] =	ssyncadd.s32 $0xFFFFFFFF  }
0x2d: {  	_ =	strace $0x90000051  }
0x2e: {  	_ =	sfence  }
0x2f: {  	s30 =	sld [smem:$0x0];
	_ =	sdelay $0x2  }
0x30: {  	s31 =	sshll.u32 s1, $0xD;
	s1 =	sshrl.u32 s1, $0x2  }
0x31: {  	s3 =	sand.u32 $0x4000, s31;
	s1 =	sadd.s32 s1, s30  }
0x32: {  	s0 =	sor.u32 s3, s0;
	s1 =	sshll.u32 s1, $0x11  }
0x33: {  	s0 =	sor.u32 s1, s0  }
0x34: {  	s0 =	sadd.s32 $0x8F2B, s0  }
0x35: {  	[sflag:s0] =	ssyncadd.remote.s32 $0x1  }
0x36: {  	_ =	sfence.sel $0xFFFF  }
0x37: {  	[dreg:$0x0] =	wrdreg $0xFFFFFFFF;
	(pc) =	sbr.abs _section_cstart, $3  }
0x38: {  	[dreg:$0x1] =	wrdreg $0xFFFFFFFF  }
0x39: {  	_ =	task.clear_ibuf [dreg:s7], $0x2FFFF;
	_ =	strace $0x9FFFFFFF  }
0x3a: {  	(tm) =	ssettm $0x7FFFFFFF  }
0x3b: {  	_ =	shalt  }
tec
execute0_lowered:
.L_overlay_start_1:
0x0: {  	(tag) =	ssettag $0x1  }
0x1: {  	s1 =	rddreg [dreg:$0x0]  }
0x2: {  	s2 =	rddreg [dreg:$0x1]  }
0x3: {  	s0 =	rddreg [dreg:$0x2];
	s4 =	srdreg.scid  }
0x4: {  	_ =	strace $0x80000050;
	s7 =	simm.s32 $0x2;
	s15 =	simm.s32 $0x0  }
0x5: {  	p0 =	por $0x0, $0x0;
	s13 =	simm.s32 $0x0;
	s16 =	simm.s32 $0x0  }
0x6: {  	s14 =	simm.s32 $0x0;
	s9 =	simm.s32 $0x0;
	s10 =	simm.s32 $0x0  }
.Ltmp0:
0x7: {  	s3 =	sadd.s32 $0x1000, s1;
	s4 =	sshll.u32 s4, $0x4;
	(pc) =	sbr.rel .LBB1_1-.Ltmp0, $4  }
0x8: {  	s1 =	stileid.u32;
	s5 =	sand.u32 $0x10, s4;
	s4 =	simm.s32 $0x1  }
0x9: {  	s8 =	simm.s32 $0x0;
	s6 =	sor.u32 s1, s5;
	[sflag:s4] =	ssyncpa.u1 $0x0  }
0xa: {  	s5 =	sand.u32 $0x3, s1;
	s6 =	sshrl.u32 s6, $0x2;
	[sflag:s7] =	ssyncpa.u1 $0x0  }
0xb: {  	s7 =	simm.s32 $0x9000;
	s12 =	smov.u32 s5;
	s11 =	smov.u32 s6  }
.LBB1_5:
0xc: {  	s17 =	sadd.s32 $0x80, s9  }
0xd: {  	s13 =	sadd.s32 $0x80, s10;
	s18 =	smov.u32 s10;
	p2 =	sgt.s32 s17, $0x17F  }
0xe: {  	s18 =	smov.u32 @p2 s13  }
0xf: {  	s19 =	smov.u32 s11;
	s13 =	sadd.s32 $0x8, s11;
	p3 =	sgt.s32 s18, $0x17F  }
0x10: {  	s19 =	smov.u32 @p3 s13  }
0x11: {  	s20 =	smov.u32 s12;
	s13 =	sadd.s32 $0x4, s12;
	p4 =	sgt.s32 s19, $0x5F  }
0x12: {  	p1 =	slt.u32 s8, $0x2;
	s20 =	smov.u32 @p4 s13  }
0x13: {  	s8 =	sadd.s32 $0x1, s8;
	s17 =	simm.s32 @p2 $0x0;
	p2 =	sgt.s32 s20, $0x3  }
0x14: {  	s15 =	smov.u32 s9;
	s20 =	smov.u32 @p2 s5;
	p2 =	sne.s32 s8, $0x6E  }
.Ltmp1:
0x15: {  	s16 =	smov.u32 s11;
	s21 =	simm.s32 @!p1 $0x2;
	(pc) =	sbr.rel @!p2 .LBB1_6-.Ltmp1, $4  }
0x16: {  	s14 =	smov.u32 s12;
	p0 =	por !p0, !p0;
	_ =	swait.ge @!p1 [sflag:s21], $0x4000  }
0x17: {  	[sflag:s21] =	ssyncset.done @!p1 $0x0;
	s9 =	smov.u32 s17;
	s18 =	simm.s32 @p3 $0x0  }
0x18: {  	[sflag:s21] =	ssyncadd.s32 @!p1 $0xFFFFC000;
	s19 =	smov.u32 @p4 s6;
	s13 =	smov.u32 s10  }
0x19: {  	s10 =	smov.u32 s18;
	s11 =	smov.u32 s19;
	s12 =	smov.u32 s20  }
.LBB1_1:
0x1a: {  	p1 =	sgt.u32 s8, $0x6B  }
0x1b: {  	s17 =	sshrl.u32 @!p1 s10, $0x3  }
0x1c: {  	s18 =	sshll.u32 @!p1 s9, $0x3;
	s17 =	smul.u32 @!p1 $0xC00, s17  }
0x1d: {  	s19 =	sshll.u32 @!p1 s10, $0x7;
	s18 =	sand.u32 @!p1 $0xFFFFFC00, s18  }
0x1e: {  	s17 =	sadd.s32 @!p1 s17, s18;
	s18 =	sand.u32 @!p1 $0x380, s19  }
0x1f: {  	s19 =	sand.u32 @!p1 $0x7F, s9;
	s17 =	sor.u32 @!p1 s18, s17  }
0x20: {  	s18 =	sor.u32 @!p1 s19, s17;
	s17 =	smulhi.u32 @!p1 $0xAAAAAAAB, s17;
	_ =	sdelay $0x1  }
0x21: {  	s19 =	smulhi.u32 @!p1 $0xAAAAAAAB, s18;
	s17 =	sshrl.u32 @!p1 s17, $0x8  }
0x22: {  	s20 =	smulhi.u32 @!p1 $0xAAAAAB, s17  }
0x23: {  	s22 =	smul.u32 @!p1 $0x1B0000, s12  }
0x24: {  	s19 =	sshrl.u32 @!p1 s19, $0x8;
	s20 =	smul.u32 @!p1 $0x180, s20  }
0x25: {  	s21 =	sxor.u32 @!p1 $0xFFFFFFFF, s8;
	s19 =	smul.u32 @!p1 $0x180, s19  }
0x26: {  	s21 =	sshll.u32 @!p1 s21, $0xE;
	s17 =	ssub.s32 @!p1 s17, s20;
	s20 =	smul.u32 @!p1 $0x4800, s11  }
0x27: {  	s18 =	ssub.s32 @!p1 s18, s19;
	s19 =	sadd.s32 @!p1 s3, s22;
	s17 =	smul.u32 @!p1 $0x30, s17  }
0x28: {  	s21 =	sand.u32 @!p1 $0x4000, s21;
	s19 =	sadd.s32 @!p1 s20, s19;
	s20 =	sand.u32 @!p1 $0x7, s18  }
0x29: {  	s18 =	sshrl.u32 @!p1 s18, $0x3;
	s17 =	sadd.s32 @!p1 s17, s19;
	s19 =	sshll.u32 @!p1 s20, $0x12  }
0x2a: {  	s17 =	sadd.s32 @!p1 s18, s17;
	s18 =	sor.u32 @!p1 $0x400, s19;
	s19 =	simm.s32 @!p1 $0xC00  }
0x2b: {  	[tilespmem:s21], [sflag:$0x1] =	stream.strided.gather @!p1 [hbm4b:s17+s18], $0x4000, s19, s18, $0x38;
	[tilespmem:$0x10000] =	vst v63  }
0x2c: {  	p1 =	seq.s32 s8, $0x0  }
0x2d: {  	p2 =	seq.s32 @!p1 s8, $0x6D  }
0x2e: {  	p1 =	por p1, p2  }
.Ltmp2:
0x2f: {  	_ = 	snop;
	(pc) =	sbr.rel @p1 .LBB1_5-.Ltmp2, $1  }
0x30: {  	_ =	sdelay $0x3  }
0x31: {  	s17 =	simm.s32 $0x1  }
0x32: {  	s17 =	simm.s32 @!p0 $0x0  }
0x33: {  	s17 =	sshll.u32 s17, $0xE  }
0x34: {  	s18 =	sor.u32 $0x40, s17  }
0x35: {  	v1 =	vmov s18;
	_ =	sdelay $0x1  }
0x36: {  	_ =	swait.ge [sflag:s4], $0x4000  }
0x37: {  	[sflag:s4] =	ssyncset.done $0x0  }
0x38: {  	s19 =	simm.s32 $0x0;
	[sflag:s4] =	ssyncadd.s32 $0xFFFFC000  }
0x39: {  	s17 =	sor.u32 $0x8070, s17;
	v6 =	vld.idx.msk [tilespmem:v1+s19+$0x30 ss:$0x1], $0xffff  }
0x3a: {  	v0 =	vmov s17;
	v8 =	vld.idx.msk [tilespmem:v1+s19+$0xFFFFFFC0 ss:$0x1], $0xffff  }
0x3b: {  	v7 =	vld.idx.msk [tilespmem:v1+s19+$0xFFFFFFD0 ss:$0x1], $0xffff  }
0x3c: {  	v5 =	vld.idx.msk [tilespmem:v1+s19+$0xFFFFFFE0 ss:$0x1], $0xffff  }
0x3d: {  	v4 =	vld.idx.msk [tilespmem:v1+s19+$0xFFFFFFF0 ss:$0x1], $0xffff  }
0x3e: {  	s31 =	sshll.u32 s8, $0xE;
	v2 =	vld.idx.msk [tilespmem:v1+s19+$0x0 ss:$0x1], $0xffff  }
0x3f: {  	s17 =	sand.u32 $0x4000, s31;
	v3 =	vld.idx.msk [tilespmem:v1+s19+$0x10 ss:$0x1], $0xffff;
	[tilespmem:v0+s19+$0x0 ss:$0x1] =	vst.idx.msk $0xffff, v6  }
0x40: {  	s20 =	simm.s32 $0x400;
	s18 =	simm.s32 $0x80;
	s17 =	sor.u32 $0x8000, s17;
	[tilespmem:v0+s19+$0xFFFFFF90 ss:$0x1] =	vst.idx.msk $0xffff, v8;
	v6 =	vld.idx.msk [tilespmem:v1+s19+$0x20 ss:$0x1], $0xffff  }
.LBB1_3:
0x41: {  	p1 =	sne.s32 s20, $0xFE00;
	v8 =	vld.idx.msk [tilespmem:v1+s18+$0x30 ss:$0x1], $0xffff;
	[tilespmem:v0+s19+$0xFFFFFFA0 ss:$0x1] =	vst.idx.msk $0xffff, v7  }
0x42: {  	v9 =	vld.idx.msk [tilespmem:v1+s18+$0xFFFFFFC0 ss:$0x1], $0xffff;
	[tilespmem:v0+s19+$0xFFFFFFB0 ss:$0x1] =	vst.idx.msk $0xffff, v5  }
0x43: {  	v7 =	vld.idx.msk [tilespmem:v1+s18+$0xFFFFFFD0 ss:$0x1], $0xffff;
	[tilespmem:v0+s19+$0xFFFFFFC0 ss:$0x1] =	vst.idx.msk $0xffff, v4  }
.Ltmp3:
0x44: {  	v5 =	vld.idx.msk [tilespmem:v1+s18+$0xFFFFFFE0 ss:$0x1], $0xffff;
	[tilespmem:v0+s19+$0xFFFFFFD0 ss:$0x1] =	vst.idx.msk $0xffff, v2;
	(pc) =	sbr.rel @p1 .LBB1_3-.Ltmp3, $4  }
0x45: {  	v4 =	vld.idx.msk [tilespmem:v1+s18+$0xFFFFFFF0 ss:$0x1], $0xffff;
	[tilespmem:v0+s19+$0xFFFFFFE0 ss:$0x1] =	vst.idx.msk $0xffff, v3  }
0x46: {  	v2 =	vld.idx.msk [tilespmem:v1+s18+$0x0 ss:$0x1], $0xffff;
	[tilespmem:v0+s19+$0xFFFFFFF0 ss:$0x1] =	vst.idx.msk $0xffff, v6;
	s19 =	smov.u32 s18  }
0x47: {  	v3 =	vld.idx.msk [tilespmem:v1+s19+$0x10 ss:$0x1], $0xffff;
	[tilespmem:v0+s19+$0x0 ss:$0x1] =	vst.idx.msk $0xffff, v8  }
0x48: {  	s18 =	sshra.s32 s20, $0x2;
	s20 =	sadd.s32 $0x200, s20;
	[tilespmem:v0+s19+$0xFFFFFF90 ss:$0x1] =	vst.idx.msk $0xffff, v9;
	v6 =	vld.idx.msk [tilespmem:v1+s19+$0x20 ss:$0x1], $0xffff  }
0x49: {  	s20 =	sshrl.u32 s16, $0x3  }
0x4a: {  	s21 =	sshll.u32 s15, $0x3;
	s20 =	smul.u32 $0xC00, s20  }
0x4b: {  	s26 =	sshll.u32 s16, $0x7;
	s21 =	sand.u32 $0xFFFFFC00, s21  }
0x4c: {  	s16 =	sand.u32 $0x380, s26;
	s20 =	sadd.s32 s20, s21  }
0x4d: {  	[tilespmem:v0+s19+$0xFFFFFFA0 ss:$0x1] =	vst.idx.msk $0xffff, v7;
	s27 =	sand.u32 $0x7F, s15;
	s16 =	sor.u32 s16, s20  }
0x4e: {  	v56 =	vld.idx.msk [tilespmem:v1+s18+$0x30 ss:$0x1], $0xffff;
	[tilespmem:v0+s19+$0xFFFFFFB0 ss:$0x1] =	vst.idx.msk $0xffff, v5;
	s15 =	sor.u32 s27, s16;
	s16 =	smulhi.u32 $0xAAAAAAAB, s16  }
0x4f: {  	v57 =	vld.idx.msk [tilespmem:v1+s18+$0xFFFFFFC0 ss:$0x1], $0xffff;
	[tilespmem:v0+s19+$0xFFFFFFC0 ss:$0x1] =	vst.idx.msk $0xffff, v4  }
0x50: {  	v58 =	vld.idx.msk [tilespmem:v1+s18+$0xFFFFFFD0 ss:$0x1], $0xffff;
	s14 =	smul.u32 $0x1B0000, s14;
	[tilespmem:v0+s19+$0xFFFFFFD0 ss:$0x1] =	vst.idx.msk $0xffff, v2;
	s16 =	sshrl.u32 s16, $0x8  }
0x51: {  	v59 =	vld.idx.msk [tilespmem:v1+s18+$0xFFFFFFE0 ss:$0x1], $0xffff;
	[tilespmem:v0+s19+$0xFFFFFFE0 ss:$0x1] =	vst.idx.msk $0xffff, v3;
	s30 =	smulhi.u32 $0x2AAAAAB, s16  }
0x52: {  	v60 =	vld.idx.msk [tilespmem:v1+s18+$0xFFFFFFF0 ss:$0x1], $0xffff;
	[tilespmem:v0+s19+$0xFFFFFFF0 ss:$0x1] =	vst.idx.msk $0xffff, v6;
	s28 =	smulhi.u32 $0xAAAAAAAB, s15  }
0x53: {  	v61 =	vld.idx.msk [tilespmem:v1+s18+$0x0 ss:$0x1], $0xffff;
	[tilespmem:v0+s18+$0x0 ss:$0x1] =	vst.idx.msk $0xffff, v56;
	s20 =	smul.u32 $0x60, s30  }
0x54: {  	v62 =	vld.idx.msk [tilespmem:v1+s18+$0x10 ss:$0x1], $0xffff;
	s13 =	smul.u32 $0x1200, s13;
	[tilespmem:v0+s18+$0xFFFFFF90 ss:$0x1] =	vst.idx.msk $0xffff, v57;
	s29 =	sshrl.u32 s28, $0x8  }
0x55: {  	v63 =	vld.idx.msk [tilespmem:v1+s18+$0x20 ss:$0x1], $0xffff;
	[tilespmem:v0+s18+$0xFFFFFFA0 ss:$0x1] =	vst.idx.msk $0xffff, v58;
	s19 =	smul.u32 $0x180, s29;
	s16 =	ssub.s32 s16, s20  }
0x56: {  	[tilespmem:v0+s18+$0xFFFFFFB0 ss:$0x1] =	vst.idx.msk $0xffff, v59;
	s16 =	smul.u32 $0x30, s16  }
.Ltmp4:
0x57: {  	s14 =	sadd.s32 s2, s14;
	[tilespmem:v0+s18+$0xFFFFFFC0 ss:$0x1] =	vst.idx.msk $0xffff, v60;
	s15 =	ssub.s32 s15, s19;
	(pc) =	sbr.rel .LBB1_5-.Ltmp4, $4  }
0x58: {  	s13 =	sadd.s32 s13, s14;
	[tilespmem:v0+s18+$0xFFFFFFD0 ss:$0x1] =	vst.idx.msk $0xffff, v61;
	s31 =	sand.u32 $0x7, s15  }
0x59: {  	[tilespmem:v0+s18+$0xFFFFFFE0 ss:$0x1] =	vst.idx.msk $0xffff, v62;
	s15 =	sshrl.u32 s15, $0x3;
	s14 =	sshll.u32 s31, $0x12;
	s13 =	sadd.s32 s16, s13  }
0x5a: {  	[tilespmem:v0+s18+$0xFFFFFFF0 ss:$0x1] =	vst.idx.msk $0xffff, v63;
	s14 =	sor.u32 $0x80, s14;
	s13 =	sadd.s32 s15, s13  }
0x5b: {  	[hbm4b:s13+s14] =	stream.strided.scatter [tilespmem:s17], [sflag:$0x2], $0x4000, s7, s14, $0x38;
	[tilespmem:$0x10000] =	vst v63  }
.LBB1_6:
0x5c: {  	_ =	sfence.sel $0x180000  }
0x5d: {  	s2 =	simm.s32 $0x1;
	[bflag:$0x0] =	sbarrier.arrive $0xFFFF  }
0x5e: {  	s31 =	simm.s32 $0x2;
	[sflag:s2] =	ssyncpa.u1 $0x1  }
0x5f: {  	[sflag:s31] =	ssyncpa.u1 $0x1  }
0x60: {  	p0 =	sne.s32 s1, $0x0;
	_ =	strace $0x90000050  }
0x61: {  	s0 =	sadd.s32 @!p0 $0x100000, s0;
	[bflag:$0x2] =	sbarrier.arrive $0xFFFF  }
0x62: {  	[sflag:s0] =	ssyncadd.tile.s32 @!p0 $0x1;
	_ =	shalt  }
.Lfunc_end1:
_tile_overlayer_lowered:
.L_overlay_start_2:
0x63: {  	(tag) =	ssettag $0x2  }
0x64: {  	s0 =	rddreg [dreg:$0x0];
	s2 =	stileid.u32  }
0x65: {  	s1 =	rddreg [dreg:$0x1];
	p0 =	sne.s32 s2, $0x0  }
0x66: {  	s3 =	rddreg [dreg:$0x2];
	[bflag:$0x3] =	sbarrier.arrive $0xFFFF;
	s2 =	simm.s32 @!p0 $0x1C01  }
0x67: {  	[timem:s3], [sflag:s2] =	dma.local @!p0 [hbm:s0], s1  }
0x68: {  	s0 =	simm.s32 @!p0 $0x1  }
0x69: {  	_ =	swait.ge @!p0 [sflag:s0], s1  }
0x6a: {  	s1 =	ssub.s32 @!p0 $0x0, s1;
	[sflag:s0] =	ssyncset.done @!p0 $0x0  }
0x6b: {  	[sflag:s0] =	ssyncadd.s32 @!p0 s1  }
0x6c: {  	[bflag:$0x3] =	sbarrier.arrive $0xFFFF  }
0x6d: {  	_ =	shalt  }

</sc_bundles>
